<compile_context>
chip_gen: v7x
topology: tpu7x:2x2x1
jax: 0.10.2.dev20260603
libtpu: 0.0.44.dev20260713+nightly
codegen_flags: <defaults>
</compile_context>

<pallas_src>
import dataclasses
import functools

import jax
import jax.numpy as jnp
from jax import lax
from jax.experimental import pallas as pl
from jax.experimental.pallas import tpu as pltpu
from jax.experimental.pallas import tpu_sc as plsc

NC, NS, L = 2, 16, 16
NW = NC * NS


def _make_propagate(n, d, e, chunk, nb):
    ep = e // NW
    ncl = ep // chunk
    rpt = n // NS
    zr = 40
    assert ep % chunk == 0 and ncl % nb == 0 and rpt % zr == 0 and d % L == 0
    mesh = plsc.VectorSubcoreMesh(core_axis_name="c", subcore_axis_name="s")
    cp = pltpu.CompilerParams()
    if "needs_layout_passes" in pltpu.CompilerParams.__dataclass_fields__:
        cp = dataclasses.replace(cp, needs_layout_passes=False)

    @functools.partial(
        pl.kernel,
        compiler_params=cp,
        out_type=jax.ShapeDtypeStruct((NC, n, d), jnp.float32),
        mesh=mesh,
        scratch_types=[
            pltpu.VMEM((ep,), jnp.int32),
            pltpu.VMEM((ep,), jnp.int32),
            *[pltpu.VMEM((chunk, d), jnp.float32) for _ in range(nb)],
            *[pltpu.VMEM((chunk,), jnp.float32) for _ in range(nb)],
            pltpu.VMEM_SHARED((n, d), jnp.float32),
            *[pltpu.SemaphoreType.DMA for _ in range(2 + 2 * nb)],
        ],
    )
    def prop(h_hbm, src_hbm, dst_hbm, w_hbm, out_hbm, src_v, dst_v, *rest):
        gbufs = rest[:nb]
        wbufs = rest[nb:2 * nb]
        acc_sh = rest[2 * nb]
        sem_e, sem_z = rest[2 * nb + 1], rest[2 * nb + 2]
        sem_g = rest[2 * nb + 3:2 * nb + 3 + nb]
        sem_s = rest[2 * nb + 3 + nb:]
        cid = lax.axis_index("c")
        sid = lax.axis_index("s")
        wid = sid * NC + cid
        row0 = sid * rpt
        ebase0 = wid * ep

        def g_copy(b, k):
            return pltpu.make_async_copy(
                h_hbm.at[src_v.at[pl.ds(k * chunk, chunk)]], gbufs[b], sem_g[b])

        def w_copy(b, k):
            return pltpu.make_async_copy(
                w_hbm.at[pl.ds(ebase0 + k * chunk, chunk)], wbufs[b], sem_g[b])

        def s_copy(b, k):
            return pltpu.make_async_copy(
                gbufs[b], acc_sh.at[dst_v.at[pl.ds(k * chunk, chunk)]], sem_s[b])

        def g_start(b, k):
            g_copy(b, k).start()
            w_copy(b, k).start()

        def g_wait(b, k):
            g_copy(b, k).wait()
            w_copy(b, k).wait()

        pltpu.async_copy(src_hbm.at[pl.ds(ebase0, ep)], src_v, sem_e)
        pltpu.async_copy(dst_hbm.at[pl.ds(ebase0, ep)], dst_v, sem_e)

        @pl.loop(0, zr)
        def _(i):
            for j in range(d // L):
                gbufs[0][i, pl.ds(j * L, L)] = jnp.zeros((L,), jnp.float32)

        zn = rpt // zr
        for t in range(zn):
            pltpu.async_copy(gbufs[0].at[pl.ds(0, zr)],
                             acc_sh.at[pl.ds(row0 + t * zr, zr)], sem_z)
        pltpu.make_async_copy(src_hbm.at[pl.ds(ebase0, ep)], src_v, sem_e).wait()
        pltpu.make_async_copy(dst_hbm.at[pl.ds(ebase0, ep)], dst_v, sem_e).wait()
        for b in range(1, nb):
            g_start(b, b)
        for t in range(zn):
            pltpu.make_async_copy(gbufs[0].at[pl.ds(0, zr)],
                                  acc_sh.at[pl.ds(row0 + t * zr, zr)],
                                  sem_z).wait()
        g_start(0, 0)
        plsc.subcore_barrier()

        @pl.loop(0, ncl, step=nb)
        def _(c0):
            for b in range(nb):
                k = c0 + b
                g_wait(b, k)

                @plsc.parallel_loop(0, chunk, unroll=4)
                def _(i):
                    wrow = plsc.load_gather(
                        wbufs[b], [jnp.full((L,), i, jnp.int32)])
                    for j in range(d // L):
                        sl = pl.ds(j * L, L)
                        gbufs[b][i, sl] = gbufs[b][i, sl] * wrow

                pltpu.async_copy(gbufs[b],
                                 acc_sh.at[dst_v.at[pl.ds(k * chunk, chunk)]],
                                 sem_s[b], add=True)
            for b in range(nb):
                k = c0 + b
                s_copy(b, k).wait()

                @pl.when(c0 + nb < ncl)
                def _():
                    g_start(b, k + nb)

        plsc.subcore_barrier()
        pltpu.sync_copy(acc_sh.at[pl.ds(row0, rpt)],
                        out_hbm.at[cid, pl.ds(row0, rpt)])

    return prop


def _mm1_body(x_ref, w_ref, o_ref):
    o_ref[...] = jnp.dot(x_ref[...], w_ref[...],
                         preferred_element_type=jnp.float32)


def _mid_body(p_ref, b_ref, w_ref, o_ref):
    h = jax.nn.relu(p_ref[0] + p_ref[1] + b_ref[...])
    o_ref[...] = jnp.dot(h, w_ref[...], preferred_element_type=jnp.float32)


def _fin_body(p_ref, b_ref, o_ref):
    c = o_ref.shape[1]
    o_ref[...] = p_ref[0, :, :c] + p_ref[1, :, :c] + b_ref[...]


def kernel(x, edge_index, edge_weight, W1, bias1, W2, bias2):
    n, f_in = x.shape
    hid = W1.shape[1]
    c = W2.shape[1]
    e = edge_weight.shape[0]
    d2 = 128
    np_ = 10240

    chunk, nb = 48, 4
    ep2 = 10368
    e2 = ep2 * NW
    didx = (jnp.arange(e2 - e, dtype=jnp.int32)) % n
    src = jnp.concatenate([edge_index[0], didx])
    dst = jnp.concatenate([edge_index[1], didx])
    ew = jnp.pad(edge_weight, (0, e2 - e))
    e = e2
    W2p = jnp.pad(W2, ((0, 0), (0, d2 - c)))
    xp = jnp.pad(x, ((0, np_ - n), (0, 0)))

    bn = 2048
    h1 = pl.pallas_call(
        _mm1_body,
        grid=(np_ // bn,),
        in_specs=[
            pl.BlockSpec((bn, f_in), lambda i: (i, 0)),
            pl.BlockSpec((f_in, hid), lambda i: (0, 0)),
        ],
        out_specs=pl.BlockSpec((bn, hid), lambda i: (i, 0)),
        out_shape=jax.ShapeDtypeStruct((np_, hid), jnp.float32),
    )(xp, W1)

    p1 = _make_propagate(np_, hid, e, chunk, nb)(h1, src, dst, ew)

    h2 = pl.pallas_call(
        _mid_body,
        grid=(np_ // bn,),
        in_specs=[
            pl.BlockSpec((NC, bn, hid), lambda i: (0, i, 0)),
            pl.BlockSpec((hid,), lambda i: (0,)),
            pl.BlockSpec((hid, d2), lambda i: (0, 0)),
        ],
        out_specs=pl.BlockSpec((bn, d2), lambda i: (i, 0)),
        out_shape=jax.ShapeDtypeStruct((np_, d2), jnp.float32),
    )(p1, bias1, W2p)

    p2 = _make_propagate(np_, d2, e, chunk, nb)(h2, src, dst, ew)

    out = pl.pallas_call(
        _fin_body,
        grid=(np_ // bn,),
        in_specs=[
            pl.BlockSpec((NC, bn, d2), lambda i: (0, i, 0)),
            pl.BlockSpec((c,), lambda i: (0,)),
        ],
        out_specs=pl.BlockSpec((bn, c), lambda i: (i, 0)),
        out_shape=jax.ShapeDtypeStruct((np_, c), jnp.float32),
    )(p2, bias2)
    return out[:n]

# --- scband reference (transcript-rebuilt; emitter-appended) ---
"""Pipeline reference for scband-gcn-16346645529165 (READ-ONLY COPY).

The authoritative reference and input builder live on the scoring server;
editing this copy changes nothing except your own understanding.
"""

import jax, jax.numpy as jnp
import numpy as np

N, E, F_IN, HID, C = 10000, 320000, 128, 128, 40


def propagate(x, edge_index, edge_weight):
    src = edge_index[0]
    dst = edge_index[1]
    msgs = jnp.take(x, src, axis=0) * edge_weight[:, None]
    out = jnp.zeros((x.shape[0], x.shape[1]), dtype=x.dtype).at[dst].add(msgs)
    return out


def setup_inputs(seed: int = 0) -> dict:
    key = jax.random.key(seed)
    k1, k2, k3, k4, k5, k6, k7 = jax.random.split(key, 7)
    x = jax.random.normal(k1, (N, F_IN), dtype=jnp.float32)
    edge_index = jax.random.randint(k2, (2, E), 0, N, dtype=jnp.int32)
    edge_weight = jax.random.uniform(k3, (E,), dtype=jnp.float32)
    # lin1: Linear(num_features, hidden, bias=False); stored as [in, out] for x @ W
    W1 = jax.random.normal(k4, (F_IN, HID), dtype=jnp.float32) * (1.0 / np.sqrt(F_IN))
    stdv = 0.9 / np.sqrt(HID)
    bias1 = jax.random.uniform(k5, (HID,), dtype=jnp.float32, minval=-stdv, maxval=stdv)
    W2 = jax.random.normal(k6, (HID, C), dtype=jnp.float32) * (1.0 / np.sqrt(HID))
    bias2 = jax.random.uniform(k7, (C,), dtype=jnp.float32, minval=-stdv, maxval=stdv)
    return {"x": x, "edge_index": edge_index, "edge_weight": edge_weight,
            "W1": W1, "bias1": bias1, "W2": W2, "bias2": bias2}


def reference(x, edge_index, edge_weight, W1, bias1, W2, bias2):
    h = x @ W1
    h = jax.nn.relu(propagate(h, edge_index, edge_weight) + bias1)
    # dropout is identity in eval mode (training=False)
    h = h @ W2
    out = propagate(h, edge_index, edge_weight) + bias2
    return out

if __name__ == "__main__":
    import jax
    _d = setup_inputs()
    print(jax.jit(kernel)(*tuple(_d.values())))

</pallas_src>

<mosaic_0001>
#map = affine_map<(d0, d1) -> (0, 0)>
#map1 = affine_map<(d0, d1) -> (0)>
#map2 = affine_map<(d0, d1) -> (0, 0, 0)>
module attributes {stable_mosaic.version = 14 : i64} {
  func.func @prop(%arg0: i32, %arg1: i32, %arg2: memref<10240x128xf32, #tpu.memory_space<hbm>>, %arg3: memref<331776xi32, #tpu.memory_space<hbm>>, %arg4: memref<331776xi32, #tpu.memory_space<hbm>>, %arg5: memref<331776xf32, #tpu.memory_space<hbm>>, %arg6: memref<2x10240x128xf32, #tpu.memory_space<hbm>>, %arg7: memref<10368xi32, #tpu.memory_space<vmem>>, %arg8: memref<10368xi32, #tpu.memory_space<vmem>>, %arg9: memref<48x128xf32, #tpu.memory_space<vmem>>, %arg10: memref<48x128xf32, #tpu.memory_space<vmem>>, %arg11: memref<48x128xf32, #tpu.memory_space<vmem>>, %arg12: memref<48x128xf32, #tpu.memory_space<vmem>>, %arg13: memref<48xf32, #tpu.memory_space<vmem>>, %arg14: memref<48xf32, #tpu.memory_space<vmem>>, %arg15: memref<48xf32, #tpu.memory_space<vmem>>, %arg16: memref<48xf32, #tpu.memory_space<vmem>>, %arg17: memref<10240x128xf32, #tpu.memory_space<vmem_shared>>, %arg18: memref<!tpu.dma_semaphore, #tpu.memory_space<semaphore_mem>>, %arg19: memref<!tpu.dma_semaphore, #tpu.memory_space<semaphore_mem>>, %arg20: memref<!tpu.dma_semaphore, #tpu.memory_space<semaphore_mem>>, %arg21: memref<!tpu.dma_semaphore, #tpu.memory_space<semaphore_mem>>, %arg22: memref<!tpu.dma_semaphore, #tpu.memory_space<semaphore_mem>>, %arg23: memref<!tpu.dma_semaphore, #tpu.memory_space<semaphore_mem>>, %arg24: memref<!tpu.dma_semaphore, #tpu.memory_space<semaphore_mem>>, %arg25: memref<!tpu.dma_semaphore, #tpu.memory_space<semaphore_mem>>, %arg26: memref<!tpu.dma_semaphore, #tpu.memory_space<semaphore_mem>>, %arg27: memref<!tpu.dma_semaphore, #tpu.memory_space<semaphore_mem>>) attributes {dimension_semantics = [#tpu.dimension_semantics<core_parallel>, #tpu.dimension_semantics<subcore_parallel>], iteration_bounds = array<i64: 2, 16>, scalar_prefetch = 0 : i64, scratch_operands = 21 : i64, tpu.core_type = #tpu.core_type<sc_vector_subcore>, window_params = [{transform_indices = #map}, {transform_indices = #map1}, {transform_indices = #map1}, {transform_indices = #map1}, {transform_indices = #map2}]} {
    %mul3A = arith.constant 2 : i32
    %mul3A_0 = arith.muli %arg1, %mul3A : i32
    %add3A = arith.addi %mul3A_0, %arg0 : i32
    %mul3A_1 = arith.constant 640 : i32
    %mul3A_2 = arith.muli %arg1, %mul3A_1 : i32
    %mul3A_3 = arith.constant 10368 : i32
    %mul3A_4 = arith.muli %add3A, %mul3A_3 : i32
    %dma_start3A = tpu.memref_slice %arg3[%mul3A_4] : memref<331776xi32, #tpu.memory_space<hbm>> -> memref<10368xi32, #tpu.memory_space<hbm>>
    %dma_start3A_5 = tpu.memref_slice %arg3[%mul3A_4] : memref<331776xi32, #tpu.memory_space<hbm>> -> memref<10368xi32, #tpu.memory_space<hbm>>
    tpu.enqueue_dma source(%dma_start3A_5 : memref<10368xi32, #tpu.memory_space<hbm>>) target(%arg7 : memref<10368xi32, #tpu.memory_space<vmem>>) target_semaphore(%arg18 : memref<!tpu.dma_semaphore, #tpu.memory_space<semaphore_mem>>)
    %dma_start3A_6 = tpu.memref_slice %arg4[%mul3A_4] : memref<331776xi32, #tpu.memory_space<hbm>> -> memref<10368xi32, #tpu.memory_space<hbm>>
    %dma_start3A_7 = tpu.memref_slice %arg4[%mul3A_4] : memref<331776xi32, #tpu.memory_space<hbm>> -> memref<10368xi32, #tpu.memory_space<hbm>>
    tpu.enqueue_dma source(%dma_start3A_7 : memref<10368xi32, #tpu.memory_space<hbm>>) target(%arg8 : memref<10368xi32, #tpu.memory_space<vmem>>) target_semaphore(%arg18 : memref<!tpu.dma_semaphore, #tpu.memory_space<semaphore_mem>>)
    %scan3A = arith.constant 0 : i32
    %scan3A_8 = arith.constant 40 : i32
    %scan3A_9 = arith.addi %scan3A, %scan3A_8 : i32
    %scan3A_10 = arith.constant 1 : i32
    scf.for %scan3A_441 = %scan3A to %scan3A_9 step %scan3A_10  : i32 {
      %mul3A_442 = arith.constant 1 : i32
      %mul3A_443 = arith.muli %scan3A_441, %mul3A_442 : i32
      %add3A_444 = arith.constant 0 : i32
      %add3A_445 = arith.addi %add3A_444, %mul3A_443 : i32
      %broadcast_in_dim3A = arith.constant 0.000000e+00 : f32
      %broadcast_in_dim3A_446 = vector.broadcast %broadcast_in_dim3A : f32 to vector<16xf32>
      %swap3A = arith.index_cast %add3A_445 : i32 to index
      %swap3A_447 = arith.constant 0 : index
      %swap3A_448 = tpu.vector_load %arg9[%swap3A, %swap3A_447] {strides = array<i32>} : memref<48x128xf32, #tpu.memory_space<vmem>>, vector<16xf32>,
      tpu.vector_store %arg9[%swap3A, %swap3A_447], %broadcast_in_dim3A_446 {strides = array<i32>} : memref<48x128xf32, #tpu.memory_space<vmem>>, vector<16xf32>,
      %broadcast_in_dim3A_449 = arith.constant 0.000000e+00 : f32
      %broadcast_in_dim3A_450 = vector.broadcast %broadcast_in_dim3A_449 : f32 to vector<16xf32>
      %swap3A_451 = arith.index_cast %add3A_445 : i32 to index
      %swap3A_452 = arith.constant 16 : index
      %swap3A_453 = tpu.vector_load %arg9[%swap3A_451, %swap3A_452] {strides = array<i32>} : memref<48x128xf32, #tpu.memory_space<vmem>>, vector<16xf32>,
      tpu.vector_store %arg9[%swap3A_451, %swap3A_452], %broadcast_in_dim3A_450 {strides = array<i32>} : memref<48x128xf32, #tpu.memory_space<vmem>>, vector<16xf32>,
      %broadcast_in_dim3A_454 = arith.constant 0.000000e+00 : f32
      %broadcast_in_dim3A_455 = vector.broadcast %broadcast_in_dim3A_454 : f32 to vector<16xf32>
      %swap3A_456 = arith.index_cast %add3A_445 : i32 to index
      %swap3A_457 = arith.constant 32 : index
      %swap3A_458 = tpu.vector_load %arg9[%swap3A_456, %swap3A_457] {strides = array<i32>} : memref<48x128xf32, #tpu.memory_space<vmem>>, vector<16xf32>,
      tpu.vector_store %arg9[%swap3A_456, %swap3A_457], %broadcast_in_dim3A_455 {strides = array<i32>} : memref<48x128xf32, #tpu.memory_space<vmem>>, vector<16xf32>,
      %broadcast_in_dim3A_459 = arith.constant 0.000000e+00 : f32
      %broadcast_in_dim3A_460 = vector.broadcast %broadcast_in_dim3A_459 : f32 to vector<16xf32>
      %swap3A_461 = arith.index_cast %add3A_445 : i32 to index
      %swap3A_462 = arith.constant 48 : index
      %swap3A_463 = tpu.vector_load %arg9[%swap3A_461, %swap3A_462] {strides = array<i32>} : memref<48x128xf32, #tpu.memory_space<vmem>>, vector<16xf32>,
      tpu.vector_store %arg9[%swap3A_461, %swap3A_462], %broadcast_in_dim3A_460 {strides = array<i32>} : memref<48x128xf32, #tpu.memory_space<vmem>>, vector<16xf32>,
      %broadcast_in_dim3A_464 = arith.constant 0.000000e+00 : f32
      %broadcast_in_dim3A_465 = vector.broadcast %broadcast_in_dim3A_464 : f32 to vector<16xf32>
      %swap3A_466 = arith.index_cast %add3A_445 : i32 to index
      %swap3A_467 = arith.constant 64 : index
      %swap3A_468 = tpu.vector_load %arg9[%swap3A_466, %swap3A_467] {strides = array<i32>} : memref<48x128xf32, #tpu.memory_space<vmem>>, vector<16xf32>,
      tpu.vector_store %arg9[%swap3A_466, %swap3A_467], %broadcast_in_dim3A_465 {strides = array<i32>} : memref<48x128xf32, #tpu.memory_space<vmem>>, vector<16xf32>,
      %broadcast_in_dim3A_469 = arith.constant 0.000000e+00 : f32
      %broadcast_in_dim3A_470 = vector.broadcast %broadcast_in_dim3A_469 : f32 to vector<16xf32>
      %swap3A_471 = arith.index_cast %add3A_445 : i32 to index
      %swap3A_472 = arith.constant 80 : index
      %swap3A_473 = tpu.vector_load %arg9[%swap3A_471, %swap3A_472] {strides = array<i32>} : memref<48x128xf32, #tpu.memory_space<vmem>>, vector<16xf32>,
      tpu.vector_store %arg9[%swap3A_471, %swap3A_472], %broadcast_in_dim3A_470 {strides = array<i32>} : memref<48x128xf32, #tpu.memory_space<vmem>>, vector<16xf32>,
      %broadcast_in_dim3A_474 = arith.constant 0.000000e+00 : f32
      %broadcast_in_dim3A_475 = vector.broadcast %broadcast_in_dim3A_474 : f32 to vector<16xf32>
      %swap3A_476 = arith.index_cast %add3A_445 : i32 to index
      %swap3A_477 = arith.constant 96 : index
      %swap3A_478 = tpu.vector_load %arg9[%swap3A_476, %swap3A_477] {strides = array<i32>} : memref<48x128xf32, #tpu.memory_space<vmem>>, vector<16xf32>,
      tpu.vector_store %arg9[%swap3A_476, %swap3A_477], %broadcast_in_dim3A_475 {strides = array<i32>} : memref<48x128xf32, #tpu.memory_space<vmem>>, vector<16xf32>,
      %broadcast_in_dim3A_479 = arith.constant 0.000000e+00 : f32
      %broadcast_in_dim3A_480 = vector.broadcast %broadcast_in_dim3A_479 : f32 to vector<16xf32>
      %swap3A_481 = arith.index_cast %add3A_445 : i32 to index
      %swap3A_482 = arith.constant 112 : index
      %swap3A_483 = tpu.vector_load %arg9[%swap3A_481, %swap3A_482] {strides = array<i32>} : memref<48x128xf32, #tpu.memory_space<vmem>>, vector<16xf32>,
      tpu.vector_store %arg9[%swap3A_481, %swap3A_482], %broadcast_in_dim3A_480 {strides = array<i32>} : memref<48x128xf32, #tpu.memory_space<vmem>>, vector<16xf32>,
    }
    %scan3A_11 = arith.constant 40 : i32
    %add3A_12 = arith.constant 0 : i32
    %add3A_13 = arith.addi %mul3A_2, %add3A_12 : i32
    %dma_start3A_14 = arith.constant 0 : i32
    %dma_start3A_15 = arith.constant 0 : i32
    %dma_start3A_16 = tpu.memref_slice %arg9[%dma_start3A_14, %dma_start3A_15] : memref<48x128xf32, #tpu.memory_space<vmem>> -> memref<40x128xf32, #tpu.memory_space<vmem>>
    %dma_start3A_17 = arith.constant 0 : i32
    %dma_start3A_18 = tpu.memref_slice %arg17[%add3A_13, %dma_start3A_17] : memref<10240x128xf32, #tpu.memory_space<vmem_shared>> -> memref<40x128xf32, #tpu.memory_space<vmem_shared>>
    %dma_start3A_19 = arith.constant 0 : i32
    %dma_start3A_20 = tpu.memref_slice %arg17[%add3A_13, %dma_start3A_19] : memref<10240x128xf32, #tpu.memory_space<vmem_shared>> -> memref<40x128xf32, #tpu.memory_space<vmem_shared>>
    %dma_start3A_21 = arith.constant 0 : i32
    %dma_start3A_22 = arith.constant 0 : i32
    %dma_start3A_23 = tpu.memref_slice %arg9[%dma_start3A_21, %dma_start3A_22] : memref<48x128xf32, #tpu.memory_space<vmem>> -> memref<40x128xf32, #tpu.memory_space<vmem>>
    tpu.enqueue_dma source(%dma_start3A_23 : memref<40x128xf32, #tpu.memory_space<vmem>>) target(%dma_start3A_20 : memref<40x128xf32, #tpu.memory_space<vmem_shared>>) target_semaphore(%arg19 : memref<!tpu.dma_semaphore, #tpu.memory_space<semaphore_mem>>)
    %add3A_24 = arith.constant 40 : i32
    %add3A_25 = arith.addi %mul3A_2, %add3A_24 : i32
    %dma_start3A_26 = arith.constant 0 : i32
    %dma_start3A_27 = arith.constant 0 : i32
    %dma_start3A_28 = tpu.memref_slice %arg9[%dma_start3A_26, %dma_start3A_27] : memref<48x128xf32, #tpu.memory_space<vmem>> -> memref<40x128xf32, #tpu.memory_space<vmem>>
    %dma_start3A_29 = arith.constant 0 : i32
    %dma_start3A_30 = tpu.memref_slice %arg17[%add3A_25, %dma_start3A_29] : memref<10240x128xf32, #tpu.memory_space<vmem_shared>> -> memref<40x128xf32, #tpu.memory_space<vmem_shared>>
    %dma_start3A_31 = arith.constant 0 : i32
    %dma_start3A_32 = tpu.memref_slice %arg17[%add3A_25, %dma_start3A_31] : memref<10240x128xf32, #tpu.memory_space<vmem_shared>> -> memref<40x128xf32, #tpu.memory_space<vmem_shared>>
    %dma_start3A_33 = arith.constant 0 : i32
    %dma_start3A_34 = arith.constant 0 : i32
    %dma_start3A_35 = tpu.memref_slice %arg9[%dma_start3A_33, %dma_start3A_34] : memref<48x128xf32, #tpu.memory_space<vmem>> -> memref<40x128xf32, #tpu.memory_space<vmem>>
    tpu.enqueue_dma source(%dma_start3A_35 : memref<40x128xf32, #tpu.memory_space<vmem>>) target(%dma_start3A_32 : memref<40x128xf32, #tpu.memory_space<vmem_shared>>) target_semaphore(%arg19 : memref<!tpu.dma_semaphore, #tpu.memory_space<semaphore_mem>>)
    %add3A_36 = arith.constant 80 : i32
    %add3A_37 = arith.addi %mul3A_2, %add3A_36 : i32
    %dma_start3A_38 = arith.constant 0 : i32
    %dma_start3A_39 = arith.constant 0 : i32
    %dma_start3A_40 = tpu.memref_slice %arg9[%dma_start3A_38, %dma_start3A_39] : memref<48x128xf32, #tpu.memory_space<vmem>> -> memref<40x128xf32, #tpu.memory_space<vmem>>
    %dma_start3A_41 = arith.constant 0 : i32
    %dma_start3A_42 = tpu.memref_slice %arg17[%add3A_37, %dma_start3A_41] : memref<10240x128xf32, #tpu.memory_space<vmem_shared>> -> memref<40x128xf32, #tpu.memory_space<vmem_shared>>
    %dma_start3A_43 = arith.constant 0 : i32
    %dma_start3A_44 = tpu.memref_slice %arg17[%add3A_37, %dma_start3A_43] : memref<10240x128xf32, #tpu.memory_space<vmem_shared>> -> memref<40x128xf32, #tpu.memory_space<vmem_shared>>
    %dma_start3A_45 = arith.constant 0 : i32
    %dma_start3A_46 = arith.constant 0 : i32
    %dma_start3A_47 = tpu.memref_slice %arg9[%dma_start3A_45, %dma_start3A_46] : memref<48x128xf32, #tpu.memory_space<vmem>> -> memref<40x128xf32, #tpu.memory_space<vmem>>
    tpu.enqueue_dma source(%dma_start3A_47 : memref<40x128xf32, #tpu.memory_space<vmem>>) target(%dma_start3A_44 : memref<40x128xf32, #tpu.memory_space<vmem_shared>>) target_semaphore(%arg19 : memref<!tpu.dma_semaphore, #tpu.memory_space<semaphore_mem>>)
    %add3A_48 = arith.constant 120 : i32
    %add3A_49 = arith.addi %mul3A_2, %add3A_48 : i32
    %dma_start3A_50 = arith.constant 0 : i32
    %dma_start3A_51 = arith.constant 0 : i32
    %dma_start3A_52 = tpu.memref_slice %arg9[%dma_start3A_50, %dma_start3A_51] : memref<48x128xf32, #tpu.memory_space<vmem>> -> memref<40x128xf32, #tpu.memory_space<vmem>>
    %dma_start3A_53 = arith.constant 0 : i32
    %dma_start3A_54 = tpu.memref_slice %arg17[%add3A_49, %dma_start3A_53] : memref<10240x128xf32, #tpu.memory_space<vmem_shared>> -> memref<40x128xf32, #tpu.memory_space<vmem_shared>>
    %dma_start3A_55 = arith.constant 0 : i32
    %dma_start3A_56 = tpu.memref_slice %arg17[%add3A_49, %dma_start3A_55] : memref<10240x128xf32, #tpu.memory_space<vmem_shared>> -> memref<40x128xf32, #tpu.memory_space<vmem_shared>>
    %dma_start3A_57 = arith.constant 0 : i32
    %dma_start3A_58 = arith.constant 0 : i32
    %dma_start3A_59 = tpu.memref_slice %arg9[%dma_start3A_57, %dma_start3A_58] : memref<48x128xf32, #tpu.memory_space<vmem>> -> memref<40x128xf32, #tpu.memory_space<vmem>>
    tpu.enqueue_dma source(%dma_start3A_59 : memref<40x128xf32, #tpu.memory_space<vmem>>) target(%dma_start3A_56 : memref<40x128xf32, #tpu.memory_space<vmem_shared>>) target_semaphore(%arg19 : memref<!tpu.dma_semaphore, #tpu.memory_space<semaphore_mem>>)
    %add3A_60 = arith.constant 160 : i32
    %add3A_61 = arith.addi %mul3A_2, %add3A_60 : i32
    %dma_start3A_62 = arith.constant 0 : i32
    %dma_start3A_63 = arith.constant 0 : i32
    %dma_start3A_64 = tpu.memref_slice %arg9[%dma_start3A_62, %dma_start3A_63] : memref<48x128xf32, #tpu.memory_space<vmem>> -> memref<40x128xf32, #tpu.memory_space<vmem>>
    %dma_start3A_65 = arith.constant 0 : i32
    %dma_start3A_66 = tpu.memref_slice %arg17[%add3A_61, %dma_start3A_65] : memref<10240x128xf32, #tpu.memory_space<vmem_shared>> -> memref<40x128xf32, #tpu.memory_space<vmem_shared>>
    %dma_start3A_67 = arith.constant 0 : i32
    %dma_start3A_68 = tpu.memref_slice %arg17[%add3A_61, %dma_start3A_67] : memref<10240x128xf32, #tpu.memory_space<vmem_shared>> -> memref<40x128xf32, #tpu.memory_space<vmem_shared>>
    %dma_start3A_69 = arith.constant 0 : i32
    %dma_start3A_70 = arith.constant 0 : i32
    %dma_start3A_71 = tpu.memref_slice %arg9[%dma_start3A_69, %dma_start3A_70] : memref<48x128xf32, #tpu.memory_space<vmem>> -> memref<40x128xf32, #tpu.memory_space<vmem>>
    tpu.enqueue_dma source(%dma_start3A_71 : memref<40x128xf32, #tpu.memory_space<vmem>>) target(%dma_start3A_68 : memref<40x128xf32, #tpu.memory_space<vmem_shared>>) target_semaphore(%arg19 : memref<!tpu.dma_semaphore, #tpu.memory_space<semaphore_mem>>)
    %add3A_72 = arith.constant 200 : i32
    %add3A_73 = arith.addi %mul3A_2, %add3A_72 : i32
    %dma_start3A_74 = arith.constant 0 : i32
    %dma_start3A_75 = arith.constant 0 : i32
    %dma_start3A_76 = tpu.memref_slice %arg9[%dma_start3A_74, %dma_start3A_75] : memref<48x128xf32, #tpu.memory_space<vmem>> -> memref<40x128xf32, #tpu.memory_space<vmem>>
    %dma_start3A_77 = arith.constant 0 : i32
    %dma_start3A_78 = tpu.memref_slice %arg17[%add3A_73, %dma_start3A_77] : memref<10240x128xf32, #tpu.memory_space<vmem_shared>> -> memref<40x128xf32, #tpu.memory_space<vmem_shared>>
    %dma_start3A_79 = arith.constant 0 : i32
    %dma_start3A_80 = tpu.memref_slice %arg17[%add3A_73, %dma_start3A_79] : memref<10240x128xf32, #tpu.memory_space<vmem_shared>> -> memref<40x128xf32, #tpu.memory_space<vmem_shared>>
    %dma_start3A_81 = arith.constant 0 : i32
    %dma_start3A_82 = arith.constant 0 : i32
    %dma_start3A_83 = tpu.memref_slice %arg9[%dma_start3A_81, %dma_start3A_82] : memref<48x128xf32, #tpu.memory_space<vmem>> -> memref<40x128xf32, #tpu.memory_space<vmem>>
    tpu.enqueue_dma source(%dma_start3A_83 : memref<40x128xf32, #tpu.memory_space<vmem>>) target(%dma_start3A_80 : memref<40x128xf32, #tpu.memory_space<vmem_shared>>) target_semaphore(%arg19 : memref<!tpu.dma_semaphore, #tpu.memory_space<semaphore_mem>>)
    %add3A_84 = arith.constant 240 : i32
    %add3A_85 = arith.addi %mul3A_2, %add3A_84 : i32
    %dma_start3A_86 = arith.constant 0 : i32
    %dma_start3A_87 = arith.constant 0 : i32
    %dma_start3A_88 = tpu.memref_slice %arg9[%dma_start3A_86, %dma_start3A_87] : memref<48x128xf32, #tpu.memory_space<vmem>> -> memref<40x128xf32, #tpu.memory_space<vmem>>
    %dma_start3A_89 = arith.constant 0 : i32
    %dma_start3A_90 = tpu.memref_slice %arg17[%add3A_85, %dma_start3A_89] : memref<10240x128xf32, #tpu.memory_space<vmem_shared>> -> memref<40x128xf32, #tpu.memory_space<vmem_shared>>
    %dma_start3A_91 = arith.constant 0 : i32
    %dma_start3A_92 = tpu.memref_slice %arg17[%add3A_85, %dma_start3A_91] : memref<10240x128xf32, #tpu.memory_space<vmem_shared>> -> memref<40x128xf32, #tpu.memory_space<vmem_shared>>
    %dma_start3A_93 = arith.constant 0 : i32
    %dma_start3A_94 = arith.constant 0 : i32
    %dma_start3A_95 = tpu.memref_slice %arg9[%dma_start3A_93, %dma_start3A_94] : memref<48x128xf32, #tpu.memory_space<vmem>> -> memref<40x128xf32, #tpu.memory_space<vmem>>
    tpu.enqueue_dma source(%dma_start3A_95 : memref<40x128xf32, #tpu.memory_space<vmem>>) target(%dma_start3A_92 : memref<40x128xf32, #tpu.memory_space<vmem_shared>>) target_semaphore(%arg19 : memref<!tpu.dma_semaphore, #tpu.memory_space<semaphore_mem>>)
    %add3A_96 = arith.constant 280 : i32
    %add3A_97 = arith.addi %mul3A_2, %add3A_96 : i32
    %dma_start3A_98 = arith.constant 0 : i32
    %dma_start3A_99 = arith.constant 0 : i32
    %dma_start3A_100 = tpu.memref_slice %arg9[%dma_start3A_98, %dma_start3A_99] : memref<48x128xf32, #tpu.memory_space<vmem>> -> memref<40x128xf32, #tpu.memory_space<vmem>>
    %dma_start3A_101 = arith.constant 0 : i32
    %dma_start3A_102 = tpu.memref_slice %arg17[%add3A_97, %dma_start3A_101] : memref<10240x128xf32, #tpu.memory_space<vmem_shared>> -> memref<40x128xf32, #tpu.memory_space<vmem_shared>>
    %dma_start3A_103 = arith.constant 0 : i32
    %dma_start3A_104 = tpu.memref_slice %arg17[%add3A_97, %dma_start3A_103] : memref<10240x128xf32, #tpu.memory_space<vmem_shared>> -> memref<40x128xf32, #tpu.memory_space<vmem_shared>>
    %dma_start3A_105 = arith.constant 0 : i32
    %dma_start3A_106 = arith.constant 0 : i32
    %dma_start3A_107 = tpu.memref_slice %arg9[%dma_start3A_105, %dma_start3A_106] : memref<48x128xf32, #tpu.memory_space<vmem>> -> memref<40x128xf32, #tpu.memory_space<vmem>>
    tpu.enqueue_dma source(%dma_start3A_107 : memref<40x128xf32, #tpu.memory_space<vmem>>) target(%dma_start3A_104 : memref<40x128xf32, #tpu.memory_space<vmem_shared>>) target_semaphore(%arg19 : memref<!tpu.dma_semaphore, #tpu.memory_space<semaphore_mem>>)
    %add3A_108 = arith.constant 320 : i32
    %add3A_109 = arith.addi %mul3A_2, %add3A_108 : i32
    %dma_start3A_110 = arith.constant 0 : i32
    %dma_start3A_111 = arith.constant 0 : i32
    %dma_start3A_112 = tpu.memref_slice %arg9[%dma_start3A_110, %dma_start3A_111] : memref<48x128xf32, #tpu.memory_space<vmem>> -> memref<40x128xf32, #tpu.memory_space<vmem>>
    %dma_start3A_113 = arith.constant 0 : i32
    %dma_start3A_114 = tpu.memref_slice %arg17[%add3A_109, %dma_start3A_113] : memref<10240x128xf32, #tpu.memory_space<vmem_shared>> -> memref<40x128xf32, #tpu.memory_space<vmem_shared>>
    %dma_start3A_115 = arith.constant 0 : i32
    %dma_start3A_116 = tpu.memref_slice %arg17[%add3A_109, %dma_start3A_115] : memref<10240x128xf32, #tpu.memory_space<vmem_shared>> -> memref<40x128xf32, #tpu.memory_space<vmem_shared>>
    %dma_start3A_117 = arith.constant 0 : i32
    %dma_start3A_118 = arith.constant 0 : i32
    %dma_start3A_119 = tpu.memref_slice %arg9[%dma_start3A_117, %dma_start3A_118] : memref<48x128xf32, #tpu.memory_space<vmem>> -> memref<40x128xf32, #tpu.memory_space<vmem>>
    tpu.enqueue_dma source(%dma_start3A_119 : memref<40x128xf32, #tpu.memory_space<vmem>>) target(%dma_start3A_116 : memref<40x128xf32, #tpu.memory_space<vmem_shared>>) target_semaphore(%arg19 : memref<!tpu.dma_semaphore, #tpu.memory_space<semaphore_mem>>)
    %add3A_120 = arith.constant 360 : i32
    %add3A_121 = arith.addi %mul3A_2, %add3A_120 : i32
    %dma_start3A_122 = arith.constant 0 : i32
    %dma_start3A_123 = arith.constant 0 : i32
    %dma_start3A_124 = tpu.memref_slice %arg9[%dma_start3A_122, %dma_start3A_123] : memref<48x128xf32, #tpu.memory_space<vmem>> -> memref<40x128xf32, #tpu.memory_space<vmem>>
    %dma_start3A_125 = arith.constant 0 : i32
    %dma_start3A_126 = tpu.memref_slice %arg17[%add3A_121, %dma_start3A_125] : memref<10240x128xf32, #tpu.memory_space<vmem_shared>> -> memref<40x128xf32, #tpu.memory_space<vmem_shared>>
    %dma_start3A_127 = arith.constant 0 : i32
    %dma_start3A_128 = tpu.memref_slice %arg17[%add3A_121, %dma_start3A_127] : memref<10240x128xf32, #tpu.memory_space<vmem_shared>> -> memref<40x128xf32, #tpu.memory_space<vmem_shared>>
    %dma_start3A_129 = arith.constant 0 : i32
    %dma_start3A_130 = arith.constant 0 : i32
    %dma_start3A_131 = tpu.memref_slice %arg9[%dma_start3A_129, %dma_start3A_130] : memref<48x128xf32, #tpu.memory_space<vmem>> -> memref<40x128xf32, #tpu.memory_space<vmem>>
    tpu.enqueue_dma source(%dma_start3A_131 : memref<40x128xf32, #tpu.memory_space<vmem>>) target(%dma_start3A_128 : memref<40x128xf32, #tpu.memory_space<vmem_shared>>) target_semaphore(%arg19 : memref<!tpu.dma_semaphore, #tpu.memory_space<semaphore_mem>>)
    %add3A_132 = arith.constant 400 : i32
    %add3A_133 = arith.addi %mul3A_2, %add3A_132 : i32
    %dma_start3A_134 = arith.constant 0 : i32
    %dma_start3A_135 = arith.constant 0 : i32
    %dma_start3A_136 = tpu.memref_slice %arg9[%dma_start3A_134, %dma_start3A_135] : memref<48x128xf32, #tpu.memory_space<vmem>> -> memref<40x128xf32, #tpu.memory_space<vmem>>
    %dma_start3A_137 = arith.constant 0 : i32
    %dma_start3A_138 = tpu.memref_slice %arg17[%add3A_133, %dma_start3A_137] : memref<10240x128xf32, #tpu.memory_space<vmem_shared>> -> memref<40x128xf32, #tpu.memory_space<vmem_shared>>
    %dma_start3A_139 = arith.constant 0 : i32
    %dma_start3A_140 = tpu.memref_slice %arg17[%add3A_133, %dma_start3A_139] : memref<10240x128xf32, #tpu.memory_space<vmem_shared>> -> memref<40x128xf32, #tpu.memory_space<vmem_shared>>
    %dma_start3A_141 = arith.constant 0 : i32
    %dma_start3A_142 = arith.constant 0 : i32
    %dma_start3A_143 = tpu.memref_slice %arg9[%dma_start3A_141, %dma_start3A_142] : memref<48x128xf32, #tpu.memory_space<vmem>> -> memref<40x128xf32, #tpu.memory_space<vmem>>
    tpu.enqueue_dma source(%dma_start3A_143 : memref<40x128xf32, #tpu.memory_space<vmem>>) target(%dma_start3A_140 : memref<40x128xf32, #tpu.memory_space<vmem_shared>>) target_semaphore(%arg19 : memref<!tpu.dma_semaphore, #tpu.memory_space<semaphore_mem>>)
    %add3A_144 = arith.constant 440 : i32
    %add3A_145 = arith.addi %mul3A_2, %add3A_144 : i32
    %dma_start3A_146 = arith.constant 0 : i32
    %dma_start3A_147 = arith.constant 0 : i32
    %dma_start3A_148 = tpu.memref_slice %arg9[%dma_start3A_146, %dma_start3A_147] : memref<48x128xf32, #tpu.memory_space<vmem>> -> memref<40x128xf32, #tpu.memory_space<vmem>>
    %dma_start3A_149 = arith.constant 0 : i32
    %dma_start3A_150 = tpu.memref_slice %arg17[%add3A_145, %dma_start3A_149] : memref<10240x128xf32, #tpu.memory_space<vmem_shared>> -> memref<40x128xf32, #tpu.memory_space<vmem_shared>>
    %dma_start3A_151 = arith.constant 0 : i32
    %dma_start3A_152 = tpu.memref_slice %arg17[%add3A_145, %dma_start3A_151] : memref<10240x128xf32, #tpu.memory_space<vmem_shared>> -> memref<40x128xf32, #tpu.memory_space<vmem_shared>>
    %dma_start3A_153 = arith.constant 0 : i32
    %dma_start3A_154 = arith.constant 0 : i32
    %dma_start3A_155 = tpu.memref_slice %arg9[%dma_start3A_153, %dma_start3A_154] : memref<48x128xf32, #tpu.memory_space<vmem>> -> memref<40x128xf32, #tpu.memory_space<vmem>>
    tpu.enqueue_dma source(%dma_start3A_155 : memref<40x128xf32, #tpu.memory_space<vmem>>) target(%dma_start3A_152 : memref<40x128xf32, #tpu.memory_space<vmem_shared>>) target_semaphore(%arg19 : memref<!tpu.dma_semaphore, #tpu.memory_space<semaphore_mem>>)
    %add3A_156 = arith.constant 480 : i32
    %add3A_157 = arith.addi %mul3A_2, %add3A_156 : i32
    %dma_start3A_158 = arith.constant 0 : i32
    %dma_start3A_159 = arith.constant 0 : i32
    %dma_start3A_160 = tpu.memref_slice %arg9[%dma_start3A_158, %dma_start3A_159] : memref<48x128xf32, #tpu.memory_space<vmem>> -> memref<40x128xf32, #tpu.memory_space<vmem>>
    %dma_start3A_161 = arith.constant 0 : i32
    %dma_start3A_162 = tpu.memref_slice %arg17[%add3A_157, %dma_start3A_161] : memref<10240x128xf32, #tpu.memory_space<vmem_shared>> -> memref<40x128xf32, #tpu.memory_space<vmem_shared>>
    %dma_start3A_163 = arith.constant 0 : i32
    %dma_start3A_164 = tpu.memref_slice %arg17[%add3A_157, %dma_start3A_163] : memref<10240x128xf32, #tpu.memory_space<vmem_shared>> -> memref<40x128xf32, #tpu.memory_space<vmem_shared>>
    %dma_start3A_165 = arith.constant 0 : i32
    %dma_start3A_166 = arith.constant 0 : i32
    %dma_start3A_167 = tpu.memref_slice %arg9[%dma_start3A_165, %dma_start3A_166] : memref<48x128xf32, #tpu.memory_space<vmem>> -> memref<40x128xf32, #tpu.memory_space<vmem>>
    tpu.enqueue_dma source(%dma_start3A_167 : memref<40x128xf32, #tpu.memory_space<vmem>>) target(%dma_start3A_164 : memref<40x128xf32, #tpu.memory_space<vmem_shared>>) target_semaphore(%arg19 : memref<!tpu.dma_semaphore, #tpu.memory_space<semaphore_mem>>)
    %add3A_168 = arith.constant 520 : i32
    %add3A_169 = arith.addi %mul3A_2, %add3A_168 : i32
    %dma_start3A_170 = arith.constant 0 : i32
    %dma_start3A_171 = arith.constant 0 : i32
    %dma_start3A_172 = tpu.memref_slice %arg9[%dma_start3A_170, %dma_start3A_171] : memref<48x128xf32, #tpu.memory_space<vmem>> -> memref<40x128xf32, #tpu.memory_space<vmem>>
    %dma_start3A_173 = arith.constant 0 : i32
    %dma_start3A_174 = tpu.memref_slice %arg17[%add3A_169, %dma_start3A_173] : memref<10240x128xf32, #tpu.memory_space<vmem_shared>> -> memref<40x128xf32, #tpu.memory_space<vmem_shared>>
    %dma_start3A_175 = arith.constant 0 : i32
    %dma_start3A_176 = tpu.memref_slice %arg17[%add3A_169, %dma_start3A_175] : memref<10240x128xf32, #tpu.memory_space<vmem_shared>> -> memref<40x128xf32, #tpu.memory_space<vmem_shared>>
    %dma_start3A_177 = arith.constant 0 : i32
    %dma_start3A_178 = arith.constant 0 : i32
    %dma_start3A_179 = tpu.memref_slice %arg9[%dma_start3A_177, %dma_start3A_178] : memref<48x128xf32, #tpu.memory_space<vmem>> -> memref<40x128xf32, #tpu.memory_space<vmem>>
    tpu.enqueue_dma source(%dma_start3A_179 : memref<40x128xf32, #tpu.memory_space<vmem>>) target(%dma_start3A_176 : memref<40x128xf32, #tpu.memory_space<vmem_shared>>) target_semaphore(%arg19 : memref<!tpu.dma_semaphore, #tpu.memory_space<semaphore_mem>>)
    %add3A_180 = arith.constant 560 : i32
    %add3A_181 = arith.addi %mul3A_2, %add3A_180 : i32
    %dma_start3A_182 = arith.constant 0 : i32
    %dma_start3A_183 = arith.constant 0 : i32
    %dma_start3A_184 = tpu.memref_slice %arg9[%dma_start3A_182, %dma_start3A_183] : memref<48x128xf32, #tpu.memory_space<vmem>> -> memref<40x128xf32, #tpu.memory_space<vmem>>
    %dma_start3A_185 = arith.constant 0 : i32
    %dma_start3A_186 = tpu.memref_slice %arg17[%add3A_181, %dma_start3A_185] : memref<10240x128xf32, #tpu.memory_space<vmem_shared>> -> memref<40x128xf32, #tpu.memory_space<vmem_shared>>
    %dma_start3A_187 = arith.constant 0 : i32
    %dma_start3A_188 = tpu.memref_slice %arg17[%add3A_181, %dma_start3A_187] : memref<10240x128xf32, #tpu.memory_space<vmem_shared>> -> memref<40x128xf32, #tpu.memory_space<vmem_shared>>
    %dma_start3A_189 = arith.constant 0 : i32
    %dma_start3A_190 = arith.constant 0 : i32
    %dma_start3A_191 = tpu.memref_slice %arg9[%dma_start3A_189, %dma_start3A_190] : memref<48x128xf32, #tpu.memory_space<vmem>> -> memref<40x128xf32, #tpu.memory_space<vmem>>
    tpu.enqueue_dma source(%dma_start3A_191 : memref<40x128xf32, #tpu.memory_space<vmem>>) target(%dma_start3A_188 : memref<40x128xf32, #tpu.memory_space<vmem_shared>>) target_semaphore(%arg19 : memref<!tpu.dma_semaphore, #tpu.memory_space<semaphore_mem>>)
    %add3A_192 = arith.constant 600 : i32
    %add3A_193 = arith.addi %mul3A_2, %add3A_192 : i32
    %dma_start3A_194 = arith.constant 0 : i32
    %dma_start3A_195 = arith.constant 0 : i32
    %dma_start3A_196 = tpu.memref_slice %arg9[%dma_start3A_194, %dma_start3A_195] : memref<48x128xf32, #tpu.memory_space<vmem>> -> memref<40x128xf32, #tpu.memory_space<vmem>>
    %dma_start3A_197 = arith.constant 0 : i32
    %dma_start3A_198 = tpu.memref_slice %arg17[%add3A_193, %dma_start3A_197] : memref<10240x128xf32, #tpu.memory_space<vmem_shared>> -> memref<40x128xf32, #tpu.memory_space<vmem_shared>>
    %dma_start3A_199 = arith.constant 0 : i32
    %dma_start3A_200 = tpu.memref_slice %arg17[%add3A_193, %dma_start3A_199] : memref<10240x128xf32, #tpu.memory_space<vmem_shared>> -> memref<40x128xf32, #tpu.memory_space<vmem_shared>>
    %dma_start3A_201 = arith.constant 0 : i32
    %dma_start3A_202 = arith.constant 0 : i32
    %dma_start3A_203 = tpu.memref_slice %arg9[%dma_start3A_201, %dma_start3A_202] : memref<48x128xf32, #tpu.memory_space<vmem>> -> memref<40x128xf32, #tpu.memory_space<vmem>>
    tpu.enqueue_dma source(%dma_start3A_203 : memref<40x128xf32, #tpu.memory_space<vmem>>) target(%dma_start3A_200 : memref<40x128xf32, #tpu.memory_space<vmem_shared>>) target_semaphore(%arg19 : memref<!tpu.dma_semaphore, #tpu.memory_space<semaphore_mem>>)
    %dma_wait3A = tpu.memref_slice %arg3[%mul3A_4] : memref<331776xi32, #tpu.memory_space<hbm>> -> memref<10368xi32, #tpu.memory_space<hbm>>
    %dma_wait3A_204 = tpu.memref_slice %arg3[%mul3A_4] : memref<331776xi32, #tpu.memory_space<hbm>> -> memref<10368xi32, #tpu.memory_space<hbm>>
    tpu.wait_dma2 semaphore(%arg18 : memref<!tpu.dma_semaphore, #tpu.memory_space<semaphore_mem>>) src(%dma_wait3A_204 : memref<10368xi32, #tpu.memory_space<hbm>>) dst(%arg7 : memref<10368xi32, #tpu.memory_space<vmem>>)
    %dma_wait3A_205 = tpu.memref_slice %arg4[%mul3A_4] : memref<331776xi32, #tpu.memory_space<hbm>> -> memref<10368xi32, #tpu.memory_space<hbm>>
    %dma_wait3A_206 = tpu.memref_slice %arg4[%mul3A_4] : memref<331776xi32, #tpu.memory_space<hbm>> -> memref<10368xi32, #tpu.memory_space<hbm>>
    tpu.wait_dma2 semaphore(%arg18 : memref<!tpu.dma_semaphore, #tpu.memory_space<semaphore_mem>>) src(%dma_wait3A_206 : memref<10368xi32, #tpu.memory_space<hbm>>) dst(%arg8 : memref<10368xi32, #tpu.memory_space<vmem>>)
    %dma_start3A_207 = arith.constant 48 : i32
    %dma_start3A_208 = tpu.memref_slice %arg7[%dma_start3A_207] : memref<10368xi32, #tpu.memory_space<vmem>> -> memref<48xi32, #tpu.memory_space<vmem>>
    %dma_start3A_209 = arith.constant 0 : i32
    %dma_start3A_210 = arith.constant 0 : i32
    %dma_start3A_211 = tpu.memref_slice %arg2[%dma_start3A_209, %dma_start3A_210] : memref<10240x128xf32, #tpu.memory_space<hbm>> -> memref<10240x128xf32, #tpu.memory_space<hbm>>
    tpu.enqueue_indirect_dma source(%dma_start3A_211 : memref<10240x128xf32, #tpu.memory_space<hbm>>) target(%arg10 : memref<48x128xf32, #tpu.memory_space<vmem>>) offsets(%dma_start3A_208 : memref<48xi32, #tpu.memory_space<vmem>>) semaphore(%arg21 : memref<!tpu.dma_semaphore, #tpu.memory_space<semaphore_mem>>)
    %add3A_212 = arith.constant 48 : i32
    %add3A_213 = arith.addi %mul3A_4, %add3A_212 : i32
    %dma_start3A_214 = tpu.memref_slice %arg5[%add3A_213] : memref<331776xf32, #tpu.memory_space<hbm>> -> memref<48xf32, #tpu.memory_space<hbm>>
    %dma_start3A_215 = tpu.memref_slice %arg5[%add3A_213] : memref<331776xf32, #tpu.memory_space<hbm>> -> memref<48xf32, #tpu.memory_space<hbm>>
    tpu.enqueue_dma source(%dma_start3A_215 : memref<48xf32, #tpu.memory_space<hbm>>) target(%arg14 : memref<48xf32, #tpu.memory_space<vmem>>) target_semaphore(%arg21 : memref<!tpu.dma_semaphore, #tpu.memory_space<semaphore_mem>>)
    %dma_start3A_216 = arith.constant 96 : i32
    %dma_start3A_217 = tpu.memref_slice %arg7[%dma_start3A_216] : memref<10368xi32, #tpu.memory_space<vmem>> -> memref<48xi32, #tpu.memory_space<vmem>>
    %dma_start3A_218 = arith.constant 0 : i32
    %dma_start3A_219 = arith.constant 0 : i32
    %dma_start3A_220 = tpu.memref_slice %arg2[%dma_start3A_218, %dma_start3A_219] : memref<10240x128xf32, #tpu.memory_space<hbm>> -> memref<10240x128xf32, #tpu.memory_space<hbm>>
    tpu.enqueue_indirect_dma source(%dma_start3A_220 : memref<10240x128xf32, #tpu.memory_space<hbm>>) target(%arg11 : memref<48x128xf32, #tpu.memory_space<vmem>>) offsets(%dma_start3A_217 : memref<48xi32, #tpu.memory_space<vmem>>) semaphore(%arg22 : memref<!tpu.dma_semaphore, #tpu.memory_space<semaphore_mem>>)
    %add3A_221 = arith.constant 96 : i32
    %add3A_222 = arith.addi %mul3A_4, %add3A_221 : i32
    %dma_start3A_223 = tpu.memref_slice %arg5[%add3A_222] : memref<331776xf32, #tpu.memory_space<hbm>> -> memref<48xf32, #tpu.memory_space<hbm>>
    %dma_start3A_224 = tpu.memref_slice %arg5[%add3A_222] : memref<331776xf32, #tpu.memory_space<hbm>> -> memref<48xf32, #tpu.memory_space<hbm>>
    tpu.enqueue_dma source(%dma_start3A_224 : memref<48xf32, #tpu.memory_space<hbm>>) target(%arg15 : memref<48xf32, #tpu.memory_space<vmem>>) target_semaphore(%arg22 : memref<!tpu.dma_semaphore, #tpu.memory_space<semaphore_mem>>)
    %dma_start3A_225 = arith.constant 144 : i32
    %dma_start3A_226 = tpu.memref_slice %arg7[%dma_start3A_225] : memref<10368xi32, #tpu.memory_space<vmem>> -> memref<48xi32, #tpu.memory_space<vmem>>
    %dma_start3A_227 = arith.constant 0 : i32
    %dma_start3A_228 = arith.constant 0 : i32
    %dma_start3A_229 = tpu.memref_slice %arg2[%dma_start3A_227, %dma_start3A_228] : memref<10240x128xf32, #tpu.memory_space<hbm>> -> memref<10240x128xf32, #tpu.memory_space<hbm>>
    tpu.enqueue_indirect_dma source(%dma_start3A_229 : memref<10240x128xf32, #tpu.memory_space<hbm>>) target(%arg12 : memref<48x128xf32, #tpu.memory_space<vmem>>) offsets(%dma_start3A_226 : memref<48xi32, #tpu.memory_space<vmem>>) semaphore(%arg23 : memref<!tpu.dma_semaphore, #tpu.memory_space<semaphore_mem>>)
    %add3A_230 = arith.constant 144 : i32
    %add3A_231 = arith.addi %mul3A_4, %add3A_230 : i32
    %dma_start3A_232 = tpu.memref_slice %arg5[%add3A_231] : memref<331776xf32, #tpu.memory_space<hbm>> -> memref<48xf32, #tpu.memory_space<hbm>>
    %dma_start3A_233 = tpu.memref_slice %arg5[%add3A_231] : memref<331776xf32, #tpu.memory_space<hbm>> -> memref<48xf32, #tpu.memory_space<hbm>>
    tpu.enqueue_dma source(%dma_start3A_233 : memref<48xf32, #tpu.memory_space<hbm>>) target(%arg16 : memref<48xf32, #tpu.memory_space<vmem>>) target_semaphore(%arg23 : memref<!tpu.dma_semaphore, #tpu.memory_space<semaphore_mem>>)
    %add3A_234 = arith.constant 0 : i32
    %add3A_235 = arith.addi %mul3A_2, %add3A_234 : i32
    %dma_wait3A_236 = arith.constant 0 : i32
    %dma_wait3A_237 = arith.constant 0 : i32
    %dma_wait3A_238 = tpu.memref_slice %arg9[%dma_wait3A_236, %dma_wait3A_237] : memref<48x128xf32, #tpu.memory_space<vmem>> -> memref<40x128xf32, #tpu.memory_space<vmem>>
    %dma_wait3A_239 = arith.constant 0 : i32
    %dma_wait3A_240 = tpu.memref_slice %arg17[%add3A_235, %dma_wait3A_239] : memref<10240x128xf32, #tpu.memory_space<vmem_shared>> -> memref<40x128xf32, #tpu.memory_space<vmem_shared>>
    %dma_wait3A_241 = arith.constant 0 : i32
    %dma_wait3A_242 = tpu.memref_slice %arg17[%add3A_235, %dma_wait3A_241] : memref<10240x128xf32, #tpu.memory_space<vmem_shared>> -> memref<40x128xf32, #tpu.memory_space<vmem_shared>>
    %dma_wait3A_243 = arith.constant 0 : i32
    %dma_wait3A_244 = arith.constant 0 : i32
    %dma_wait3A_245 = tpu.memref_slice %arg9[%dma_wait3A_243, %dma_wait3A_244] : memref<48x128xf32, #tpu.memory_space<vmem>> -> memref<40x128xf32, #tpu.memory_space<vmem>>
    tpu.wait_dma2 semaphore(%arg19 : memref<!tpu.dma_semaphore, #tpu.memory_space<semaphore_mem>>) src(%dma_wait3A_245 : memref<40x128xf32, #tpu.memory_space<vmem>>) dst(%dma_wait3A_242 : memref<40x128xf32, #tpu.memory_space<vmem_shared>>)
    %add3A_246 = arith.constant 40 : i32
    %add3A_247 = arith.addi %mul3A_2, %add3A_246 : i32
    %dma_wait3A_248 = arith.constant 0 : i32
    %dma_wait3A_249 = arith.constant 0 : i32
    %dma_wait3A_250 = tpu.memref_slice %arg9[%dma_wait3A_248, %dma_wait3A_249] : memref<48x128xf32, #tpu.memory_space<vmem>> -> memref<40x128xf32, #tpu.memory_space<vmem>>
    %dma_wait3A_251 = arith.constant 0 : i32
    %dma_wait3A_252 = tpu.memref_slice %arg17[%add3A_247, %dma_wait3A_251] : memref<10240x128xf32, #tpu.memory_space<vmem_shared>> -> memref<40x128xf32, #tpu.memory_space<vmem_shared>>
    %dma_wait3A_253 = arith.constant 0 : i32
    %dma_wait3A_254 = tpu.memref_slice %arg17[%add3A_247, %dma_wait3A_253] : memref<10240x128xf32, #tpu.memory_space<vmem_shared>> -> memref<40x128xf32, #tpu.memory_space<vmem_shared>>
    %dma_wait3A_255 = arith.constant 0 : i32
    %dma_wait3A_256 = arith.constant 0 : i32
    %dma_wait3A_257 = tpu.memref_slice %arg9[%dma_wait3A_255, %dma_wait3A_256] : memref<48x128xf32, #tpu.memory_space<vmem>> -> memref<40x128xf32, #tpu.memory_space<vmem>>
    tpu.wait_dma2 semaphore(%arg19 : memref<!tpu.dma_semaphore, #tpu.memory_space<semaphore_mem>>) src(%dma_wait3A_257 : memref<40x128xf32, #tpu.memory_space<vmem>>) dst(%dma_wait3A_254 : memref<40x128xf32, #tpu.memory_space<vmem_shared>>)
    %add3A_258 = arith.constant 80 : i32
    %add3A_259 = arith.addi %mul3A_2, %add3A_258 : i32
    %dma_wait3A_260 = arith.constant 0 : i32
    %dma_wait3A_261 = arith.constant 0 : i32
    %dma_wait3A_262 = tpu.memref_slice %arg9[%dma_wait3A_260, %dma_wait3A_261] : memref<48x128xf32, #tpu.memory_space<vmem>> -> memref<40x128xf32, #tpu.memory_space<vmem>>
    %dma_wait3A_263 = arith.constant 0 : i32
    %dma_wait3A_264 = tpu.memref_slice %arg17[%add3A_259, %dma_wait3A_263] : memref<10240x128xf32, #tpu.memory_space<vmem_shared>> -> memref<40x128xf32, #tpu.memory_space<vmem_shared>>
    %dma_wait3A_265 = arith.constant 0 : i32
    %dma_wait3A_266 = tpu.memref_slice %arg17[%add3A_259, %dma_wait3A_265] : memref<10240x128xf32, #tpu.memory_space<vmem_shared>> -> memref<40x128xf32, #tpu.memory_space<vmem_shared>>
    %dma_wait3A_267 = arith.constant 0 : i32
    %dma_wait3A_268 = arith.constant 0 : i32
    %dma_wait3A_269 = tpu.memref_slice %arg9[%dma_wait3A_267, %dma_wait3A_268] : memref<48x128xf32, #tpu.memory_space<vmem>> -> memref<40x128xf32, #tpu.memory_space<vmem>>
    tpu.wait_dma2 semaphore(%arg19 : memref<!tpu.dma_semaphore, #tpu.memory_space<semaphore_mem>>) src(%dma_wait3A_269 : memref<40x128xf32, #tpu.memory_space<vmem>>) dst(%dma_wait3A_266 : memref<40x128xf32, #tpu.memory_space<vmem_shared>>)
    %add3A_270 = arith.constant 120 : i32
    %add3A_271 = arith.addi %mul3A_2, %add3A_270 : i32
    %dma_wait3A_272 = arith.constant 0 : i32
    %dma_wait3A_273 = arith.constant 0 : i32
    %dma_wait3A_274 = tpu.memref_slice %arg9[%dma_wait3A_272, %dma_wait3A_273] : memref<48x128xf32, #tpu.memory_space<vmem>> -> memref<40x128xf32, #tpu.memory_space<vmem>>
    %dma_wait3A_275 = arith.constant 0 : i32
    %dma_wait3A_276 = tpu.memref_slice %arg17[%add3A_271, %dma_wait3A_275] : memref<10240x128xf32, #tpu.memory_space<vmem_shared>> -> memref<40x128xf32, #tpu.memory_space<vmem_shared>>
    %dma_wait3A_277 = arith.constant 0 : i32
    %dma_wait3A_278 = tpu.memref_slice %arg17[%add3A_271, %dma_wait3A_277] : memref<10240x128xf32, #tpu.memory_space<vmem_shared>> -> memref<40x128xf32, #tpu.memory_space<vmem_shared>>
    %dma_wait3A_279 = arith.constant 0 : i32
    %dma_wait3A_280 = arith.constant 0 : i32
    %dma_wait3A_281 = tpu.memref_slice %arg9[%dma_wait3A_279, %dma_wait3A_280] : memref<48x128xf32, #tpu.memory_space<vmem>> -> memref<40x128xf32, #tpu.memory_space<vmem>>
    tpu.wait_dma2 semaphore(%arg19 : memref<!tpu.dma_semaphore, #tpu.memory_space<semaphore_mem>>) src(%dma_wait3A_281 : memref<40x128xf32, #tpu.memory_space<vmem>>) dst(%dma_wait3A_278 : memref<40x128xf32, #tpu.memory_space<vmem_shared>>)
    %add3A_282 = arith.constant 160 : i32
    %add3A_283 = arith.addi %mul3A_2, %add3A_282 : i32
    %dma_wait3A_284 = arith.constant 0 : i32
    %dma_wait3A_285 = arith.constant 0 : i32
    %dma_wait3A_286 = tpu.memref_slice %arg9[%dma_wait3A_284, %dma_wait3A_285] : memref<48x128xf32, #tpu.memory_space<vmem>> -> memref<40x128xf32, #tpu.memory_space<vmem>>
    %dma_wait3A_287 = arith.constant 0 : i32
    %dma_wait3A_288 = tpu.memref_slice %arg17[%add3A_283, %dma_wait3A_287] : memref<10240x128xf32, #tpu.memory_space<vmem_shared>> -> memref<40x128xf32, #tpu.memory_space<vmem_shared>>
    %dma_wait3A_289 = arith.constant 0 : i32
    %dma_wait3A_290 = tpu.memref_slice %arg17[%add3A_283, %dma_wait3A_289] : memref<10240x128xf32, #tpu.memory_space<vmem_shared>> -> memref<40x128xf32, #tpu.memory_space<vmem_shared>>
    %dma_wait3A_291 = arith.constant 0 : i32
    %dma_wait3A_292 = arith.constant 0 : i32
    %dma_wait3A_293 = tpu.memref_slice %arg9[%dma_wait3A_291, %dma_wait3A_292] : memref<48x128xf32, #tpu.memory_space<vmem>> -> memref<40x128xf32, #tpu.memory_space<vmem>>
    tpu.wait_dma2 semaphore(%arg19 : memref<!tpu.dma_semaphore, #tpu.memory_space<semaphore_mem>>) src(%dma_wait3A_293 : memref<40x128xf32, #tpu.memory_space<vmem>>) dst(%dma_wait3A_290 : memref<40x128xf32, #tpu.memory_space<vmem_shared>>)
    %add3A_294 = arith.constant 200 : i32
    %add3A_295 = arith.addi %mul3A_2, %add3A_294 : i32
    %dma_wait3A_296 = arith.constant 0 : i32
    %dma_wait3A_297 = arith.constant 0 : i32
    %dma_wait3A_298 = tpu.memref_slice %arg9[%dma_wait3A_296, %dma_wait3A_297] : memref<48x128xf32, #tpu.memory_space<vmem>> -> memref<40x128xf32, #tpu.memory_space<vmem>>
    %dma_wait3A_299 = arith.constant 0 : i32
    %dma_wait3A_300 = tpu.memref_slice %arg17[%add3A_295, %dma_wait3A_299] : memref<10240x128xf32, #tpu.memory_space<vmem_shared>> -> memref<40x128xf32, #tpu.memory_space<vmem_shared>>
    %dma_wait3A_301 = arith.constant 0 : i32
    %dma_wait3A_302 = tpu.memref_slice %arg17[%add3A_295, %dma_wait3A_301] : memref<10240x128xf32, #tpu.memory_space<vmem_shared>> -> memref<40x128xf32, #tpu.memory_space<vmem_shared>>
    %dma_wait3A_303 = arith.constant 0 : i32
    %dma_wait3A_304 = arith.constant 0 : i32
    %dma_wait3A_305 = tpu.memref_slice %arg9[%dma_wait3A_303, %dma_wait3A_304] : memref<48x128xf32, #tpu.memory_space<vmem>> -> memref<40x128xf32, #tpu.memory_space<vmem>>
    tpu.wait_dma2 semaphore(%arg19 : memref<!tpu.dma_semaphore, #tpu.memory_space<semaphore_mem>>) src(%dma_wait3A_305 : memref<40x128xf32, #tpu.memory_space<vmem>>) dst(%dma_wait3A_302 : memref<40x128xf32, #tpu.memory_space<vmem_shared>>)
    %add3A_306 = arith.constant 240 : i32
    %add3A_307 = arith.addi %mul3A_2, %add3A_306 : i32
    %dma_wait3A_308 = arith.constant 0 : i32
    %dma_wait3A_309 = arith.constant 0 : i32
    %dma_wait3A_310 = tpu.memref_slice %arg9[%dma_wait3A_308, %dma_wait3A_309] : memref<48x128xf32, #tpu.memory_space<vmem>> -> memref<40x128xf32, #tpu.memory_space<vmem>>
    %dma_wait3A_311 = arith.constant 0 : i32
    %dma_wait3A_312 = tpu.memref_slice %arg17[%add3A_307, %dma_wait3A_311] : memref<10240x128xf32, #tpu.memory_space<vmem_shared>> -> memref<40x128xf32, #tpu.memory_space<vmem_shared>>
    %dma_wait3A_313 = arith.constant 0 : i32
    %dma_wait3A_314 = tpu.memref_slice %arg17[%add3A_307, %dma_wait3A_313] : memref<10240x128xf32, #tpu.memory_space<vmem_shared>> -> memref<40x128xf32, #tpu.memory_space<vmem_shared>>
    %dma_wait3A_315 = arith.constant 0 : i32
    %dma_wait3A_316 = arith.constant 0 : i32
    %dma_wait3A_317 = tpu.memref_slice %arg9[%dma_wait3A_315, %dma_wait3A_316] : memref<48x128xf32, #tpu.memory_space<vmem>> -> memref<40x128xf32, #tpu.memory_space<vmem>>
    tpu.wait_dma2 semaphore(%arg19 : memref<!tpu.dma_semaphore, #tpu.memory_space<semaphore_mem>>) src(%dma_wait3A_317 : memref<40x128xf32, #tpu.memory_space<vmem>>) dst(%dma_wait3A_314 : memref<40x128xf32, #tpu.memory_space<vmem_shared>>)
    %add3A_318 = arith.constant 280 : i32
    %add3A_319 = arith.addi %mul3A_2, %add3A_318 : i32
    %dma_wait3A_320 = arith.constant 0 : i32
    %dma_wait3A_321 = arith.constant 0 : i32
    %dma_wait3A_322 = tpu.memref_slice %arg9[%dma_wait3A_320, %dma_wait3A_321] : memref<48x128xf32, #tpu.memory_space<vmem>> -> memref<40x128xf32, #tpu.memory_space<vmem>>
    %dma_wait3A_323 = arith.constant 0 : i32
    %dma_wait3A_324 = tpu.memref_slice %arg17[%add3A_319, %dma_wait3A_323] : memref<10240x128xf32, #tpu.memory_space<vmem_shared>> -> memref<40x128xf32, #tpu.memory_space<vmem_shared>>
    %dma_wait3A_325 = arith.constant 0 : i32
    %dma_wait3A_326 = tpu.memref_slice %arg17[%add3A_319, %dma_wait3A_325] : memref<10240x128xf32, #tpu.memory_space<vmem_shared>> -> memref<40x128xf32, #tpu.memory_space<vmem_shared>>
    %dma_wait3A_327 = arith.constant 0 : i32
    %dma_wait3A_328 = arith.constant 0 : i32
    %dma_wait3A_329 = tpu.memref_slice %arg9[%dma_wait3A_327, %dma_wait3A_328] : memref<48x128xf32, #tpu.memory_space<vmem>> -> memref<40x128xf32, #tpu.memory_space<vmem>>
    tpu.wait_dma2 semaphore(%arg19 : memref<!tpu.dma_semaphore, #tpu.memory_space<semaphore_mem>>) src(%dma_wait3A_329 : memref<40x128xf32, #tpu.memory_space<vmem>>) dst(%dma_wait3A_326 : memref<40x128xf32, #tpu.memory_space<vmem_shared>>)
    %add3A_330 = arith.constant 320 : i32
    %add3A_331 = arith.addi %mul3A_2, %add3A_330 : i32
    %dma_wait3A_332 = arith.constant 0 : i32
    %dma_wait3A_333 = arith.constant 0 : i32
    %dma_wait3A_334 = tpu.memref_slice %arg9[%dma_wait3A_332, %dma_wait3A_333] : memref<48x128xf32, #tpu.memory_space<vmem>> -> memref<40x128xf32, #tpu.memory_space<vmem>>
    %dma_wait3A_335 = arith.constant 0 : i32
    %dma_wait3A_336 = tpu.memref_slice %arg17[%add3A_331, %dma_wait3A_335] : memref<10240x128xf32, #tpu.memory_space<vmem_shared>> -> memref<40x128xf32, #tpu.memory_space<vmem_shared>>
    %dma_wait3A_337 = arith.constant 0 : i32
    %dma_wait3A_338 = tpu.memref_slice %arg17[%add3A_331, %dma_wait3A_337] : memref<10240x128xf32, #tpu.memory_space<vmem_shared>> -> memref<40x128xf32, #tpu.memory_space<vmem_shared>>
    %dma_wait3A_339 = arith.constant 0 : i32
    %dma_wait3A_340 = arith.constant 0 : i32
    %dma_wait3A_341 = tpu.memref_slice %arg9[%dma_wait3A_339, %dma_wait3A_340] : memref<48x128xf32, #tpu.memory_space<vmem>> -> memref<40x128xf32, #tpu.memory_space<vmem>>
    tpu.wait_dma2 semaphore(%arg19 : memref<!tpu.dma_semaphore, #tpu.memory_space<semaphore_mem>>) src(%dma_wait3A_341 : memref<40x128xf32, #tpu.memory_space<vmem>>) dst(%dma_wait3A_338 : memref<40x128xf32, #tpu.memory_space<vmem_shared>>)
    %add3A_342 = arith.constant 360 : i32
    %add3A_343 = arith.addi %mul3A_2, %add3A_342 : i32
    %dma_wait3A_344 = arith.constant 0 : i32
    %dma_wait3A_345 = arith.constant 0 : i32
    %dma_wait3A_346 = tpu.memref_slice %arg9[%dma_wait3A_344, %dma_wait3A_345] : memref<48x128xf32, #tpu.memory_space<vmem>> -> memref<40x128xf32, #tpu.memory_space<vmem>>
    %dma_wait3A_347 = arith.constant 0 : i32
    %dma_wait3A_348 = tpu.memref_slice %arg17[%add3A_343, %dma_wait3A_347] : memref<10240x128xf32, #tpu.memory_space<vmem_shared>> -> memref<40x128xf32, #tpu.memory_space<vmem_shared>>
    %dma_wait3A_349 = arith.constant 0 : i32
    %dma_wait3A_350 = tpu.memref_slice %arg17[%add3A_343, %dma_wait3A_349] : memref<10240x128xf32, #tpu.memory_space<vmem_shared>> -> memref<40x128xf32, #tpu.memory_space<vmem_shared>>
    %dma_wait3A_351 = arith.constant 0 : i32
    %dma_wait3A_352 = arith.constant 0 : i32
    %dma_wait3A_353 = tpu.memref_slice %arg9[%dma_wait3A_351, %dma_wait3A_352] : memref<48x128xf32, #tpu.memory_space<vmem>> -> memref<40x128xf32, #tpu.memory_space<vmem>>
    tpu.wait_dma2 semaphore(%arg19 : memref<!tpu.dma_semaphore, #tpu.memory_space<semaphore_mem>>) src(%dma_wait3A_353 : memref<40x128xf32, #tpu.memory_space<vmem>>) dst(%dma_wait3A_350 : memref<40x128xf32, #tpu.memory_space<vmem_shared>>)
    %add3A_354 = arith.constant 400 : i32
    %add3A_355 = arith.addi %mul3A_2, %add3A_354 : i32
    %dma_wait3A_356 = arith.constant 0 : i32
    %dma_wait3A_357 = arith.constant 0 : i32
    %dma_wait3A_358 = tpu.memref_slice %arg9[%dma_wait3A_356, %dma_wait3A_357] : memref<48x128xf32, #tpu.memory_space<vmem>> -> memref<40x128xf32, #tpu.memory_space<vmem>>
    %dma_wait3A_359 = arith.constant 0 : i32
    %dma_wait3A_360 = tpu.memref_slice %arg17[%add3A_355, %dma_wait3A_359] : memref<10240x128xf32, #tpu.memory_space<vmem_shared>> -> memref<40x128xf32, #tpu.memory_space<vmem_shared>>
    %dma_wait3A_361 = arith.constant 0 : i32
    %dma_wait3A_362 = tpu.memref_slice %arg17[%add3A_355, %dma_wait3A_361] : memref<10240x128xf32, #tpu.memory_space<vmem_shared>> -> memref<40x128xf32, #tpu.memory_space<vmem_shared>>
    %dma_wait3A_363 = arith.constant 0 : i32
    %dma_wait3A_364 = arith.constant 0 : i32
    %dma_wait3A_365 = tpu.memref_slice %arg9[%dma_wait3A_363, %dma_wait3A_364] : memref<48x128xf32, #tpu.memory_space<vmem>> -> memref<40x128xf32, #tpu.memory_space<vmem>>
    tpu.wait_dma2 semaphore(%arg19 : memref<!tpu.dma_semaphore, #tpu.memory_space<semaphore_mem>>) src(%dma_wait3A_365 : memref<40x128xf32, #tpu.memory_space<vmem>>) dst(%dma_wait3A_362 : memref<40x128xf32, #tpu.memory_space<vmem_shared>>)
    %add3A_366 = arith.constant 440 : i32
    %add3A_367 = arith.addi %mul3A_2, %add3A_366 : i32
    %dma_wait3A_368 = arith.constant 0 : i32
    %dma_wait3A_369 = arith.constant 0 : i32
    %dma_wait3A_370 = tpu.memref_slice %arg9[%dma_wait3A_368, %dma_wait3A_369] : memref<48x128xf32, #tpu.memory_space<vmem>> -> memref<40x128xf32, #tpu.memory_space<vmem>>
    %dma_wait3A_371 = arith.constant 0 : i32
    %dma_wait3A_372 = tpu.memref_slice %arg17[%add3A_367, %dma_wait3A_371] : memref<10240x128xf32, #tpu.memory_space<vmem_shared>> -> memref<40x128xf32, #tpu.memory_space<vmem_shared>>
    %dma_wait3A_373 = arith.constant 0 : i32
    %dma_wait3A_374 = tpu.memref_slice %arg17[%add3A_367, %dma_wait3A_373] : memref<10240x128xf32, #tpu.memory_space<vmem_shared>> -> memref<40x128xf32, #tpu.memory_space<vmem_shared>>
    %dma_wait3A_375 = arith.constant 0 : i32
    %dma_wait3A_376 = arith.constant 0 : i32
    %dma_wait3A_377 = tpu.memref_slice %arg9[%dma_wait3A_375, %dma_wait3A_376] : memref<48x128xf32, #tpu.memory_space<vmem>> -> memref<40x128xf32, #tpu.memory_space<vmem>>
    tpu.wait_dma2 semaphore(%arg19 : memref<!tpu.dma_semaphore, #tpu.memory_space<semaphore_mem>>) src(%dma_wait3A_377 : memref<40x128xf32, #tpu.memory_space<vmem>>) dst(%dma_wait3A_374 : memref<40x128xf32, #tpu.memory_space<vmem_shared>>)
    %add3A_378 = arith.constant 480 : i32
    %add3A_379 = arith.addi %mul3A_2, %add3A_378 : i32
    %dma_wait3A_380 = arith.constant 0 : i32
    %dma_wait3A_381 = arith.constant 0 : i32
    %dma_wait3A_382 = tpu.memref_slice %arg9[%dma_wait3A_380, %dma_wait3A_381] : memref<48x128xf32, #tpu.memory_space<vmem>> -> memref<40x128xf32, #tpu.memory_space<vmem>>
    %dma_wait3A_383 = arith.constant 0 : i32
    %dma_wait3A_384 = tpu.memref_slice %arg17[%add3A_379, %dma_wait3A_383] : memref<10240x128xf32, #tpu.memory_space<vmem_shared>> -> memref<40x128xf32, #tpu.memory_space<vmem_shared>>
    %dma_wait3A_385 = arith.constant 0 : i32
    %dma_wait3A_386 = tpu.memref_slice %arg17[%add3A_379, %dma_wait3A_385] : memref<10240x128xf32, #tpu.memory_space<vmem_shared>> -> memref<40x128xf32, #tpu.memory_space<vmem_shared>>
    %dma_wait3A_387 = arith.constant 0 : i32
    %dma_wait3A_388 = arith.constant 0 : i32
    %dma_wait3A_389 = tpu.memref_slice %arg9[%dma_wait3A_387, %dma_wait3A_388] : memref<48x128xf32, #tpu.memory_space<vmem>> -> memref<40x128xf32, #tpu.memory_space<vmem>>
    tpu.wait_dma2 semaphore(%arg19 : memref<!tpu.dma_semaphore, #tpu.memory_space<semaphore_mem>>) src(%dma_wait3A_389 : memref<40x128xf32, #tpu.memory_space<vmem>>) dst(%dma_wait3A_386 : memref<40x128xf32, #tpu.memory_space<vmem_shared>>)
    %add3A_390 = arith.constant 520 : i32
    %add3A_391 = arith.addi %mul3A_2, %add3A_390 : i32
    %dma_wait3A_392 = arith.constant 0 : i32
    %dma_wait3A_393 = arith.constant 0 : i32
    %dma_wait3A_394 = tpu.memref_slice %arg9[%dma_wait3A_392, %dma_wait3A_393] : memref<48x128xf32, #tpu.memory_space<vmem>> -> memref<40x128xf32, #tpu.memory_space<vmem>>
    %dma_wait3A_395 = arith.constant 0 : i32
    %dma_wait3A_396 = tpu.memref_slice %arg17[%add3A_391, %dma_wait3A_395] : memref<10240x128xf32, #tpu.memory_space<vmem_shared>> -> memref<40x128xf32, #tpu.memory_space<vmem_shared>>
    %dma_wait3A_397 = arith.constant 0 : i32
    %dma_wait3A_398 = tpu.memref_slice %arg17[%add3A_391, %dma_wait3A_397] : memref<10240x128xf32, #tpu.memory_space<vmem_shared>> -> memref<40x128xf32, #tpu.memory_space<vmem_shared>>
    %dma_wait3A_399 = arith.constant 0 : i32
    %dma_wait3A_400 = arith.constant 0 : i32
    %dma_wait3A_401 = tpu.memref_slice %arg9[%dma_wait3A_399, %dma_wait3A_400] : memref<48x128xf32, #tpu.memory_space<vmem>> -> memref<40x128xf32, #tpu.memory_space<vmem>>
    tpu.wait_dma2 semaphore(%arg19 : memref<!tpu.dma_semaphore, #tpu.memory_space<semaphore_mem>>) src(%dma_wait3A_401 : memref<40x128xf32, #tpu.memory_space<vmem>>) dst(%dma_wait3A_398 : memref<40x128xf32, #tpu.memory_space<vmem_shared>>)
    %add3A_402 = arith.constant 560 : i32
    %add3A_403 = arith.addi %mul3A_2, %add3A_402 : i32
    %dma_wait3A_404 = arith.constant 0 : i32
    %dma_wait3A_405 = arith.constant 0 : i32
    %dma_wait3A_406 = tpu.memref_slice %arg9[%dma_wait3A_404, %dma_wait3A_405] : memref<48x128xf32, #tpu.memory_space<vmem>> -> memref<40x128xf32, #tpu.memory_space<vmem>>
    %dma_wait3A_407 = arith.constant 0 : i32
    %dma_wait3A_408 = tpu.memref_slice %arg17[%add3A_403, %dma_wait3A_407] : memref<10240x128xf32, #tpu.memory_space<vmem_shared>> -> memref<40x128xf32, #tpu.memory_space<vmem_shared>>
    %dma_wait3A_409 = arith.constant 0 : i32
    %dma_wait3A_410 = tpu.memref_slice %arg17[%add3A_403, %dma_wait3A_409] : memref<10240x128xf32, #tpu.memory_space<vmem_shared>> -> memref<40x128xf32, #tpu.memory_space<vmem_shared>>
    %dma_wait3A_411 = arith.constant 0 : i32
    %dma_wait3A_412 = arith.constant 0 : i32
    %dma_wait3A_413 = tpu.memref_slice %arg9[%dma_wait3A_411, %dma_wait3A_412] : memref<48x128xf32, #tpu.memory_space<vmem>> -> memref<40x128xf32, #tpu.memory_space<vmem>>
    tpu.wait_dma2 semaphore(%arg19 : memref<!tpu.dma_semaphore, #tpu.memory_space<semaphore_mem>>) src(%dma_wait3A_413 : memref<40x128xf32, #tpu.memory_space<vmem>>) dst(%dma_wait3A_410 : memref<40x128xf32, #tpu.memory_space<vmem_shared>>)
    %add3A_414 = arith.constant 600 : i32
    %add3A_415 = arith.addi %mul3A_2, %add3A_414 : i32
    %dma_wait3A_416 = arith.constant 0 : i32
    %dma_wait3A_417 = arith.constant 0 : i32
    %dma_wait3A_418 = tpu.memref_slice %arg9[%dma_wait3A_416, %dma_wait3A_417] : memref<48x128xf32, #tpu.memory_space<vmem>> -> memref<40x128xf32, #tpu.memory_space<vmem>>
    %dma_wait3A_419 = arith.constant 0 : i32
    %dma_wait3A_420 = tpu.memref_slice %arg17[%add3A_415, %dma_wait3A_419] : memref<10240x128xf32, #tpu.memory_space<vmem_shared>> -> memref<40x128xf32, #tpu.memory_space<vmem_shared>>
    %dma_wait3A_421 = arith.constant 0 : i32
    %dma_wait3A_422 = tpu.memref_slice %arg17[%add3A_415, %dma_wait3A_421] : memref<10240x128xf32, #tpu.memory_space<vmem_shared>> -> memref<40x128xf32, #tpu.memory_space<vmem_shared>>
    %dma_wait3A_423 = arith.constant 0 : i32
    %dma_wait3A_424 = arith.constant 0 : i32
    %dma_wait3A_425 = tpu.memref_slice %arg9[%dma_wait3A_423, %dma_wait3A_424] : memref<48x128xf32, #tpu.memory_space<vmem>> -> memref<40x128xf32, #tpu.memory_space<vmem>>
    tpu.wait_dma2 semaphore(%arg19 : memref<!tpu.dma_semaphore, #tpu.memory_space<semaphore_mem>>) src(%dma_wait3A_425 : memref<40x128xf32, #tpu.memory_space<vmem>>) dst(%dma_wait3A_422 : memref<40x128xf32, #tpu.memory_space<vmem_shared>>)
    %dma_start3A_426 = arith.constant 0 : i32
    %dma_start3A_427 = tpu.memref_slice %arg7[%dma_start3A_426] : memref<10368xi32, #tpu.memory_space<vmem>> -> memref<48xi32, #tpu.memory_space<vmem>>
    %dma_start3A_428 = arith.constant 0 : i32
    %dma_start3A_429 = arith.constant 0 : i32
    %dma_start3A_430 = tpu.memref_slice %arg2[%dma_start3A_428, %dma_start3A_429] : memref<10240x128xf32, #tpu.memory_space<hbm>> -> memref<10240x128xf32, #tpu.memory_space<hbm>>
    tpu.enqueue_indirect_dma source(%dma_start3A_430 : memref<10240x128xf32, #tpu.memory_space<hbm>>) target(%arg9 : memref<48x128xf32, #tpu.memory_space<vmem>>) offsets(%dma_start3A_427 : memref<48xi32, #tpu.memory_space<vmem>>) semaphore(%arg20 : memref<!tpu.dma_semaphore, #tpu.memory_space<semaphore_mem>>)
    %add3A_431 = arith.constant 0 : i32
    %add3A_432 = arith.addi %mul3A_4, %add3A_431 : i32
    %dma_start3A_433 = tpu.memref_slice %arg5[%add3A_432] : memref<331776xf32, #tpu.memory_space<hbm>> -> memref<48xf32, #tpu.memory_space<hbm>>
    %dma_start3A_434 = tpu.memref_slice %arg5[%add3A_432] : memref<331776xf32, #tpu.memory_space<hbm>> -> memref<48xf32, #tpu.memory_space<hbm>>
    tpu.enqueue_dma source(%dma_start3A_434 : memref<48xf32, #tpu.memory_space<hbm>>) target(%arg13 : memref<48xf32, #tpu.memory_space<vmem>>) target_semaphore(%arg20 : memref<!tpu.dma_semaphore, #tpu.memory_space<semaphore_mem>>)
    %barrier3A = arith.constant 0 : index
    tpu.barrier barrier_id(%barrier3A)
    %scan3A_435 = arith.constant 0 : i32
    %scan3A_436 = arith.constant 54 : i32
    %scan3A_437 = arith.addi %scan3A_435, %scan3A_436 : i32
    %scan3A_438 = arith.constant 1 : i32
    scf.for %scan3A_441 = %scan3A_435 to %scan3A_437 step %scan3A_438  : i32 {
      %mul3A_442 = arith.constant 4 : i32
      %mul3A_443 = arith.muli %scan3A_441, %mul3A_442 : i32
      %add3A_444 = arith.constant 0 : i32
      %add3A_445 = arith.addi %add3A_444, %mul3A_443 : i32
      %add3A_446 = arith.constant 0 : i32
      %add3A_447 = arith.addi %add3A_445, %add3A_446 : i32
      %mul3A_448 = arith.constant 48 : i32
      %mul3A_449 = arith.muli %add3A_447, %mul3A_448 : i32
      %dma_wait3A_450 = tpu.memref_slice %arg7[%mul3A_449] : memref<10368xi32, #tpu.memory_space<vmem>> -> memref<48xi32, #tpu.memory_space<vmem>>
      %dma_wait3A_451 = arith.constant 0 : i32
      %dma_wait3A_452 = arith.constant 0 : i32
      %dma_wait3A_453 = tpu.memref_slice %arg2[%dma_wait3A_451, %dma_wait3A_452] : memref<10240x128xf32, #tpu.memory_space<hbm>> -> memref<10240x128xf32, #tpu.memory_space<hbm>>
      tpu.wait_indirect_dma semaphore(%arg20 : memref<!tpu.dma_semaphore, #tpu.memory_space<semaphore_mem>>) src(%dma_wait3A_453 : memref<10240x128xf32, #tpu.memory_space<hbm>>) dst(%arg9 : memref<48x128xf32, #tpu.memory_space<vmem>>)
      %mul3A_454 = arith.constant 48 : i32
      %mul3A_455 = arith.muli %add3A_447, %mul3A_454 : i32
      %add3A_456 = arith.addi %mul3A_4, %mul3A_455 : i32
      %dma_wait3A_457 = tpu.memref_slice %arg5[%add3A_456] : memref<331776xf32, #tpu.memory_space<hbm>> -> memref<48xf32, #tpu.memory_space<hbm>>
      %dma_wait3A_458 = tpu.memref_slice %arg5[%add3A_456] : memref<331776xf32, #tpu.memory_space<hbm>> -> memref<48xf32, #tpu.memory_space<hbm>>
      tpu.wait_dma2 semaphore(%arg20 : memref<!tpu.dma_semaphore, #tpu.memory_space<semaphore_mem>>) src(%dma_wait3A_458 : memref<48xf32, #tpu.memory_space<hbm>>) dst(%arg13 : memref<48xf32, #tpu.memory_space<vmem>>)
      %parallel_loop3A = arith.constant 0 : i32
      %parallel_loop3A_459 = arith.constant 48 : i32
      %parallel_loop3A_460 = arith.constant 1 : i32
      scf.for %parallel_loop3A_590 = %parallel_loop3A to %parallel_loop3A_459 step %parallel_loop3A_460  : i32 {
        %parallel_loop3A_591 = vector.broadcast %parallel_loop3A_590 : i32 to vector<16xi32>
        %parallel_loop3A_592 = tpu.vector_load_idx %arg13[%parallel_loop3A_591] : memref<48xf32, #tpu.memory_space<vmem>>[vector<16xi32>], vector<16xf32>,
        %parallel_loop3A_593 = arith.index_cast %parallel_loop3A_590 : i32 to index
        %parallel_loop3A_594 = arith.constant 0 : index
        %parallel_loop3A_595 = tpu.vector_load %arg9[%parallel_loop3A_593, %parallel_loop3A_594] {strides = array<i32>} : memref<48x128xf32, #tpu.memory_space<vmem>>, vector<16xf32>,
        %parallel_loop3A_596 = arith.mulf %parallel_loop3A_595, %parallel_loop3A_592 : vector<16xf32>
        %parallel_loop3A_597 = arith.index_cast %parallel_loop3A_590 : i32 to index
        %parallel_loop3A_598 = arith.constant 0 : index
        %parallel_loop3A_599 = tpu.vector_load %arg9[%parallel_loop3A_597, %parallel_loop3A_598] {strides = array<i32>} : memref<48x128xf32, #tpu.memory_space<vmem>>, vector<16xf32>,
        tpu.vector_store %arg9[%parallel_loop3A_597, %parallel_loop3A_598], %parallel_loop3A_596 {strides = array<i32>} : memref<48x128xf32, #tpu.memory_space<vmem>>, vector<16xf32>,
        %parallel_loop3A_600 = arith.index_cast %parallel_loop3A_590 : i32 to index
        %parallel_loop3A_601 = arith.constant 16 : index
        %parallel_loop3A_602 = tpu.vector_load %arg9[%parallel_loop3A_600, %parallel_loop3A_601] {strides = array<i32>} : memref<48x128xf32, #tpu.memory_space<vmem>>, vector<16xf32>,
        %parallel_loop3A_603 = arith.mulf %parallel_loop3A_602, %parallel_loop3A_592 : vector<16xf32>
        %parallel_loop3A_604 = arith.index_cast %parallel_loop3A_590 : i32 to index
        %parallel_loop3A_605 = arith.constant 16 : index
        %parallel_loop3A_606 = tpu.vector_load %arg9[%parallel_loop3A_604, %parallel_loop3A_605] {strides = array<i32>} : memref<48x128xf32, #tpu.memory_space<vmem>>, vector<16xf32>,
        tpu.vector_store %arg9[%parallel_loop3A_604, %parallel_loop3A_605], %parallel_loop3A_603 {strides = array<i32>} : memref<48x128xf32, #tpu.memory_space<vmem>>, vector<16xf32>,
        %parallel_loop3A_607 = arith.index_cast %parallel_loop3A_590 : i32 to index
        %parallel_loop3A_608 = arith.constant 32 : index
        %parallel_loop3A_609 = tpu.vector_load %arg9[%parallel_loop3A_607, %parallel_loop3A_608] {strides = array<i32>} : memref<48x128xf32, #tpu.memory_space<vmem>>, vector<16xf32>,
        %parallel_loop3A_610 = arith.mulf %parallel_loop3A_609, %parallel_loop3A_592 : vector<16xf32>
        %parallel_loop3A_611 = arith.index_cast %parallel_loop3A_590 : i32 to index
        %parallel_loop3A_612 = arith.constant 32 : index
        %parallel_loop3A_613 = tpu.vector_load %arg9[%parallel_loop3A_611, %parallel_loop3A_612] {strides = array<i32>} : memref<48x128xf32, #tpu.memory_space<vmem>>, vector<16xf32>,
        tpu.vector_store %arg9[%parallel_loop3A_611, %parallel_loop3A_612], %parallel_loop3A_610 {strides = array<i32>} : memref<48x128xf32, #tpu.memory_space<vmem>>, vector<16xf32>,
        %parallel_loop3A_614 = arith.index_cast %parallel_loop3A_590 : i32 to index
        %parallel_loop3A_615 = arith.constant 48 : index
        %parallel_loop3A_616 = tpu.vector_load %arg9[%parallel_loop3A_614, %parallel_loop3A_615] {strides = array<i32>} : memref<48x128xf32, #tpu.memory_space<vmem>>, vector<16xf32>,
        %parallel_loop3A_617 = arith.mulf %parallel_loop3A_616, %parallel_loop3A_592 : vector<16xf32>
        %parallel_loop3A_618 = arith.index_cast %parallel_loop3A_590 : i32 to index
        %parallel_loop3A_619 = arith.constant 48 : index
        %parallel_loop3A_620 = tpu.vector_load %arg9[%parallel_loop3A_618, %parallel_loop3A_619] {strides = array<i32>} : memref<48x128xf32, #tpu.memory_space<vmem>>, vector<16xf32>,
        tpu.vector_store %arg9[%parallel_loop3A_618, %parallel_loop3A_619], %parallel_loop3A_617 {strides = array<i32>} : memref<48x128xf32, #tpu.memory_space<vmem>>, vector<16xf32>,
        %parallel_loop3A_621 = arith.index_cast %parallel_loop3A_590 : i32 to index
        %parallel_loop3A_622 = arith.constant 64 : index
        %parallel_loop3A_623 = tpu.vector_load %arg9[%parallel_loop3A_621, %parallel_loop3A_622] {strides = array<i32>} : memref<48x128xf32, #tpu.memory_space<vmem>>, vector<16xf32>,
        %parallel_loop3A_624 = arith.mulf %parallel_loop3A_623, %parallel_loop3A_592 : vector<16xf32>
        %parallel_loop3A_625 = arith.index_cast %parallel_loop3A_590 : i32 to index
        %parallel_loop3A_626 = arith.constant 64 : index
        %parallel_loop3A_627 = tpu.vector_load %arg9[%parallel_loop3A_625, %parallel_loop3A_626] {strides = array<i32>} : memref<48x128xf32, #tpu.memory_space<vmem>>, vector<16xf32>,
        tpu.vector_store %arg9[%parallel_loop3A_625, %parallel_loop3A_626], %parallel_loop3A_624 {strides = array<i32>} : memref<48x128xf32, #tpu.memory_space<vmem>>, vector<16xf32>,
        %parallel_loop3A_628 = arith.index_cast %parallel_loop3A_590 : i32 to index
        %parallel_loop3A_629 = arith.constant 80 : index
        %parallel_loop3A_630 = tpu.vector_load %arg9[%parallel_loop3A_628, %parallel_loop3A_629] {strides = array<i32>} : memref<48x128xf32, #tpu.memory_space<vmem>>, vector<16xf32>,
        %parallel_loop3A_631 = arith.mulf %parallel_loop3A_630, %parallel_loop3A_592 : vector<16xf32>
        %parallel_loop3A_632 = arith.index_cast %parallel_loop3A_590 : i32 to index
        %parallel_loop3A_633 = arith.constant 80 : index
        %parallel_loop3A_634 = tpu.vector_load %arg9[%parallel_loop3A_632, %parallel_loop3A_633] {strides = array<i32>} : memref<48x128xf32, #tpu.memory_space<vmem>>, vector<16xf32>,
        tpu.vector_store %arg9[%parallel_loop3A_632, %parallel_loop3A_633], %parallel_loop3A_631 {strides = array<i32>} : memref<48x128xf32, #tpu.memory_space<vmem>>, vector<16xf32>,
        %parallel_loop3A_635 = arith.index_cast %parallel_loop3A_590 : i32 to index
        %parallel_loop3A_636 = arith.constant 96 : index
        %parallel_loop3A_637 = tpu.vector_load %arg9[%parallel_loop3A_635, %parallel_loop3A_636] {strides = array<i32>} : memref<48x128xf32, #tpu.memory_space<vmem>>, vector<16xf32>,
        %parallel_loop3A_638 = arith.mulf %parallel_loop3A_637, %parallel_loop3A_592 : vector<16xf32>
        %parallel_loop3A_639 = arith.index_cast %parallel_loop3A_590 : i32 to index
        %parallel_loop3A_640 = arith.constant 96 : index
        %parallel_loop3A_641 = tpu.vector_load %arg9[%parallel_loop3A_639, %parallel_loop3A_640] {strides = array<i32>} : memref<48x128xf32, #tpu.memory_space<vmem>>, vector<16xf32>,
        tpu.vector_store %arg9[%parallel_loop3A_639, %parallel_loop3A_640], %parallel_loop3A_638 {strides = array<i32>} : memref<48x128xf32, #tpu.memory_space<vmem>>, vector<16xf32>,
        %parallel_loop3A_642 = arith.index_cast %parallel_loop3A_590 : i32 to index
        %parallel_loop3A_643 = arith.constant 112 : index
        %parallel_loop3A_644 = tpu.vector_load %arg9[%parallel_loop3A_642, %parallel_loop3A_643] {strides = array<i32>} : memref<48x128xf32, #tpu.memory_space<vmem>>, vector<16xf32>,
        %parallel_loop3A_645 = arith.mulf %parallel_loop3A_644, %parallel_loop3A_592 : vector<16xf32>
        %parallel_loop3A_646 = arith.index_cast %parallel_loop3A_590 : i32 to index
        %parallel_loop3A_647 = arith.constant 112 : index
        %parallel_loop3A_648 = tpu.vector_load %arg9[%parallel_loop3A_646, %parallel_loop3A_647] {strides = array<i32>} : memref<48x128xf32, #tpu.memory_space<vmem>>, vector<16xf32>,
        tpu.vector_store %arg9[%parallel_loop3A_646, %parallel_loop3A_647], %parallel_loop3A_645 {strides = array<i32>} : memref<48x128xf32, #tpu.memory_space<vmem>>, vector<16xf32>,
      } {sc.loop_unroll_factor = 4 : i64, sc.parallel_access}
      %mul3A_461 = arith.constant 48 : i32
      %mul3A_462 = arith.muli %add3A_447, %mul3A_461 : i32
      %dma_start3A_463 = tpu.memref_slice %arg8[%mul3A_462] : memref<10368xi32, #tpu.memory_space<vmem>> -> memref<48xi32, #tpu.memory_space<vmem>>
      %dma_start3A_464 = arith.constant 0 : i32
      %dma_start3A_465 = arith.constant 0 : i32
      %dma_start3A_466 = tpu.memref_slice %arg17[%dma_start3A_464, %dma_start3A_465] : memref<10240x128xf32, #tpu.memory_space<vmem_shared>> -> memref<10240x128xf32, #tpu.memory_space<vmem_shared>>
      tpu.enqueue_indirect_dma source(%arg9 : memref<48x128xf32, #tpu.memory_space<vmem>>) target(%dma_start3A_466 : memref<10240x128xf32, #tpu.memory_space<vmem_shared>>) offsets(%dma_start3A_463 : memref<48xi32, #tpu.memory_space<vmem>>) semaphore(%arg24 : memref<!tpu.dma_semaphore, #tpu.memory_space<semaphore_mem>>) {add = true}
      %add3A_467 = arith.constant 1 : i32
      %add3A_468 = arith.addi %add3A_445, %add3A_467 : i32
      %mul3A_469 = arith.constant 48 : i32
      %mul3A_470 = arith.muli %add3A_468, %mul3A_469 : i32
      %dma_wait3A_471 = tpu.memref_slice %arg7[%mul3A_470] : memref<10368xi32, #tpu.memory_space<vmem>> -> memref<48xi32, #tpu.memory_space<vmem>>
      %dma_wait3A_472 = arith.constant 0 : i32
      %dma_wait3A_473 = arith.constant 0 : i32
      %dma_wait3A_474 = tpu.memref_slice %arg2[%dma_wait3A_472, %dma_wait3A_473] : memref<10240x128xf32, #tpu.memory_space<hbm>> -> memref<10240x128xf32, #tpu.memory_space<hbm>>
      tpu.wait_indirect_dma semaphore(%arg21 : memref<!tpu.dma_semaphore, #tpu.memory_space<semaphore_mem>>) src(%dma_wait3A_474 : memref<10240x128xf32, #tpu.memory_space<hbm>>) dst(%arg10 : memref<48x128xf32, #tpu.memory_space<vmem>>)
      %mul3A_475 = arith.constant 48 : i32
      %mul3A_476 = arith.muli %add3A_468, %mul3A_475 : i32
      %add3A_477 = arith.addi %mul3A_4, %mul3A_476 : i32
      %dma_wait3A_478 = tpu.memref_slice %arg5[%add3A_477] : memref<331776xf32, #tpu.memory_space<hbm>> -> memref<48xf32, #tpu.memory_space<hbm>>
      %dma_wait3A_479 = tpu.memref_slice %arg5[%add3A_477] : memref<331776xf32, #tpu.memory_space<hbm>> -> memref<48xf32, #tpu.memory_space<hbm>>
      tpu.wait_dma2 semaphore(%arg21 : memref<!tpu.dma_semaphore, #tpu.memory_space<semaphore_mem>>) src(%dma_wait3A_479 : memref<48xf32, #tpu.memory_space<hbm>>) dst(%arg14 : memref<48xf32, #tpu.memory_space<vmem>>)
      %parallel_loop3A_480 = arith.constant 0 : i32
      %parallel_loop3A_481 = arith.constant 48 : i32
      %parallel_loop3A_482 = arith.constant 1 : i32
      scf.for %parallel_loop3A_590 = %parallel_loop3A_480 to %parallel_loop3A_481 step %parallel_loop3A_482  : i32 {
        %parallel_loop3A_591 = vector.broadcast %parallel_loop3A_590 : i32 to vector<16xi32>
        %parallel_loop3A_592 = tpu.vector_load_idx %arg14[%parallel_loop3A_591] : memref<48xf32, #tpu.memory_space<vmem>>[vector<16xi32>], vector<16xf32>,
        %parallel_loop3A_593 = arith.index_cast %parallel_loop3A_590 : i32 to index
        %parallel_loop3A_594 = arith.constant 0 : index
        %parallel_loop3A_595 = tpu.vector_load %arg10[%parallel_loop3A_593, %parallel_loop3A_594] {strides = array<i32>} : memref<48x128xf32, #tpu.memory_space<vmem>>, vector<16xf32>,
        %parallel_loop3A_596 = arith.mulf %parallel_loop3A_595, %parallel_loop3A_592 : vector<16xf32>
        %parallel_loop3A_597 = arith.index_cast %parallel_loop3A_590 : i32 to index
        %parallel_loop3A_598 = arith.constant 0 : index
        %parallel_loop3A_599 = tpu.vector_load %arg10[%parallel_loop3A_597, %parallel_loop3A_598] {strides = array<i32>} : memref<48x128xf32, #tpu.memory_space<vmem>>, vector<16xf32>,
        tpu.vector_store %arg10[%parallel_loop3A_597, %parallel_loop3A_598], %parallel_loop3A_596 {strides = array<i32>} : memref<48x128xf32, #tpu.memory_space<vmem>>, vector<16xf32>,
        %parallel_loop3A_600 = arith.index_cast %parallel_loop3A_590 : i32 to index
        %parallel_loop3A_601 = arith.constant 16 : index
        %parallel_loop3A_602 = tpu.vector_load %arg10[%parallel_loop3A_600, %parallel_loop3A_601] {strides = array<i32>} : memref<48x128xf32, #tpu.memory_space<vmem>>, vector<16xf32>,
        %parallel_loop3A_603 = arith.mulf %parallel_loop3A_602, %parallel_loop3A_592 : vector<16xf32>
        %parallel_loop3A_604 = arith.index_cast %parallel_loop3A_590 : i32 to index
        %parallel_loop3A_605 = arith.constant 16 : index
        %parallel_loop3A_606 = tpu.vector_load %arg10[%parallel_loop3A_604, %parallel_loop3A_605] {strides = array<i32>} : memref<48x128xf32, #tpu.memory_space<vmem>>, vector<16xf32>,
        tpu.vector_store %arg10[%parallel_loop3A_604, %parallel_loop3A_605], %parallel_loop3A_603 {strides = array<i32>} : memref<48x128xf32, #tpu.memory_space<vmem>>, vector<16xf32>,
        %parallel_loop3A_607 = arith.index_cast %parallel_loop3A_590 : i32 to index
        %parallel_loop3A_608 = arith.constant 32 : index
        %parallel_loop3A_609 = tpu.vector_load %arg10[%parallel_loop3A_607, %parallel_loop3A_608] {strides = array<i32>} : memref<48x128xf32, #tpu.memory_space<vmem>>, vector<16xf32>,
        %parallel_loop3A_610 = arith.mulf %parallel_loop3A_609, %parallel_loop3A_592 : vector<16xf32>
        %parallel_loop3A_611 = arith.index_cast %parallel_loop3A_590 : i32 to index
        %parallel_loop3A_612 = arith.constant 32 : index
        %parallel_loop3A_613 = tpu.vector_load %arg10[%parallel_loop3A_611, %parallel_loop3A_612] {strides = array<i32>} : memref<48x128xf32, #tpu.memory_space<vmem>>, vector<16xf32>,
        tpu.vector_store %arg10[%parallel_loop3A_611, %parallel_loop3A_612], %parallel_loop3A_610 {strides = array<i32>} : memref<48x128xf32, #tpu.memory_space<vmem>>, vector<16xf32>,
        %parallel_loop3A_614 = arith.index_cast %parallel_loop3A_590 : i32 to index
        %parallel_loop3A_615 = arith.constant 48 : index
        %parallel_loop3A_616 = tpu.vector_load %arg10[%parallel_loop3A_614, %parallel_loop3A_615] {strides = array<i32>} : memref<48x128xf32, #tpu.memory_space<vmem>>, vector<16xf32>,
        %parallel_loop3A_617 = arith.mulf %parallel_loop3A_616, %parallel_loop3A_592 : vector<16xf32>
        %parallel_loop3A_618 = arith.index_cast %parallel_loop3A_590 : i32 to index
        %parallel_loop3A_619 = arith.constant 48 : index
        %parallel_loop3A_620 = tpu.vector_load %arg10[%parallel_loop3A_618, %parallel_loop3A_619] {strides = array<i32>} : memref<48x128xf32, #tpu.memory_space<vmem>>, vector<16xf32>,
        tpu.vector_store %arg10[%parallel_loop3A_618, %parallel_loop3A_619], %parallel_loop3A_617 {strides = array<i32>} : memref<48x128xf32, #tpu.memory_space<vmem>>, vector<16xf32>,
        %parallel_loop3A_621 = arith.index_cast %parallel_loop3A_590 : i32 to index
        %parallel_loop3A_622 = arith.constant 64 : index
        %parallel_loop3A_623 = tpu.vector_load %arg10[%parallel_loop3A_621, %parallel_loop3A_622] {strides = array<i32>} : memref<48x128xf32, #tpu.memory_space<vmem>>, vector<16xf32>,
        %parallel_loop3A_624 = arith.mulf %parallel_loop3A_623, %parallel_loop3A_592 : vector<16xf32>
        %parallel_loop3A_625 = arith.index_cast %parallel_loop3A_590 : i32 to index
        %parallel_loop3A_626 = arith.constant 64 : index
        %parallel_loop3A_627 = tpu.vector_load %arg10[%parallel_loop3A_625, %parallel_loop3A_626] {strides = array<i32>} : memref<48x128xf32, #tpu.memory_space<vmem>>, vector<16xf32>,
        tpu.vector_store %arg10[%parallel_loop3A_625, %parallel_loop3A_626], %parallel_loop3A_624 {strides = array<i32>} : memref<48x128xf32, #tpu.memory_space<vmem>>, vector<16xf32>,
        %parallel_loop3A_628 = arith.index_cast %parallel_loop3A_590 : i32 to index
        %parallel_loop3A_629 = arith.constant 80 : index
        %parallel_loop3A_630 = tpu.vector_load %arg10[%parallel_loop3A_628, %parallel_loop3A_629] {strides = array<i32>} : memref<48x128xf32, #tpu.memory_space<vmem>>, vector<16xf32>,
        %parallel_loop3A_631 = arith.mulf %parallel_loop3A_630, %parallel_loop3A_592 : vector<16xf32>
        %parallel_loop3A_632 = arith.index_cast %parallel_loop3A_590 : i32 to index
        %parallel_loop3A_633 = arith.constant 80 : index
        %parallel_loop3A_634 = tpu.vector_load %arg10[%parallel_loop3A_632, %parallel_loop3A_633] {strides = array<i32>} : memref<48x128xf32, #tpu.memory_space<vmem>>, vector<16xf32>,
        tpu.vector_store %arg10[%parallel_loop3A_632, %parallel_loop3A_633], %parallel_loop3A_631 {strides = array<i32>} : memref<48x128xf32, #tpu.memory_space<vmem>>, vector<16xf32>,
        %parallel_loop3A_635 = arith.index_cast %parallel_loop3A_590 : i32 to index
        %parallel_loop3A_636 = arith.constant 96 : index
        %parallel_loop3A_637 = tpu.vector_load %arg10[%parallel_loop3A_635, %parallel_loop3A_636] {strides = array<i32>} : memref<48x128xf32, #tpu.memory_space<vmem>>, vector<16xf32>,
        %parallel_loop3A_638 = arith.mulf %parallel_loop3A_637, %parallel_loop3A_592 : vector<16xf32>
        %parallel_loop3A_639 = arith.index_cast %parallel_loop3A_590 : i32 to index
        %parallel_loop3A_640 = arith.constant 96 : index
        %parallel_loop3A_641 = tpu.vector_load %arg10[%parallel_loop3A_639, %parallel_loop3A_640] {strides = array<i32>} : memref<48x128xf32, #tpu.memory_space<vmem>>, vector<16xf32>,
        tpu.vector_store %arg10[%parallel_loop3A_639, %parallel_loop3A_640], %parallel_loop3A_638 {strides = array<i32>} : memref<48x128xf32, #tpu.memory_space<vmem>>, vector<16xf32>,
        %parallel_loop3A_642 = arith.index_cast %parallel_loop3A_590 : i32 to index
        %parallel_loop3A_643 = arith.constant 112 : index
        %parallel_loop3A_644 = tpu.vector_load %arg10[%parallel_loop3A_642, %parallel_loop3A_643] {strides = array<i32>} : memref<48x128xf32, #tpu.memory_space<vmem>>, vector<16xf32>,
        %parallel_loop3A_645 = arith.mulf %parallel_loop3A_644, %parallel_loop3A_592 : vector<16xf32>
        %parallel_loop3A_646 = arith.index_cast %parallel_loop3A_590 : i32 to index
        %parallel_loop3A_647 = arith.constant 112 : index
        %parallel_loop3A_648 = tpu.vector_load %arg10[%parallel_loop3A_646, %parallel_loop3A_647] {strides = array<i32>} : memref<48x128xf32, #tpu.memory_space<vmem>>, vector<16xf32>,
        tpu.vector_store %arg10[%parallel_loop3A_646, %parallel_loop3A_647], %parallel_loop3A_645 {strides = array<i32>} : memref<48x128xf32, #tpu.memory_space<vmem>>, vector<16xf32>,
      } {sc.loop_unroll_factor = 4 : i64, sc.parallel_access}
      %mul3A_483 = arith.constant 48 : i32
      %mul3A_484 = arith.muli %add3A_468, %mul3A_483 : i32
      %dma_start3A_485 = tpu.memref_slice %arg8[%mul3A_484] : memref<10368xi32, #tpu.memory_space<vmem>> -> memref<48xi32, #tpu.memory_space<vmem>>
      %dma_start3A_486 = arith.constant 0 : i32
      %dma_start3A_487 = arith.constant 0 : i32
      %dma_start3A_488 = tpu.memref_slice %arg17[%dma_start3A_486, %dma_start3A_487] : memref<10240x128xf32, #tpu.memory_space<vmem_shared>> -> memref<10240x128xf32, #tpu.memory_space<vmem_shared>>
      tpu.enqueue_indirect_dma source(%arg10 : memref<48x128xf32, #tpu.memory_space<vmem>>) target(%dma_start3A_488 : memref<10240x128xf32, #tpu.memory_space<vmem_shared>>) offsets(%dma_start3A_485 : memref<48xi32, #tpu.memory_space<vmem>>) semaphore(%arg25 : memref<!tpu.dma_semaphore, #tpu.memory_space<semaphore_mem>>) {add = true}
      %add3A_489 = arith.constant 2 : i32
      %add3A_490 = arith.addi %add3A_445, %add3A_489 : i32
      %mul3A_491 = arith.constant 48 : i32
      %mul3A_492 = arith.muli %add3A_490, %mul3A_491 : i32
      %dma_wait3A_493 = tpu.memref_slice %arg7[%mul3A_492] : memref<10368xi32, #tpu.memory_space<vmem>> -> memref<48xi32, #tpu.memory_space<vmem>>
      %dma_wait3A_494 = arith.constant 0 : i32
      %dma_wait3A_495 = arith.constant 0 : i32
      %dma_wait3A_496 = tpu.memref_slice %arg2[%dma_wait3A_494, %dma_wait3A_495] : memref<10240x128xf32, #tpu.memory_space<hbm>> -> memref<10240x128xf32, #tpu.memory_space<hbm>>
      tpu.wait_indirect_dma semaphore(%arg22 : memref<!tpu.dma_semaphore, #tpu.memory_space<semaphore_mem>>) src(%dma_wait3A_496 : memref<10240x128xf32, #tpu.memory_space<hbm>>) dst(%arg11 : memref<48x128xf32, #tpu.memory_space<vmem>>)
      %mul3A_497 = arith.constant 48 : i32
      %mul3A_498 = arith.muli %add3A_490, %mul3A_497 : i32
      %add3A_499 = arith.addi %mul3A_4, %mul3A_498 : i32
      %dma_wait3A_500 = tpu.memref_slice %arg5[%add3A_499] : memref<331776xf32, #tpu.memory_space<hbm>> -> memref<48xf32, #tpu.memory_space<hbm>>
      %dma_wait3A_501 = tpu.memref_slice %arg5[%add3A_499] : memref<331776xf32, #tpu.memory_space<hbm>> -> memref<48xf32, #tpu.memory_space<hbm>>
      tpu.wait_dma2 semaphore(%arg22 : memref<!tpu.dma_semaphore, #tpu.memory_space<semaphore_mem>>) src(%dma_wait3A_501 : memref<48xf32, #tpu.memory_space<hbm>>) dst(%arg15 : memref<48xf32, #tpu.memory_space<vmem>>)
      %parallel_loop3A_502 = arith.constant 0 : i32
      %parallel_loop3A_503 = arith.constant 48 : i32
      %parallel_loop3A_504 = arith.constant 1 : i32
      scf.for %parallel_loop3A_590 = %parallel_loop3A_502 to %parallel_loop3A_503 step %parallel_loop3A_504  : i32 {
        %parallel_loop3A_591 = vector.broadcast %parallel_loop3A_590 : i32 to vector<16xi32>
        %parallel_loop3A_592 = tpu.vector_load_idx %arg15[%parallel_loop3A_591] : memref<48xf32, #tpu.memory_space<vmem>>[vector<16xi32>], vector<16xf32>,
        %parallel_loop3A_593 = arith.index_cast %parallel_loop3A_590 : i32 to index
        %parallel_loop3A_594 = arith.constant 0 : index
        %parallel_loop3A_595 = tpu.vector_load %arg11[%parallel_loop3A_593, %parallel_loop3A_594] {strides = array<i32>} : memref<48x128xf32, #tpu.memory_space<vmem>>, vector<16xf32>,
        %parallel_loop3A_596 = arith.mulf %parallel_loop3A_595, %parallel_loop3A_592 : vector<16xf32>
        %parallel_loop3A_597 = arith.index_cast %parallel_loop3A_590 : i32 to index
        %parallel_loop3A_598 = arith.constant 0 : index
        %parallel_loop3A_599 = tpu.vector_load %arg11[%parallel_loop3A_597, %parallel_loop3A_598] {strides = array<i32>} : memref<48x128xf32, #tpu.memory_space<vmem>>, vector<16xf32>,
        tpu.vector_store %arg11[%parallel_loop3A_597, %parallel_loop3A_598], %parallel_loop3A_596 {strides = array<i32>} : memref<48x128xf32, #tpu.memory_space<vmem>>, vector<16xf32>,
        %parallel_loop3A_600 = arith.index_cast %parallel_loop3A_590 : i32 to index
        %parallel_loop3A_601 = arith.constant 16 : index
        %parallel_loop3A_602 = tpu.vector_load %arg11[%parallel_loop3A_600, %parallel_loop3A_601] {strides = array<i32>} : memref<48x128xf32, #tpu.memory_space<vmem>>, vector<16xf32>,
        %parallel_loop3A_603 = arith.mulf %parallel_loop3A_602, %parallel_loop3A_592 : vector<16xf32>
        %parallel_loop3A_604 = arith.index_cast %parallel_loop3A_590 : i32 to index
        %parallel_loop3A_605 = arith.constant 16 : index
        %parallel_loop3A_606 = tpu.vector_load %arg11[%parallel_loop3A_604, %parallel_loop3A_605] {strides = array<i32>} : memref<48x128xf32, #tpu.memory_space<vmem>>, vector<16xf32>,
        tpu.vector_store %arg11[%parallel_loop3A_604, %parallel_loop3A_605], %parallel_loop3A_603 {strides = array<i32>} : memref<48x128xf32, #tpu.memory_space<vmem>>, vector<16xf32>,
        %parallel_loop3A_607 = arith.index_cast %parallel_loop3A_590 : i32 to index
        %parallel_loop3A_608 = arith.constant 32 : index
        %parallel_loop3A_609 = tpu.vector_load %arg11[%parallel_loop3A_607, %parallel_loop3A_608] {strides = array<i32>} : memref<48x128xf32, #tpu.memory_space<vmem>>, vector<16xf32>,
        %parallel_loop3A_610 = arith.mulf %parallel_loop3A_609, %parallel_loop3A_592 : vector<16xf32>
        %parallel_loop3A_611 = arith.index_cast %parallel_loop3A_590 : i32 to index
        %parallel_loop3A_612 = arith.constant 32 : index
        %parallel_loop3A_613 = tpu.vector_load %arg11[%parallel_loop3A_611, %parallel_loop3A_612] {strides = array<i32>} : memref<48x128xf32, #tpu.memory_space<vmem>>, vector<16xf32>,
        tpu.vector_store %arg11[%parallel_loop3A_611, %parallel_loop3A_612], %parallel_loop3A_610 {strides = array<i32>} : memref<48x128xf32, #tpu.memory_space<vmem>>, vector<16xf32>,
        %parallel_loop3A_614 = arith.index_cast %parallel_loop3A_590 : i32 to index
        %parallel_loop3A_615 = arith.constant 48 : index
        %parallel_loop3A_616 = tpu.vector_load %arg11[%parallel_loop3A_614, %parallel_loop3A_615] {strides = array<i32>} : memref<48x128xf32, #tpu.memory_space<vmem>>, vector<16xf32>,
        %parallel_loop3A_617 = arith.mulf %parallel_loop3A_616, %parallel_loop3A_592 : vector<16xf32>
        %parallel_loop3A_618 = arith.index_cast %parallel_loop3A_590 : i32 to index
        %parallel_loop3A_619 = arith.constant 48 : index
        %parallel_loop3A_620 = tpu.vector_load %arg11[%parallel_loop3A_618, %parallel_loop3A_619] {strides = array<i32>} : memref<48x128xf32, #tpu.memory_space<vmem>>, vector<16xf32>,
        tpu.vector_store %arg11[%parallel_loop3A_618, %parallel_loop3A_619], %parallel_loop3A_617 {strides = array<i32>} : memref<48x128xf32, #tpu.memory_space<vmem>>, vector<16xf32>,
        %parallel_loop3A_621 = arith.index_cast %parallel_loop3A_590 : i32 to index
        %parallel_loop3A_622 = arith.constant 64 : index
        %parallel_loop3A_623 = tpu.vector_load %arg11[%parallel_loop3A_621, %parallel_loop3A_622] {strides = array<i32>} : memref<48x128xf32, #tpu.memory_space<vmem>>, vector<16xf32>,
        %parallel_loop3A_624 = arith.mulf %parallel_loop3A_623, %parallel_loop3A_592 : vector<16xf32>
        %parallel_loop3A_625 = arith.index_cast %parallel_loop3A_590 : i32 to index
        %parallel_loop3A_626 = arith.constant 64 : index
        %parallel_loop3A_627 = tpu.vector_load %arg11[%parallel_loop3A_625, %parallel_loop3A_626] {strides = array<i32>} : memref<48x128xf32, #tpu.memory_space<vmem>>, vector<16xf32>,
        tpu.vector_store %arg11[%parallel_loop3A_625, %parallel_loop3A_626], %parallel_loop3A_624 {strides = array<i32>} : memref<48x128xf32, #tpu.memory_space<vmem>>, vector<16xf32>,
        %parallel_loop3A_628 = arith.index_cast %parallel_loop3A_590 : i32 to index
        %parallel_loop3A_629 = arith.constant 80 : index
        %parallel_loop3A_630 = tpu.vector_load %arg11[%parallel_loop3A_628, %parallel_loop3A_629] {strides = array<i32>} : memref<48x128xf32, #tpu.memory_space<vmem>>, vector<16xf32>,
        %parallel_loop3A_631 = arith.mulf %parallel_loop3A_630, %parallel_loop3A_592 : vector<16xf32>
        %parallel_loop3A_632 = arith.index_cast %parallel_loop3A_590 : i32 to index
        %parallel_loop3A_633 = arith.constant 80 : index
        %parallel_loop3A_634 = tpu.vector_load %arg11[%parallel_loop3A_632, %parallel_loop3A_633] {strides = array<i32>} : memref<48x128xf32, #tpu.memory_space<vmem>>, vector<16xf32>,
        tpu.vector_store %arg11[%parallel_loop3A_632, %parallel_loop3A_633], %parallel_loop3A_631 {strides = array<i32>} : memref<48x128xf32, #tpu.memory_space<vmem>>, vector<16xf32>,
        %parallel_loop3A_635 = arith.index_cast %parallel_loop3A_590 : i32 to index
        %parallel_loop3A_636 = arith.constant 96 : index
        %parallel_loop3A_637 = tpu.vector_load %arg11[%parallel_loop3A_635, %parallel_loop3A_636] {strides = array<i32>} : memref<48x128xf32, #tpu.memory_space<vmem>>, vector<16xf32>,
        %parallel_loop3A_638 = arith.mulf %parallel_loop3A_637, %parallel_loop3A_592 : vector<16xf32>
        %parallel_loop3A_639 = arith.index_cast %parallel_loop3A_590 : i32 to index
        %parallel_loop3A_640 = arith.constant 96 : index
        %parallel_loop3A_641 = tpu.vector_load %arg11[%parallel_loop3A_639, %parallel_loop3A_640] {strides = array<i32>} : memref<48x128xf32, #tpu.memory_space<vmem>>, vector<16xf32>,
        tpu.vector_store %arg11[%parallel_loop3A_639, %parallel_loop3A_640], %parallel_loop3A_638 {strides = array<i32>} : memref<48x128xf32, #tpu.memory_space<vmem>>, vector<16xf32>,
        %parallel_loop3A_642 = arith.index_cast %parallel_loop3A_590 : i32 to index
        %parallel_loop3A_643 = arith.constant 112 : index
        %parallel_loop3A_644 = tpu.vector_load %arg11[%parallel_loop3A_642, %parallel_loop3A_643] {strides = array<i32>} : memref<48x128xf32, #tpu.memory_space<vmem>>, vector<16xf32>,
        %parallel_loop3A_645 = arith.mulf %parallel_loop3A_644, %parallel_loop3A_592 : vector<16xf32>
        %parallel_loop3A_646 = arith.index_cast %parallel_loop3A_590 : i32 to index
        %parallel_loop3A_647 = arith.constant 112 : index
        %parallel_loop3A_648 = tpu.vector_load %arg11[%parallel_loop3A_646, %parallel_loop3A_647] {strides = array<i32>} : memref<48x128xf32, #tpu.memory_space<vmem>>, vector<16xf32>,
        tpu.vector_store %arg11[%parallel_loop3A_646, %parallel_loop3A_647], %parallel_loop3A_645 {strides = array<i32>} : memref<48x128xf32, #tpu.memory_space<vmem>>, vector<16xf32>,
      } {sc.loop_unroll_factor = 4 : i64, sc.parallel_access}
      %mul3A_505 = arith.constant 48 : i32
      %mul3A_506 = arith.muli %add3A_490, %mul3A_505 : i32
      %dma_start3A_507 = tpu.memref_slice %arg8[%mul3A_506] : memref<10368xi32, #tpu.memory_space<vmem>> -> memref<48xi32, #tpu.memory_space<vmem>>
      %dma_start3A_508 = arith.constant 0 : i32
      %dma_start3A_509 = arith.constant 0 : i32
      %dma_start3A_510 = tpu.memref_slice %arg17[%dma_start3A_508, %dma_start3A_509] : memref<10240x128xf32, #tpu.memory_space<vmem_shared>> -> memref<10240x128xf32, #tpu.memory_space<vmem_shared>>
      tpu.enqueue_indirect_dma source(%arg11 : memref<48x128xf32, #tpu.memory_space<vmem>>) target(%dma_start3A_510 : memref<10240x128xf32, #tpu.memory_space<vmem_shared>>) offsets(%dma_start3A_507 : memref<48xi32, #tpu.memory_space<vmem>>) semaphore(%arg26 : memref<!tpu.dma_semaphore, #tpu.memory_space<semaphore_mem>>) {add = true}
      %add3A_511 = arith.constant 3 : i32
      %add3A_512 = arith.addi %add3A_445, %add3A_511 : i32
      %mul3A_513 = arith.constant 48 : i32
      %mul3A_514 = arith.muli %add3A_512, %mul3A_513 : i32
      %dma_wait3A_515 = tpu.memref_slice %arg7[%mul3A_514] : memref<10368xi32, #tpu.memory_space<vmem>> -> memref<48xi32, #tpu.memory_space<vmem>>
      %dma_wait3A_516 = arith.constant 0 : i32
      %dma_wait3A_517 = arith.constant 0 : i32
      %dma_wait3A_518 = tpu.memref_slice %arg2[%dma_wait3A_516, %dma_wait3A_517] : memref<10240x128xf32, #tpu.memory_space<hbm>> -> memref<10240x128xf32, #tpu.memory_space<hbm>>
      tpu.wait_indirect_dma semaphore(%arg23 : memref<!tpu.dma_semaphore, #tpu.memory_space<semaphore_mem>>) src(%dma_wait3A_518 : memref<10240x128xf32, #tpu.memory_space<hbm>>) dst(%arg12 : memref<48x128xf32, #tpu.memory_space<vmem>>)
      %mul3A_519 = arith.constant 48 : i32
      %mul3A_520 = arith.muli %add3A_512, %mul3A_519 : i32
      %add3A_521 = arith.addi %mul3A_4, %mul3A_520 : i32
      %dma_wait3A_522 = tpu.memref_slice %arg5[%add3A_521] : memref<331776xf32, #tpu.memory_space<hbm>> -> memref<48xf32, #tpu.memory_space<hbm>>
      %dma_wait3A_523 = tpu.memref_slice %arg5[%add3A_521] : memref<331776xf32, #tpu.memory_space<hbm>> -> memref<48xf32, #tpu.memory_space<hbm>>
      tpu.wait_dma2 semaphore(%arg23 : memref<!tpu.dma_semaphore, #tpu.memory_space<semaphore_mem>>) src(%dma_wait3A_523 : memref<48xf32, #tpu.memory_space<hbm>>) dst(%arg16 : memref<48xf32, #tpu.memory_space<vmem>>)
      %parallel_loop3A_524 = arith.constant 0 : i32
      %parallel_loop3A_525 = arith.constant 48 : i32
      %parallel_loop3A_526 = arith.constant 1 : i32
      scf.for %parallel_loop3A_590 = %parallel_loop3A_524 to %parallel_loop3A_525 step %parallel_loop3A_526  : i32 {
        %parallel_loop3A_591 = vector.broadcast %parallel_loop3A_590 : i32 to vector<16xi32>
        %parallel_loop3A_592 = tpu.vector_load_idx %arg16[%parallel_loop3A_591] : memref<48xf32, #tpu.memory_space<vmem>>[vector<16xi32>], vector<16xf32>,
        %parallel_loop3A_593 = arith.index_cast %parallel_loop3A_590 : i32 to index
        %parallel_loop3A_594 = arith.constant 0 : index
        %parallel_loop3A_595 = tpu.vector_load %arg12[%parallel_loop3A_593, %parallel_loop3A_594] {strides = array<i32>} : memref<48x128xf32, #tpu.memory_space<vmem>>, vector<16xf32>,
        %parallel_loop3A_596 = arith.mulf %parallel_loop3A_595, %parallel_loop3A_592 : vector<16xf32>
        %parallel_loop3A_597 = arith.index_cast %parallel_loop3A_590 : i32 to index
        %parallel_loop3A_598 = arith.constant 0 : index
        %parallel_loop3A_599 = tpu.vector_load %arg12[%parallel_loop3A_597, %parallel_loop3A_598] {strides = array<i32>} : memref<48x128xf32, #tpu.memory_space<vmem>>, vector<16xf32>,
        tpu.vector_store %arg12[%parallel_loop3A_597, %parallel_loop3A_598], %parallel_loop3A_596 {strides = array<i32>} : memref<48x128xf32, #tpu.memory_space<vmem>>, vector<16xf32>,
        %parallel_loop3A_600 = arith.index_cast %parallel_loop3A_590 : i32 to index
        %parallel_loop3A_601 = arith.constant 16 : index
        %parallel_loop3A_602 = tpu.vector_load %arg12[%parallel_loop3A_600, %parallel_loop3A_601] {strides = array<i32>} : memref<48x128xf32, #tpu.memory_space<vmem>>, vector<16xf32>,
        %parallel_loop3A_603 = arith.mulf %parallel_loop3A_602, %parallel_loop3A_592 : vector<16xf32>
        %parallel_loop3A_604 = arith.index_cast %parallel_loop3A_590 : i32 to index
        %parallel_loop3A_605 = arith.constant 16 : index
        %parallel_loop3A_606 = tpu.vector_load %arg12[%parallel_loop3A_604, %parallel_loop3A_605] {strides = array<i32>} : memref<48x128xf32, #tpu.memory_space<vmem>>, vector<16xf32>,
        tpu.vector_store %arg12[%parallel_loop3A_604, %parallel_loop3A_605], %parallel_loop3A_603 {strides = array<i32>} : memref<48x128xf32, #tpu.memory_space<vmem>>, vector<16xf32>,
        %parallel_loop3A_607 = arith.index_cast %parallel_loop3A_590 : i32 to index
        %parallel_loop3A_608 = arith.constant 32 : index
        %parallel_loop3A_609 = tpu.vector_load %arg12[%parallel_loop3A_607, %parallel_loop3A_608] {strides = array<i32>} : memref<48x128xf32, #tpu.memory_space<vmem>>, vector<16xf32>,
        %parallel_loop3A_610 = arith.mulf %parallel_loop3A_609, %parallel_loop3A_592 : vector<16xf32>
        %parallel_loop3A_611 = arith.index_cast %parallel_loop3A_590 : i32 to index
        %parallel_loop3A_612 = arith.constant 32 : index
        %parallel_loop3A_613 = tpu.vector_load %arg12[%parallel_loop3A_611, %parallel_loop3A_612] {strides = array<i32>} : memref<48x128xf32, #tpu.memory_space<vmem>>, vector<16xf32>,
        tpu.vector_store %arg12[%parallel_loop3A_611, %parallel_loop3A_612], %parallel_loop3A_610 {strides = array<i32>} : memref<48x128xf32, #tpu.memory_space<vmem>>, vector<16xf32>,
        %parallel_loop3A_614 = arith.index_cast %parallel_loop3A_590 : i32 to index
        %parallel_loop3A_615 = arith.constant 48 : index
        %parallel_loop3A_616 = tpu.vector_load %arg12[%parallel_loop3A_614, %parallel_loop3A_615] {strides = array<i32>} : memref<48x128xf32, #tpu.memory_space<vmem>>, vector<16xf32>,
        %parallel_loop3A_617 = arith.mulf %parallel_loop3A_616, %parallel_loop3A_592 : vector<16xf32>
        %parallel_loop3A_618 = arith.index_cast %parallel_loop3A_590 : i32 to index
        %parallel_loop3A_619 = arith.constant 48 : index
        %parallel_loop3A_620 = tpu.vector_load %arg12[%parallel_loop3A_618, %parallel_loop3A_619] {strides = array<i32>} : memref<48x128xf32, #tpu.memory_space<vmem>>, vector<16xf32>,
        tpu.vector_store %arg12[%parallel_loop3A_618, %parallel_loop3A_619], %parallel_loop3A_617 {strides = array<i32>} : memref<48x128xf32, #tpu.memory_space<vmem>>, vector<16xf32>,
        %parallel_loop3A_621 = arith.index_cast %parallel_loop3A_590 : i32 to index
        %parallel_loop3A_622 = arith.constant 64 : index
        %parallel_loop3A_623 = tpu.vector_load %arg12[%parallel_loop3A_621, %parallel_loop3A_622] {strides = array<i32>} : memref<48x128xf32, #tpu.memory_space<vmem>>, vector<16xf32>,
        %parallel_loop3A_624 = arith.mulf %parallel_loop3A_623, %parallel_loop3A_592 : vector<16xf32>
        %parallel_loop3A_625 = arith.index_cast %parallel_loop3A_590 : i32 to index
        %parallel_loop3A_626 = arith.constant 64 : index
        %parallel_loop3A_627 = tpu.vector_load %arg12[%parallel_loop3A_625, %parallel_loop3A_626] {strides = array<i32>} : memref<48x128xf32, #tpu.memory_space<vmem>>, vector<16xf32>,
        tpu.vector_store %arg12[%parallel_loop3A_625, %parallel_loop3A_626], %parallel_loop3A_624 {strides = array<i32>} : memref<48x128xf32, #tpu.memory_space<vmem>>, vector<16xf32>,
        %parallel_loop3A_628 = arith.index_cast %parallel_loop3A_590 : i32 to index
        %parallel_loop3A_629 = arith.constant 80 : index
        %parallel_loop3A_630 = tpu.vector_load %arg12[%parallel_loop3A_628, %parallel_loop3A_629] {strides = array<i32>} : memref<48x128xf32, #tpu.memory_space<vmem>>, vector<16xf32>,
        %parallel_loop3A_631 = arith.mulf %parallel_loop3A_630, %parallel_loop3A_592 : vector<16xf32>
        %parallel_loop3A_632 = arith.index_cast %parallel_loop3A_590 : i32 to index
        %parallel_loop3A_633 = arith.constant 80 : index
        %parallel_loop3A_634 = tpu.vector_load %arg12[%parallel_loop3A_632, %parallel_loop3A_633] {strides = array<i32>} : memref<48x128xf32, #tpu.memory_space<vmem>>, vector<16xf32>,
        tpu.vector_store %arg12[%parallel_loop3A_632, %parallel_loop3A_633], %parallel_loop3A_631 {strides = array<i32>} : memref<48x128xf32, #tpu.memory_space<vmem>>, vector<16xf32>,
        %parallel_loop3A_635 = arith.index_cast %parallel_loop3A_590 : i32 to index
        %parallel_loop3A_636 = arith.constant 96 : index
        %parallel_loop3A_637 = tpu.vector_load %arg12[%parallel_loop3A_635, %parallel_loop3A_636] {strides = array<i32>} : memref<48x128xf32, #tpu.memory_space<vmem>>, vector<16xf32>,
        %parallel_loop3A_638 = arith.mulf %parallel_loop3A_637, %parallel_loop3A_592 : vector<16xf32>
        %parallel_loop3A_639 = arith.index_cast %parallel_loop3A_590 : i32 to index
        %parallel_loop3A_640 = arith.constant 96 : index
        %parallel_loop3A_641 = tpu.vector_load %arg12[%parallel_loop3A_639, %parallel_loop3A_640] {strides = array<i32>} : memref<48x128xf32, #tpu.memory_space<vmem>>, vector<16xf32>,
        tpu.vector_store %arg12[%parallel_loop3A_639, %parallel_loop3A_640], %parallel_loop3A_638 {strides = array<i32>} : memref<48x128xf32, #tpu.memory_space<vmem>>, vector<16xf32>,
        %parallel_loop3A_642 = arith.index_cast %parallel_loop3A_590 : i32 to index
        %parallel_loop3A_643 = arith.constant 112 : index
        %parallel_loop3A_644 = tpu.vector_load %arg12[%parallel_loop3A_642, %parallel_loop3A_643] {strides = array<i32>} : memref<48x128xf32, #tpu.memory_space<vmem>>, vector<16xf32>,
        %parallel_loop3A_645 = arith.mulf %parallel_loop3A_644, %parallel_loop3A_592 : vector<16xf32>
        %parallel_loop3A_646 = arith.index_cast %parallel_loop3A_590 : i32 to index
        %parallel_loop3A_647 = arith.constant 112 : index
        %parallel_loop3A_648 = tpu.vector_load %arg12[%parallel_loop3A_646, %parallel_loop3A_647] {strides = array<i32>} : memref<48x128xf32, #tpu.memory_space<vmem>>, vector<16xf32>,
        tpu.vector_store %arg12[%parallel_loop3A_646, %parallel_loop3A_647], %parallel_loop3A_645 {strides = array<i32>} : memref<48x128xf32, #tpu.memory_space<vmem>>, vector<16xf32>,
      } {sc.loop_unroll_factor = 4 : i64, sc.parallel_access}
      %mul3A_527 = arith.constant 48 : i32
      %mul3A_528 = arith.muli %add3A_512, %mul3A_527 : i32
      %dma_start3A_529 = tpu.memref_slice %arg8[%mul3A_528] : memref<10368xi32, #tpu.memory_space<vmem>> -> memref<48xi32, #tpu.memory_space<vmem>>
      %dma_start3A_530 = arith.constant 0 : i32
      %dma_start3A_531 = arith.constant 0 : i32
      %dma_start3A_532 = tpu.memref_slice %arg17[%dma_start3A_530, %dma_start3A_531] : memref<10240x128xf32, #tpu.memory_space<vmem_shared>> -> memref<10240x128xf32, #tpu.memory_space<vmem_shared>>
      tpu.enqueue_indirect_dma source(%arg12 : memref<48x128xf32, #tpu.memory_space<vmem>>) target(%dma_start3A_532 : memref<10240x128xf32, #tpu.memory_space<vmem_shared>>) offsets(%dma_start3A_529 : memref<48xi32, #tpu.memory_space<vmem>>) semaphore(%arg27 : memref<!tpu.dma_semaphore, #tpu.memory_space<semaphore_mem>>) {add = true}
      %add3A_533 = arith.constant 0 : i32
      %add3A_534 = arith.addi %add3A_445, %add3A_533 : i32
      %mul3A_535 = arith.constant 48 : i32
      %mul3A_536 = arith.muli %add3A_534, %mul3A_535 : i32
      %dma_wait3A_537 = tpu.memref_slice %arg8[%mul3A_536] : memref<10368xi32, #tpu.memory_space<vmem>> -> memref<48xi32, #tpu.memory_space<vmem>>
      %dma_wait3A_538 = arith.constant 0 : i32
      %dma_wait3A_539 = arith.constant 0 : i32
      %dma_wait3A_540 = tpu.memref_slice %arg17[%dma_wait3A_538, %dma_wait3A_539] : memref<10240x128xf32, #tpu.memory_space<vmem_shared>> -> memref<10240x128xf32, #tpu.memory_space<vmem_shared>>
      tpu.wait_indirect_dma semaphore(%arg24 : memref<!tpu.dma_semaphore, #tpu.memory_space<semaphore_mem>>) src(%arg9 : memref<48x128xf32, #tpu.memory_space<vmem>>) dst(%dma_wait3A_540 : memref<10240x128xf32, #tpu.memory_space<vmem_shared>>)
      %add3A_541 = arith.constant 4 : i32
      %add3A_542 = arith.addi %add3A_445, %add3A_541 : i32
      %lt3A = arith.constant 216 : i32
      %lt3A_543 = arith.cmpi slt, %add3A_542, %lt3A : i32
      %convert_element_type3A = arith.extui %lt3A_543 : i1 to i32
      %cond3A = arith.constant 0 : i32
      %cond3A_544 = arith.cmpi ne, %convert_element_type3A, %cond3A : i32
      scf.if %cond3A_544 {
        %add3A_590 = arith.constant 4 : i32
        %add3A_591 = arith.addi %add3A_534, %add3A_590 : i32
        %mul3A_592 = arith.constant 48 : i32
        %mul3A_593 = arith.muli %add3A_591, %mul3A_592 : i32
        %dma_start3A_594 = tpu.memref_slice %arg7[%mul3A_593] : memref<10368xi32, #tpu.memory_space<vmem>> -> memref<48xi32, #tpu.memory_space<vmem>>
        %dma_start3A_595 = arith.constant 0 : i32
        %dma_start3A_596 = arith.constant 0 : i32
        %dma_start3A_597 = tpu.memref_slice %arg2[%dma_start3A_595, %dma_start3A_596] : memref<10240x128xf32, #tpu.memory_space<hbm>> -> memref<10240x128xf32, #tpu.memory_space<hbm>>
        tpu.enqueue_indirect_dma source(%dma_start3A_597 : memref<10240x128xf32, #tpu.memory_space<hbm>>) target(%arg9 : memref<48x128xf32, #tpu.memory_space<vmem>>) offsets(%dma_start3A_594 : memref<48xi32, #tpu.memory_space<vmem>>) semaphore(%arg20 : memref<!tpu.dma_semaphore, #tpu.memory_space<semaphore_mem>>)
        %mul3A_598 = arith.constant 48 : i32
        %mul3A_599 = arith.muli %add3A_591, %mul3A_598 : i32
        %add3A_600 = arith.addi %mul3A_4, %mul3A_599 : i32
        %dma_start3A_601 = tpu.memref_slice %arg5[%add3A_600] : memref<331776xf32, #tpu.memory_space<hbm>> -> memref<48xf32, #tpu.memory_space<hbm>>
        %dma_start3A_602 = tpu.memref_slice %arg5[%add3A_600] : memref<331776xf32, #tpu.memory_space<hbm>> -> memref<48xf32, #tpu.memory_space<hbm>>
        tpu.enqueue_dma source(%dma_start3A_602 : memref<48xf32, #tpu.memory_space<hbm>>) target(%arg13 : memref<48xf32, #tpu.memory_space<vmem>>) target_semaphore(%arg20 : memref<!tpu.dma_semaphore, #tpu.memory_space<semaphore_mem>>)
      } else {
      }
      %add3A_545 = arith.constant 1 : i32
      %add3A_546 = arith.addi %add3A_445, %add3A_545 : i32
      %mul3A_547 = arith.constant 48 : i32
      %mul3A_548 = arith.muli %add3A_546, %mul3A_547 : i32
      %dma_wait3A_549 = tpu.memref_slice %arg8[%mul3A_548] : memref<10368xi32, #tpu.memory_space<vmem>> -> memref<48xi32, #tpu.memory_space<vmem>>
      %dma_wait3A_550 = arith.constant 0 : i32
      %dma_wait3A_551 = arith.constant 0 : i32
      %dma_wait3A_552 = tpu.memref_slice %arg17[%dma_wait3A_550, %dma_wait3A_551] : memref<10240x128xf32, #tpu.memory_space<vmem_shared>> -> memref<10240x128xf32, #tpu.memory_space<vmem_shared>>
      tpu.wait_indirect_dma semaphore(%arg25 : memref<!tpu.dma_semaphore, #tpu.memory_space<semaphore_mem>>) src(%arg10 : memref<48x128xf32, #tpu.memory_space<vmem>>) dst(%dma_wait3A_552 : memref<10240x128xf32, #tpu.memory_space<vmem_shared>>)
      %add3A_553 = arith.constant 4 : i32
      %add3A_554 = arith.addi %add3A_445, %add3A_553 : i32
      %lt3A_555 = arith.constant 216 : i32
      %lt3A_556 = arith.cmpi slt, %add3A_554, %lt3A_555 : i32
      %convert_element_type3A_557 = arith.extui %lt3A_556 : i1 to i32
      %cond3A_558 = arith.constant 0 : i32
      %cond3A_559 = arith.cmpi ne, %convert_element_type3A_557, %cond3A_558 : i32
      scf.if %cond3A_559 {
        %add3A_590 = arith.constant 4 : i32
        %add3A_591 = arith.addi %add3A_546, %add3A_590 : i32
        %mul3A_592 = arith.constant 48 : i32
        %mul3A_593 = arith.muli %add3A_591, %mul3A_592 : i32
        %dma_start3A_594 = tpu.memref_slice %arg7[%mul3A_593] : memref<10368xi32, #tpu.memory_space<vmem>> -> memref<48xi32, #tpu.memory_space<vmem>>
        %dma_start3A_595 = arith.constant 0 : i32
        %dma_start3A_596 = arith.constant 0 : i32
        %dma_start3A_597 = tpu.memref_slice %arg2[%dma_start3A_595, %dma_start3A_596] : memref<10240x128xf32, #tpu.memory_space<hbm>> -> memref<10240x128xf32, #tpu.memory_space<hbm>>
        tpu.enqueue_indirect_dma source(%dma_start3A_597 : memref<10240x128xf32, #tpu.memory_space<hbm>>) target(%arg10 : memref<48x128xf32, #tpu.memory_space<vmem>>) offsets(%dma_start3A_594 : memref<48xi32, #tpu.memory_space<vmem>>) semaphore(%arg21 : memref<!tpu.dma_semaphore, #tpu.memory_space<semaphore_mem>>)
        %mul3A_598 = arith.constant 48 : i32
        %mul3A_599 = arith.muli %add3A_591, %mul3A_598 : i32
        %add3A_600 = arith.addi %mul3A_4, %mul3A_599 : i32
        %dma_start3A_601 = tpu.memref_slice %arg5[%add3A_600] : memref<331776xf32, #tpu.memory_space<hbm>> -> memref<48xf32, #tpu.memory_space<hbm>>
        %dma_start3A_602 = tpu.memref_slice %arg5[%add3A_600] : memref<331776xf32, #tpu.memory_space<hbm>> -> memref<48xf32, #tpu.memory_space<hbm>>
        tpu.enqueue_dma source(%dma_start3A_602 : memref<48xf32, #tpu.memory_space<hbm>>) target(%arg14 : memref<48xf32, #tpu.memory_space<vmem>>) target_semaphore(%arg21 : memref<!tpu.dma_semaphore, #tpu.memory_space<semaphore_mem>>)
      } else {
      }
      %add3A_560 = arith.constant 2 : i32
      %add3A_561 = arith.addi %add3A_445, %add3A_560 : i32
      %mul3A_562 = arith.constant 48 : i32
      %mul3A_563 = arith.muli %add3A_561, %mul3A_562 : i32
      %dma_wait3A_564 = tpu.memref_slice %arg8[%mul3A_563] : memref<10368xi32, #tpu.memory_space<vmem>> -> memref<48xi32, #tpu.memory_space<vmem>>
      %dma_wait3A_565 = arith.constant 0 : i32
      %dma_wait3A_566 = arith.constant 0 : i32
      %dma_wait3A_567 = tpu.memref_slice %arg17[%dma_wait3A_565, %dma_wait3A_566] : memref<10240x128xf32, #tpu.memory_space<vmem_shared>> -> memref<10240x128xf32, #tpu.memory_space<vmem_shared>>
      tpu.wait_indirect_dma semaphore(%arg26 : memref<!tpu.dma_semaphore, #tpu.memory_space<semaphore_mem>>) src(%arg11 : memref<48x128xf32, #tpu.memory_space<vmem>>) dst(%dma_wait3A_567 : memref<10240x128xf32, #tpu.memory_space<vmem_shared>>)
      %add3A_568 = arith.constant 4 : i32
      %add3A_569 = arith.addi %add3A_445, %add3A_568 : i32
      %lt3A_570 = arith.constant 216 : i32
      %lt3A_571 = arith.cmpi slt, %add3A_569, %lt3A_570 : i32
      %convert_element_type3A_572 = arith.extui %lt3A_571 : i1 to i32
      %cond3A_573 = arith.constant 0 : i32
      %cond3A_574 = arith.cmpi ne, %convert_element_type3A_572, %cond3A_573 : i32
      scf.if %cond3A_574 {
        %add3A_590 = arith.constant 4 : i32
        %add3A_591 = arith.addi %add3A_561, %add3A_590 : i32
        %mul3A_592 = arith.constant 48 : i32
        %mul3A_593 = arith.muli %add3A_591, %mul3A_592 : i32
        %dma_start3A_594 = tpu.memref_slice %arg7[%mul3A_593] : memref<10368xi32, #tpu.memory_space<vmem>> -> memref<48xi32, #tpu.memory_space<vmem>>
        %dma_start3A_595 = arith.constant 0 : i32
        %dma_start3A_596 = arith.constant 0 : i32
        %dma_start3A_597 = tpu.memref_slice %arg2[%dma_start3A_595, %dma_start3A_596] : memref<10240x128xf32, #tpu.memory_space<hbm>> -> memref<10240x128xf32, #tpu.memory_space<hbm>>
        tpu.enqueue_indirect_dma source(%dma_start3A_597 : memref<10240x128xf32, #tpu.memory_space<hbm>>) target(%arg11 : memref<48x128xf32, #tpu.memory_space<vmem>>) offsets(%dma_start3A_594 : memref<48xi32, #tpu.memory_space<vmem>>) semaphore(%arg22 : memref<!tpu.dma_semaphore, #tpu.memory_space<semaphore_mem>>)
        %mul3A_598 = arith.constant 48 : i32
        %mul3A_599 = arith.muli %add3A_591, %mul3A_598 : i32
        %add3A_600 = arith.addi %mul3A_4, %mul3A_599 : i32
        %dma_start3A_601 = tpu.memref_slice %arg5[%add3A_600] : memref<331776xf32, #tpu.memory_space<hbm>> -> memref<48xf32, #tpu.memory_space<hbm>>
        %dma_start3A_602 = tpu.memref_slice %arg5[%add3A_600] : memref<331776xf32, #tpu.memory_space<hbm>> -> memref<48xf32, #tpu.memory_space<hbm>>
        tpu.enqueue_dma source(%dma_start3A_602 : memref<48xf32, #tpu.memory_space<hbm>>) target(%arg15 : memref<48xf32, #tpu.memory_space<vmem>>) target_semaphore(%arg22 : memref<!tpu.dma_semaphore, #tpu.memory_space<semaphore_mem>>)
      } else {
      }
      %add3A_575 = arith.constant 3 : i32
      %add3A_576 = arith.addi %add3A_445, %add3A_575 : i32
      %mul3A_577 = arith.constant 48 : i32
      %mul3A_578 = arith.muli %add3A_576, %mul3A_577 : i32
      %dma_wait3A_579 = tpu.memref_slice %arg8[%mul3A_578] : memref<10368xi32, #tpu.memory_space<vmem>> -> memref<48xi32, #tpu.memory_space<vmem>>
      %dma_wait3A_580 = arith.constant 0 : i32
      %dma_wait3A_581 = arith.constant 0 : i32
      %dma_wait3A_582 = tpu.memref_slice %arg17[%dma_wait3A_580, %dma_wait3A_581] : memref<10240x128xf32, #tpu.memory_space<vmem_shared>> -> memref<10240x128xf32, #tpu.memory_space<vmem_shared>>
      tpu.wait_indirect_dma semaphore(%arg27 : memref<!tpu.dma_semaphore, #tpu.memory_space<semaphore_mem>>) src(%arg12 : memref<48x128xf32, #tpu.memory_space<vmem>>) dst(%dma_wait3A_582 : memref<10240x128xf32, #tpu.memory_space<vmem_shared>>)
      %add3A_583 = arith.constant 4 : i32
      %add3A_584 = arith.addi %add3A_445, %add3A_583 : i32
      %lt3A_585 = arith.constant 216 : i32
      %lt3A_586 = arith.cmpi slt, %add3A_584, %lt3A_585 : i32
      %convert_element_type3A_587 = arith.extui %lt3A_586 : i1 to i32
      %cond3A_588 = arith.constant 0 : i32
      %cond3A_589 = arith.cmpi ne, %convert_element_type3A_587, %cond3A_588 : i32
      scf.if %cond3A_589 {
        %add3A_590 = arith.constant 4 : i32
        %add3A_591 = arith.addi %add3A_576, %add3A_590 : i32
        %mul3A_592 = arith.constant 48 : i32
        %mul3A_593 = arith.muli %add3A_591, %mul3A_592 : i32
        %dma_start3A_594 = tpu.memref_slice %arg7[%mul3A_593] : memref<10368xi32, #tpu.memory_space<vmem>> -> memref<48xi32, #tpu.memory_space<vmem>>
        %dma_start3A_595 = arith.constant 0 : i32
        %dma_start3A_596 = arith.constant 0 : i32
        %dma_start3A_597 = tpu.memref_slice %arg2[%dma_start3A_595, %dma_start3A_596] : memref<10240x128xf32, #tpu.memory_space<hbm>> -> memref<10240x128xf32, #tpu.memory_space<hbm>>
        tpu.enqueue_indirect_dma source(%dma_start3A_597 : memref<10240x128xf32, #tpu.memory_space<hbm>>) target(%arg12 : memref<48x128xf32, #tpu.memory_space<vmem>>) offsets(%dma_start3A_594 : memref<48xi32, #tpu.memory_space<vmem>>) semaphore(%arg23 : memref<!tpu.dma_semaphore, #tpu.memory_space<semaphore_mem>>)
        %mul3A_598 = arith.constant 48 : i32
        %mul3A_599 = arith.muli %add3A_591, %mul3A_598 : i32
        %add3A_600 = arith.addi %mul3A_4, %mul3A_599 : i32
        %dma_start3A_601 = tpu.memref_slice %arg5[%add3A_600] : memref<331776xf32, #tpu.memory_space<hbm>> -> memref<48xf32, #tpu.memory_space<hbm>>
        %dma_start3A_602 = tpu.memref_slice %arg5[%add3A_600] : memref<331776xf32, #tpu.memory_space<hbm>> -> memref<48xf32, #tpu.memory_space<hbm>>
        tpu.enqueue_dma source(%dma_start3A_602 : memref<48xf32, #tpu.memory_space<hbm>>) target(%arg16 : memref<48xf32, #tpu.memory_space<vmem>>) target_semaphore(%arg23 : memref<!tpu.dma_semaphore, #tpu.memory_space<semaphore_mem>>)
      } else {
      }
    }
    %scan3A_439 = arith.constant 54 : i32
    %barrier3A_440 = arith.constant 0 : index
    tpu.barrier barrier_id(%barrier3A_440)
    "tpu.region"() ({
      %run_scoped3A = tpu.sem_alloc : memref<!tpu.dma_semaphore, #tpu.memory_space<semaphore_mem>>
      %dma_start3A_441 = arith.constant 0 : i32
      %dma_start3A_442 = tpu.memref_slice %arg6[%arg0, %mul3A_2, %dma_start3A_441] : memref<2x10240x128xf32, #tpu.memory_space<hbm>> -> memref<1x640x128xf32, #tpu.memory_space<hbm>>
      %dma_start3A_443 = tpu.memref_squeeze %dma_start3A_442 : memref<1x640x128xf32, #tpu.memory_space<hbm>> -> memref<640x128xf32, #tpu.memory_space<hbm>>
      %dma_start3A_444 = arith.constant 0 : i32
      %dma_start3A_445 = tpu.memref_slice %arg17[%mul3A_2, %dma_start3A_444] : memref<10240x128xf32, #tpu.memory_space<vmem_shared>> -> memref<640x128xf32, #tpu.memory_space<vmem_shared>>
      tpu.enqueue_dma source(%dma_start3A_445 : memref<640x128xf32, #tpu.memory_space<vmem_shared>>) target(%dma_start3A_443 : memref<640x128xf32, #tpu.memory_space<hbm>>) target_semaphore(%run_scoped3A : memref<!tpu.dma_semaphore, #tpu.memory_space<semaphore_mem>>)
      %dma_wait3A_446 = arith.constant 0 : i32
      %dma_wait3A_447 = tpu.memref_slice %arg6[%arg0, %mul3A_2, %dma_wait3A_446] : memref<2x10240x128xf32, #tpu.memory_space<hbm>> -> memref<1x640x128xf32, #tpu.memory_space<hbm>>
      %dma_wait3A_448 = tpu.memref_squeeze %dma_wait3A_447 : memref<1x640x128xf32, #tpu.memory_space<hbm>> -> memref<640x128xf32, #tpu.memory_space<hbm>>
      %dma_wait3A_449 = arith.constant 0 : i32
      %dma_wait3A_450 = tpu.memref_slice %arg17[%mul3A_2, %dma_wait3A_449] : memref<10240x128xf32, #tpu.memory_space<vmem_shared>> -> memref<640x128xf32, #tpu.memory_space<vmem_shared>>
      tpu.wait_dma2 semaphore(%run_scoped3A : memref<!tpu.dma_semaphore, #tpu.memory_space<semaphore_mem>>) src(%dma_wait3A_450 : memref<640x128xf32, #tpu.memory_space<vmem_shared>>) dst(%dma_wait3A_448 : memref<640x128xf32, #tpu.memory_space<hbm>>)
      tpu.yield
    }) : () -> ()
    return
  }
}

#map = affine_map<(d0, d1) -> (0, 0)>
#map1 = affine_map<(d0, d1) -> (0)>
#map2 = affine_map<(d0, d1) -> (0, 0, 0)>
module attributes {stable_mosaic.version = 14 : i64} {
  func.func @prop(%arg0: i32, %arg1: i32, %arg2: memref<10240x128xf32, #tpu.memory_space<hbm>>, %arg3: memref<331776xi32, #tpu.memory_space<hbm>>, %arg4: memref<331776xi32, #tpu.memory_space<hbm>>, %arg5: memref<331776xf32, #tpu.memory_space<hbm>>, %arg6: memref<2x10240x128xf32, #tpu.memory_space<hbm>>, %arg7: memref<10368xi32, #tpu.memory_space<vmem>>, %arg8: memref<10368xi32, #tpu.memory_space<vmem>>, %arg9: memref<48x128xf32, #tpu.memory_space<vmem>>, %arg10: memref<48x128xf32, #tpu.memory_space<vmem>>, %arg11: memref<48x128xf32, #tpu.memory_space<vmem>>, %arg12: memref<48x128xf32, #tpu.memory_space<vmem>>, %arg13: memref<48xf32, #tpu.memory_space<vmem>>, %arg14: memref<48xf32, #tpu.memory_space<vmem>>, %arg15: memref<48xf32, #tpu.memory_space<vmem>>, %arg16: memref<48xf32, #tpu.memory_space<vmem>>, %arg17: memref<10240x128xf32, #tpu.memory_space<vmem_shared>>, %arg18: memref<!tpu.dma_semaphore, #tpu.memory_space<semaphore_mem>>, %arg19: memref<!tpu.dma_semaphore, #tpu.memory_space<semaphore_mem>>, %arg20: memref<!tpu.dma_semaphore, #tpu.memory_space<semaphore_mem>>, %arg21: memref<!tpu.dma_semaphore, #tpu.memory_space<semaphore_mem>>, %arg22: memref<!tpu.dma_semaphore, #tpu.memory_space<semaphore_mem>>, %arg23: memref<!tpu.dma_semaphore, #tpu.memory_space<semaphore_mem>>, %arg24: memref<!tpu.dma_semaphore, #tpu.memory_space<semaphore_mem>>, %arg25: memref<!tpu.dma_semaphore, #tpu.memory_space<semaphore_mem>>, %arg26: memref<!tpu.dma_semaphore, #tpu.memory_space<semaphore_mem>>, %arg27: memref<!tpu.dma_semaphore, #tpu.memory_space<semaphore_mem>>) attributes {dimension_semantics = [#tpu.dimension_semantics<core_parallel>, #tpu.dimension_semantics<subcore_parallel>], iteration_bounds = array<i64: 2, 16>, scalar_prefetch = 0 : i64, scratch_operands = 21 : i64, tpu.core_type = #tpu.core_type<sc_vector_subcore>, window_params = [{transform_indices = #map}, {transform_indices = #map1}, {transform_indices = #map1}, {transform_indices = #map1}, {transform_indices = #map2}]} {
    %mul3A = arith.constant 2 : i32
    %mul3A_0 = arith.muli %arg1, %mul3A : i32
    %add3A = arith.addi %mul3A_0, %arg0 : i32
    %mul3A_1 = arith.constant 640 : i32
    %mul3A_2 = arith.muli %arg1, %mul3A_1 : i32
    %mul3A_3 = arith.constant 10368 : i32
    %mul3A_4 = arith.muli %add3A, %mul3A_3 : i32
    %dma_start3A = tpu.memref_slice %arg3[%mul3A_4] : memref<331776xi32, #tpu.memory_space<hbm>> -> memref<10368xi32, #tpu.memory_space<hbm>>
    %dma_start3A_5 = tpu.memref_slice %arg3[%mul3A_4] : memref<331776xi32, #tpu.memory_space<hbm>> -> memref<10368xi32, #tpu.memory_space<hbm>>
    tpu.enqueue_dma source(%dma_start3A_5 : memref<10368xi32, #tpu.memory_space<hbm>>) target(%arg7 : memref<10368xi32, #tpu.memory_space<vmem>>) target_semaphore(%arg18 : memref<!tpu.dma_semaphore, #tpu.memory_space<semaphore_mem>>)
    %dma_start3A_6 = tpu.memref_slice %arg4[%mul3A_4] : memref<331776xi32, #tpu.memory_space<hbm>> -> memref<10368xi32, #tpu.memory_space<hbm>>
    %dma_start3A_7 = tpu.memref_slice %arg4[%mul3A_4] : memref<331776xi32, #tpu.memory_space<hbm>> -> memref<10368xi32, #tpu.memory_space<hbm>>
    tpu.enqueue_dma source(%dma_start3A_7 : memref<10368xi32, #tpu.memory_space<hbm>>) target(%arg8 : memref<10368xi32, #tpu.memory_space<vmem>>) target_semaphore(%arg18 : memref<!tpu.dma_semaphore, #tpu.memory_space<semaphore_mem>>)
    %scan3A = arith.constant 0 : i32
    %scan3A_8 = arith.constant 40 : i32
    %scan3A_9 = arith.addi %scan3A, %scan3A_8 : i32
    %scan3A_10 = arith.constant 1 : i32
    scf.for %scan3A_441 = %scan3A to %scan3A_9 step %scan3A_10  : i32 {
      %mul3A_442 = arith.constant 1 : i32
      %mul3A_443 = arith.muli %scan3A_441, %mul3A_442 : i32
      %add3A_444 = arith.constant 0 : i32
      %add3A_445 = arith.addi %add3A_444, %mul3A_443 : i32
      %broadcast_in_dim3A = arith.constant 0.000000e+00 : f32
      %broadcast_in_dim3A_446 = vector.broadcast %broadcast_in_dim3A : f32 to vector<16xf32>
      %swap3A = arith.index_cast %add3A_445 : i32 to index
      %swap3A_447 = arith.constant 0 : index
      %swap3A_448 = tpu.vector_load %arg9[%swap3A, %swap3A_447] {strides = array<i32>} : memref<48x128xf32, #tpu.memory_space<vmem>>, vector<16xf32>,
      tpu.vector_store %arg9[%swap3A, %swap3A_447], %broadcast_in_dim3A_446 {strides = array<i32>} : memref<48x128xf32, #tpu.memory_space<vmem>>, vector<16xf32>,
      %broadcast_in_dim3A_449 = arith.constant 0.000000e+00 : f32
      %broadcast_in_dim3A_450 = vector.broadcast %broadcast_in_dim3A_449 : f32 to vector<16xf32>
      %swap3A_451 = arith.index_cast %add3A_445 : i32 to index
      %swap3A_452 = arith.constant 16 : index
      %swap3A_453 = tpu.vector_load %arg9[%swap3A_451, %swap3A_452] {strides = array<i32>} : memref<48x128xf32, #tpu.memory_space<vmem>>, vector<16xf32>,
      tpu.vector_store %arg9[%swap3A_451, %swap3A_452], %broadcast_in_dim3A_450 {strides = array<i32>} : memref<48x128xf32, #tpu.memory_space<vmem>>, vector<16xf32>,
      %broadcast_in_dim3A_454 = arith.constant 0.000000e+00 : f32
      %broadcast_in_dim3A_455 = vector.broadcast %broadcast_in_dim3A_454 : f32 to vector<16xf32>
      %swap3A_456 = arith.index_cast %add3A_445 : i32 to index
      %swap3A_457 = arith.constant 32 : index
      %swap3A_458 = tpu.vector_load %arg9[%swap3A_456, %swap3A_457] {strides = array<i32>} : memref<48x128xf32, #tpu.memory_space<vmem>>, vector<16xf32>,
      tpu.vector_store %arg9[%swap3A_456, %swap3A_457], %broadcast_in_dim3A_455 {strides = array<i32>} : memref<48x128xf32, #tpu.memory_space<vmem>>, vector<16xf32>,
      %broadcast_in_dim3A_459 = arith.constant 0.000000e+00 : f32
      %broadcast_in_dim3A_460 = vector.broadcast %broadcast_in_dim3A_459 : f32 to vector<16xf32>
      %swap3A_461 = arith.index_cast %add3A_445 : i32 to index
      %swap3A_462 = arith.constant 48 : index
      %swap3A_463 = tpu.vector_load %arg9[%swap3A_461, %swap3A_462] {strides = array<i32>} : memref<48x128xf32, #tpu.memory_space<vmem>>, vector<16xf32>,
      tpu.vector_store %arg9[%swap3A_461, %swap3A_462], %broadcast_in_dim3A_460 {strides = array<i32>} : memref<48x128xf32, #tpu.memory_space<vmem>>, vector<16xf32>,
      %broadcast_in_dim3A_464 = arith.constant 0.000000e+00 : f32
      %broadcast_in_dim3A_465 = vector.broadcast %broadcast_in_dim3A_464 : f32 to vector<16xf32>
      %swap3A_466 = arith.index_cast %add3A_445 : i32 to index
      %swap3A_467 = arith.constant 64 : index
      %swap3A_468 = tpu.vector_load %arg9[%swap3A_466, %swap3A_467] {strides = array<i32>} : memref<48x128xf32, #tpu.memory_space<vmem>>, vector<16xf32>,
      tpu.vector_store %arg9[%swap3A_466, %swap3A_467], %broadcast_in_dim3A_465 {strides = array<i32>} : memref<48x128xf32, #tpu.memory_space<vmem>>, vector<16xf32>,
      %broadcast_in_dim3A_469 = arith.constant 0.000000e+00 : f32
      %broadcast_in_dim3A_470 = vector.broadcast %broadcast_in_dim3A_469 : f32 to vector<16xf32>
      %swap3A_471 = arith.index_cast %add3A_445 : i32 to index
      %swap3A_472 = arith.constant 80 : index
      %swap3A_473 = tpu.vector_load %arg9[%swap3A_471, %swap3A_472] {strides = array<i32>} : memref<48x128xf32, #tpu.memory_space<vmem>>, vector<16xf32>,
      tpu.vector_store %arg9[%swap3A_471, %swap3A_472], %broadcast_in_dim3A_470 {strides = array<i32>} : memref<48x128xf32, #tpu.memory_space<vmem>>, vector<16xf32>,
      %broadcast_in_dim3A_474 = arith.constant 0.000000e+00 : f32
      %broadcast_in_dim3A_475 = vector.broadcast %broadcast_in_dim3A_474 : f32 to vector<16xf32>
      %swap3A_476 = arith.index_cast %add3A_445 : i32 to index
      %swap3A_477 = arith.constant 96 : index
      %swap3A_478 = tpu.vector_load %arg9[%swap3A_476, %swap3A_477] {strides = array<i32>} : memref<48x128xf32, #tpu.memory_space<vmem>>, vector<16xf32>,
      tpu.vector_store %arg9[%swap3A_476, %swap3A_477], %broadcast_in_dim3A_475 {strides = array<i32>} : memref<48x128xf32, #tpu.memory_space<vmem>>, vector<16xf32>,
      %broadcast_in_dim3A_479 = arith.constant 0.000000e+00 : f32
      %broadcast_in_dim3A_480 = vector.broadcast %broadcast_in_dim3A_479 : f32 to vector<16xf32>
      %swap3A_481 = arith.index_cast %add3A_445 : i32 to index
      %swap3A_482 = arith.constant 112 : index
      %swap3A_483 = tpu.vector_load %arg9[%swap3A_481, %swap3A_482] {strides = array<i32>} : memref<48x128xf32, #tpu.memory_space<vmem>>, vector<16xf32>,
      tpu.vector_store %arg9[%swap3A_481, %swap3A_482], %broadcast_in_dim3A_480 {strides = array<i32>} : memref<48x128xf32, #tpu.memory_space<vmem>>, vector<16xf32>,
    }
    %scan3A_11 = arith.constant 40 : i32
    %add3A_12 = arith.constant 0 : i32
    %add3A_13 = arith.addi %mul3A_2, %add3A_12 : i32
    %dma_start3A_14 = arith.constant 0 : i32
    %dma_start3A_15 = arith.constant 0 : i32
    %dma_start3A_16 = tpu.memref_slice %arg9[%dma_start3A_14, %dma_start3A_15] : memref<48x128xf32, #tpu.memory_space<vmem>> -> memref<40x128xf32, #tpu.memory_space<vmem>>
    %dma_start3A_17 = arith.constant 0 : i32
    %dma_start3A_18 = tpu.memref_slice %arg17[%add3A_13, %dma_start3A_17] : memref<10240x128xf32, #tpu.memory_space<vmem_shared>> -> memref<40x128xf32, #tpu.memory_space<vmem_shared>>
    %dma_start3A_19 = arith.constant 0 : i32
    %dma_start3A_20 = tpu.memref_slice %arg17[%add3A_13, %dma_start3A_19] : memref<10240x128xf32, #tpu.memory_space<vmem_shared>> -> memref<40x128xf32, #tpu.memory_space<vmem_shared>>
    %dma_start3A_21 = arith.constant 0 : i32
    %dma_start3A_22 = arith.constant 0 : i32
    %dma_start3A_23 = tpu.memref_slice %arg9[%dma_start3A_21, %dma_start3A_22] : memref<48x128xf32, #tpu.memory_space<vmem>> -> memref<40x128xf32, #tpu.memory_space<vmem>>
    tpu.enqueue_dma source(%dma_start3A_23 : memref<40x128xf32, #tpu.memory_space<vmem>>) target(%dma_start3A_20 : memref<40x128xf32, #tpu.memory_space<vmem_shared>>) target_semaphore(%arg19 : memref<!tpu.dma_semaphore, #tpu.memory_space<semaphore_mem>>)
    %add3A_24 = arith.constant 40 : i32
    %add3A_25 = arith.addi %mul3A_2, %add3A_24 : i32
    %dma_start3A_26 = arith.constant 0 : i32
    %dma_start3A_27 = arith.constant 0 : i32
    %dma_start3A_28 = tpu.memref_slice %arg9[%dma_start3A_26, %dma_start3A_27] : memref<48x128xf32, #tpu.memory_space<vmem>> -> memref<40x128xf32, #tpu.memory_space<vmem>>
    %dma_start3A_29 = arith.constant 0 : i32
    %dma_start3A_30 = tpu.memref_slice %arg17[%add3A_25, %dma_start3A_29] : memref<10240x128xf32, #tpu.memory_space<vmem_shared>> -> memref<40x128xf32, #tpu.memory_space<vmem_shared>>
    %dma_start3A_31 = arith.constant 0 : i32
    %dma_start3A_32 = tpu.memref_slice %arg17[%add3A_25, %dma_start3A_31] : memref<10240x128xf32, #tpu.memory_space<vmem_shared>> -> memref<40x128xf32, #tpu.memory_space<vmem_shared>>
    %dma_start3A_33 = arith.constant 0 : i32
    %dma_start3A_34 = arith.constant 0 : i32
    %dma_start3A_35 = tpu.memref_slice %arg9[%dma_start3A_33, %dma_start3A_34] : memref<48x128xf32, #tpu.memory_space<vmem>> -> memref<40x128xf32, #tpu.memory_space<vmem>>
    tpu.enqueue_dma source(%dma_start3A_35 : memref<40x128xf32, #tpu.memory_space<vmem>>) target(%dma_start3A_32 : memref<40x128xf32, #tpu.memory_space<vmem_shared>>) target_semaphore(%arg19 : memref<!tpu.dma_semaphore, #tpu.memory_space<semaphore_mem>>)
    %add3A_36 = arith.constant 80 : i32
    %add3A_37 = arith.addi %mul3A_2, %add3A_36 : i32
    %dma_start3A_38 = arith.constant 0 : i32
    %dma_start3A_39 = arith.constant 0 : i32
    %dma_start3A_40 = tpu.memref_slice %arg9[%dma_start3A_38, %dma_start3A_39] : memref<48x128xf32, #tpu.memory_space<vmem>> -> memref<40x128xf32, #tpu.memory_space<vmem>>
    %dma_start3A_41 = arith.constant 0 : i32
    %dma_start3A_42 = tpu.memref_slice %arg17[%add3A_37, %dma_start3A_41] : memref<10240x128xf32, #tpu.memory_space<vmem_shared>> -> memref<40x128xf32, #tpu.memory_space<vmem_shared>>
    %dma_start3A_43 = arith.constant 0 : i32
    %dma_start3A_44 = tpu.memref_slice %arg17[%add3A_37, %dma_start3A_43] : memref<10240x128xf32, #tpu.memory_space<vmem_shared>> -> memref<40x128xf32, #tpu.memory_space<vmem_shared>>
    %dma_start3A_45 = arith.constant 0 : i32
    %dma_start3A_46 = arith.constant 0 : i32
    %dma_start3A_47 = tpu.memref_slice %arg9[%dma_start3A_45, %dma_start3A_46] : memref<48x128xf32, #tpu.memory_space<vmem>> -> memref<40x128xf32, #tpu.memory_space<vmem>>
    tpu.enqueue_dma source(%dma_start3A_47 : memref<40x128xf32, #tpu.memory_space<vmem>>) target(%dma_start3A_44 : memref<40x128xf32, #tpu.memory_space<vmem_shared>>) target_semaphore(%arg19 : memref<!tpu.dma_semaphore, #tpu.memory_space<semaphore_mem>>)
    %add3A_48 = arith.constant 120 : i32
    %add3A_49 = arith.addi %mul3A_2, %add3A_48 : i32
    %dma_start3A_50 = arith.constant 0 : i32
    %dma_start3A_51 = arith.constant 0 : i32
    %dma_start3A_52 = tpu.memref_slice %arg9[%dma_start3A_50, %dma_start3A_51] : memref<48x128xf32, #tpu.memory_space<vmem>> -> memref<40x128xf32, #tpu.memory_space<vmem>>
    %dma_start3A_53 = arith.constant 0 : i32
    %dma_start3A_54 = tpu.memref_slice %arg17[%add3A_49, %dma_start3A_53] : memref<10240x128xf32, #tpu.memory_space<vmem_shared>> -> memref<40x128xf32, #tpu.memory_space<vmem_shared>>
    %dma_start3A_55 = arith.constant 0 : i32
    %dma_start3A_56 = tpu.memref_slice %arg17[%add3A_49, %dma_start3A_55] : memref<10240x128xf32, #tpu.memory_space<vmem_shared>> -> memref<40x128xf32, #tpu.memory_space<vmem_shared>>
    %dma_start3A_57 = arith.constant 0 : i32
    %dma_start3A_58 = arith.constant 0 : i32
    %dma_start3A_59 = tpu.memref_slice %arg9[%dma_start3A_57, %dma_start3A_58] : memref<48x128xf32, #tpu.memory_space<vmem>> -> memref<40x128xf32, #tpu.memory_space<vmem>>
    tpu.enqueue_dma source(%dma_start3A_59 : memref<40x128xf32, #tpu.memory_space<vmem>>) target(%dma_start3A_56 : memref<40x128xf32, #tpu.memory_space<vmem_shared>>) target_semaphore(%arg19 : memref<!tpu.dma_semaphore, #tpu.memory_space<semaphore_mem>>)
    %add3A_60 = arith.constant 160 : i32
    %add3A_61 = arith.addi %mul3A_2, %add3A_60 : i32
    %dma_start3A_62 = arith.constant 0 : i32
    %dma_start3A_63 = arith.constant 0 : i32
    %dma_start3A_64 = tpu.memref_slice %arg9[%dma_start3A_62, %dma_start3A_63] : memref<48x128xf32, #tpu.memory_space<vmem>> -> memref<40x128xf32, #tpu.memory_space<vmem>>
    %dma_start3A_65 = arith.constant 0 : i32
    %dma_start3A_66 = tpu.memref_slice %arg17[%add3A_61, %dma_start3A_65] : memref<10240x128xf32, #tpu.memory_space<vmem_shared>> -> memref<40x128xf32, #tpu.memory_space<vmem_shared>>
    %dma_start3A_67 = arith.constant 0 : i32
    %dma_start3A_68 = tpu.memref_slice %arg17[%add3A_61, %dma_start3A_67] : memref<10240x128xf32, #tpu.memory_space<vmem_shared>> -> memref<40x128xf32, #tpu.memory_space<vmem_shared>>
    %dma_start3A_69 = arith.constant 0 : i32
    %dma_start3A_70 = arith.constant 0 : i32
    %dma_start3A_71 = tpu.memref_slice %arg9[%dma_start3A_69, %dma_start3A_70] : memref<48x128xf32, #tpu.memory_space<vmem>> -> memref<40x128xf32, #tpu.memory_space<vmem>>
    tpu.enqueue_dma source(%dma_start3A_71 : memref<40x128xf32, #tpu.memory_space<vmem>>) target(%dma_start3A_68 : memref<40x128xf32, #tpu.memory_space<vmem_shared>>) target_semaphore(%arg19 : memref<!tpu.dma_semaphore, #tpu.memory_space<semaphore_mem>>)
    %add3A_72 = arith.constant 200 : i32
    %add3A_73 = arith.addi %mul3A_2, %add3A_72 : i32
    %dma_start3A_74 = arith.constant 0 : i32
    %dma_start3A_75 = arith.constant 0 : i32
    %dma_start3A_76 = tpu.memref_slice %arg9[%dma_start3A_74, %dma_start3A_75] : memref<48x128xf32, #tpu.memory_space<vmem>> -> memref<40x128xf32, #tpu.memory_space<vmem>>
    %dma_start3A_77 = arith.constant 0 : i32
    %dma_start3A_78 = tpu.memref_slice %arg17[%add3A_73, %dma_start3A_77] : memref<10240x128xf32, #tpu.memory_space<vmem_shared>> -> memref<40x128xf32, #tpu.memory_space<vmem_shared>>
    %dma_start3A_79 = arith.constant 0 : i32
    %dma_start3A_80 = tpu.memref_slice %arg17[%add3A_73, %dma_start3A_79] : memref<10240x128xf32, #tpu.memory_space<vmem_shared>> -> memref<40x128xf32, #tpu.memory_space<vmem_shared>>
    %dma_start3A_81 = arith.constant 0 : i32
    %dma_start3A_82 = arith.constant 0 : i32
    %dma_start3A_83 = tpu.memref_slice %arg9[%dma_start3A_81, %dma_start3A_82] : memref<48x128xf32, #tpu.memory_space<vmem>> -> memref<40x128xf32, #tpu.memory_space<vmem>>
    tpu.enqueue_dma source(%dma_start3A_83 : memref<40x128xf32, #tpu.memory_space<vmem>>) target(%dma_start3A_80 : memref<40x128xf32, #tpu.memory_space<vmem_shared>>) target_semaphore(%arg19 : memref<!tpu.dma_semaphore, #tpu.memory_space<semaphore_mem>>)
    %add3A_84 = arith.constant 240 : i32
    %add3A_85 = arith.addi %mul3A_2, %add3A_84 : i32
    %dma_start3A_86 = arith.constant 0 : i32
    %dma_start3A_87 = arith.constant 0 : i32
    %dma_start3A_88 = tpu.memref_slice %arg9[%dma_start3A_86, %dma_start3A_87] : memref<48x128xf32, #tpu.memory_space<vmem>> -> memref<40x128xf32, #tpu.memory_space<vmem>>
    %dma_start3A_89 = arith.constant 0 : i32
    %dma_start3A_90 = tpu.memref_slice %arg17[%add3A_85, %dma_start3A_89] : memref<10240x128xf32, #tpu.memory_space<vmem_shared>> -> memref<40x128xf32, #tpu.memory_space<vmem_shared>>
    %dma_start3A_91 = arith.constant 0 : i32
    %dma_start3A_92 = tpu.memref_slice %arg17[%add3A_85, %dma_start3A_91] : memref<10240x128xf32, #tpu.memory_space<vmem_shared>> -> memref<40x128xf32, #tpu.memory_space<vmem_shared>>
    %dma_start3A_93 = arith.constant 0 : i32
    %dma_start3A_94 = arith.constant 0 : i32
    %dma_start3A_95 = tpu.memref_slice %arg9[%dma_start3A_93, %dma_start3A_94] : memref<48x128xf32, #tpu.memory_space<vmem>> -> memref<40x128xf32, #tpu.memory_space<vmem>>
    tpu.enqueue_dma source(%dma_start3A_95 : memref<40x128xf32, #tpu.memory_space<vmem>>) target(%dma_start3A_92 : memref<40x128xf32, #tpu.memory_space<vmem_shared>>) target_semaphore(%arg19 : memref<!tpu.dma_semaphore, #tpu.memory_space<semaphore_mem>>)
    %add3A_96 = arith.constant 280 : i32
    %add3A_97 = arith.addi %mul3A_2, %add3A_96 : i32
    %dma_start3A_98 = arith.constant 0 : i32
    %dma_start3A_99 = arith.constant 0 : i32
    %dma_start3A_100 = tpu.memref_slice %arg9[%dma_start3A_98, %dma_start3A_99] : memref<48x128xf32, #tpu.memory_space<vmem>> -> memref<40x128xf32, #tpu.memory_space<vmem>>
    %dma_start3A_101 = arith.constant 0 : i32
    %dma_start3A_102 = tpu.memref_slice %arg17[%add3A_97, %dma_start3A_101] : memref<10240x128xf32, #tpu.memory_space<vmem_shared>> -> memref<40x128xf32, #tpu.memory_space<vmem_shared>>
    %dma_start3A_103 = arith.constant 0 : i32
    %dma_start3A_104 = tpu.memref_slice %arg17[%add3A_97, %dma_start3A_103] : memref<10240x128xf32, #tpu.memory_space<vmem_shared>> -> memref<40x128xf32, #tpu.memory_space<vmem_shared>>
    %dma_start3A_105 = arith.constant 0 : i32
    %dma_start3A_106 = arith.constant 0 : i32
    %dma_start3A_107 = tpu.memref_slice %arg9[%dma_start3A_105, %dma_start3A_106] : memref<48x128xf32, #tpu.memory_space<vmem>> -> memref<40x128xf32, #tpu.memory_space<vmem>>
    tpu.enqueue_dma source(%dma_start3A_107 : memref<40x128xf32, #tpu.memory_space<vmem>>) target(%dma_start3A_104 : memref<40x128xf32, #tpu.memory_space<vmem_shared>>) target_semaphore(%arg19 : memref<!tpu.dma_semaphore, #tpu.memory_space<semaphore_mem>>)
    %add3A_108 = arith.constant 320 : i32
    %add3A_109 = arith.addi %mul3A_2, %add3A_108 : i32
    %dma_start3A_110 = arith.constant 0 : i32
    %dma_start3A_111 = arith.constant 0 : i32
    %dma_start3A_112 = tpu.memref_slice %arg9[%dma_start3A_110, %dma_start3A_111] : memref<48x128xf32, #tpu.memory_space<vmem>> -> memref<40x128xf32, #tpu.memory_space<vmem>>
    %dma_start3A_113 = arith.constant 0 : i32
    %dma_start3A_114 = tpu.memref_slice %arg17[%add3A_109, %dma_start3A_113] : memref<10240x128xf32, #tpu.memory_space<vmem_shared>> -> memref<40x128xf32, #tpu.memory_space<vmem_shared>>
    %dma_start3A_115 = arith.constant 0 : i32
    %dma_start3A_116 = tpu.memref_slice %arg17[%add3A_109, %dma_start3A_115] : memref<10240x128xf32, #tpu.memory_space<vmem_shared>> -> memref<40x128xf32, #tpu.memory_space<vmem_shared>>
    %dma_start3A_117 = arith.constant 0 : i32
    %dma_start3A_118 = arith.constant 0 : i32
    %dma_start3A_119 = tpu.memref_slice %arg9[%dma_start3A_117, %dma_start3A_118] : memref<48x128xf32, #tpu.memory_space<vmem>> -> memref<40x128xf32, #tpu.memory_space<vmem>>
    tpu.enqueue_dma source(%dma_start3A_119 : memref<40x128xf32, #tpu.memory_space<vmem>>) target(%dma_start3A_116 : memref<40x128xf32, #tpu.memory_space<vmem_shared>>) target_semaphore(%arg19 : memref<!tpu.dma_semaphore, #tpu.memory_space<semaphore_mem>>)
    %add3A_120 = arith.constant 360 : i32
    %add3A_121 = arith.addi %mul3A_2, %add3A_120 : i32
    %dma_start3A_122 = arith.constant 0 : i32
    %dma_start3A_123 = arith.constant 0 : i32
    %dma_start3A_124 = tpu.memref_slice %arg9[%dma_start3A_122, %dma_start3A_123] : memref<48x128xf32, #tpu.memory_space<vmem>> -> memref<40x128xf32, #tpu.memory_space<vmem>>
    %dma_start3A_125 = arith.constant 0 : i32
    %dma_start3A_126 = tpu.memref_slice %arg17[%add3A_121, %dma_start3A_125] : memref<10240x128xf32, #tpu.memory_space<vmem_shared>> -> memref<40x128xf32, #tpu.memory_space<vmem_shared>>
    %dma_start3A_127 = arith.constant 0 : i32
    %dma_start3A_128 = tpu.memref_slice %arg17[%add3A_121, %dma_start3A_127] : memref<10240x128xf32, #tpu.memory_space<vmem_shared>> -> memref<40x128xf32, #tpu.memory_space<vmem_shared>>
    %dma_start3A_129 = arith.constant 0 : i32
    %dma_start3A_130 = arith.constant 0 : i32
    %dma_start3A_131 = tpu.memref_slice %arg9[%dma_start3A_129, %dma_start3A_130] : memref<48x128xf32, #tpu.memory_space<vmem>> -> memref<40x128xf32, #tpu.memory_space<vmem>>
    tpu.enqueue_dma source(%dma_start3A_131 : memref<40x128xf32, #tpu.memory_space<vmem>>) target(%dma_start3A_128 : memref<40x128xf32, #tpu.memory_space<vmem_shared>>) target_semaphore(%arg19 : memref<!tpu.dma_semaphore, #tpu.memory_space<semaphore_mem>>)
    %add3A_132 = arith.constant 400 : i32
    %add3A_133 = arith.addi %mul3A_2, %add3A_132 : i32
    %dma_start3A_134 = arith.constant 0 : i32
    %dma_start3A_135 = arith.constant 0 : i32
    %dma_start3A_136 = tpu.memref_slice %arg9[%dma_start3A_134, %dma_start3A_135] : memref<48x128xf32, #tpu.memory_space<vmem>> -> memref<40x128xf32, #tpu.memory_space<vmem>>
    %dma_start3A_137 = arith.constant 0 : i32
    %dma_start3A_138 = tpu.memref_slice %arg17[%add3A_133, %dma_start3A_137] : memref<10240x128xf32, #tpu.memory_space<vmem_shared>> -> memref<40x128xf32, #tpu.memory_space<vmem_shared>>
    %dma_start3A_139 = arith.constant 0 : i32
    %dma_start3A_140 = tpu.memref_slice %arg17[%add3A_133, %dma_start3A_139] : memref<10240x128xf32, #tpu.memory_space<vmem_shared>> -> memref<40x128xf32, #tpu.memory_space<vmem_shared>>
    %dma_start3A_141 = arith.constant 0 : i32
    %dma_start3A_142 = arith.constant 0 : i32
    %dma_start3A_143 = tpu.memref_slice %arg9[%dma_start3A_141, %dma_start3A_142] : memref<48x128xf32, #tpu.memory_space<vmem>> -> memref<40x128xf32, #tpu.memory_space<vmem>>
    tpu.enqueue_dma source(%dma_start3A_143 : memref<40x128xf32, #tpu.memory_space<vmem>>) target(%dma_start3A_140 : memref<40x128xf32, #tpu.memory_space<vmem_shared>>) target_semaphore(%arg19 : memref<!tpu.dma_semaphore, #tpu.memory_space<semaphore_mem>>)
    %add3A_144 = arith.constant 440 : i32
    %add3A_145 = arith.addi %mul3A_2, %add3A_144 : i32
    %dma_start3A_146 = arith.constant 0 : i32
    %dma_start3A_147 = arith.constant 0 : i32
    %dma_start3A_148 = tpu.memref_slice %arg9[%dma_start3A_146, %dma_start3A_147] : memref<48x128xf32, #tpu.memory_space<vmem>> -> memref<40x128xf32, #tpu.memory_space<vmem>>
    %dma_start3A_149 = arith.constant 0 : i32
    %dma_start3A_150 = tpu.memref_slice %arg17[%add3A_145, %dma_start3A_149] : memref<10240x128xf32, #tpu.memory_space<vmem_shared>> -> memref<40x128xf32, #tpu.memory_space<vmem_shared>>
    %dma_start3A_151 = arith.constant 0 : i32
    %dma_start3A_152 = tpu.memref_slice %arg17[%add3A_145, %dma_start3A_151] : memref<10240x128xf32, #tpu.memory_space<vmem_shared>> -> memref<40x128xf32, #tpu.memory_space<vmem_shared>>
    %dma_start3A_153 = arith.constant 0 : i32
    %dma_start3A_154 = arith.constant 0 : i32
    %dma_start3A_155 = tpu.memref_slice %arg9[%dma_start3A_153, %dma_start3A_154] : memref<48x128xf32, #tpu.memory_space<vmem>> -> memref<40x128xf32, #tpu.memory_space<vmem>>
    tpu.enqueue_dma source(%dma_start3A_155 : memref<40x128xf32, #tpu.memory_space<vmem>>) target(%dma_start3A_152 : memref<40x128xf32, #tpu.memory_space<vmem_shared>>) target_semaphore(%arg19 : memref<!tpu.dma_semaphore, #tpu.memory_space<semaphore_mem>>)
    %add3A_156 = arith.constant 480 : i32
    %add3A_157 = arith.addi %mul3A_2, %add3A_156 : i32
    %dma_start3A_158 = arith.constant 0 : i32
    %dma_start3A_159 = arith.constant 0 : i32
    %dma_start3A_160 = tpu.memref_slice %arg9[%dma_start3A_158, %dma_start3A_159] : memref<48x128xf32, #tpu.memory_space<vmem>> -> memref<40x128xf32, #tpu.memory_space<vmem>>
    %dma_start3A_161 = arith.constant 0 : i32
    %dma_start3A_162 = tpu.memref_slice %arg17[%add3A_157, %dma_start3A_161] : memref<10240x128xf32, #tpu.memory_space<vmem_shared>> -> memref<40x128xf32, #tpu.memory_space<vmem_shared>>
    %dma_start3A_163 = arith.constant 0 : i32
    %dma_start3A_164 = tpu.memref_slice %arg17[%add3A_157, %dma_start3A_163] : memref<10240x128xf32, #tpu.memory_space<vmem_shared>> -> memref<40x128xf32, #tpu.memory_space<vmem_shared>>
    %dma_start3A_165 = arith.constant 0 : i32
    %dma_start3A_166 = arith.constant 0 : i32
    %dma_start3A_167 = tpu.memref_slice %arg9[%dma_start3A_165, %dma_start3A_166] : memref<48x128xf32, #tpu.memory_space<vmem>> -> memref<40x128xf32, #tpu.memory_space<vmem>>
    tpu.enqueue_dma source(%dma_start3A_167 : memref<40x128xf32, #tpu.memory_space<vmem>>) target(%dma_start3A_164 : memref<40x128xf32, #tpu.memory_space<vmem_shared>>) target_semaphore(%arg19 : memref<!tpu.dma_semaphore, #tpu.memory_space<semaphore_mem>>)
    %add3A_168 = arith.constant 520 : i32
    %add3A_169 = arith.addi %mul3A_2, %add3A_168 : i32
    %dma_start3A_170 = arith.constant 0 : i32
    %dma_start3A_171 = arith.constant 0 : i32
    %dma_start3A_172 = tpu.memref_slice %arg9[%dma_start3A_170, %dma_start3A_171] : memref<48x128xf32, #tpu.memory_space<vmem>> -> memref<40x128xf32, #tpu.memory_space<vmem>>
    %dma_start3A_173 = arith.constant 0 : i32
    %dma_start3A_174 = tpu.memref_slice %arg17[%add3A_169, %dma_start3A_173] : memref<10240x128xf32, #tpu.memory_space<vmem_shared>> -> memref<40x128xf32, #tpu.memory_space<vmem_shared>>
    %dma_start3A_175 = arith.constant 0 : i32
    %dma_start3A_176 = tpu.memref_slice %arg17[%add3A_169, %dma_start3A_175] : memref<10240x128xf32, #tpu.memory_space<vmem_shared>> -> memref<40x128xf32, #tpu.memory_space<vmem_shared>>
    %dma_start3A_177 = arith.constant 0 : i32
    %dma_start3A_178 = arith.constant 0 : i32
    %dma_start3A_179 = tpu.memref_slice %arg9[%dma_start3A_177, %dma_start3A_178] : memref<48x128xf32, #tpu.memory_space<vmem>> -> memref<40x128xf32, #tpu.memory_space<vmem>>
    tpu.enqueue_dma source(%dma_start3A_179 : memref<40x128xf32, #tpu.memory_space<vmem>>) target(%dma_start3A_176 : memref<40x128xf32, #tpu.memory_space<vmem_shared>>) target_semaphore(%arg19 : memref<!tpu.dma_semaphore, #tpu.memory_space<semaphore_mem>>)
    %add3A_180 = arith.constant 560 : i32
    %add3A_181 = arith.addi %mul3A_2, %add3A_180 : i32
    %dma_start3A_182 = arith.constant 0 : i32
    %dma_start3A_183 = arith.constant 0 : i32
    %dma_start3A_184 = tpu.memref_slice %arg9[%dma_start3A_182, %dma_start3A_183] : memref<48x128xf32, #tpu.memory_space<vmem>> -> memref<40x128xf32, #tpu.memory_space<vmem>>
    %dma_start3A_185 = arith.constant 0 : i32
    %dma_start3A_186 = tpu.memref_slice %arg17[%add3A_181, %dma_start3A_185] : memref<10240x128xf32, #tpu.memory_space<vmem_shared>> -> memref<40x128xf32, #tpu.memory_space<vmem_shared>>
    %dma_start3A_187 = arith.constant 0 : i32
    %dma_start3A_188 = tpu.memref_slice %arg17[%add3A_181, %dma_start3A_187] : memref<10240x128xf32, #tpu.memory_space<vmem_shared>> -> memref<40x128xf32, #tpu.memory_space<vmem_shared>>
    %dma_start3A_189 = arith.constant 0 : i32
    %dma_start3A_190 = arith.constant 0 : i32
    %dma_start3A_191 = tpu.memref_slice %arg9[%dma_start3A_189, %dma_start3A_190] : memref<48x128xf32, #tpu.memory_space<vmem>> -> memref<40x128xf32, #tpu.memory_space<vmem>>
    tpu.enqueue_dma source(%dma_start3A_191 : memref<40x128xf32, #tpu.memory_space<vmem>>) target(%dma_start3A_188 : memref<40x128xf32, #tpu.memory_space<vmem_shared>>) target_semaphore(%arg19 : memref<!tpu.dma_semaphore, #tpu.memory_space<semaphore_mem>>)
    %add3A_192 = arith.constant 600 : i32
    %add3A_193 = arith.addi %mul3A_2, %add3A_192 : i32
    %dma_start3A_194 = arith.constant 0 : i32
    %dma_start3A_195 = arith.constant 0 : i32
    %dma_start3A_196 = tpu.memref_slice %arg9[%dma_start3A_194, %dma_start3A_195] : memref<48x128xf32, #tpu.memory_space<vmem>> -> memref<40x128xf32, #tpu.memory_space<vmem>>
    %dma_start3A_197 = arith.constant 0 : i32
    %dma_start3A_198 = tpu.memref_slice %arg17[%add3A_193, %dma_start3A_197] : memref<10240x128xf32, #tpu.memory_space<vmem_shared>> -> memref<40x128xf32, #tpu.memory_space<vmem_shared>>
    %dma_start3A_199 = arith.constant 0 : i32
    %dma_start3A_200 = tpu.memref_slice %arg17[%add3A_193, %dma_start3A_199] : memref<10240x128xf32, #tpu.memory_space<vmem_shared>> -> memref<40x128xf32, #tpu.memory_space<vmem_shared>>
    %dma_start3A_201 = arith.constant 0 : i32
    %dma_start3A_202 = arith.constant 0 : i32
    %dma_start3A_203 = tpu.memref_slice %arg9[%dma_start3A_201, %dma_start3A_202] : memref<48x128xf32, #tpu.memory_space<vmem>> -> memref<40x128xf32, #tpu.memory_space<vmem>>
    tpu.enqueue_dma source(%dma_start3A_203 : memref<40x128xf32, #tpu.memory_space<vmem>>) target(%dma_start3A_200 : memref<40x128xf32, #tpu.memory_space<vmem_shared>>) target_semaphore(%arg19 : memref<!tpu.dma_semaphore, #tpu.memory_space<semaphore_mem>>)
    %dma_wait3A = tpu.memref_slice %arg3[%mul3A_4] : memref<331776xi32, #tpu.memory_space<hbm>> -> memref<10368xi32, #tpu.memory_space<hbm>>
    %dma_wait3A_204 = tpu.memref_slice %arg3[%mul3A_4] : memref<331776xi32, #tpu.memory_space<hbm>> -> memref<10368xi32, #tpu.memory_space<hbm>>
    tpu.wait_dma2 semaphore(%arg18 : memref<!tpu.dma_semaphore, #tpu.memory_space<semaphore_mem>>) src(%dma_wait3A_204 : memref<10368xi32, #tpu.memory_space<hbm>>) dst(%arg7 : memref<10368xi32, #tpu.memory_space<vmem>>)
    %dma_wait3A_205 = tpu.memref_slice %arg4[%mul3A_4] : memref<331776xi32, #tpu.memory_space<hbm>> -> memref<10368xi32, #tpu.memory_space<hbm>>
    %dma_wait3A_206 = tpu.memref_slice %arg4[%mul3A_4] : memref<331776xi32, #tpu.memory_space<hbm>> -> memref<10368xi32, #tpu.memory_space<hbm>>
    tpu.wait_dma2 semaphore(%arg18 : memref<!tpu.dma_semaphore, #tpu.memory_space<semaphore_mem>>) src(%dma_wait3A_206 : memref<10368xi32, #tpu.memory_space<hbm>>) dst(%arg8 : memref<10368xi32, #tpu.memory_space<vmem>>)
    %dma_start3A_207 = arith.constant 48 : i32
    %dma_start3A_208 = tpu.memref_slice %arg7[%dma_start3A_207] : memref<10368xi32, #tpu.memory_space<vmem>> -> memref<48xi32, #tpu.memory_space<vmem>>
    %dma_start3A_209 = arith.constant 0 : i32
    %dma_start3A_210 = arith.constant 0 : i32
    %dma_start3A_211 = tpu.memref_slice %arg2[%dma_start3A_209, %dma_start3A_210] : memref<10240x128xf32, #tpu.memory_space<hbm>> -> memref<10240x128xf32, #tpu.memory_space<hbm>>
    tpu.enqueue_indirect_dma source(%dma_start3A_211 : memref<10240x128xf32, #tpu.memory_space<hbm>>) target(%arg10 : memref<48x128xf32, #tpu.memory_space<vmem>>) offsets(%dma_start3A_208 : memref<48xi32, #tpu.memory_space<vmem>>) semaphore(%arg21 : memref<!tpu.dma_semaphore, #tpu.memory_space<semaphore_mem>>)
    %add3A_212 = arith.constant 48 : i32
    %add3A_213 = arith.addi %mul3A_4, %add3A_212 : i32
    %dma_start3A_214 = tpu.memref_slice %arg5[%add3A_213] : memref<331776xf32, #tpu.memory_space<hbm>> -> memref<48xf32, #tpu.memory_space<hbm>>
    %dma_start3A_215 = tpu.memref_slice %arg5[%add3A_213] : memref<331776xf32, #tpu.memory_space<hbm>> -> memref<48xf32, #tpu.memory_space<hbm>>
    tpu.enqueue_dma source(%dma_start3A_215 : memref<48xf32, #tpu.memory_space<hbm>>) target(%arg14 : memref<48xf32, #tpu.memory_space<vmem>>) target_semaphore(%arg21 : memref<!tpu.dma_semaphore, #tpu.memory_space<semaphore_mem>>)
    %dma_start3A_216 = arith.constant 96 : i32
    %dma_start3A_217 = tpu.memref_slice %arg7[%dma_start3A_216] : memref<10368xi32, #tpu.memory_space<vmem>> -> memref<48xi32, #tpu.memory_space<vmem>>
    %dma_start3A_218 = arith.constant 0 : i32
    %dma_start3A_219 = arith.constant 0 : i32
    %dma_start3A_220 = tpu.memref_slice %arg2[%dma_start3A_218, %dma_start3A_219] : memref<10240x128xf32, #tpu.memory_space<hbm>> -> memref<10240x128xf32, #tpu.memory_space<hbm>>
    tpu.enqueue_indirect_dma source(%dma_start3A_220 : memref<10240x128xf32, #tpu.memory_space<hbm>>) target(%arg11 : memref<48x128xf32, #tpu.memory_space<vmem>>) offsets(%dma_start3A_217 : memref<48xi32, #tpu.memory_space<vmem>>) semaphore(%arg22 : memref<!tpu.dma_semaphore, #tpu.memory_space<semaphore_mem>>)
    %add3A_221 = arith.constant 96 : i32
    %add3A_222 = arith.addi %mul3A_4, %add3A_221 : i32
    %dma_start3A_223 = tpu.memref_slice %arg5[%add3A_222] : memref<331776xf32, #tpu.memory_space<hbm>> -> memref<48xf32, #tpu.memory_space<hbm>>
    %dma_start3A_224 = tpu.memref_slice %arg5[%add3A_222] : memref<331776xf32, #tpu.memory_space<hbm>> -> memref<48xf32, #tpu.memory_space<hbm>>
    tpu.enqueue_dma source(%dma_start3A_224 : memref<48xf32, #tpu.memory_space<hbm>>) target(%arg15 : memref<48xf32, #tpu.memory_space<vmem>>) target_semaphore(%arg22 : memref<!tpu.dma_semaphore, #tpu.memory_space<semaphore_mem>>)
    %dma_start3A_225 = arith.constant 144 : i32
    %dma_start3A_226 = tpu.memref_slice %arg7[%dma_start3A_225] : memref<10368xi32, #tpu.memory_space<vmem>> -> memref<48xi32, #tpu.memory_space<vmem>>
    %dma_start3A_227 = arith.constant 0 : i32
    %dma_start3A_228 = arith.constant 0 : i32
    %dma_start3A_229 = tpu.memref_slice %arg2[%dma_start3A_227, %dma_start3A_228] : memref<10240x128xf32, #tpu.memory_space<hbm>> -> memref<10240x128xf32, #tpu.memory_space<hbm>>
    tpu.enqueue_indirect_dma source(%dma_start3A_229 : memref<10240x128xf32, #tpu.memory_space<hbm>>) target(%arg12 : memref<48x128xf32, #tpu.memory_space<vmem>>) offsets(%dma_start3A_226 : memref<48xi32, #tpu.memory_space<vmem>>) semaphore(%arg23 : memref<!tpu.dma_semaphore, #tpu.memory_space<semaphore_mem>>)
    %add3A_230 = arith.constant 144 : i32
    %add3A_231 = arith.addi %mul3A_4, %add3A_230 : i32
    %dma_start3A_232 = tpu.memref_slice %arg5[%add3A_231] : memref<331776xf32, #tpu.memory_space<hbm>> -> memref<48xf32, #tpu.memory_space<hbm>>
    %dma_start3A_233 = tpu.memref_slice %arg5[%add3A_231] : memref<331776xf32, #tpu.memory_space<hbm>> -> memref<48xf32, #tpu.memory_space<hbm>>
    tpu.enqueue_dma source(%dma_start3A_233 : memref<48xf32, #tpu.memory_space<hbm>>) target(%arg16 : memref<48xf32, #tpu.memory_space<vmem>>) target_semaphore(%arg23 : memref<!tpu.dma_semaphore, #tpu.memory_space<semaphore_mem>>)
    %add3A_234 = arith.constant 0 : i32
    %add3A_235 = arith.addi %mul3A_2, %add3A_234 : i32
    %dma_wait3A_236 = arith.constant 0 : i32
    %dma_wait3A_237 = arith.constant 0 : i32
    %dma_wait3A_238 = tpu.memref_slice %arg9[%dma_wait3A_236, %dma_wait3A_237] : memref<48x128xf32, #tpu.memory_space<vmem>> -> memref<40x128xf32, #tpu.memory_space<vmem>>
    %dma_wait3A_239 = arith.constant 0 : i32
    %dma_wait3A_240 = tpu.memref_slice %arg17[%add3A_235, %dma_wait3A_239] : memref<10240x128xf32, #tpu.memory_space<vmem_shared>> -> memref<40x128xf32, #tpu.memory_space<vmem_shared>>
    %dma_wait3A_241 = arith.constant 0 : i32
    %dma_wait3A_242 = tpu.memref_slice %arg17[%add3A_235, %dma_wait3A_241] : memref<10240x128xf32, #tpu.memory_space<vmem_shared>> -> memref<40x128xf32, #tpu.memory_space<vmem_shared>>
    %dma_wait3A_243 = arith.constant 0 : i32
    %dma_wait3A_244 = arith.constant 0 : i32
    %dma_wait3A_245 = tpu.memref_slice %arg9[%dma_wait3A_243, %dma_wait3A_244] : memref<48x128xf32, #tpu.memory_space<vmem>> -> memref<40x128xf32, #tpu.memory_space<vmem>>
    tpu.wait_dma2 semaphore(%arg19 : memref<!tpu.dma_semaphore, #tpu.memory_space<semaphore_mem>>) src(%dma_wait3A_245 : memref<40x128xf32, #tpu.memory_space<vmem>>) dst(%dma_wait3A_242 : memref<40x128xf32, #tpu.memory_space<vmem_shared>>)
    %add3A_246 = arith.constant 40 : i32
    %add3A_247 = arith.addi %mul3A_2, %add3A_246 : i32
    %dma_wait3A_248 = arith.constant 0 : i32
    %dma_wait3A_249 = arith.constant 0 : i32
    %dma_wait3A_250 = tpu.memref_slice %arg9[%dma_wait3A_248, %dma_wait3A_249] : memref<48x128xf32, #tpu.memory_space<vmem>> -> memref<40x128xf32, #tpu.memory_space<vmem>>
    %dma_wait3A_251 = arith.constant 0 : i32
    %dma_wait3A_252 = tpu.memref_slice %arg17[%add3A_247, %dma_wait3A_251] : memref<10240x128xf32, #tpu.memory_space<vmem_shared>> -> memref<40x128xf32, #tpu.memory_space<vmem_shared>>
    %dma_wait3A_253 = arith.constant 0 : i32
    %dma_wait3A_254 = tpu.memref_slice %arg17[%add3A_247, %dma_wait3A_253] : memref<10240x128xf32, #tpu.memory_space<vmem_shared>> -> memref<40x128xf32, #tpu.memory_space<vmem_shared>>
    %dma_wait3A_255 = arith.constant 0 : i32
    %dma_wait3A_256 = arith.constant 0 : i32
    %dma_wait3A_257 = tpu.memref_slice %arg9[%dma_wait3A_255, %dma_wait3A_256] : memref<48x128xf32, #tpu.memory_space<vmem>> -> memref<40x128xf32, #tpu.memory_space<vmem>>
    tpu.wait_dma2 semaphore(%arg19 : memref<!tpu.dma_semaphore, #tpu.memory_space<semaphore_mem>>) src(%dma_wait3A_257 : memref<40x128xf32, #tpu.memory_space<vmem>>) dst(%dma_wait3A_254 : memref<40x128xf32, #tpu.memory_space<vmem_shared>>)
    %add3A_258 = arith.constant 80 : i32
    %add3A_259 = arith.addi %mul3A_2, %add3A_258 : i32
    %dma_wait3A_260 = arith.constant 0 : i32
    %dma_wait3A_261 = arith.constant 0 : i32
    %dma_wait3A_262 = tpu.memref_slice %arg9[%dma_wait3A_260, %dma_wait3A_261] : memref<48x128xf32, #tpu.memory_space<vmem>> -> memref<40x128xf32, #tpu.memory_space<vmem>>
    %dma_wait3A_263 = arith.constant 0 : i32
    %dma_wait3A_264 = tpu.memref_slice %arg17[%add3A_259, %dma_wait3A_263] : memref<10240x128xf32, #tpu.memory_space<vmem_shared>> -> memref<40x128xf32, #tpu.memory_space<vmem_shared>>
    %dma_wait3A_265 = arith.constant 0 : i32
    %dma_wait3A_266 = tpu.memref_slice %arg17[%add3A_259, %dma_wait3A_265] : memref<10240x128xf32, #tpu.memory_space<vmem_shared>> -> memref<40x128xf32, #tpu.memory_space<vmem_shared>>
    %dma_wait3A_267 = arith.constant 0 : i32
    %dma_wait3A_268 = arith.constant 0 : i32
    %dma_wait3A_269 = tpu.memref_slice %arg9[%dma_wait3A_267, %dma_wait3A_268] : memref<48x128xf32, #tpu.memory_space<vmem>> -> memref<40x128xf32, #tpu.memory_space<vmem>>
    tpu.wait_dma2 semaphore(%arg19 : memref<!tpu.dma_semaphore, #tpu.memory_space<semaphore_mem>>) src(%dma_wait3A_269 : memref<40x128xf32, #tpu.memory_space<vmem>>) dst(%dma_wait3A_266 : memref<40x128xf32, #tpu.memory_space<vmem_shared>>)
    %add3A_270 = arith.constant 120 : i32
    %add3A_271 = arith.addi %mul3A_2, %add3A_270 : i32
    %dma_wait3A_272 = arith.constant 0 : i32
    %dma_wait3A_273 = arith.constant 0 : i32
    %dma_wait3A_274 = tpu.memref_slice %arg9[%dma_wait3A_272, %dma_wait3A_273] : memref<48x128xf32, #tpu.memory_space<vmem>> -> memref<40x128xf32, #tpu.memory_space<vmem>>
    %dma_wait3A_275 = arith.constant 0 : i32
    %dma_wait3A_276 = tpu.memref_slice %arg17[%add3A_271, %dma_wait3A_275] : memref<10240x128xf32, #tpu.memory_space<vmem_shared>> -> memref<40x128xf32, #tpu.memory_space<vmem_shared>>
    %dma_wait3A_277 = arith.constant 0 : i32
    %dma_wait3A_278 = tpu.memref_slice %arg17[%add3A_271, %dma_wait3A_277] : memref<10240x128xf32, #tpu.memory_space<vmem_shared>> -> memref<40x128xf32, #tpu.memory_space<vmem_shared>>
    %dma_wait3A_279 = arith.constant 0 : i32
    %dma_wait3A_280 = arith.constant 0 : i32
    %dma_wait3A_281 = tpu.memref_slice %arg9[%dma_wait3A_279, %dma_wait3A_280] : memref<48x128xf32, #tpu.memory_space<vmem>> -> memref<40x128xf32, #tpu.memory_space<vmem>>
    tpu.wait_dma2 semaphore(%arg19 : memref<!tpu.dma_semaphore, #tpu.memory_space<semaphore_mem>>) src(%dma_wait3A_281 : memref<40x128xf32, #tpu.memory_space<vmem>>) dst(%dma_wait3A_278 : memref<40x128xf32, #tpu.memory_space<vmem_shared>>)
    %add3A_282 = arith.constant 160 : i32
    %add3A_283 = arith.addi %mul3A_2, %add3A_282 : i32
    %dma_wait3A_284 = arith.constant 0 : i32
    %dma_wait3A_285 = arith.constant 0 : i32
    %dma_wait3A_286 = tpu.memref_slice %arg9[%dma_wait3A_284, %dma_wait3A_285] : memref<48x128xf32, #tpu.memory_space<vmem>> -> memref<40x128xf32, #tpu.memory_space<vmem>>
    %dma_wait3A_287 = arith.constant 0 : i32
    %dma_wait3A_288 = tpu.memref_slice %arg17[%add3A_283, %dma_wait3A_287] : memref<10240x128xf32, #tpu.memory_space<vmem_shared>> -> memref<40x128xf32, #tpu.memory_space<vmem_shared>>
    %dma_wait3A_289 = arith.constant 0 : i32
    %dma_wait3A_290 = tpu.memref_slice %arg17[%add3A_283, %dma_wait3A_289] : memref<10240x128xf32, #tpu.memory_space<vmem_shared>> -> memref<40x128xf32, #tpu.memory_space<vmem_shared>>
    %dma_wait3A_291 = arith.constant 0 : i32
    %dma_wait3A_292 = arith.constant 0 : i32
    %dma_wait3A_293 = tpu.memref_slice %arg9[%dma_wait3A_291, %dma_wait3A_292] : memref<48x128xf32, #tpu.memory_space<vmem>> -> memref<40x128xf32, #tpu.memory_space<vmem>>
    tpu.wait_dma2 semaphore(%arg19 : memref<!tpu.dma_semaphore, #tpu.memory_space<semaphore_mem>>) src(%dma_wait3A_293 : memref<40x128xf32, #tpu.memory_space<vmem>>) dst(%dma_wait3A_290 : memref<40x128xf32, #tpu.memory_space<vmem_shared>>)
    %add3A_294 = arith.constant 200 : i32
    %add3A_295 = arith.addi %mul3A_2, %add3A_294 : i32
    %dma_wait3A_296 = arith.constant 0 : i32
    %dma_wait3A_297 = arith.constant 0 : i32
    %dma_wait3A_298 = tpu.memref_slice %arg9[%dma_wait3A_296, %dma_wait3A_297] : memref<48x128xf32, #tpu.memory_space<vmem>> -> memref<40x128xf32, #tpu.memory_space<vmem>>
    %dma_wait3A_299 = arith.constant 0 : i32
    %dma_wait3A_300 = tpu.memref_slice %arg17[%add3A_295, %dma_wait3A_299] : memref<10240x128xf32, #tpu.memory_space<vmem_shared>> -> memref<40x128xf32, #tpu.memory_space<vmem_shared>>
    %dma_wait3A_301 = arith.constant 0 : i32
    %dma_wait3A_302 = tpu.memref_slice %arg17[%add3A_295, %dma_wait3A_301] : memref<10240x128xf32, #tpu.memory_space<vmem_shared>> -> memref<40x128xf32, #tpu.memory_space<vmem_shared>>
    %dma_wait3A_303 = arith.constant 0 : i32
    %dma_wait3A_304 = arith.constant 0 : i32
    %dma_wait3A_305 = tpu.memref_slice %arg9[%dma_wait3A_303, %dma_wait3A_304] : memref<48x128xf32, #tpu.memory_space<vmem>> -> memref<40x128xf32, #tpu.memory_space<vmem>>
    tpu.wait_dma2 semaphore(%arg19 : memref<!tpu.dma_semaphore, #tpu.memory_space<semaphore_mem>>) src(%dma_wait3A_305 : memref<40x128xf32, #tpu.memory_space<vmem>>) dst(%dma_wait3A_302 : memref<40x128xf32, #tpu.memory_space<vmem_shared>>)
    %add3A_306 = arith.constant 240 : i32
    %add3A_307 = arith.addi %mul3A_2, %add3A_306 : i32
    %dma_wait3A_308 = arith.constant 0 : i32
    %dma_wait3A_309 = arith.constant 0 : i32
    %dma_wait3A_310 = tpu.memref_slice %arg9[%dma_wait3A_308, %dma_wait3A_309] : memref<48x128xf32, #tpu.memory_space<vmem>> -> memref<40x128xf32, #tpu.memory_space<vmem>>
    %dma_wait3A_311 = arith.constant 0 : i32
    %dma_wait3A_312 = tpu.memref_slice %arg17[%add3A_307, %dma_wait3A_311] : memref<10240x128xf32, #tpu.memory_space<vmem_shared>> -> memref<40x128xf32, #tpu.memory_space<vmem_shared>>
    %dma_wait3A_313 = arith.constant 0 : i32
    %dma_wait3A_314 = tpu.memref_slice %arg17[%add3A_307, %dma_wait3A_313] : memref<10240x128xf32, #tpu.memory_space<vmem_shared>> -> memref<40x128xf32, #tpu.memory_space<vmem_shared>>
    %dma_wait3A_315 = arith.constant 0 : i32
    %dma_wait3A_316 = arith.constant 0 : i32
    %dma_wait3A_317 = tpu.memref_slice %arg9[%dma_wait3A_315, %dma_wait3A_316] : memref<48x128xf32, #tpu.memory_space<vmem>> -> memref<40x128xf32, #tpu.memory_space<vmem>>
    tpu.wait_dma2 semaphore(%arg19 : memref<!tpu.dma_semaphore, #tpu.memory_space<semaphore_mem>>) src(%dma_wait3A_317 : memref<40x128xf32, #tpu.memory_space<vmem>>) dst(%dma_wait3A_314 : memref<40x128xf32, #tpu.memory_space<vmem_shared>>)
    %add3A_318 = arith.constant 280 : i32
    %add3A_319 = arith.addi %mul3A_2, %add3A_318 : i32
    %dma_wait3A_320 = arith.constant 0 : i32
    %dma_wait3A_321 = arith.constant 0 : i32
    %dma_wait3A_322 = tpu.memref_slice %arg9[%dma_wait3A_320, %dma_wait3A_321] : memref<48x128xf32, #tpu.memory_space<vmem>> -> memref<40x128xf32, #tpu.memory_space<vmem>>
    %dma_wait3A_323 = arith.constant 0 : i32
    %dma_wait3A_324 = tpu.memref_slice %arg17[%add3A_319, %dma_wait3A_323] : memref<10240x128xf32, #tpu.memory_space<vmem_shared>> -> memref<40x128xf32, #tpu.memory_space<vmem_shared>>
    %dma_wait3A_325 = arith.constant 0 : i32
    %dma_wait3A_326 = tpu.memref_slice %arg17[%add3A_319, %dma_wait3A_325] : memref<10240x128xf32, #tpu.memory_space<vmem_shared>> -> memref<40x128xf32, #tpu.memory_space<vmem_shared>>
    %dma_wait3A_327 = arith.constant 0 : i32
    %dma_wait3A_328 = arith.constant 0 : i32
    %dma_wait3A_329 = tpu.memref_slice %arg9[%dma_wait3A_327, %dma_wait3A_328] : memref<48x128xf32, #tpu.memory_space<vmem>> -> memref<40x128xf32, #tpu.memory_space<vmem>>
    tpu.wait_dma2 semaphore(%arg19 : memref<!tpu.dma_semaphore, #tpu.memory_space<semaphore_mem>>) src(%dma_wait3A_329 : memref<40x128xf32, #tpu.memory_space<vmem>>) dst(%dma_wait3A_326 : memref<40x128xf32, #tpu.memory_space<vmem_shared>>)
    %add3A_330 = arith.constant 320 : i32
    %add3A_331 = arith.addi %mul3A_2, %add3A_330 : i32
    %dma_wait3A_332 = arith.constant 0 : i32
    %dma_wait3A_333 = arith.constant 0 : i32
    %dma_wait3A_334 = tpu.memref_slice %arg9[%dma_wait3A_332, %dma_wait3A_333] : memref<48x128xf32, #tpu.memory_space<vmem>> -> memref<40x128xf32, #tpu.memory_space<vmem>>
    %dma_wait3A_335 = arith.constant 0 : i32
    %dma_wait3A_336 = tpu.memref_slice %arg17[%add3A_331, %dma_wait3A_335] : memref<10240x128xf32, #tpu.memory_space<vmem_shared>> -> memref<40x128xf32, #tpu.memory_space<vmem_shared>>
    %dma_wait3A_337 = arith.constant 0 : i32
    %dma_wait3A_338 = tpu.memref_slice %arg17[%add3A_331, %dma_wait3A_337] : memref<10240x128xf32, #tpu.memory_space<vmem_shared>> -> memref<40x128xf32, #tpu.memory_space<vmem_shared>>
    %dma_wait3A_339 = arith.constant 0 : i32
    %dma_wait3A_340 = arith.constant 0 : i32
    %dma_wait3A_341 = tpu.memref_slice %arg9[%dma_wait3A_339, %dma_wait3A_340] : memref<48x128xf32, #tpu.memory_space<vmem>> -> memref<40x128xf32, #tpu.memory_space<vmem>>
    tpu.wait_dma2 semaphore(%arg19 : memref<!tpu.dma_semaphore, #tpu.memory_space<semaphore_mem>>) src(%dma_wait3A_341 : memref<40x128xf32, #tpu.memory_space<vmem>>) dst(%dma_wait3A_338 : memref<40x128xf32, #tpu.memory_space<vmem_shared>>)
    %add3A_342 = arith.constant 360 : i32
    %add3A_343 = arith.addi %mul3A_2, %add3A_342 : i32
    %dma_wait3A_344 = arith.constant 0 : i32
    %dma_wait3A_345 = arith.constant 0 : i32
    %dma_wait3A_346 = tpu.memref_slice %arg9[%dma_wait3A_344, %dma_wait3A_345] : memref<48x128xf32, #tpu.memory_space<vmem>> -> memref<40x128xf32, #tpu.memory_space<vmem>>
    %dma_wait3A_347 = arith.constant 0 : i32
    %dma_wait3A_348 = tpu.memref_slice %arg17[%add3A_343, %dma_wait3A_347] : memref<10240x128xf32, #tpu.memory_space<vmem_shared>> -> memref<40x128xf32, #tpu.memory_space<vmem_shared>>
    %dma_wait3A_349 = arith.constant 0 : i32
    %dma_wait3A_350 = tpu.memref_slice %arg17[%add3A_343, %dma_wait3A_349] : memref<10240x128xf32, #tpu.memory_space<vmem_shared>> -> memref<40x128xf32, #tpu.memory_space<vmem_shared>>
    %dma_wait3A_351 = arith.constant 0 : i32
    %dma_wait3A_352 = arith.constant 0 : i32
    %dma_wait3A_353 = tpu.memref_slice %arg9[%dma_wait3A_351, %dma_wait3A_352] : memref<48x128xf32, #tpu.memory_space<vmem>> -> memref<40x128xf32, #tpu.memory_space<vmem>>
    tpu.wait_dma2 semaphore(%arg19 : memref<!tpu.dma_semaphore, #tpu.memory_space<semaphore_mem>>) src(%dma_wait3A_353 : memref<40x128xf32, #tpu.memory_space<vmem>>) dst(%dma_wait3A_350 : memref<40x128xf32, #tpu.memory_space<vmem_shared>>)
    %add3A_354 = arith.constant 400 : i32
    %add3A_355 = arith.addi %mul3A_2, %add3A_354 : i32
    %dma_wait3A_356 = arith.constant 0 : i32
    %dma_wait3A_357 = arith.constant 0 : i32
    %dma_wait3A_358 = tpu.memref_slice %arg9[%dma_wait3A_356, %dma_wait3A_357] : memref<48x128xf32, #tpu.memory_space<vmem>> -> memref<40x128xf32, #tpu.memory_space<vmem>>
    %dma_wait3A_359 = arith.constant 0 : i32
    %dma_wait3A_360 = tpu.memref_slice %arg17[%add3A_355, %dma_wait3A_359] : memref<10240x128xf32, #tpu.memory_space<vmem_shared>> -> memref<40x128xf32, #tpu.memory_space<vmem_shared>>
    %dma_wait3A_361 = arith.constant 0 : i32
    %dma_wait3A_362 = tpu.memref_slice %arg17[%add3A_355, %dma_wait3A_361] : memref<10240x128xf32, #tpu.memory_space<vmem_shared>> -> memref<40x128xf32, #tpu.memory_space<vmem_shared>>
    %dma_wait3A_363 = arith.constant 0 : i32
    %dma_wait3A_364 = arith.constant 0 : i32
    %dma_wait3A_365 = tpu.memref_slice %arg9[%dma_wait3A_363, %dma_wait3A_364] : memref<48x128xf32, #tpu.memory_space<vmem>> -> memref<40x128xf32, #tpu.memory_space<vmem>>
    tpu.wait_dma2 semaphore(%arg19 : memref<!tpu.dma_semaphore, #tpu.memory_space<semaphore_mem>>) src(%dma_wait3A_365 : memref<40x128xf32, #tpu.memory_space<vmem>>) dst(%dma_wait3A_362 : memref<40x128xf32, #tpu.memory_space<vmem_shared>>)
    %add3A_366 = arith.constant 440 : i32
    %add3A_367 = arith.addi %mul3A_2, %add3A_366 : i32
    %dma_wait3A_368 = arith.constant 0 : i32
    %dma_wait3A_369 = arith.constant 0 : i32
    %dma_wait3A_370 = tpu.memref_slice %arg9[%dma_wait3A_368, %dma_wait3A_369] : memref<48x128xf32, #tpu.memory_space<vmem>> -> memref<40x128xf32, #tpu.memory_space<vmem>>
    %dma_wait3A_371 = arith.constant 0 : i32
    %dma_wait3A_372 = tpu.memref_slice %arg17[%add3A_367, %dma_wait3A_371] : memref<10240x128xf32, #tpu.memory_space<vmem_shared>> -> memref<40x128xf32, #tpu.memory_space<vmem_shared>>
    %dma_wait3A_373 = arith.constant 0 : i32
    %dma_wait3A_374 = tpu.memref_slice %arg17[%add3A_367, %dma_wait3A_373] : memref<10240x128xf32, #tpu.memory_space<vmem_shared>> -> memref<40x128xf32, #tpu.memory_space<vmem_shared>>
    %dma_wait3A_375 = arith.constant 0 : i32
    %dma_wait3A_376 = arith.constant 0 : i32
    %dma_wait3A_377 = tpu.memref_slice %arg9[%dma_wait3A_375, %dma_wait3A_376] : memref<48x128xf32, #tpu.memory_space<vmem>> -> memref<40x128xf32, #tpu.memory_space<vmem>>
    tpu.wait_dma2 semaphore(%arg19 : memref<!tpu.dma_semaphore, #tpu.memory_space<semaphore_mem>>) src(%dma_wait3A_377 : memref<40x128xf32, #tpu.memory_space<vmem>>) dst(%dma_wait3A_374 : memref<40x128xf32, #tpu.memory_space<vmem_shared>>)
    %add3A_378 = arith.constant 480 : i32
    %add3A_379 = arith.addi %mul3A_2, %add3A_378 : i32
    %dma_wait3A_380 = arith.constant 0 : i32
    %dma_wait3A_381 = arith.constant 0 : i32
    %dma_wait3A_382 = tpu.memref_slice %arg9[%dma_wait3A_380, %dma_wait3A_381] : memref<48x128xf32, #tpu.memory_space<vmem>> -> memref<40x128xf32, #tpu.memory_space<vmem>>
    %dma_wait3A_383 = arith.constant 0 : i32
    %dma_wait3A_384 = tpu.memref_slice %arg17[%add3A_379, %dma_wait3A_383] : memref<10240x128xf32, #tpu.memory_space<vmem_shared>> -> memref<40x128xf32, #tpu.memory_space<vmem_shared>>
    %dma_wait3A_385 = arith.constant 0 : i32
    %dma_wait3A_386 = tpu.memref_slice %arg17[%add3A_379, %dma_wait3A_385] : memref<10240x128xf32, #tpu.memory_space<vmem_shared>> -> memref<40x128xf32, #tpu.memory_space<vmem_shared>>
    %dma_wait3A_387 = arith.constant 0 : i32
    %dma_wait3A_388 = arith.constant 0 : i32
    %dma_wait3A_389 = tpu.memref_slice %arg9[%dma_wait3A_387, %dma_wait3A_388] : memref<48x128xf32, #tpu.memory_space<vmem>> -> memref<40x128xf32, #tpu.memory_space<vmem>>
    tpu.wait_dma2 semaphore(%arg19 : memref<!tpu.dma_semaphore, #tpu.memory_space<semaphore_mem>>) src(%dma_wait3A_389 : memref<40x128xf32, #tpu.memory_space<vmem>>) dst(%dma_wait3A_386 : memref<40x128xf32, #tpu.memory_space<vmem_shared>>)
    %add3A_390 = arith.constant 520 : i32
    %add3A_391 = arith.addi %mul3A_2, %add3A_390 : i32
    %dma_wait3A_392 = arith.constant 0 : i32
    %dma_wait3A_393 = arith.constant 0 : i32
    %dma_wait3A_394 = tpu.memref_slice %arg9[%dma_wait3A_392, %dma_wait3A_393] : memref<48x128xf32, #tpu.memory_space<vmem>> -> memref<40x128xf32, #tpu.memory_space<vmem>>
    %dma_wait3A_395 = arith.constant 0 : i32
    %dma_wait3A_396 = tpu.memref_slice %arg17[%add3A_391, %dma_wait3A_395] : memref<10240x128xf32, #tpu.memory_space<vmem_shared>> -> memref<40x128xf32, #tpu.memory_space<vmem_shared>>
    %dma_wait3A_397 = arith.constant 0 : i32
    %dma_wait3A_398 = tpu.memref_slice %arg17[%add3A_391, %dma_wait3A_397] : memref<10240x128xf32, #tpu.memory_space<vmem_shared>> -> memref<40x128xf32, #tpu.memory_space<vmem_shared>>
    %dma_wait3A_399 = arith.constant 0 : i32
    %dma_wait3A_400 = arith.constant 0 : i32
    %dma_wait3A_401 = tpu.memref_slice %arg9[%dma_wait3A_399, %dma_wait3A_400] : memref<48x128xf32, #tpu.memory_space<vmem>> -> memref<40x128xf32, #tpu.memory_space<vmem>>
    tpu.wait_dma2 semaphore(%arg19 : memref<!tpu.dma_semaphore, #tpu.memory_space<semaphore_mem>>) src(%dma_wait3A_401 : memref<40x128xf32, #tpu.memory_space<vmem>>) dst(%dma_wait3A_398 : memref<40x128xf32, #tpu.memory_space<vmem_shared>>)
    %add3A_402 = arith.constant 560 : i32
    %add3A_403 = arith.addi %mul3A_2, %add3A_402 : i32
    %dma_wait3A_404 = arith.constant 0 : i32
    %dma_wait3A_405 = arith.constant 0 : i32
    %dma_wait3A_406 = tpu.memref_slice %arg9[%dma_wait3A_404, %dma_wait3A_405] : memref<48x128xf32, #tpu.memory_space<vmem>> -> memref<40x128xf32, #tpu.memory_space<vmem>>
    %dma_wait3A_407 = arith.constant 0 : i32
    %dma_wait3A_408 = tpu.memref_slice %arg17[%add3A_403, %dma_wait3A_407] : memref<10240x128xf32, #tpu.memory_space<vmem_shared>> -> memref<40x128xf32, #tpu.memory_space<vmem_shared>>
    %dma_wait3A_409 = arith.constant 0 : i32
    %dma_wait3A_410 = tpu.memref_slice %arg17[%add3A_403, %dma_wait3A_409] : memref<10240x128xf32, #tpu.memory_space<vmem_shared>> -> memref<40x128xf32, #tpu.memory_space<vmem_shared>>
    %dma_wait3A_411 = arith.constant 0 : i32
    %dma_wait3A_412 = arith.constant 0 : i32
    %dma_wait3A_413 = tpu.memref_slice %arg9[%dma_wait3A_411, %dma_wait3A_412] : memref<48x128xf32, #tpu.memory_space<vmem>> -> memref<40x128xf32, #tpu.memory_space<vmem>>
    tpu.wait_dma2 semaphore(%arg19 : memref<!tpu.dma_semaphore, #tpu.memory_space<semaphore_mem>>) src(%dma_wait3A_413 : memref<40x128xf32, #tpu.memory_space<vmem>>) dst(%dma_wait3A_410 : memref<40x128xf32, #tpu.memory_space<vmem_shared>>)
    %add3A_414 = arith.constant 600 : i32
    %add3A_415 = arith.addi %mul3A_2, %add3A_414 : i32
    %dma_wait3A_416 = arith.constant 0 : i32
    %dma_wait3A_417 = arith.constant 0 : i32
    %dma_wait3A_418 = tpu.memref_slice %arg9[%dma_wait3A_416, %dma_wait3A_417] : memref<48x128xf32, #tpu.memory_space<vmem>> -> memref<40x128xf32, #tpu.memory_space<vmem>>
    %dma_wait3A_419 = arith.constant 0 : i32
    %dma_wait3A_420 = tpu.memref_slice %arg17[%add3A_415, %dma_wait3A_419] : memref<10240x128xf32, #tpu.memory_space<vmem_shared>> -> memref<40x128xf32, #tpu.memory_space<vmem_shared>>
    %dma_wait3A_421 = arith.constant 0 : i32
    %dma_wait3A_422 = tpu.memref_slice %arg17[%add3A_415, %dma_wait3A_421] : memref<10240x128xf32, #tpu.memory_space<vmem_shared>> -> memref<40x128xf32, #tpu.memory_space<vmem_shared>>
    %dma_wait3A_423 = arith.constant 0 : i32
    %dma_wait3A_424 = arith.constant 0 : i32
    %dma_wait3A_425 = tpu.memref_slice %arg9[%dma_wait3A_423, %dma_wait3A_424] : memref<48x128xf32, #tpu.memory_space<vmem>> -> memref<40x128xf32, #tpu.memory_space<vmem>>
    tpu.wait_dma2 semaphore(%arg19 : memref<!tpu.dma_semaphore, #tpu.memory_space<semaphore_mem>>) src(%dma_wait3A_425 : memref<40x128xf32, #tpu.memory_space<vmem>>) dst(%dma_wait3A_422 : memref<40x128xf32, #tpu.memory_space<vmem_shared>>)
    %dma_start3A_426 = arith.constant 0 : i32
    %dma_start3A_427 = tpu.memref_slice %arg7[%dma_start3A_426] : memref<10368xi32, #tpu.memory_space<vmem>> -> memref<48xi32, #tpu.memory_space<vmem>>
    %dma_start3A_428 = arith.constant 0 : i32
    %dma_start3A_429 = arith.constant 0 : i32
    %dma_start3A_430 = tpu.memref_slice %arg2[%dma_start3A_428, %dma_start3A_429] : memref<10240x128xf32, #tpu.memory_space<hbm>> -> memref<10240x128xf32, #tpu.memory_space<hbm>>
    tpu.enqueue_indirect_dma source(%dma_start3A_430 : memref<10240x128xf32, #tpu.memory_space<hbm>>) target(%arg9 : memref<48x128xf32, #tpu.memory_space<vmem>>) offsets(%dma_start3A_427 : memref<48xi32, #tpu.memory_space<vmem>>) semaphore(%arg20 : memref<!tpu.dma_semaphore, #tpu.memory_space<semaphore_mem>>)
    %add3A_431 = arith.constant 0 : i32
    %add3A_432 = arith.addi %mul3A_4, %add3A_431 : i32
    %dma_start3A_433 = tpu.memref_slice %arg5[%add3A_432] : memref<331776xf32, #tpu.memory_space<hbm>> -> memref<48xf32, #tpu.memory_space<hbm>>
    %dma_start3A_434 = tpu.memref_slice %arg5[%add3A_432] : memref<331776xf32, #tpu.memory_space<hbm>> -> memref<48xf32, #tpu.memory_space<hbm>>
    tpu.enqueue_dma source(%dma_start3A_434 : memref<48xf32, #tpu.memory_space<hbm>>) target(%arg13 : memref<48xf32, #tpu.memory_space<vmem>>) target_semaphore(%arg20 : memref<!tpu.dma_semaphore, #tpu.memory_space<semaphore_mem>>)
    %barrier3A = arith.constant 0 : index
    tpu.barrier barrier_id(%barrier3A)
    %scan3A_435 = arith.constant 0 : i32
    %scan3A_436 = arith.constant 54 : i32
    %scan3A_437 = arith.addi %scan3A_435, %scan3A_436 : i32
    %scan3A_438 = arith.constant 1 : i32
    scf.for %scan3A_441 = %scan3A_435 to %scan3A_437 step %scan3A_438  : i32 {
      %mul3A_442 = arith.constant 4 : i32
      %mul3A_443 = arith.muli %scan3A_441, %mul3A_442 : i32
      %add3A_444 = arith.constant 0 : i32
      %add3A_445 = arith.addi %add3A_444, %mul3A_443 : i32
      %add3A_446 = arith.constant 0 : i32
      %add3A_447 = arith.addi %add3A_445, %add3A_446 : i32
      %mul3A_448 = arith.constant 48 : i32
      %mul3A_449 = arith.muli %add3A_447, %mul3A_448 : i32
      %dma_wait3A_450 = tpu.memref_slice %arg7[%mul3A_449] : memref<10368xi32, #tpu.memory_space<vmem>> -> memref<48xi32, #tpu.memory_space<vmem>>
      %dma_wait3A_451 = arith.constant 0 : i32
      %dma_wait3A_452 = arith.constant 0 : i32
      %dma_wait3A_453 = tpu.memref_slice %arg2[%dma_wait3A_451, %dma_wait3A_452] : memref<10240x128xf32, #tpu.memory_space<hbm>> -> memref<10240x128xf32, #tpu.memory_space<hbm>>
      tpu.wait_indirect_dma semaphore(%arg20 : memref<!tpu.dma_semaphore, #tpu.memory_space<semaphore_mem>>) src(%dma_wait3A_453 : memref<10240x128xf32, #tpu.memory_space<hbm>>) dst(%arg9 : memref<48x128xf32, #tpu.memory_space<vmem>>)
      %mul3A_454 = arith.constant 48 : i32
      %mul3A_455 = arith.muli %add3A_447, %mul3A_454 : i32
      %add3A_456 = arith.addi %mul3A_4, %mul3A_455 : i32
      %dma_wait3A_457 = tpu.memref_slice %arg5[%add3A_456] : memref<331776xf32, #tpu.memory_space<hbm>> -> memref<48xf32, #tpu.memory_space<hbm>>
      %dma_wait3A_458 = tpu.memref_slice %arg5[%add3A_456] : memref<331776xf32, #tpu.memory_space<hbm>> -> memref<48xf32, #tpu.memory_space<hbm>>
      tpu.wait_dma2 semaphore(%arg20 : memref<!tpu.dma_semaphore, #tpu.memory_space<semaphore_mem>>) src(%dma_wait3A_458 : memref<48xf32, #tpu.memory_space<hbm>>) dst(%arg13 : memref<48xf32, #tpu.memory_space<vmem>>)
      %parallel_loop3A = arith.constant 0 : i32
      %parallel_loop3A_459 = arith.constant 48 : i32
      %parallel_loop3A_460 = arith.constant 1 : i32
      scf.for %parallel_loop3A_590 = %parallel_loop3A to %parallel_loop3A_459 step %parallel_loop3A_460  : i32 {
        %parallel_loop3A_591 = vector.broadcast %parallel_loop3A_590 : i32 to vector<16xi32>
        %parallel_loop3A_592 = tpu.vector_load_idx %arg13[%parallel_loop3A_591] : memref<48xf32, #tpu.memory_space<vmem>>[vector<16xi32>], vector<16xf32>,
        %parallel_loop3A_593 = arith.index_cast %parallel_loop3A_590 : i32 to index
        %parallel_loop3A_594 = arith.constant 0 : index
        %parallel_loop3A_595 = tpu.vector_load %arg9[%parallel_loop3A_593, %parallel_loop3A_594] {strides = array<i32>} : memref<48x128xf32, #tpu.memory_space<vmem>>, vector<16xf32>,
        %parallel_loop3A_596 = arith.mulf %parallel_loop3A_595, %parallel_loop3A_592 : vector<16xf32>
        %parallel_loop3A_597 = arith.index_cast %parallel_loop3A_590 : i32 to index
        %parallel_loop3A_598 = arith.constant 0 : index
        %parallel_loop3A_599 = tpu.vector_load %arg9[%parallel_loop3A_597, %parallel_loop3A_598] {strides = array<i32>} : memref<48x128xf32, #tpu.memory_space<vmem>>, vector<16xf32>,
        tpu.vector_store %arg9[%parallel_loop3A_597, %parallel_loop3A_598], %parallel_loop3A_596 {strides = array<i32>} : memref<48x128xf32, #tpu.memory_space<vmem>>, vector<16xf32>,
        %parallel_loop3A_600 = arith.index_cast %parallel_loop3A_590 : i32 to index
        %parallel_loop3A_601 = arith.constant 16 : index
        %parallel_loop3A_602 = tpu.vector_load %arg9[%parallel_loop3A_600, %parallel_loop3A_601] {strides = array<i32>} : memref<48x128xf32, #tpu.memory_space<vmem>>, vector<16xf32>,
        %parallel_loop3A_603 = arith.mulf %parallel_loop3A_602, %parallel_loop3A_592 : vector<16xf32>
        %parallel_loop3A_604 = arith.index_cast %parallel_loop3A_590 : i32 to index
        %parallel_loop3A_605 = arith.constant 16 : index
        %parallel_loop3A_606 = tpu.vector_load %arg9[%parallel_loop3A_604, %parallel_loop3A_605] {strides = array<i32>} : memref<48x128xf32, #tpu.memory_space<vmem>>, vector<16xf32>,
        tpu.vector_store %arg9[%parallel_loop3A_604, %parallel_loop3A_605], %parallel_loop3A_603 {strides = array<i32>} : memref<48x128xf32, #tpu.memory_space<vmem>>, vector<16xf32>,
        %parallel_loop3A_607 = arith.index_cast %parallel_loop3A_590 : i32 to index
        %parallel_loop3A_608 = arith.constant 32 : index
        %parallel_loop3A_609 = tpu.vector_load %arg9[%parallel_loop3A_607, %parallel_loop3A_608] {strides = array<i32>} : memref<48x128xf32, #tpu.memory_space<vmem>>, vector<16xf32>,
        %parallel_loop3A_610 = arith.mulf %parallel_loop3A_609, %parallel_loop3A_592 : vector<16xf32>
        %parallel_loop3A_611 = arith.index_cast %parallel_loop3A_590 : i32 to index
        %parallel_loop3A_612 = arith.constant 32 : index
        %parallel_loop3A_613 = tpu.vector_load %arg9[%parallel_loop3A_611, %parallel_loop3A_612] {strides = array<i32>} : memref<48x128xf32, #tpu.memory_space<vmem>>, vector<16xf32>,
        tpu.vector_store %arg9[%parallel_loop3A_611, %parallel_loop3A_612], %parallel_loop3A_610 {strides = array<i32>} : memref<48x128xf32, #tpu.memory_space<vmem>>, vector<16xf32>,
        %parallel_loop3A_614 = arith.index_cast %parallel_loop3A_590 : i32 to index
        %parallel_loop3A_615 = arith.constant 48 : index
        %parallel_loop3A_616 = tpu.vector_load %arg9[%parallel_loop3A_614, %parallel_loop3A_615] {strides = array<i32>} : memref<48x128xf32, #tpu.memory_space<vmem>>, vector<16xf32>,
        %parallel_loop3A_617 = arith.mulf %parallel_loop3A_616, %parallel_loop3A_592 : vector<16xf32>
        %parallel_loop3A_618 = arith.index_cast %parallel_loop3A_590 : i32 to index
        %parallel_loop3A_619 = arith.constant 48 : index
        %parallel_loop3A_620 = tpu.vector_load %arg9[%parallel_loop3A_618, %parallel_loop3A_619] {strides = array<i32>} : memref<48x128xf32, #tpu.memory_space<vmem>>, vector<16xf32>,
        tpu.vector_store %arg9[%parallel_loop3A_618, %parallel_loop3A_619], %parallel_loop3A_617 {strides = array<i32>} : memref<48x128xf32, #tpu.memory_space<vmem>>, vector<16xf32>,
        %parallel_loop3A_621 = arith.index_cast %parallel_loop3A_590 : i32 to index
        %parallel_loop3A_622 = arith.constant 64 : index
        %parallel_loop3A_623 = tpu.vector_load %arg9[%parallel_loop3A_621, %parallel_loop3A_622] {strides = array<i32>} : memref<48x128xf32, #tpu.memory_space<vmem>>, vector<16xf32>,
        %parallel_loop3A_624 = arith.mulf %parallel_loop3A_623, %parallel_loop3A_592 : vector<16xf32>
        %parallel_loop3A_625 = arith.index_cast %parallel_loop3A_590 : i32 to index
        %parallel_loop3A_626 = arith.constant 64 : index
        %parallel_loop3A_627 = tpu.vector_load %arg9[%parallel_loop3A_625, %parallel_loop3A_626] {strides = array<i32>} : memref<48x128xf32, #tpu.memory_space<vmem>>, vector<16xf32>,
        tpu.vector_store %arg9[%parallel_loop3A_625, %parallel_loop3A_626], %parallel_loop3A_624 {strides = array<i32>} : memref<48x128xf32, #tpu.memory_space<vmem>>, vector<16xf32>,
        %parallel_loop3A_628 = arith.index_cast %parallel_loop3A_590 : i32 to index
        %parallel_loop3A_629 = arith.constant 80 : index
        %parallel_loop3A_630 = tpu.vector_load %arg9[%parallel_loop3A_628, %parallel_loop3A_629] {strides = array<i32>} : memref<48x128xf32, #tpu.memory_space<vmem>>, vector<16xf32>,
        %parallel_loop3A_631 = arith.mulf %parallel_loop3A_630, %parallel_loop3A_592 : vector<16xf32>
        %parallel_loop3A_632 = arith.index_cast %parallel_loop3A_590 : i32 to index
        %parallel_loop3A_633 = arith.constant 80 : index
        %parallel_loop3A_634 = tpu.vector_load %arg9[%parallel_loop3A_632, %parallel_loop3A_633] {strides = array<i32>} : memref<48x128xf32, #tpu.memory_space<vmem>>, vector<16xf32>,
        tpu.vector_store %arg9[%parallel_loop3A_632, %parallel_loop3A_633], %parallel_loop3A_631 {strides = array<i32>} : memref<48x128xf32, #tpu.memory_space<vmem>>, vector<16xf32>,
        %parallel_loop3A_635 = arith.index_cast %parallel_loop3A_590 : i32 to index
        %parallel_loop3A_636 = arith.constant 96 : index
        %parallel_loop3A_637 = tpu.vector_load %arg9[%parallel_loop3A_635, %parallel_loop3A_636] {strides = array<i32>} : memref<48x128xf32, #tpu.memory_space<vmem>>, vector<16xf32>,
        %parallel_loop3A_638 = arith.mulf %parallel_loop3A_637, %parallel_loop3A_592 : vector<16xf32>
        %parallel_loop3A_639 = arith.index_cast %parallel_loop3A_590 : i32 to index
        %parallel_loop3A_640 = arith.constant 96 : index
        %parallel_loop3A_641 = tpu.vector_load %arg9[%parallel_loop3A_639, %parallel_loop3A_640] {strides = array<i32>} : memref<48x128xf32, #tpu.memory_space<vmem>>, vector<16xf32>,
        tpu.vector_store %arg9[%parallel_loop3A_639, %parallel_loop3A_640], %parallel_loop3A_638 {strides = array<i32>} : memref<48x128xf32, #tpu.memory_space<vmem>>, vector<16xf32>,
        %parallel_loop3A_642 = arith.index_cast %parallel_loop3A_590 : i32 to index
        %parallel_loop3A_643 = arith.constant 112 : index
        %parallel_loop3A_644 = tpu.vector_load %arg9[%parallel_loop3A_642, %parallel_loop3A_643] {strides = array<i32>} : memref<48x128xf32, #tpu.memory_space<vmem>>, vector<16xf32>,
        %parallel_loop3A_645 = arith.mulf %parallel_loop3A_644, %parallel_loop3A_592 : vector<16xf32>
        %parallel_loop3A_646 = arith.index_cast %parallel_loop3A_590 : i32 to index
        %parallel_loop3A_647 = arith.constant 112 : index
        %parallel_loop3A_648 = tpu.vector_load %arg9[%parallel_loop3A_646, %parallel_loop3A_647] {strides = array<i32>} : memref<48x128xf32, #tpu.memory_space<vmem>>, vector<16xf32>,
        tpu.vector_store %arg9[%parallel_loop3A_646, %parallel_loop3A_647], %parallel_loop3A_645 {strides = array<i32>} : memref<48x128xf32, #tpu.memory_space<vmem>>, vector<16xf32>,
      } {sc.loop_unroll_factor = 4 : i64, sc.parallel_access}
      %mul3A_461 = arith.constant 48 : i32
      %mul3A_462 = arith.muli %add3A_447, %mul3A_461 : i32
      %dma_start3A_463 = tpu.memref_slice %arg8[%mul3A_462] : memref<10368xi32, #tpu.memory_space<vmem>> -> memref<48xi32, #tpu.memory_space<vmem>>
      %dma_start3A_464 = arith.constant 0 : i32
      %dma_start3A_465 = arith.constant 0 : i32
      %dma_start3A_466 = tpu.memref_slice %arg17[%dma_start3A_464, %dma_start3A_465] : memref<10240x128xf32, #tpu.memory_space<vmem_shared>> -> memref<10240x128xf32, #tpu.memory_space<vmem_shared>>
      tpu.enqueue_indirect_dma source(%arg9 : memref<48x128xf32, #tpu.memory_space<vmem>>) target(%dma_start3A_466 : memref<10240x128xf32, #tpu.memory_space<vmem_shared>>) offsets(%dma_start3A_463 : memref<48xi32, #tpu.memory_space<vmem>>) semaphore(%arg24 : memref<!tpu.dma_semaphore, #tpu.memory_space<semaphore_mem>>) {add = true}
      %add3A_467 = arith.constant 1 : i32
      %add3A_468 = arith.addi %add3A_445, %add3A_467 : i32
      %mul3A_469 = arith.constant 48 : i32
      %mul3A_470 = arith.muli %add3A_468, %mul3A_469 : i32
      %dma_wait3A_471 = tpu.memref_slice %arg7[%mul3A_470] : memref<10368xi32, #tpu.memory_space<vmem>> -> memref<48xi32, #tpu.memory_space<vmem>>
      %dma_wait3A_472 = arith.constant 0 : i32
      %dma_wait3A_473 = arith.constant 0 : i32
      %dma_wait3A_474 = tpu.memref_slice %arg2[%dma_wait3A_472, %dma_wait3A_473] : memref<10240x128xf32, #tpu.memory_space<hbm>> -> memref<10240x128xf32, #tpu.memory_space<hbm>>
      tpu.wait_indirect_dma semaphore(%arg21 : memref<!tpu.dma_semaphore, #tpu.memory_space<semaphore_mem>>) src(%dma_wait3A_474 : memref<10240x128xf32, #tpu.memory_space<hbm>>) dst(%arg10 : memref<48x128xf32, #tpu.memory_space<vmem>>)
      %mul3A_475 = arith.constant 48 : i32
      %mul3A_476 = arith.muli %add3A_468, %mul3A_475 : i32
      %add3A_477 = arith.addi %mul3A_4, %mul3A_476 : i32
      %dma_wait3A_478 = tpu.memref_slice %arg5[%add3A_477] : memref<331776xf32, #tpu.memory_space<hbm>> -> memref<48xf32, #tpu.memory_space<hbm>>
      %dma_wait3A_479 = tpu.memref_slice %arg5[%add3A_477] : memref<331776xf32, #tpu.memory_space<hbm>> -> memref<48xf32, #tpu.memory_space<hbm>>
      tpu.wait_dma2 semaphore(%arg21 : memref<!tpu.dma_semaphore, #tpu.memory_space<semaphore_mem>>) src(%dma_wait3A_479 : memref<48xf32, #tpu.memory_space<hbm>>) dst(%arg14 : memref<48xf32, #tpu.memory_space<vmem>>)
      %parallel_loop3A_480 = arith.constant 0 : i32
      %parallel_loop3A_481 = arith.constant 48 : i32
      %parallel_loop3A_482 = arith.constant 1 : i32
      scf.for %parallel_loop3A_590 = %parallel_loop3A_480 to %parallel_loop3A_481 step %parallel_loop3A_482  : i32 {
        %parallel_loop3A_591 = vector.broadcast %parallel_loop3A_590 : i32 to vector<16xi32>
        %parallel_loop3A_592 = tpu.vector_load_idx %arg14[%parallel_loop3A_591] : memref<48xf32, #tpu.memory_space<vmem>>[vector<16xi32>], vector<16xf32>,
        %parallel_loop3A_593 = arith.index_cast %parallel_loop3A_590 : i32 to index
        %parallel_loop3A_594 = arith.constant 0 : index
        %parallel_loop3A_595 = tpu.vector_load %arg10[%parallel_loop3A_593, %parallel_loop3A_594] {strides = array<i32>} : memref<48x128xf32, #tpu.memory_space<vmem>>, vector<16xf32>,
        %parallel_loop3A_596 = arith.mulf %parallel_loop3A_595, %parallel_loop3A_592 : vector<16xf32>
        %parallel_loop3A_597 = arith.index_cast %parallel_loop3A_590 : i32 to index
        %parallel_loop3A_598 = arith.constant 0 : index
        %parallel_loop3A_599 = tpu.vector_load %arg10[%parallel_loop3A_597, %parallel_loop3A_598] {strides = array<i32>} : memref<48x128xf32, #tpu.memory_space<vmem>>, vector<16xf32>,
        tpu.vector_store %arg10[%parallel_loop3A_597, %parallel_loop3A_598], %parallel_loop3A_596 {strides = array<i32>} : memref<48x128xf32, #tpu.memory_space<vmem>>, vector<16xf32>,
        %parallel_loop3A_600 = arith.index_cast %parallel_loop3A_590 : i32 to index
        %parallel_loop3A_601 = arith.constant 16 : index
        %parallel_loop3A_602 = tpu.vector_load %arg10[%parallel_loop3A_600, %parallel_loop3A_601] {strides = array<i32>} : memref<48x128xf32, #tpu.memory_space<vmem>>, vector<16xf32>,
        %parallel_loop3A_603 = arith.mulf %parallel_loop3A_602, %parallel_loop3A_592 : vector<16xf32>
        %parallel_loop3A_604 = arith.index_cast %parallel_loop3A_590 : i32 to index
        %parallel_loop3A_605 = arith.constant 16 : index
        %parallel_loop3A_606 = tpu.vector_load %arg10[%parallel_loop3A_604, %parallel_loop3A_605] {strides = array<i32>} : memref<48x128xf32, #tpu.memory_space<vmem>>, vector<16xf32>,
        tpu.vector_store %arg10[%parallel_loop3A_604, %parallel_loop3A_605], %parallel_loop3A_603 {strides = array<i32>} : memref<48x128xf32, #tpu.memory_space<vmem>>, vector<16xf32>,
        %parallel_loop3A_607 = arith.index_cast %parallel_loop3A_590 : i32 to index
        %parallel_loop3A_608 = arith.constant 32 : index
        %parallel_loop3A_609 = tpu.vector_load %arg10[%parallel_loop3A_607, %parallel_loop3A_608] {strides = array<i32>} : memref<48x128xf32, #tpu.memory_space<vmem>>, vector<16xf32>,
        %parallel_loop3A_610 = arith.mulf %parallel_loop3A_609, %parallel_loop3A_592 : vector<16xf32>
        %parallel_loop3A_611 = arith.index_cast %parallel_loop3A_590 : i32 to index
        %parallel_loop3A_612 = arith.constant 32 : index
        %parallel_loop3A_613 = tpu.vector_load %arg10[%parallel_loop3A_611, %parallel_loop3A_612] {strides = array<i32>} : memref<48x128xf32, #tpu.memory_space<vmem>>, vector<16xf32>,
        tpu.vector_store %arg10[%parallel_loop3A_611, %parallel_loop3A_612], %parallel_loop3A_610 {strides = array<i32>} : memref<48x128xf32, #tpu.memory_space<vmem>>, vector<16xf32>,
        %parallel_loop3A_614 = arith.index_cast %parallel_loop3A_590 : i32 to index
        %parallel_loop3A_615 = arith.constant 48 : index
        %parallel_loop3A_616 = tpu.vector_load %arg10[%parallel_loop3A_614, %parallel_loop3A_615] {strides = array<i32>} : memref<48x128xf32, #tpu.memory_space<vmem>>, vector<16xf32>,
        %parallel_loop3A_617 = arith.mulf %parallel_loop3A_616, %parallel_loop3A_592 : vector<16xf32>
        %parallel_loop3A_618 = arith.index_cast %parallel_loop3A_590 : i32 to index
        %parallel_loop3A_619 = arith.constant 48 : index
        %parallel_loop3A_620 = tpu.vector_load %arg10[%parallel_loop3A_618, %parallel_loop3A_619] {strides = array<i32>} : memref<48x128xf32, #tpu.memory_space<vmem>>, vector<16xf32>,
        tpu.vector_store %arg10[%parallel_loop3A_618, %parallel_loop3A_619], %parallel_loop3A_617 {strides = array<i32>} : memref<48x128xf32, #tpu.memory_space<vmem>>, vector<16xf32>,
        %parallel_loop3A_621 = arith.index_cast %parallel_loop3A_590 : i32 to index
        %parallel_loop3A_622 = arith.constant 64 : index
        %parallel_loop3A_623 = tpu.vector_load %arg10[%parallel_loop3A_621, %parallel_loop3A_622] {strides = array<i32>} : memref<48x128xf32, #tpu.memory_space<vmem>>, vector<16xf32>,
        %parallel_loop3A_624 = arith.mulf %parallel_loop3A_623, %parallel_loop3A_592 : vector<16xf32>
        %parallel_loop3A_625 = arith.index_cast %parallel_loop3A_590 : i32 to index
        %parallel_loop3A_626 = arith.constant 64 : index
        %parallel_loop3A_627 = tpu.vector_load %arg10[%parallel_loop3A_625, %parallel_loop3A_626] {strides = array<i32>} : memref<48x128xf32, #tpu.memory_space<vmem>>, vector<16xf32>,
        tpu.vector_store %arg10[%parallel_loop3A_625, %parallel_loop3A_626], %parallel_loop3A_624 {strides = array<i32>} : memref<48x128xf32, #tpu.memory_space<vmem>>, vector<16xf32>,
        %parallel_loop3A_628 = arith.index_cast %parallel_loop3A_590 : i32 to index
        %parallel_loop3A_629 = arith.constant 80 : index
        %parallel_loop3A_630 = tpu.vector_load %arg10[%parallel_loop3A_628, %parallel_loop3A_629] {strides = array<i32>} : memref<48x128xf32, #tpu.memory_space<vmem>>, vector<16xf32>,
        %parallel_loop3A_631 = arith.mulf %parallel_loop3A_630, %parallel_loop3A_592 : vector<16xf32>
        %parallel_loop3A_632 = arith.index_cast %parallel_loop3A_590 : i32 to index
        %parallel_loop3A_633 = arith.constant 80 : index
        %parallel_loop3A_634 = tpu.vector_load %arg10[%parallel_loop3A_632, %parallel_loop3A_633] {strides = array<i32>} : memref<48x128xf32, #tpu.memory_space<vmem>>, vector<16xf32>,
        tpu.vector_store %arg10[%parallel_loop3A_632, %parallel_loop3A_633], %parallel_loop3A_631 {strides = array<i32>} : memref<48x128xf32, #tpu.memory_space<vmem>>, vector<16xf32>,
        %parallel_loop3A_635 = arith.index_cast %parallel_loop3A_590 : i32 to index
        %parallel_loop3A_636 = arith.constant 96 : index
        %parallel_loop3A_637 = tpu.vector_load %arg10[%parallel_loop3A_635, %parallel_loop3A_636] {strides = array<i32>} : memref<48x128xf32, #tpu.memory_space<vmem>>, vector<16xf32>,
        %parallel_loop3A_638 = arith.mulf %parallel_loop3A_637, %parallel_loop3A_592 : vector<16xf32>
        %parallel_loop3A_639 = arith.index_cast %parallel_loop3A_590 : i32 to index
        %parallel_loop3A_640 = arith.constant 96 : index
        %parallel_loop3A_641 = tpu.vector_load %arg10[%parallel_loop3A_639, %parallel_loop3A_640] {strides = array<i32>} : memref<48x128xf32, #tpu.memory_space<vmem>>, vector<16xf32>,
        tpu.vector_store %arg10[%parallel_loop3A_639, %parallel_loop3A_640], %parallel_loop3A_638 {strides = array<i32>} : memref<48x128xf32, #tpu.memory_space<vmem>>, vector<16xf32>,
        %parallel_loop3A_642 = arith.index_cast %parallel_loop3A_590 : i32 to index
        %parallel_loop3A_643 = arith.constant 112 : index
        %parallel_loop3A_644 = tpu.vector_load %arg10[%parallel_loop3A_642, %parallel_loop3A_643] {strides = array<i32>} : memref<48x128xf32, #tpu.memory_space<vmem>>, vector<16xf32>,
        %parallel_loop3A_645 = arith.mulf %parallel_loop3A_644, %parallel_loop3A_592 : vector<16xf32>
        %parallel_loop3A_646 = arith.index_cast %parallel_loop3A_590 : i32 to index
        %parallel_loop3A_647 = arith.constant 112 : index
        %parallel_loop3A_648 = tpu.vector_load %arg10[%parallel_loop3A_646, %parallel_loop3A_647] {strides = array<i32>} : memref<48x128xf32, #tpu.memory_space<vmem>>, vector<16xf32>,
        tpu.vector_store %arg10[%parallel_loop3A_646, %parallel_loop3A_647], %parallel_loop3A_645 {strides = array<i32>} : memref<48x128xf32, #tpu.memory_space<vmem>>, vector<16xf32>,
      } {sc.loop_unroll_factor = 4 : i64, sc.parallel_access}
      %mul3A_483 = arith.constant 48 : i32
      %mul3A_484 = arith.muli %add3A_468, %mul3A_483 : i32
      %dma_start3A_485 = tpu.memref_slice %arg8[%mul3A_484] : memref<10368xi32, #tpu.memory_space<vmem>> -> memref<48xi32, #tpu.memory_space<vmem>>
      %dma_start3A_486 = arith.constant 0 : i32
      %dma_start3A_487 = arith.constant 0 : i32
      %dma_start3A_488 = tpu.memref_slice %arg17[%dma_start3A_486, %dma_start3A_487] : memref<10240x128xf32, #tpu.memory_space<vmem_shared>> -> memref<10240x128xf32, #tpu.memory_space<vmem_shared>>
      tpu.enqueue_indirect_dma source(%arg10 : memref<48x128xf32, #tpu.memory_space<vmem>>) target(%dma_start3A_488 : memref<10240x128xf32, #tpu.memory_space<vmem_shared>>) offsets(%dma_start3A_485 : memref<48xi32, #tpu.memory_space<vmem>>) semaphore(%arg25 : memref<!tpu.dma_semaphore, #tpu.memory_space<semaphore_mem>>) {add = true}
      %add3A_489 = arith.constant 2 : i32
      %add3A_490 = arith.addi %add3A_445, %add3A_489 : i32
      %mul3A_491 = arith.constant 48 : i32
      %mul3A_492 = arith.muli %add3A_490, %mul3A_491 : i32
      %dma_wait3A_493 = tpu.memref_slice %arg7[%mul3A_492] : memref<10368xi32, #tpu.memory_space<vmem>> -> memref<48xi32, #tpu.memory_space<vmem>>
      %dma_wait3A_494 = arith.constant 0 : i32
      %dma_wait3A_495 = arith.constant 0 : i32
      %dma_wait3A_496 = tpu.memref_slice %arg2[%dma_wait3A_494, %dma_wait3A_495] : memref<10240x128xf32, #tpu.memory_space<hbm>> -> memref<10240x128xf32, #tpu.memory_space<hbm>>
      tpu.wait_indirect_dma semaphore(%arg22 : memref<!tpu.dma_semaphore, #tpu.memory_space<semaphore_mem>>) src(%dma_wait3A_496 : memref<10240x128xf32, #tpu.memory_space<hbm>>) dst(%arg11 : memref<48x128xf32, #tpu.memory_space<vmem>>)
      %mul3A_497 = arith.constant 48 : i32
      %mul3A_498 = arith.muli %add3A_490, %mul3A_497 : i32
      %add3A_499 = arith.addi %mul3A_4, %mul3A_498 : i32
      %dma_wait3A_500 = tpu.memref_slice %arg5[%add3A_499] : memref<331776xf32, #tpu.memory_space<hbm>> -> memref<48xf32, #tpu.memory_space<hbm>>
      %dma_wait3A_501 = tpu.memref_slice %arg5[%add3A_499] : memref<331776xf32, #tpu.memory_space<hbm>> -> memref<48xf32, #tpu.memory_space<hbm>>
      tpu.wait_dma2 semaphore(%arg22 : memref<!tpu.dma_semaphore, #tpu.memory_space<semaphore_mem>>) src(%dma_wait3A_501 : memref<48xf32, #tpu.memory_space<hbm>>) dst(%arg15 : memref<48xf32, #tpu.memory_space<vmem>>)
      %parallel_loop3A_502 = arith.constant 0 : i32
      %parallel_loop3A_503 = arith.constant 48 : i32
      %parallel_loop3A_504 = arith.constant 1 : i32
      scf.for %parallel_loop3A_590 = %parallel_loop3A_502 to %parallel_loop3A_503 step %parallel_loop3A_504  : i32 {
        %parallel_loop3A_591 = vector.broadcast %parallel_loop3A_590 : i32 to vector<16xi32>
        %parallel_loop3A_592 = tpu.vector_load_idx %arg15[%parallel_loop3A_591] : memref<48xf32, #tpu.memory_space<vmem>>[vector<16xi32>], vector<16xf32>,
        %parallel_loop3A_593 = arith.index_cast %parallel_loop3A_590 : i32 to index
        %parallel_loop3A_594 = arith.constant 0 : index
        %parallel_loop3A_595 = tpu.vector_load %arg11[%parallel_loop3A_593, %parallel_loop3A_594] {strides = array<i32>} : memref<48x128xf32, #tpu.memory_space<vmem>>, vector<16xf32>,
        %parallel_loop3A_596 = arith.mulf %parallel_loop3A_595, %parallel_loop3A_592 : vector<16xf32>
        %parallel_loop3A_597 = arith.index_cast %parallel_loop3A_590 : i32 to index
        %parallel_loop3A_598 = arith.constant 0 : index
        %parallel_loop3A_599 = tpu.vector_load %arg11[%parallel_loop3A_597, %parallel_loop3A_598] {strides = array<i32>} : memref<48x128xf32, #tpu.memory_space<vmem>>, vector<16xf32>,
        tpu.vector_store %arg11[%parallel_loop3A_597, %parallel_loop3A_598], %parallel_loop3A_596 {strides = array<i32>} : memref<48x128xf32, #tpu.memory_space<vmem>>, vector<16xf32>,
        %parallel_loop3A_600 = arith.index_cast %parallel_loop3A_590 : i32 to index
        %parallel_loop3A_601 = arith.constant 16 : index
        %parallel_loop3A_602 = tpu.vector_load %arg11[%parallel_loop3A_600, %parallel_loop3A_601] {strides = array<i32>} : memref<48x128xf32, #tpu.memory_space<vmem>>, vector<16xf32>,
        %parallel_loop3A_603 = arith.mulf %parallel_loop3A_602, %parallel_loop3A_592 : vector<16xf32>
        %parallel_loop3A_604 = arith.index_cast %parallel_loop3A_590 : i32 to index
        %parallel_loop3A_605 = arith.constant 16 : index
        %parallel_loop3A_606 = tpu.vector_load %arg11[%parallel_loop3A_604, %parallel_loop3A_605] {strides = array<i32>} : memref<48x128xf32, #tpu.memory_space<vmem>>, vector<16xf32>,
        tpu.vector_store %arg11[%parallel_loop3A_604, %parallel_loop3A_605], %parallel_loop3A_603 {strides = array<i32>} : memref<48x128xf32, #tpu.memory_space<vmem>>, vector<16xf32>,
        %parallel_loop3A_607 = arith.index_cast %parallel_loop3A_590 : i32 to index
        %parallel_loop3A_608 = arith.constant 32 : index
        %parallel_loop3A_609 = tpu.vector_load %arg11[%parallel_loop3A_607, %parallel_loop3A_608] {strides = array<i32>} : memref<48x128xf32, #tpu.memory_space<vmem>>, vector<16xf32>,
        %parallel_loop3A_610 = arith.mulf %parallel_loop3A_609, %parallel_loop3A_592 : vector<16xf32>
        %parallel_loop3A_611 = arith.index_cast %parallel_loop3A_590 : i32 to index
        %parallel_loop3A_612 = arith.constant 32 : index
        %parallel_loop3A_613 = tpu.vector_load %arg11[%parallel_loop3A_611, %parallel_loop3A_612] {strides = array<i32>} : memref<48x128xf32, #tpu.memory_space<vmem>>, vector<16xf32>,
        tpu.vector_store %arg11[%parallel_loop3A_611, %parallel_loop3A_612], %parallel_loop3A_610 {strides = array<i32>} : memref<48x128xf32, #tpu.memory_space<vmem>>, vector<16xf32>,
        %parallel_loop3A_614 = arith.index_cast %parallel_loop3A_590 : i32 to index
        %parallel_loop3A_615 = arith.constant 48 : index
        %parallel_loop3A_616 = tpu.vector_load %arg11[%parallel_loop3A_614, %parallel_loop3A_615] {strides = array<i32>} : memref<48x128xf32, #tpu.memory_space<vmem>>, vector<16xf32>,
        %parallel_loop3A_617 = arith.mulf %parallel_loop3A_616, %parallel_loop3A_592 : vector<16xf32>
        %parallel_loop3A_618 = arith.index_cast %parallel_loop3A_590 : i32 to index
        %parallel_loop3A_619 = arith.constant 48 : index
        %parallel_loop3A_620 = tpu.vector_load %arg11[%parallel_loop3A_618, %parallel_loop3A_619] {strides = array<i32>} : memref<48x128xf32, #tpu.memory_space<vmem>>, vector<16xf32>,
        tpu.vector_store %arg11[%parallel_loop3A_618, %parallel_loop3A_619], %parallel_loop3A_617 {strides = array<i32>} : memref<48x128xf32, #tpu.memory_space<vmem>>, vector<16xf32>,
        %parallel_loop3A_621 = arith.index_cast %parallel_loop3A_590 : i32 to index
        %parallel_loop3A_622 = arith.constant 64 : index
        %parallel_loop3A_623 = tpu.vector_load %arg11[%parallel_loop3A_621, %parallel_loop3A_622] {strides = array<i32>} : memref<48x128xf32, #tpu.memory_space<vmem>>, vector<16xf32>,
        %parallel_loop3A_624 = arith.mulf %parallel_loop3A_623, %parallel_loop3A_592 : vector<16xf32>
        %parallel_loop3A_625 = arith.index_cast %parallel_loop3A_590 : i32 to index
        %parallel_loop3A_626 = arith.constant 64 : index
        %parallel_loop3A_627 = tpu.vector_load %arg11[%parallel_loop3A_625, %parallel_loop3A_626] {strides = array<i32>} : memref<48x128xf32, #tpu.memory_space<vmem>>, vector<16xf32>,
        tpu.vector_store %arg11[%parallel_loop3A_625, %parallel_loop3A_626], %parallel_loop3A_624 {strides = array<i32>} : memref<48x128xf32, #tpu.memory_space<vmem>>, vector<16xf32>,
        %parallel_loop3A_628 = arith.index_cast %parallel_loop3A_590 : i32 to index
        %parallel_loop3A_629 = arith.constant 80 : index
        %parallel_loop3A_630 = tpu.vector_load %arg11[%parallel_loop3A_628, %parallel_loop3A_629] {strides = array<i32>} : memref<48x128xf32, #tpu.memory_space<vmem>>, vector<16xf32>,
        %parallel_loop3A_631 = arith.mulf %parallel_loop3A_630, %parallel_loop3A_592 : vector<16xf32>
        %parallel_loop3A_632 = arith.index_cast %parallel_loop3A_590 : i32 to index
        %parallel_loop3A_633 = arith.constant 80 : index
        %parallel_loop3A_634 = tpu.vector_load %arg11[%parallel_loop3A_632, %parallel_loop3A_633] {strides = array<i32>} : memref<48x128xf32, #tpu.memory_space<vmem>>, vector<16xf32>,
        tpu.vector_store %arg11[%parallel_loop3A_632, %parallel_loop3A_633], %parallel_loop3A_631 {strides = array<i32>} : memref<48x128xf32, #tpu.memory_space<vmem>>, vector<16xf32>,
        %parallel_loop3A_635 = arith.index_cast %parallel_loop3A_590 : i32 to index
        %parallel_loop3A_636 = arith.constant 96 : index
        %parallel_loop3A_637 = tpu.vector_load %arg11[%parallel_loop3A_635, %parallel_loop3A_636] {strides = array<i32>} : memref<48x128xf32, #tpu.memory_space<vmem>>, vector<16xf32>,
        %parallel_loop3A_638 = arith.mulf %parallel_loop3A_637, %parallel_loop3A_592 : vector<16xf32>
        %parallel_loop3A_639 = arith.index_cast %parallel_loop3A_590 : i32 to index
        %parallel_loop3A_640 = arith.constant 96 : index
        %parallel_loop3A_641 = tpu.vector_load %arg11[%parallel_loop3A_639, %parallel_loop3A_640] {strides = array<i32>} : memref<48x128xf32, #tpu.memory_space<vmem>>, vector<16xf32>,
        tpu.vector_store %arg11[%parallel_loop3A_639, %parallel_loop3A_640], %parallel_loop3A_638 {strides = array<i32>} : memref<48x128xf32, #tpu.memory_space<vmem>>, vector<16xf32>,
        %parallel_loop3A_642 = arith.index_cast %parallel_loop3A_590 : i32 to index
        %parallel_loop3A_643 = arith.constant 112 : index
        %parallel_loop3A_644 = tpu.vector_load %arg11[%parallel_loop3A_642, %parallel_loop3A_643] {strides = array<i32>} : memref<48x128xf32, #tpu.memory_space<vmem>>, vector<16xf32>,
        %parallel_loop3A_645 = arith.mulf %parallel_loop3A_644, %parallel_loop3A_592 : vector<16xf32>
        %parallel_loop3A_646 = arith.index_cast %parallel_loop3A_590 : i32 to index
        %parallel_loop3A_647 = arith.constant 112 : index
        %parallel_loop3A_648 = tpu.vector_load %arg11[%parallel_loop3A_646, %parallel_loop3A_647] {strides = array<i32>} : memref<48x128xf32, #tpu.memory_space<vmem>>, vector<16xf32>,
        tpu.vector_store %arg11[%parallel_loop3A_646, %parallel_loop3A_647], %parallel_loop3A_645 {strides = array<i32>} : memref<48x128xf32, #tpu.memory_space<vmem>>, vector<16xf32>,
      } {sc.loop_unroll_factor = 4 : i64, sc.parallel_access}
      %mul3A_505 = arith.constant 48 : i32
      %mul3A_506 = arith.muli %add3A_490, %mul3A_505 : i32
      %dma_start3A_507 = tpu.memref_slice %arg8[%mul3A_506] : memref<10368xi32, #tpu.memory_space<vmem>> -> memref<48xi32, #tpu.memory_space<vmem>>
      %dma_start3A_508 = arith.constant 0 : i32
      %dma_start3A_509 = arith.constant 0 : i32
      %dma_start3A_510 = tpu.memref_slice %arg17[%dma_start3A_508, %dma_start3A_509] : memref<10240x128xf32, #tpu.memory_space<vmem_shared>> -> memref<10240x128xf32, #tpu.memory_space<vmem_shared>>
      tpu.enqueue_indirect_dma source(%arg11 : memref<48x128xf32, #tpu.memory_space<vmem>>) target(%dma_start3A_510 : memref<10240x128xf32, #tpu.memory_space<vmem_shared>>) offsets(%dma_start3A_507 : memref<48xi32, #tpu.memory_space<vmem>>) semaphore(%arg26 : memref<!tpu.dma_semaphore, #tpu.memory_space<semaphore_mem>>) {add = true}
      %add3A_511 = arith.constant 3 : i32
      %add3A_512 = arith.addi %add3A_445, %add3A_511 : i32
      %mul3A_513 = arith.constant 48 : i32
      %mul3A_514 = arith.muli %add3A_512, %mul3A_513 : i32
      %dma_wait3A_515 = tpu.memref_slice %arg7[%mul3A_514] : memref<10368xi32, #tpu.memory_space<vmem>> -> memref<48xi32, #tpu.memory_space<vmem>>
      %dma_wait3A_516 = arith.constant 0 : i32
      %dma_wait3A_517 = arith.constant 0 : i32
      %dma_wait3A_518 = tpu.memref_slice %arg2[%dma_wait3A_516, %dma_wait3A_517] : memref<10240x128xf32, #tpu.memory_space<hbm>> -> memref<10240x128xf32, #tpu.memory_space<hbm>>
      tpu.wait_indirect_dma semaphore(%arg23 : memref<!tpu.dma_semaphore, #tpu.memory_space<semaphore_mem>>) src(%dma_wait3A_518 : memref<10240x128xf32, #tpu.memory_space<hbm>>) dst(%arg12 : memref<48x128xf32, #tpu.memory_space<vmem>>)
      %mul3A_519 = arith.constant 48 : i32
      %mul3A_520 = arith.muli %add3A_512, %mul3A_519 : i32
      %add3A_521 = arith.addi %mul3A_4, %mul3A_520 : i32
      %dma_wait3A_522 = tpu.memref_slice %arg5[%add3A_521] : memref<331776xf32, #tpu.memory_space<hbm>> -> memref<48xf32, #tpu.memory_space<hbm>>
      %dma_wait3A_523 = tpu.memref_slice %arg5[%add3A_521] : memref<331776xf32, #tpu.memory_space<hbm>> -> memref<48xf32, #tpu.memory_space<hbm>>
      tpu.wait_dma2 semaphore(%arg23 : memref<!tpu.dma_semaphore, #tpu.memory_space<semaphore_mem>>) src(%dma_wait3A_523 : memref<48xf32, #tpu.memory_space<hbm>>) dst(%arg16 : memref<48xf32, #tpu.memory_space<vmem>>)
      %parallel_loop3A_524 = arith.constant 0 : i32
      %parallel_loop3A_525 = arith.constant 48 : i32
      %parallel_loop3A_526 = arith.constant 1 : i32
      scf.for %parallel_loop3A_590 = %parallel_loop3A_524 to %parallel_loop3A_525 step %parallel_loop3A_526  : i32 {
        %parallel_loop3A_591 = vector.broadcast %parallel_loop3A_590 : i32 to vector<16xi32>
        %parallel_loop3A_592 = tpu.vector_load_idx %arg16[%parallel_loop3A_591] : memref<48xf32, #tpu.memory_space<vmem>>[vector<16xi32>], vector<16xf32>,
        %parallel_loop3A_593 = arith.index_cast %parallel_loop3A_590 : i32 to index
        %parallel_loop3A_594 = arith.constant 0 : index
        %parallel_loop3A_595 = tpu.vector_load %arg12[%parallel_loop3A_593, %parallel_loop3A_594] {strides = array<i32>} : memref<48x128xf32, #tpu.memory_space<vmem>>, vector<16xf32>,
        %parallel_loop3A_596 = arith.mulf %parallel_loop3A_595, %parallel_loop3A_592 : vector<16xf32>
        %parallel_loop3A_597 = arith.index_cast %parallel_loop3A_590 : i32 to index
        %parallel_loop3A_598 = arith.constant 0 : index
        %parallel_loop3A_599 = tpu.vector_load %arg12[%parallel_loop3A_597, %parallel_loop3A_598] {strides = array<i32>} : memref<48x128xf32, #tpu.memory_space<vmem>>, vector<16xf32>,
        tpu.vector_store %arg12[%parallel_loop3A_597, %parallel_loop3A_598], %parallel_loop3A_596 {strides = array<i32>} : memref<48x128xf32, #tpu.memory_space<vmem>>, vector<16xf32>,
        %parallel_loop3A_600 = arith.index_cast %parallel_loop3A_590 : i32 to index
        %parallel_loop3A_601 = arith.constant 16 : index
        %parallel_loop3A_602 = tpu.vector_load %arg12[%parallel_loop3A_600, %parallel_loop3A_601] {strides = array<i32>} : memref<48x128xf32, #tpu.memory_space<vmem>>, vector<16xf32>,
        %parallel_loop3A_603 = arith.mulf %parallel_loop3A_602, %parallel_loop3A_592 : vector<16xf32>
        %parallel_loop3A_604 = arith.index_cast %parallel_loop3A_590 : i32 to index
        %parallel_loop3A_605 = arith.constant 16 : index
        %parallel_loop3A_606 = tpu.vector_load %arg12[%parallel_loop3A_604, %parallel_loop3A_605] {strides = array<i32>} : memref<48x128xf32, #tpu.memory_space<vmem>>, vector<16xf32>,
        tpu.vector_store %arg12[%parallel_loop3A_604, %parallel_loop3A_605], %parallel_loop3A_603 {strides = array<i32>} : memref<48x128xf32, #tpu.memory_space<vmem>>, vector<16xf32>,
        %parallel_loop3A_607 = arith.index_cast %parallel_loop3A_590 : i32 to index
        %parallel_loop3A_608 = arith.constant 32 : index
        %parallel_loop3A_609 = tpu.vector_load %arg12[%parallel_loop3A_607, %parallel_loop3A_608] {strides = array<i32>} : memref<48x128xf32, #tpu.memory_space<vmem>>, vector<16xf32>,
        %parallel_loop3A_610 = arith.mulf %parallel_loop3A_609, %parallel_loop3A_592 : vector<16xf32>
        %parallel_loop3A_611 = arith.index_cast %parallel_loop3A_590 : i32 to index
        %parallel_loop3A_612 = arith.constant 32 : index
        %parallel_loop3A_613 = tpu.vector_load %arg12[%parallel_loop3A_611, %parallel_loop3A_612] {strides = array<i32>} : memref<48x128xf32, #tpu.memory_space<vmem>>, vector<16xf32>,
        tpu.vector_store %arg12[%parallel_loop3A_611, %parallel_loop3A_612], %parallel_loop3A_610 {strides = array<i32>} : memref<48x128xf32, #tpu.memory_space<vmem>>, vector<16xf32>,
        %parallel_loop3A_614 = arith.index_cast %parallel_loop3A_590 : i32 to index
        %parallel_loop3A_615 = arith.constant 48 : index
        %parallel_loop3A_616 = tpu.vector_load %arg12[%parallel_loop3A_614, %parallel_loop3A_615] {strides = array<i32>} : memref<48x128xf32, #tpu.memory_space<vmem>>, vector<16xf32>,
        %parallel_loop3A_617 = arith.mulf %parallel_loop3A_616, %parallel_loop3A_592 : vector<16xf32>
        %parallel_loop3A_618 = arith.index_cast %parallel_loop3A_590 : i32 to index
        %parallel_loop3A_619 = arith.constant 48 : index
        %parallel_loop3A_620 = tpu.vector_load %arg12[%parallel_loop3A_618, %parallel_loop3A_619] {strides = array<i32>} : memref<48x128xf32, #tpu.memory_space<vmem>>, vector<16xf32>,
        tpu.vector_store %arg12[%parallel_loop3A_618, %parallel_loop3A_619], %parallel_loop3A_617 {strides = array<i32>} : memref<48x128xf32, #tpu.memory_space<vmem>>, vector<16xf32>,
        %parallel_loop3A_621 = arith.index_cast %parallel_loop3A_590 : i32 to index
        %parallel_loop3A_622 = arith.constant 64 : index
        %parallel_loop3A_623 = tpu.vector_load %arg12[%parallel_loop3A_621, %parallel_loop3A_622] {strides = array<i32>} : memref<48x128xf32, #tpu.memory_space<vmem>>, vector<16xf32>,
        %parallel_loop3A_624 = arith.mulf %parallel_loop3A_623, %parallel_loop3A_592 : vector<16xf32>
        %parallel_loop3A_625 = arith.index_cast %parallel_loop3A_590 : i32 to index
        %parallel_loop3A_626 = arith.constant 64 : index
        %parallel_loop3A_627 = tpu.vector_load %arg12[%parallel_loop3A_625, %parallel_loop3A_626] {strides = array<i32>} : memref<48x128xf32, #tpu.memory_space<vmem>>, vector<16xf32>,
        tpu.vector_store %arg12[%parallel_loop3A_625, %parallel_loop3A_626], %parallel_loop3A_624 {strides = array<i32>} : memref<48x128xf32, #tpu.memory_space<vmem>>, vector<16xf32>,
        %parallel_loop3A_628 = arith.index_cast %parallel_loop3A_590 : i32 to index
        %parallel_loop3A_629 = arith.constant 80 : index
        %parallel_loop3A_630 = tpu.vector_load %arg12[%parallel_loop3A_628, %parallel_loop3A_629] {strides = array<i32>} : memref<48x128xf32, #tpu.memory_space<vmem>>, vector<16xf32>,
        %parallel_loop3A_631 = arith.mulf %parallel_loop3A_630, %parallel_loop3A_592 : vector<16xf32>
        %parallel_loop3A_632 = arith.index_cast %parallel_loop3A_590 : i32 to index
        %parallel_loop3A_633 = arith.constant 80 : index
        %parallel_loop3A_634 = tpu.vector_load %arg12[%parallel_loop3A_632, %parallel_loop3A_633] {strides = array<i32>} : memref<48x128xf32, #tpu.memory_space<vmem>>, vector<16xf32>,
        tpu.vector_store %arg12[%parallel_loop3A_632, %parallel_loop3A_633], %parallel_loop3A_631 {strides = array<i32>} : memref<48x128xf32, #tpu.memory_space<vmem>>, vector<16xf32>,
        %parallel_loop3A_635 = arith.index_cast %parallel_loop3A_590 : i32 to index
        %parallel_loop3A_636 = arith.constant 96 : index
        %parallel_loop3A_637 = tpu.vector_load %arg12[%parallel_loop3A_635, %parallel_loop3A_636] {strides = array<i32>} : memref<48x128xf32, #tpu.memory_space<vmem>>, vector<16xf32>,
        %parallel_loop3A_638 = arith.mulf %parallel_loop3A_637, %parallel_loop3A_592 : vector<16xf32>
        %parallel_loop3A_639 = arith.index_cast %parallel_loop3A_590 : i32 to index
        %parallel_loop3A_640 = arith.constant 96 : index
        %parallel_loop3A_641 = tpu.vector_load %arg12[%parallel_loop3A_639, %parallel_loop3A_640] {strides = array<i32>} : memref<48x128xf32, #tpu.memory_space<vmem>>, vector<16xf32>,
        tpu.vector_store %arg12[%parallel_loop3A_639, %parallel_loop3A_640], %parallel_loop3A_638 {strides = array<i32>} : memref<48x128xf32, #tpu.memory_space<vmem>>, vector<16xf32>,
        %parallel_loop3A_642 = arith.index_cast %parallel_loop3A_590 : i32 to index
        %parallel_loop3A_643 = arith.constant 112 : index
        %parallel_loop3A_644 = tpu.vector_load %arg12[%parallel_loop3A_642, %parallel_loop3A_643] {strides = array<i32>} : memref<48x128xf32, #tpu.memory_space<vmem>>, vector<16xf32>,
        %parallel_loop3A_645 = arith.mulf %parallel_loop3A_644, %parallel_loop3A_592 : vector<16xf32>
        %parallel_loop3A_646 = arith.index_cast %parallel_loop3A_590 : i32 to index
        %parallel_loop3A_647 = arith.constant 112 : index
        %parallel_loop3A_648 = tpu.vector_load %arg12[%parallel_loop3A_646, %parallel_loop3A_647] {strides = array<i32>} : memref<48x128xf32, #tpu.memory_space<vmem>>, vector<16xf32>,
        tpu.vector_store %arg12[%parallel_loop3A_646, %parallel_loop3A_647], %parallel_loop3A_645 {strides = array<i32>} : memref<48x128xf32, #tpu.memory_space<vmem>>, vector<16xf32>,
      } {sc.loop_unroll_factor = 4 : i64, sc.parallel_access}
      %mul3A_527 = arith.constant 48 : i32
      %mul3A_528 = arith.muli %add3A_512, %mul3A_527 : i32
      %dma_start3A_529 = tpu.memref_slice %arg8[%mul3A_528] : memref<10368xi32, #tpu.memory_space<vmem>> -> memref<48xi32, #tpu.memory_space<vmem>>
      %dma_start3A_530 = arith.constant 0 : i32
      %dma_start3A_531 = arith.constant 0 : i32
      %dma_start3A_532 = tpu.memref_slice %arg17[%dma_start3A_530, %dma_start3A_531] : memref<10240x128xf32, #tpu.memory_space<vmem_shared>> -> memref<10240x128xf32, #tpu.memory_space<vmem_shared>>
      tpu.enqueue_indirect_dma source(%arg12 : memref<48x128xf32, #tpu.memory_space<vmem>>) target(%dma_start3A_532 : memref<10240x128xf32, #tpu.memory_space<vmem_shared>>) offsets(%dma_start3A_529 : memref<48xi32, #tpu.memory_space<vmem>>) semaphore(%arg27 : memref<!tpu.dma_semaphore, #tpu.memory_space<semaphore_mem>>) {add = true}
      %add3A_533 = arith.constant 0 : i32
      %add3A_534 = arith.addi %add3A_445, %add3A_533 : i32
      %mul3A_535 = arith.constant 48 : i32
      %mul3A_536 = arith.muli %add3A_534, %mul3A_535 : i32
      %dma_wait3A_537 = tpu.memref_slice %arg8[%mul3A_536] : memref<10368xi32, #tpu.memory_space<vmem>> -> memref<48xi32, #tpu.memory_space<vmem>>
      %dma_wait3A_538 = arith.constant 0 : i32
      %dma_wait3A_539 = arith.constant 0 : i32
      %dma_wait3A_540 = tpu.memref_slice %arg17[%dma_wait3A_538, %dma_wait3A_539] : memref<10240x128xf32, #tpu.memory_space<vmem_shared>> -> memref<10240x128xf32, #tpu.memory_space<vmem_shared>>
      tpu.wait_indirect_dma semaphore(%arg24 : memref<!tpu.dma_semaphore, #tpu.memory_space<semaphore_mem>>) src(%arg9 : memref<48x128xf32, #tpu.memory_space<vmem>>) dst(%dma_wait3A_540 : memref<10240x128xf32, #tpu.memory_space<vmem_shared>>)
      %add3A_541 = arith.constant 4 : i32
      %add3A_542 = arith.addi %add3A_445, %add3A_541 : i32
      %lt3A = arith.constant 216 : i32
      %lt3A_543 = arith.cmpi slt, %add3A_542, %lt3A : i32
      %convert_element_type3A = arith.extui %lt3A_543 : i1 to i32
      %cond3A = arith.constant 0 : i32
      %cond3A_544 = arith.cmpi ne, %convert_element_type3A, %cond3A : i32
      scf.if %cond3A_544 {
        %add3A_590 = arith.constant 4 : i32
        %add3A_591 = arith.addi %add3A_534, %add3A_590 : i32
        %mul3A_592 = arith.constant 48 : i32
        %mul3A_593 = arith.muli %add3A_591, %mul3A_592 : i32
        %dma_start3A_594 = tpu.memref_slice %arg7[%mul3A_593] : memref<10368xi32, #tpu.memory_space<vmem>> -> memref<48xi32, #tpu.memory_space<vmem>>
        %dma_start3A_595 = arith.constant 0 : i32
        %dma_start3A_596 = arith.constant 0 : i32
        %dma_start3A_597 = tpu.memref_slice %arg2[%dma_start3A_595, %dma_start3A_596] : memref<10240x128xf32, #tpu.memory_space<hbm>> -> memref<10240x128xf32, #tpu.memory_space<hbm>>
        tpu.enqueue_indirect_dma source(%dma_start3A_597 : memref<10240x128xf32, #tpu.memory_space<hbm>>) target(%arg9 : memref<48x128xf32, #tpu.memory_space<vmem>>) offsets(%dma_start3A_594 : memref<48xi32, #tpu.memory_space<vmem>>) semaphore(%arg20 : memref<!tpu.dma_semaphore, #tpu.memory_space<semaphore_mem>>)
        %mul3A_598 = arith.constant 48 : i32
        %mul3A_599 = arith.muli %add3A_591, %mul3A_598 : i32
        %add3A_600 = arith.addi %mul3A_4, %mul3A_599 : i32
        %dma_start3A_601 = tpu.memref_slice %arg5[%add3A_600] : memref<331776xf32, #tpu.memory_space<hbm>> -> memref<48xf32, #tpu.memory_space<hbm>>
        %dma_start3A_602 = tpu.memref_slice %arg5[%add3A_600] : memref<331776xf32, #tpu.memory_space<hbm>> -> memref<48xf32, #tpu.memory_space<hbm>>
        tpu.enqueue_dma source(%dma_start3A_602 : memref<48xf32, #tpu.memory_space<hbm>>) target(%arg13 : memref<48xf32, #tpu.memory_space<vmem>>) target_semaphore(%arg20 : memref<!tpu.dma_semaphore, #tpu.memory_space<semaphore_mem>>)
      } else {
      }
      %add3A_545 = arith.constant 1 : i32
      %add3A_546 = arith.addi %add3A_445, %add3A_545 : i32
      %mul3A_547 = arith.constant 48 : i32
      %mul3A_548 = arith.muli %add3A_546, %mul3A_547 : i32
      %dma_wait3A_549 = tpu.memref_slice %arg8[%mul3A_548] : memref<10368xi32, #tpu.memory_space<vmem>> -> memref<48xi32, #tpu.memory_space<vmem>>
      %dma_wait3A_550 = arith.constant 0 : i32
      %dma_wait3A_551 = arith.constant 0 : i32
      %dma_wait3A_552 = tpu.memref_slice %arg17[%dma_wait3A_550, %dma_wait3A_551] : memref<10240x128xf32, #tpu.memory_space<vmem_shared>> -> memref<10240x128xf32, #tpu.memory_space<vmem_shared>>
      tpu.wait_indirect_dma semaphore(%arg25 : memref<!tpu.dma_semaphore, #tpu.memory_space<semaphore_mem>>) src(%arg10 : memref<48x128xf32, #tpu.memory_space<vmem>>) dst(%dma_wait3A_552 : memref<10240x128xf32, #tpu.memory_space<vmem_shared>>)
      %add3A_553 = arith.constant 4 : i32
      %add3A_554 = arith.addi %add3A_445, %add3A_553 : i32
      %lt3A_555 = arith.constant 216 : i32
      %lt3A_556 = arith.cmpi slt, %add3A_554, %lt3A_555 : i32
      %convert_element_type3A_557 = arith.extui %lt3A_556 : i1 to i32
      %cond3A_558 = arith.constant 0 : i32
      %cond3A_559 = arith.cmpi ne, %convert_element_type3A_557, %cond3A_558 : i32
      scf.if %cond3A_559 {
        %add3A_590 = arith.constant 4 : i32
        %add3A_591 = arith.addi %add3A_546, %add3A_590 : i32
        %mul3A_592 = arith.constant 48 : i32
        %mul3A_593 = arith.muli %add3A_591, %mul3A_592 : i32
        %dma_start3A_594 = tpu.memref_slice %arg7[%mul3A_593] : memref<10368xi32, #tpu.memory_space<vmem>> -> memref<48xi32, #tpu.memory_space<vmem>>
        %dma_start3A_595 = arith.constant 0 : i32
        %dma_start3A_596 = arith.constant 0 : i32
        %dma_start3A_597 = tpu.memref_slice %arg2[%dma_start3A_595, %dma_start3A_596] : memref<10240x128xf32, #tpu.memory_space<hbm>> -> memref<10240x128xf32, #tpu.memory_space<hbm>>
        tpu.enqueue_indirect_dma source(%dma_start3A_597 : memref<10240x128xf32, #tpu.memory_space<hbm>>) target(%arg10 : memref<48x128xf32, #tpu.memory_space<vmem>>) offsets(%dma_start3A_594 : memref<48xi32, #tpu.memory_space<vmem>>) semaphore(%arg21 : memref<!tpu.dma_semaphore, #tpu.memory_space<semaphore_mem>>)
        %mul3A_598 = arith.constant 48 : i32
        %mul3A_599 = arith.muli %add3A_591, %mul3A_598 : i32
        %add3A_600 = arith.addi %mul3A_4, %mul3A_599 : i32
        %dma_start3A_601 = tpu.memref_slice %arg5[%add3A_600] : memref<331776xf32, #tpu.memory_space<hbm>> -> memref<48xf32, #tpu.memory_space<hbm>>
        %dma_start3A_602 = tpu.memref_slice %arg5[%add3A_600] : memref<331776xf32, #tpu.memory_space<hbm>> -> memref<48xf32, #tpu.memory_space<hbm>>
        tpu.enqueue_dma source(%dma_start3A_602 : memref<48xf32, #tpu.memory_space<hbm>>) target(%arg14 : memref<48xf32, #tpu.memory_space<vmem>>) target_semaphore(%arg21 : memref<!tpu.dma_semaphore, #tpu.memory_space<semaphore_mem>>)
      } else {
      }
      %add3A_560 = arith.constant 2 : i32
      %add3A_561 = arith.addi %add3A_445, %add3A_560 : i32
      %mul3A_562 = arith.constant 48 : i32
      %mul3A_563 = arith.muli %add3A_561, %mul3A_562 : i32
      %dma_wait3A_564 = tpu.memref_slice %arg8[%mul3A_563] : memref<10368xi32, #tpu.memory_space<vmem>> -> memref<48xi32, #tpu.memory_space<vmem>>
      %dma_wait3A_565 = arith.constant 0 : i32
      %dma_wait3A_566 = arith.constant 0 : i32
      %dma_wait3A_567 = tpu.memref_slice %arg17[%dma_wait3A_565, %dma_wait3A_566] : memref<10240x128xf32, #tpu.memory_space<vmem_shared>> -> memref<10240x128xf32, #tpu.memory_space<vmem_shared>>
      tpu.wait_indirect_dma semaphore(%arg26 : memref<!tpu.dma_semaphore, #tpu.memory_space<semaphore_mem>>) src(%arg11 : memref<48x128xf32, #tpu.memory_space<vmem>>) dst(%dma_wait3A_567 : memref<10240x128xf32, #tpu.memory_space<vmem_shared>>)
      %add3A_568 = arith.constant 4 : i32
      %add3A_569 = arith.addi %add3A_445, %add3A_568 : i32
      %lt3A_570 = arith.constant 216 : i32
      %lt3A_571 = arith.cmpi slt, %add3A_569, %lt3A_570 : i32
      %convert_element_type3A_572 = arith.extui %lt3A_571 : i1 to i32
      %cond3A_573 = arith.constant 0 : i32
      %cond3A_574 = arith.cmpi ne, %convert_element_type3A_572, %cond3A_573 : i32
      scf.if %cond3A_574 {
        %add3A_590 = arith.constant 4 : i32
        %add3A_591 = arith.addi %add3A_561, %add3A_590 : i32
        %mul3A_592 = arith.constant 48 : i32
        %mul3A_593 = arith.muli %add3A_591, %mul3A_592 : i32
        %dma_start3A_594 = tpu.memref_slice %arg7[%mul3A_593] : memref<10368xi32, #tpu.memory_space<vmem>> -> memref<48xi32, #tpu.memory_space<vmem>>
        %dma_start3A_595 = arith.constant 0 : i32
        %dma_start3A_596 = arith.constant 0 : i32
        %dma_start3A_597 = tpu.memref_slice %arg2[%dma_start3A_595, %dma_start3A_596] : memref<10240x128xf32, #tpu.memory_space<hbm>> -> memref<10240x128xf32, #tpu.memory_space<hbm>>
        tpu.enqueue_indirect_dma source(%dma_start3A_597 : memref<10240x128xf32, #tpu.memory_space<hbm>>) target(%arg11 : memref<48x128xf32, #tpu.memory_space<vmem>>) offsets(%dma_start3A_594 : memref<48xi32, #tpu.memory_space<vmem>>) semaphore(%arg22 : memref<!tpu.dma_semaphore, #tpu.memory_space<semaphore_mem>>)
        %mul3A_598 = arith.constant 48 : i32
        %mul3A_599 = arith.muli %add3A_591, %mul3A_598 : i32
        %add3A_600 = arith.addi %mul3A_4, %mul3A_599 : i32
        %dma_start3A_601 = tpu.memref_slice %arg5[%add3A_600] : memref<331776xf32, #tpu.memory_space<hbm>> -> memref<48xf32, #tpu.memory_space<hbm>>
        %dma_start3A_602 = tpu.memref_slice %arg5[%add3A_600] : memref<331776xf32, #tpu.memory_space<hbm>> -> memref<48xf32, #tpu.memory_space<hbm>>
        tpu.enqueue_dma source(%dma_start3A_602 : memref<48xf32, #tpu.memory_space<hbm>>) target(%arg15 : memref<48xf32, #tpu.memory_space<vmem>>) target_semaphore(%arg22 : memref<!tpu.dma_semaphore, #tpu.memory_space<semaphore_mem>>)
      } else {
      }
      %add3A_575 = arith.constant 3 : i32
      %add3A_576 = arith.addi %add3A_445, %add3A_575 : i32
      %mul3A_577 = arith.constant 48 : i32
      %mul3A_578 = arith.muli %add3A_576, %mul3A_577 : i32
      %dma_wait3A_579 = tpu.memref_slice %arg8[%mul3A_578] : memref<10368xi32, #tpu.memory_space<vmem>> -> memref<48xi32, #tpu.memory_space<vmem>>
      %dma_wait3A_580 = arith.constant 0 : i32
      %dma_wait3A_581 = arith.constant 0 : i32
      %dma_wait3A_582 = tpu.memref_slice %arg17[%dma_wait3A_580, %dma_wait3A_581] : memref<10240x128xf32, #tpu.memory_space<vmem_shared>> -> memref<10240x128xf32, #tpu.memory_space<vmem_shared>>
      tpu.wait_indirect_dma semaphore(%arg27 : memref<!tpu.dma_semaphore, #tpu.memory_space<semaphore_mem>>) src(%arg12 : memref<48x128xf32, #tpu.memory_space<vmem>>) dst(%dma_wait3A_582 : memref<10240x128xf32, #tpu.memory_space<vmem_shared>>)
      %add3A_583 = arith.constant 4 : i32
      %add3A_584 = arith.addi %add3A_445, %add3A_583 : i32
      %lt3A_585 = arith.constant 216 : i32
      %lt3A_586 = arith.cmpi slt, %add3A_584, %lt3A_585 : i32
      %convert_element_type3A_587 = arith.extui %lt3A_586 : i1 to i32
      %cond3A_588 = arith.constant 0 : i32
      %cond3A_589 = arith.cmpi ne, %convert_element_type3A_587, %cond3A_588 : i32
      scf.if %cond3A_589 {
        %add3A_590 = arith.constant 4 : i32
        %add3A_591 = arith.addi %add3A_576, %add3A_590 : i32
        %mul3A_592 = arith.constant 48 : i32
        %mul3A_593 = arith.muli %add3A_591, %mul3A_592 : i32
        %dma_start3A_594 = tpu.memref_slice %arg7[%mul3A_593] : memref<10368xi32, #tpu.memory_space<vmem>> -> memref<48xi32, #tpu.memory_space<vmem>>
        %dma_start3A_595 = arith.constant 0 : i32
        %dma_start3A_596 = arith.constant 0 : i32
        %dma_start3A_597 = tpu.memref_slice %arg2[%dma_start3A_595, %dma_start3A_596] : memref<10240x128xf32, #tpu.memory_space<hbm>> -> memref<10240x128xf32, #tpu.memory_space<hbm>>
        tpu.enqueue_indirect_dma source(%dma_start3A_597 : memref<10240x128xf32, #tpu.memory_space<hbm>>) target(%arg12 : memref<48x128xf32, #tpu.memory_space<vmem>>) offsets(%dma_start3A_594 : memref<48xi32, #tpu.memory_space<vmem>>) semaphore(%arg23 : memref<!tpu.dma_semaphore, #tpu.memory_space<semaphore_mem>>)
        %mul3A_598 = arith.constant 48 : i32
        %mul3A_599 = arith.muli %add3A_591, %mul3A_598 : i32
        %add3A_600 = arith.addi %mul3A_4, %mul3A_599 : i32
        %dma_start3A_601 = tpu.memref_slice %arg5[%add3A_600] : memref<331776xf32, #tpu.memory_space<hbm>> -> memref<48xf32, #tpu.memory_space<hbm>>
        %dma_start3A_602 = tpu.memref_slice %arg5[%add3A_600] : memref<331776xf32, #tpu.memory_space<hbm>> -> memref<48xf32, #tpu.memory_space<hbm>>
        tpu.enqueue_dma source(%dma_start3A_602 : memref<48xf32, #tpu.memory_space<hbm>>) target(%arg16 : memref<48xf32, #tpu.memory_space<vmem>>) target_semaphore(%arg23 : memref<!tpu.dma_semaphore, #tpu.memory_space<semaphore_mem>>)
      } else {
      }
    }
    %scan3A_439 = arith.constant 54 : i32
    %barrier3A_440 = arith.constant 0 : index
    tpu.barrier barrier_id(%barrier3A_440)
    "tpu.region"() ({
      %run_scoped3A = tpu.sem_alloc : memref<!tpu.dma_semaphore, #tpu.memory_space<semaphore_mem>>
      %dma_start3A_441 = arith.constant 0 : i32
      %dma_start3A_442 = tpu.memref_slice %arg6[%arg0, %mul3A_2, %dma_start3A_441] : memref<2x10240x128xf32, #tpu.memory_space<hbm>> -> memref<1x640x128xf32, #tpu.memory_space<hbm>>
      %dma_start3A_443 = tpu.memref_squeeze %dma_start3A_442 : memref<1x640x128xf32, #tpu.memory_space<hbm>> -> memref<640x128xf32, #tpu.memory_space<hbm>>
      %dma_start3A_444 = arith.constant 0 : i32
      %dma_start3A_445 = tpu.memref_slice %arg17[%mul3A_2, %dma_start3A_444] : memref<10240x128xf32, #tpu.memory_space<vmem_shared>> -> memref<640x128xf32, #tpu.memory_space<vmem_shared>>
      tpu.enqueue_dma source(%dma_start3A_445 : memref<640x128xf32, #tpu.memory_space<vmem_shared>>) target(%dma_start3A_443 : memref<640x128xf32, #tpu.memory_space<hbm>>) target_semaphore(%run_scoped3A : memref<!tpu.dma_semaphore, #tpu.memory_space<semaphore_mem>>)
      %dma_wait3A_446 = arith.constant 0 : i32
      %dma_wait3A_447 = tpu.memref_slice %arg6[%arg0, %mul3A_2, %dma_wait3A_446] : memref<2x10240x128xf32, #tpu.memory_space<hbm>> -> memref<1x640x128xf32, #tpu.memory_space<hbm>>
      %dma_wait3A_448 = tpu.memref_squeeze %dma_wait3A_447 : memref<1x640x128xf32, #tpu.memory_space<hbm>> -> memref<640x128xf32, #tpu.memory_space<hbm>>
      %dma_wait3A_449 = arith.constant 0 : i32
      %dma_wait3A_450 = tpu.memref_slice %arg17[%mul3A_2, %dma_wait3A_449] : memref<10240x128xf32, #tpu.memory_space<vmem_shared>> -> memref<640x128xf32, #tpu.memory_space<vmem_shared>>
      tpu.wait_dma2 semaphore(%run_scoped3A : memref<!tpu.dma_semaphore, #tpu.memory_space<semaphore_mem>>) src(%dma_wait3A_450 : memref<640x128xf32, #tpu.memory_space<vmem_shared>>) dst(%dma_wait3A_448 : memref<640x128xf32, #tpu.memory_space<hbm>>)
      tpu.yield
    }) : () -> ()
    return
  }
}

module attributes {stable_mosaic.version = 14 : i64} {
  func.func @_mm1_body(%arg0: i32, %arg1: memref<2048x128xf32, #tpu.memory_space<vmem>>, %arg2: memref<128x128xf32, #tpu.memory_space<vmem>>, %arg3: memref<2048x128xf32, #tpu.memory_space<vmem>>) attributes {dimension_semantics = [#tpu.dimension_semantics<arbitrary>], iteration_bounds = array<i64: 5>, scalar_prefetch = 0 : i64, scratch_operands = 0 : i64, tpu.core_type = #tpu.core_type<tc>, window_params = [{transform_indices = @transform_0, window_bounds = array<i64: 2048, 128>}, {pipeline_mode = #tpu.pipeline_mode<synchronous>, transform_indices = @transform_1, window_bounds = array<i64: 128, 128>}, {transform_indices = @transform_2, window_bounds = array<i64: 2048, 128>}]} {
    %get3A = arith.constant 0 : index
    %get3A_0 = arith.constant 0 : index
    %get3A_1 = vector.load %arg1[%get3A, %get3A_0] : memref<2048x128xf32, #tpu.memory_space<vmem>>, vector<2048x128xf32>
    %get3A_2 = arith.constant 0 : index
    %get3A_3 = arith.constant 0 : index
    %get3A_4 = vector.load %arg2[%get3A_2, %get3A_3] : memref<128x128xf32, #tpu.memory_space<vmem>>, vector<128x128xf32>
    %dot_general3A = arith.constant dense<0.000000e+00> : vector<2048x128xf32>
    %dot_general3A_5 = tpu.matmul %get3A_1, %get3A_4, %dot_general3A {dimension_numbers = #tpu.dot_dimension_numbers<[1], [0], [0], [1], [0, 0, 1, 1], [], []>, transpose_lhs_hint = false} : vector<2048x128xf32>, vector<128x128xf32>, vector<2048x128xf32> -> vector<2048x128xf32>
    %swap3A = arith.constant 0 : index
    %swap3A_6 = arith.constant 0 : index
    %swap3A_7 = vector.load %arg3[%swap3A, %swap3A_6] : memref<2048x128xf32, #tpu.memory_space<vmem>>, vector<2048x128xf32>
    tpu.vector_store %arg3[%swap3A, %swap3A_6], %dot_general3A_5 {strides = array<i32>} : memref<2048x128xf32, #tpu.memory_space<vmem>>, vector<2048x128xf32>,
    return
  }
  func.func @transform_0(%arg0: i32) -> (i32, i32) {
    %c0_i32 = arith.constant 0 : i32
    %c0_i32_0 = arith.constant 0 : i32
    return %arg0, %c0_i32 : i32, i32
  }
  func.func @transform_1(%arg0: i32) -> (i32, i32) {
    %c0_i32 = arith.constant 0 : i32
    %c0_i32_0 = arith.constant 0 : i32
    %c0_i32_1 = arith.constant 0 : i32
    return %c0_i32, %c0_i32_0 : i32, i32
  }
  func.func @transform_2(%arg0: i32) -> (i32, i32) {
    %c0_i32 = arith.constant 0 : i32
    %c0_i32_0 = arith.constant 0 : i32
    return %arg0, %c0_i32 : i32, i32
  }
}

module attributes {stable_mosaic.version = 14 : i64} {
  func.func @_mid_body(%arg0: i32, %arg1: memref<2x2048x128xf32, #tpu.memory_space<vmem>>, %arg2: memref<128xf32, #tpu.memory_space<vmem>>, %arg3: memref<128x128xf32, #tpu.memory_space<vmem>>, %arg4: memref<2048x128xf32, #tpu.memory_space<vmem>>) attributes {dimension_semantics = [#tpu.dimension_semantics<arbitrary>], iteration_bounds = array<i64: 5>, scalar_prefetch = 0 : i64, scratch_operands = 0 : i64, tpu.core_type = #tpu.core_type<tc>, window_params = [{transform_indices = @transform_0, window_bounds = array<i64: 2, 2048, 128>}, {pipeline_mode = #tpu.pipeline_mode<synchronous>, transform_indices = @transform_1, window_bounds = array<i64: 128>}, {pipeline_mode = #tpu.pipeline_mode<synchronous>, transform_indices = @transform_2, window_bounds = array<i64: 128, 128>}, {transform_indices = @transform_3, window_bounds = array<i64: 2048, 128>}]} {
    %get3A = arith.constant 0 : index
    %get3A_0 = arith.constant 0 : index
    %get3A_1 = arith.constant 0 : index
    %get3A_2 = vector.load %arg1[%get3A, %get3A_0, %get3A_1] : memref<2x2048x128xf32, #tpu.memory_space<vmem>>, vector<1x2048x128xf32>
    %get3A_3 = vector.shape_cast %get3A_2 : vector<1x2048x128xf32> to vector<2048x128xf32>
    %get3A_4 = arith.constant 1 : index
    %get3A_5 = arith.constant 0 : index
    %get3A_6 = arith.constant 0 : index
    %get3A_7 = vector.load %arg1[%get3A_4, %get3A_5, %get3A_6] : memref<2x2048x128xf32, #tpu.memory_space<vmem>>, vector<1x2048x128xf32>
    %get3A_8 = vector.shape_cast %get3A_7 : vector<1x2048x128xf32> to vector<2048x128xf32>
    %add3A = arith.addf %get3A_3, %get3A_8 : vector<2048x128xf32>
    %get3A_9 = arith.constant 0 : index
    %get3A_10 = vector.load %arg2[%get3A_9] : memref<128xf32, #tpu.memory_space<vmem>>, vector<128xf32>
    %broadcast_in_dim3A = vector.shape_cast %get3A_10 : vector<128xf32> to vector<1x128xf32>
    %add3A_11 = vector.broadcast %broadcast_in_dim3A : vector<1x128xf32> to vector<2048x128xf32>
    %add3A_12 = arith.addf %add3A, %add3A_11 : vector<2048x128xf32>
    %max3A = arith.constant 0.000000e+00 : f32
    %max3A_13 = vector.broadcast %max3A : f32 to vector<2048x128xf32>
    %max3A_14 = arith.maximumf %add3A_12, %max3A_13 : vector<2048x128xf32>
    %get3A_15 = arith.constant 0 : index
    %get3A_16 = arith.constant 0 : index
    %get3A_17 = vector.load %arg3[%get3A_15, %get3A_16] : memref<128x128xf32, #tpu.memory_space<vmem>>, vector<128x128xf32>
    %dot_general3A = arith.constant dense<0.000000e+00> : vector<2048x128xf32>
    %dot_general3A_18 = tpu.matmul %max3A_14, %get3A_17, %dot_general3A {dimension_numbers = #tpu.dot_dimension_numbers<[1], [0], [0], [1], [0, 0, 1, 1], [], []>, transpose_lhs_hint = false} : vector<2048x128xf32>, vector<128x128xf32>, vector<2048x128xf32> -> vector<2048x128xf32>
    %swap3A = arith.constant 0 : index
    %swap3A_19 = arith.constant 0 : index
    %swap3A_20 = vector.load %arg4[%swap3A, %swap3A_19] : memref<2048x128xf32, #tpu.memory_space<vmem>>, vector<2048x128xf32>
    tpu.vector_store %arg4[%swap3A, %swap3A_19], %dot_general3A_18 {strides = array<i32>} : memref<2048x128xf32, #tpu.memory_space<vmem>>, vector<2048x128xf32>,
    return
  }
  func.func @transform_0(%arg0: i32) -> (i32, i32, i32) {
    %c0_i32 = arith.constant 0 : i32
    %c0_i32_0 = arith.constant 0 : i32
    %c0_i32_1 = arith.constant 0 : i32
    return %c0_i32, %arg0, %c0_i32_0 : i32, i32, i32
  }
  func.func @transform_1(%arg0: i32) -> i32 {
    %c0_i32 = arith.constant 0 : i32
    %c0_i32_0 = arith.constant 0 : i32
    return %c0_i32 : i32
  }
  func.func @transform_2(%arg0: i32) -> (i32, i32) {
    %c0_i32 = arith.constant 0 : i32
    %c0_i32_0 = arith.constant 0 : i32
    %c0_i32_1 = arith.constant 0 : i32
    return %c0_i32, %c0_i32_0 : i32, i32
  }
  func.func @transform_3(%arg0: i32) -> (i32, i32) {
    %c0_i32 = arith.constant 0 : i32
    %c0_i32_0 = arith.constant 0 : i32
    return %arg0, %c0_i32 : i32, i32
  }
}

module attributes {stable_mosaic.version = 14 : i64} {
  func.func @_fin_body(%arg0: i32, %arg1: memref<2x2048x128xf32, #tpu.memory_space<vmem>>, %arg2: memref<40xf32, #tpu.memory_space<vmem>>, %arg3: memref<2048x40xf32, #tpu.memory_space<vmem>>) attributes {dimension_semantics = [#tpu.dimension_semantics<arbitrary>], iteration_bounds = array<i64: 5>, scalar_prefetch = 0 : i64, scratch_operands = 0 : i64, tpu.core_type = #tpu.core_type<tc>, window_params = [{transform_indices = @transform_0, window_bounds = array<i64: 2, 2048, 128>}, {pipeline_mode = #tpu.pipeline_mode<synchronous>, transform_indices = @transform_1, window_bounds = array<i64: 40>}, {transform_indices = @transform_2, window_bounds = array<i64: 2048, 40>}]} {
    %get3A = arith.constant 0 : index
    %get3A_0 = arith.constant 0 : index
    %get3A_1 = arith.constant 0 : index
    %get3A_2 = vector.load %arg1[%get3A, %get3A_0, %get3A_1] : memref<2x2048x128xf32, #tpu.memory_space<vmem>>, vector<1x2048x40xf32>
    %get3A_3 = vector.shape_cast %get3A_2 : vector<1x2048x40xf32> to vector<2048x40xf32>
    %get3A_4 = arith.constant 1 : index
    %get3A_5 = arith.constant 0 : index
    %get3A_6 = arith.constant 0 : index
    %get3A_7 = vector.load %arg1[%get3A_4, %get3A_5, %get3A_6] : memref<2x2048x128xf32, #tpu.memory_space<vmem>>, vector<1x2048x40xf32>
    %get3A_8 = vector.shape_cast %get3A_7 : vector<1x2048x40xf32> to vector<2048x40xf32>
    %add3A = arith.addf %get3A_3, %get3A_8 : vector<2048x40xf32>
    %get3A_9 = arith.constant 0 : index
    %get3A_10 = vector.load %arg2[%get3A_9] : memref<40xf32, #tpu.memory_space<vmem>>, vector<40xf32>
    %broadcast_in_dim3A = vector.shape_cast %get3A_10 : vector<40xf32> to vector<1x40xf32>
    %add3A_11 = vector.broadcast %broadcast_in_dim3A : vector<1x40xf32> to vector<2048x40xf32>
    %add3A_12 = arith.addf %add3A, %add3A_11 : vector<2048x40xf32>
    %swap3A = arith.constant 0 : index
    %swap3A_13 = arith.constant 0 : index
    %swap3A_14 = vector.load %arg3[%swap3A, %swap3A_13] : memref<2048x40xf32, #tpu.memory_space<vmem>>, vector<2048x40xf32>
    tpu.vector_store %arg3[%swap3A, %swap3A_13], %add3A_12 {strides = array<i32>} : memref<2048x40xf32, #tpu.memory_space<vmem>>, vector<2048x40xf32>,
    return
  }
  func.func @transform_0(%arg0: i32) -> (i32, i32, i32) {
    %c0_i32 = arith.constant 0 : i32
    %c0_i32_0 = arith.constant 0 : i32
    %c0_i32_1 = arith.constant 0 : i32
    return %c0_i32, %arg0, %c0_i32_0 : i32, i32, i32
  }
  func.func @transform_1(%arg0: i32) -> i32 {
    %c0_i32 = arith.constant 0 : i32
    %c0_i32_0 = arith.constant 0 : i32
    return %c0_i32 : i32
  }
  func.func @transform_2(%arg0: i32) -> (i32, i32) {
    %c0_i32 = arith.constant 0 : i32
    %c0_i32_0 = arith.constant 0 : i32
    return %arg0, %c0_i32 : i32, i32
  }
}

</mosaic_0001>

<sc_bundles>
// kernel: kernel.10.cloned.1.call-start
scs
__scs_entry_jumppad:
0x0: {  	(pc) =	sbr.rel $0x88, $3  }
0x1: {  	(tag) =	ssettag $0x0;
	lr =	simm.s32 $0x1  }
0x2: {  	[smem:$0x3F9A] =	sst lr;
	_ =	strace $0xD0000000  }
0x3: {  	_ = 	snop  }
0x4: {  	_ = 	snop  }
0x5: {  	_ = 	snop  }
0x6: {  	_ = 	snop  }
0x7: {  	_ = 	snop  }
__scs_overlays_trampoline_lowered:
0x8: {  	[smem:$0x3FA9] =	sst s0  }
0x9: {  	[smem:$0x3FAA] =	sst s1  }
0xa: {  	[smem:$0x3FAB] =	sst s2  }
0xb: {  	[smem:$0x3FAC] =	sst s3  }
0xc: {  	[smem:$0x3FAD] =	sst s4  }
0xd: {  	[smem:$0x3FAE] =	sst s5  }
0xe: {  	[smem:$0x3FAF] =	sst s6  }
0xf: {  	[smem:$0x3FB0] =	sst s7  }
0x10: {  	[smem:$0x3FB1] =	sst s8  }
0x11: {  	[smem:$0x3FB2] =	sst s9;
	s0 =	simm.s32 @!p0 $0x0  }
0x12: {  	s1 =	sld [smem:$0x3F98];
	s0 =	simm.s32 @p0 $0x1  }
0x13: {  	[smem:$0x3FB3] =	sst s0;
	s0 =	simm.s32 @!p1 $0x0  }
0x14: {  	s2 =	sld [smem:$0x3F97];
	s0 =	simm.s32 @p1 $0x1  }
0x15: {  	[smem:$0x3FB4] =	sst s0;
	s0 =	simm.s32 @!p2 $0x0  }
0x16: {  	s3 =	sld [smem:$0x3FDB];
	s0 =	simm.s32 @p2 $0x1  }
0x17: {  	s4 =	simm.s32 $0x1BF5;
	[smem:$0x3FB6] =	sst s0  }
0x18: {  	s0 =	sld [smem:$0x3F99];
	_ =	swait.ge [sflag:s4], $0x0  }
0x19: {  	s7 =	sld [smem:$0x3F9A]  }
0x1a: {  	s8 =	sadd.s32 $0xFFFFE003, lr  }
0x1b: {  	s9 =	sadd.s32 $0xFFFFFEF7, lr;
	s5 =	simm.s32 $0xFFFFFFFF;
	p2 =	slt.u32 s8, $0xFFFFF086  }
0x1c: {  	p1 =	slt.u32 s9, $0xF7A;
	s5 =	simm.s32 @!p2 $0x0  }
0x1d: {  	s5 =	simm.s32 @p1 $0x1;
	p0 =	seq.s32 s7, s2  }
0x1e: {  	s7 =	smul.u32 @!p0 $0xF7A, s2;
	p2 =	seq.s32 @!p0 s5, $0x0  }
0x1f: {  	s9 =	smul.u32 $0xF7A, s1;
	s8 =	simm.s32 @!p0 $0x1BF5;
	p2 =	por !p2, p0  }
0x20: {  	[sflag:s8] =	ssyncset.s32 @!p0 $0xFFFFF086;
	s6 =	sadd.s32 @!p0 s3, s7;
	s7 =	simm.s32 @!p0 $0x108  }
0x21: {  	s3 =	sadd.s32 s3, s9;
	s6 =	sadd.s32 @!p0 $0x88, s6;
	s7 =	simm.s32 @p2 $0x1082  }
0x22: {  	[simem:s7], [sflag:s8] =	dma.local @!p0 [hbm:s6], $0xF7A  }
0x23: {  	s9 =	sor.u32 $0xD0000000, s2;
	s6 =	simm.s32 $0x108;
	_ =	swait.ge @!p0 [sflag:s8], $0x0  }
0x24: {  	s3 =	sadd.s32 $0x88, s3;
	s6 =	simm.s32 @!p1 $0x1082;
	[sflag:s4] =	ssyncset.s32 $0xFFFFF086  }
0x25: {  	[simem:s6], [sflag:s4] =	dma.local [hbm:s3], $0xF7A  }
0x26: {  	[smem:$0x3F9A] =	sst s1;
	(tag) =	ssettag s2;
	_ =	strace s9  }
0x27: {  	s1 =	sld [smem:$0x3FAA]  }
0x28: {  	s2 =	sld [smem:$0x3FAB]  }
0x29: {  	s4 =	sld [smem:$0x3FAD]  }
0x2a: {  	p0 =	seq.s32 s5, $0x0;
	s5 =	sld [smem:$0x3FAE]  }
0x2b: {  	s6 =	sld [smem:$0x3FAF]  }
0x2c: {  	s7 =	sld [smem:$0x3FB0]  }
0x2d: {  	s3 =	simm.s32 $0x108;
	s8 =	sld [smem:$0x3FB1]  }
0x2e: {  	s3 =	simm.s32 @!p0 $0x1082;
	s9 =	sld [smem:$0x3FB2]  }
0x2f: {  	lr =	sadd.s32 s0, s3;
	s0 =	sld [smem:$0x3FA9]  }
0x30: {  	s3 =	sld [smem:$0x3FAC]  }
0x31: {  	[smem:$0x3FB5] =	sst s10  }
0x32: {  	s10 =	sld [smem:$0x3FB3];
	_ =	sdelay $0x3  }
0x33: {  	p0 =	seq.s32 s10, $0x1;
	s10 =	sld [smem:$0x3FB5];
	_ =	sdelay $0x3  }
0x34: {  	[smem:$0x3FB5] =	sst s10  }
0x35: {  	s10 =	sld [smem:$0x3FB4];
	_ =	sdelay $0x3  }
0x36: {  	p1 =	seq.s32 s10, $0x1;
	s10 =	sld [smem:$0x3FB5];
	_ =	sdelay $0x3  }
0x37: {  	[smem:$0x3FB5] =	sst s10  }
0x38: {  	s10 =	sld [smem:$0x3FB6]  }
0x39: {  	_ = 	snop;
	(pc) =	sbr.ind lr, $3  }
0x3a: {  	_ = 	snop  }
0x3b: {  	_ = 	snop  }
0x3c: {  	p2 =	seq.s32 s10, $0x1;
	s10 =	sld [smem:$0x3FB5]  }
0x3d: {  	_ =	shalt  }
0x3e: {  	_ =	shalt  }
0x3f: {  	_ =	shalt  }
0x40: {  	_ =	shalt  }
0x41: {  	_ =	shalt  }
0x42: {  	_ =	shalt  }
0x43: {  	_ =	shalt  }
0x44: {  	_ =	shalt  }
0x45: {  	_ =	shalt  }
0x46: {  	_ =	shalt  }
0x47: {  	_ =	shalt  }
0x48: {  	_ =	shalt  }
0x49: {  	_ =	shalt  }
0x4a: {  	_ =	shalt  }
0x4b: {  	_ =	shalt  }
0x4c: {  	_ =	shalt  }
0x4d: {  	_ =	shalt  }
0x4e: {  	_ =	shalt  }
0x4f: {  	_ =	shalt  }
0x50: {  	_ =	shalt  }
0x51: {  	_ =	shalt  }
0x52: {  	_ =	shalt  }
0x53: {  	_ =	shalt  }
0x54: {  	_ =	shalt  }
0x55: {  	_ =	shalt  }
0x56: {  	_ =	shalt  }
0x57: {  	_ =	shalt  }
0x58: {  	_ =	shalt  }
0x59: {  	_ =	shalt  }
0x5a: {  	_ =	shalt  }
0x5b: {  	_ =	shalt  }
0x5c: {  	_ =	shalt  }
0x5d: {  	_ =	shalt  }
0x5e: {  	_ =	shalt  }
0x5f: {  	_ =	shalt  }
0x60: {  	_ =	shalt  }
0x61: {  	_ =	shalt  }
0x62: {  	_ =	shalt  }
0x63: {  	_ =	shalt  }
0x64: {  	_ =	shalt  }
0x65: {  	_ =	shalt  }
0x66: {  	_ =	shalt  }
0x67: {  	_ =	shalt  }
0x68: {  	_ =	shalt  }
0x69: {  	_ =	shalt  }
0x6a: {  	_ =	shalt  }
0x6b: {  	_ =	shalt  }
0x6c: {  	_ =	shalt  }
0x6d: {  	_ =	shalt  }
0x6e: {  	_ =	shalt  }
0x6f: {  	_ =	shalt  }
0x70: {  	_ =	shalt  }
0x71: {  	_ =	shalt  }
0x72: {  	_ =	shalt  }
0x73: {  	_ =	shalt  }
0x74: {  	_ =	shalt  }
0x75: {  	_ =	shalt  }
0x76: {  	_ =	shalt  }
0x77: {  	_ =	shalt  }
0x78: {  	_ =	shalt  }
0x79: {  	_ =	shalt  }
0x7a: {  	_ =	shalt  }
0x7b: {  	_ =	shalt  }
0x7c: {  	_ =	shalt  }
0x7d: {  	_ =	shalt  }
0x7e: {  	_ =	shalt  }
0x7f: {  	_ =	shalt  }
0x80: {  	_ =	shalt  }
0x81: {  	_ =	shalt  }
0x82: {  	_ =	shalt  }
0x83: {  	_ =	shalt  }
0x84: {  	_ =	shalt  }
0x85: {  	_ =	shalt  }
0x86: {  	_ =	shalt  }
0x87: {  	_ =	shalt  }
.Lfunc_end0:
.L_simem_size_0:
called_computation.1_lowered:
.L_overlay_start_0:
0x88: {  	s2 =	sld [smem:$0x3FD9]  }
0x89: {  	s3 =	sld [smem:$0x3FFE];
	_ =	sdelay $0x1  }
0x8a: {  	s1 =	srdreg.scid  }
0x8b: {  	s0 =	sand.u32 $0x1, s1  }
0x8c: {  	s17 =	sshll.u32 s0, $0xA;
	s2 =	sadd.s32 s3, s2  }
0x8d: {  	s2 =	sadd.s32 s2, s17  }
0x8e: {  	[smem:$0x3FC1] =	sst s2  }
0x8f: {  	_ = 	snop  }
0x90: {  	s2 =	sld [smem:$0x3FD0];
	(tm) =	ssettm $0x1  }
0x91: {  	s18 =	sld [smem:$0x3FFB];
	_ =	sdelay $0x3  }
0x92: {  	_ =	strace s18  }
0x93: {  	s3 =	sld [smem:$0x3FFC];
	_ =	sdelay $0x3  }
0x94: {  	_ =	strace s3  }
0x95: {  	s3 =	sld [smem:$0x3FFD];
	_ =	sdelay $0x3  }
0x96: {  	_ =	strace s3  }
0x97: {  	_ =	strace $0x8FFFFFFF  }
0x98: {  	s19 =	sld [smem:$0x3FDB];
	_ =	sdelay $0x1  }
0x99: {  	s4 =	simm.s32 $_scs_section_size  }
0x9a: {  	s5 =	simm.s32 $_size__tile_overlayer_lowered;
	s6 =	simm.s32 $_tile_overlayer_lowered  }
0x9b: {  	s22 =	simm.s32 $0x1BFF;
	s21 =	sshll.u32 s6, $0x1;
	s3 =	sadd.s32 s4, s19  }
0x9c: {  	s7 =	simm.s32 $0x0;
	s20 =	sshll.u32 s5, $0x1;
	s5 =	sadd.s32 s21, s3  }
0x9d: {  	[timem:s7], [sflag:s22] =	dma.local [hbm:s5], s20  }
0x9e: {  	_ =	swait.ge [sflag:s22], s20  }
0x9f: {  	s4 =	ssub.s32 $0x0, s20;
	[sflag:s22] =	ssyncset.done $0x0  }
0xa0: {  	[sflag:s22] =	ssyncadd.s32 s4;
	_ =	sdelay $0x1  }
0xa1: {  	s23 =	simm.s32 $0x1B8B  }
0xa2: {  	_ =	swait.ge [sflag:s23], $0x1  }
0xa3: {  	[sflag:s23] =	ssyncset.done $0x0  }
0xa4: {  	s25 =	simm.s32 $0x1B8E;
	s24 =	sld [smem:$0x3FFE];
	[sflag:s23] =	ssyncadd.s32 $0xFFFFFFFF  }
0xa5: {  	s26 =	simm.s32 $execute0_lowered;
	[smem:$0x3FD2] =	sst s25  }
0xa6: {  	s5 =	sshll.u32 s26, $0x1;
	_ =	strace $0x80000049;
	[dreg:$0x1] =	wrdreg $0xFFFFFFFF  }
0xa7: {  	s28 =	simm.s32 $_size_execute0_lowered;
	s3 =	sadd.s32 s3, s5;
	[dreg:$0x0] =	wrdreg $0x0  }
0xa8: {  	s5 =	sshll.u32 s28, $0x1;
	[dreg:$0x2] =	wrdreg s3  }
0xa9: {  	[dreg:$0x3] =	wrdreg s5  }
0xaa: {  	[dreg:$0x4] =	wrdreg $0xC0  }
0xab: {  	_ =	task [dreg:s7], $0x5FFFF  }
0xac: {  	[dreg:$0x1] =	wrdreg $0xFFFFFFFF  }
0xad: {  	[dreg:$0x0] =	wrdreg $0x60  }
0xae: {  	[dreg:$0x2] =	wrdreg s24  }
0xaf: {  	[dreg:$0x3] =	wrdreg s2  }
0xb0: {  	[dreg:$0x4] =	wrdreg $0xB3000  }
0xb1: {  	[dreg:$0x5] =	wrdreg $0x9  }
0xb2: {  	_ =	task.clear_ibuf [dreg:s7], $0x6FFFF;
	_ =	strace $0x90000049  }
0xb3: {  	s29 =	simm.s32 $0x9;
	_ =	strace $0x8000004B  }
0xb4: {  	_ =	swait.ge [sflag:s29], $0x1  }
0xb5: {  	[sflag:s29] =	ssyncadd.s32 $0xFFFFFFFF  }
0xb6: {  	_ =	strace $0x9000004B  }
0xb7: {  	_ =	sfence  }
0xb8: {  	s30 =	sld [smem:$0x0];
	_ =	sdelay $0x2  }
0xb9: {  	s31 =	sshll.u32 s1, $0xD;
	s1 =	sshrl.u32 s1, $0x2  }
0xba: {  	s3 =	sand.u32 $0x4000, s31;
	s1 =	sadd.s32 s1, s30  }
0xbb: {  	s0 =	sor.u32 s3, s0;
	s1 =	sshll.u32 s1, $0x11  }
0xbc: {  	s0 =	sor.u32 s1, s0  }
0xbd: {  	s0 =	sadd.s32 $0x8F2B, s0  }
0xbe: {  	[sflag:s0] =	ssyncadd.remote.s32 $0x1  }
0xbf: {  	_ =	sfence.sel $0xFFFF  }
0xc0: {  	[dreg:$0x0] =	wrdreg $0xFFFFFFFF;
	(pc) =	sbr.abs _section_cstart, $3  }
0xc1: {  	[dreg:$0x1] =	wrdreg $0xFFFFFFFF  }
0xc2: {  	_ =	task.clear_ibuf [dreg:s7], $0x2FFFF;
	_ =	strace $0x9FFFFFFF  }
0xc3: {  	(tm) =	ssettm $0x7FFFFFFF  }
tec
execute0_lowered:
.L_overlay_start_1:
0x0: {  	(tag) =	ssettag $0x1  }
0x1: {  	s0 =	srdreg.scid  }
0x2: {  	s11 =	stileid.u32;
	s1 =	rddreg [dreg:$0x0]  }
0x3: {  	s7 =	rddreg [dreg:$0x1];
	s4 =	simm.s32 $0x0;
	s9 =	smul.u32 $0x14000, s11  }
0x4: {  	s0 =	sand.u32 $0x1, s0;
	s2 =	sshll.u32 s11, $0x1;
	s11 =	smul.u32 $0x50000, s11  }
0x5: {  	[smem:$0x7FF] =	sst s4;
	s3 =	sor.u32 s0, s2  }
0x6: {  	s2 =	rddreg [dreg:$0x2];
	s6 =	smul.u32 $0x140000, s0;
	s31 =	sshrl.u32 s11, $0x2  }
0x7: {  	_ =	strace $0x8000004A;
	s0 =	ssub.s32 $0x2, s0;
	s26 =	sadd.s32 s31, s2  }
0x8: {  	s12 =	sshrl.u32 s0, $0x1;
	s11 =	sadd.s32 $0x2800, s26;
	[dreg:$0x6] =	wrdreg s26  }
0x9: {  	s0 =	ssub.s32 s0, s12;
	s12 =	sadd.s32 $0x3C00, s26;
	[dreg:$0x8] =	wrdreg s11  }
0xa: {  	s13 =	sadd.s32 $0x5000, s26;
	[dreg:$0x9] =	wrdreg s12  }
0xb: {  	s14 =	sadd.s32 $0x6400, s26;
	[dreg:$0xa] =	wrdreg s13  }
0xc: {  	s15 =	sadd.s32 $0x7800, s26;
	[dreg:$0xb] =	wrdreg s14  }
0xd: {  	s29 =	simm.s32 $0x0;
	s16 =	sadd.s32 $0x8C00, s26;
	[dreg:$0xc] =	wrdreg s15  }
0xe: {  	s5 =	sadd.s32 $0xB600, s1;
	s17 =	sadd.s32 $0xA000, s26;
	[dreg:$0xd] =	wrdreg s16  }
0xf: {  	s3 =	smul.u32 $0x2880, s3;
	s18 =	sadd.s32 $0xB400, s26;
	[dreg:$0xe] =	wrdreg s17  }
0x10: {  	s9 =	sadd.s32 s9, s6;
	s19 =	sadd.s32 $0xC800, s26;
	[dreg:$0xf] =	wrdreg s18  }
0x11: {  	s6 =	sadd.s32 $0x1400, s1;
	s20 =	sadd.s32 $0xDC00, s26;
	[dreg:$0x10] =	wrdreg s19  }
0x12: {  	s8 =	sshrl.u32 s3, $0x3;
	s21 =	sadd.s32 $0xF000, s26;
	[dreg:$0x11] =	wrdreg s20  }
0x13: {  	s9 =	sshrl.u32 s9, $0x3;
	s22 =	sadd.s32 $0x10400, s26;
	[dreg:$0x12] =	wrdreg s21  }
0x14: {  	s0 =	smax.u32 s0, $0x1;
	s24 =	sadd.s32 $0x11800, s26;
	[dreg:$0x13] =	wrdreg s22  }
0x15: {  	s25 =	sadd.s32 $0x12C00, s26;
	s10 =	sadd.s32 s8, s1;
	[dreg:$0x16] =	wrdreg s0  }
0x16: {  	s1 =	sadd.s32 s9, s1;
	s7 =	sadd.s32 s7, s8;
	[dreg:$0x17] =	wrdreg s24  }
0x17: {  	s23 =	sadd.s32 s6, s8;
	[dreg:$0x18] =	wrdreg s25;
	s8 =	simm.s32 $0x6900  }
0x18: {  	s11 =	simm.s32 $0x8100;
	s12 =	simm.s32 $0xB200;
	s13 =	simm.s32 $0x9900  }
0x19: {  	s14 =	simm.s32 $0xB280;
	s15 =	simm.s32 $0x2;
	s16 =	simm.s32 $0xB100  }
0x1a: {  	s17 =	simm.s32 $0x3;
	s18 =	simm.s32 $0x4;
	s19 =	simm.s32 $0x5  }
0x1b: {  	s20 =	simm.s32 $0x6;
	s21 =	simm.s32 $0x7;
	[dreg:$0x5] =	wrdreg s7  }
0x1c: {  	s22 =	simm.s32 $0x8;
	s10 =	sadd.s32 $0x33600, s10;
	[dreg:$0x14] =	wrdreg s23  }
0x1d: {  	s24 =	simm.s32 $0x9;
	s1 =	sadd.s32 $0x3D800, s1;
	[dreg:$0x4] =	wrdreg s10  }
.Ltmp0:
0x1e: {  	s28 =	sadd.s32 $0x6, s23;
	[dreg:$0x15] =	wrdreg s1;
	(pc) =	sbr.rel .LBB2_1-.Ltmp0, $4  }
0x1f: {  	s25 =	simm.s32 $0xA;
	s30 =	sadd.s32 $0xC, s23;
	[dreg:$0x19] =	wrdreg s28  }
0x20: {  	s31 =	sadd.s32 $0x12, s23;
	s7 =	simm.s32 $0x30;
	[dreg:$0x1a] =	wrdreg s30  }
0x21: {  	s23 =	simm.s32 $0x0;
	s10 =	sadd.s32 $0x1400, s26;
	[dreg:$0x1b] =	wrdreg s31  }
0x22: {  	v0 =	vimm.f32 $0.0e+00;
	s1 =	simm.s32 $0x5100;
	[dreg:$0x7] =	wrdreg s10;
	s10 =	simm.s32 $0xB180  }
.LBB2_14:
0x23: {  	_ =	swait.ge [sflag:s22], $0x1800  }
0x24: {  	[sflag:s22] =	ssyncset.done $0x0  }
0x25: {  	[sflag:s22] =	ssyncadd.s32 $0xFFFFE800  }
0x26: {  	_ =	swait.ge [sflag:s24], $0x1800  }
0x27: {  	[sflag:s24] =	ssyncset.done $0x0  }
0x28: {  	[sflag:s24] =	ssyncadd.s32 $0xFFFFE800  }
0x29: {  	_ =	swait.ge [sflag:s25], $0x1800  }
0x2a: {  	[sflag:s25] =	ssyncset.done $0x0  }
0x2b: {  	[sflag:s25] =	ssyncadd.s32 $0xFFFFE800  }
0x2c: {  	s0 =	stileid.u32;
	[bflag:$0x0] =	sbarrier.arrive $0xFFFF  }
0x2d: {  	s28 =	simm.s32 $0xB;
	s0 =	sshll.u32 s0, $0x6;
	s26 =	rddreg [dreg:$0x6]  }
0x2e: {  	s0 =	sor.u32 $0x1C0B, s0;
	s23 =	rddreg [dreg:$0x15];
	s9 =	sshrl.u32 s26, $0x3  }
0x2f: {  	[hbm:s23], [sflag:s0] =	dma.local [spmem:s9], $0x2800  }
0x30: {  	_ =	swait.ge [sflag:s28], $0x2800  }
0x31: {  	s30 =	rddreg [dreg:$0x1c]  }
0x32: {  	s31 =	rddreg [dreg:$0x16];
	s23 =	sadd.s32 $0x1, s30  }
0x33: {  	p0 =	sne.s32 s23, s31  }
.Ltmp1:
0x34: {  	_ = 	snop;
	(pc) =	sbr.rel @!p0 .LBB2_15-.Ltmp1, $3  }
0x35: {  	_ =	sdelay $0x1  }
0x36: {  	[sflag:s28] =	ssyncset.done $0x0  }
0x37: {  	[sflag:s28] =	ssyncadd.s32 $0xFFFFD800  }
.LBB2_1:
0x38: {  	s0 =	rddreg [dreg:$0x4]  }
0x39: {  	[tilespmem:s4], [sflag:$0x1] =	stream.linear.gather [hbm4b:s0+s4], $0x2880, $0x38;
	[tilespmem:$0x1F300] =	vst v63  }
0x3a: {  	s31 =	rddreg [dreg:$0x5];
	s9 =	simm.s32 $0x2880  }
0x3b: {  	[tilespmem:s9], [sflag:$0x1] =	stream.linear.gather [hbm4b:s31+s4], $0x2880, $0x38;
	[tilespmem:$0x1F300] =	vst v63  }
0x3c: {  	[dreg:$0x1c] =	wrdreg s23;
	s23 =	simm.s32 $0x200;
	s9 =	simm.s32 $0x0  }
.LBB2_2:
0x3d: {  	p0 =	sne.s32 s23, $0x4E00;
	[tilespmem:s9+$0x5170] =	vst v0  }
0x3e: {  	[tilespmem:s9+$0x5100] =	vst v0  }
0x3f: {  	[tilespmem:s9+$0x5110] =	vst v0  }
.Ltmp2:
0x40: {  	[tilespmem:s9+$0x5120] =	vst v0;
	(pc) =	sbr.rel @p0 .LBB2_2-.Ltmp2, $4  }
0x41: {  	[tilespmem:s9+$0x5130] =	vst v0  }
0x42: {  	[tilespmem:s9+$0x5140] =	vst v0  }
0x43: {  	[tilespmem:s9+$0x5150] =	vst v0  }
0x44: {  	[tilespmem:s9+$0x5160] =	vst v0;
	s9 =	sshra.s32 s23, $0x2;
	s23 =	sadd.s32 $0x200, s23  }
0x45: {  	[tilespmem:s9+$0x5170] =	vst v0  }
0x46: {  	[tilespmem:s9+$0x5100] =	vst v0  }
0x47: {  	[tilespmem:s9+$0x5110] =	vst v0  }
0x48: {  	[tilespmem:s9+$0x5120] =	vst v0  }
0x49: {  	[tilespmem:s9+$0x5130] =	vst v0  }
0x4a: {  	[tilespmem:s9+$0x5140] =	vst v0  }
0x4b: {  	[tilespmem:s9+$0x5150] =	vst v0  }
0x4c: {  	[tilespmem:s9+$0x5160] =	vst v0  }
0x4d: {  	[spmem:s26] =	stream.linear.scatter [tilespmem:s1], [sflag:$0x2], $0x1400, $0x38;
	[tilespmem:$0x1F300] =	vst v63  }
0x4e: {  	s0 =	rddreg [dreg:$0x7]  }
0x4f: {  	[spmem:s0] =	stream.linear.scatter [tilespmem:s1], [sflag:$0x2], $0x1400, $0x38;
	[tilespmem:$0x1F300] =	vst v63  }
0x50: {  	s31 =	rddreg [dreg:$0x8]  }
0x51: {  	[spmem:s31] =	stream.linear.scatter [tilespmem:s1], [sflag:$0x2], $0x1400, $0x38;
	[tilespmem:$0x1F300] =	vst v63  }
0x52: {  	s9 =	rddreg [dreg:$0x9]  }
0x53: {  	[spmem:s9] =	stream.linear.scatter [tilespmem:s1], [sflag:$0x2], $0x1400, $0x38;
	[tilespmem:$0x1F300] =	vst v63  }
0x54: {  	s23 =	rddreg [dreg:$0xa]  }
0x55: {  	[spmem:s23] =	stream.linear.scatter [tilespmem:s1], [sflag:$0x2], $0x1400, $0x38;
	[tilespmem:$0x1F300] =	vst v63  }
0x56: {  	s26 =	rddreg [dreg:$0xb]  }
0x57: {  	[spmem:s26] =	stream.linear.scatter [tilespmem:s1], [sflag:$0x2], $0x1400, $0x38;
	[tilespmem:$0x1F300] =	vst v63  }
0x58: {  	s28 =	rddreg [dreg:$0xc]  }
0x59: {  	[spmem:s28] =	stream.linear.scatter [tilespmem:s1], [sflag:$0x2], $0x1400, $0x38;
	[tilespmem:$0x1F300] =	vst v63  }
0x5a: {  	s31 =	rddreg [dreg:$0xd]  }
0x5b: {  	[spmem:s31] =	stream.linear.scatter [tilespmem:s1], [sflag:$0x2], $0x1400, $0x38;
	[tilespmem:$0x1F300] =	vst v63  }
0x5c: {  	s9 =	rddreg [dreg:$0xe]  }
0x5d: {  	[spmem:s9] =	stream.linear.scatter [tilespmem:s1], [sflag:$0x2], $0x1400, $0x38;
	[tilespmem:$0x1F300] =	vst v63  }
0x5e: {  	s23 =	rddreg [dreg:$0xf]  }
0x5f: {  	[spmem:s23] =	stream.linear.scatter [tilespmem:s1], [sflag:$0x2], $0x1400, $0x38;
	[tilespmem:$0x1F300] =	vst v63  }
0x60: {  	s26 =	rddreg [dreg:$0x10]  }
0x61: {  	[spmem:s26] =	stream.linear.scatter [tilespmem:s1], [sflag:$0x2], $0x1400, $0x38;
	[tilespmem:$0x1F300] =	vst v63  }
0x62: {  	s28 =	rddreg [dreg:$0x11]  }
0x63: {  	[spmem:s28] =	stream.linear.scatter [tilespmem:s1], [sflag:$0x2], $0x1400, $0x38;
	[tilespmem:$0x1F300] =	vst v63  }
0x64: {  	s31 =	rddreg [dreg:$0x12]  }
0x65: {  	[spmem:s31] =	stream.linear.scatter [tilespmem:s1], [sflag:$0x2], $0x1400, $0x38;
	[tilespmem:$0x1F300] =	vst v63  }
0x66: {  	s9 =	rddreg [dreg:$0x13]  }
0x67: {  	[spmem:s9] =	stream.linear.scatter [tilespmem:s1], [sflag:$0x2], $0x1400, $0x38;
	[tilespmem:$0x1F300] =	vst v63  }
0x68: {  	s23 =	rddreg [dreg:$0x17]  }
0x69: {  	[spmem:s23] =	stream.linear.scatter [tilespmem:s1], [sflag:$0x2], $0x1400, $0x38;
	[tilespmem:$0x1F300] =	vst v63  }
0x6a: {  	s26 =	rddreg [dreg:$0x18];
	s28 =	simm.s32 $0x1  }
0x6b: {  	[spmem:s26] =	stream.linear.scatter [tilespmem:s1], [sflag:$0x2], $0x1400, $0x38;
	[tilespmem:$0x1F300] =	vst v63  }
0x6c: {  	_ =	swait.ge [sflag:s28], $0x2880  }
0x6d: {  	[sflag:s28] =	ssyncset.done $0x0  }
0x6e: {  	[sflag:s28] =	ssyncadd.s32 $0xFFFFD780  }
0x6f: {  	_ =	swait.ge [sflag:s28], $0x2880  }
0x70: {  	[sflag:s28] =	ssyncset.done $0x0  }
0x71: {  	[sflag:s28] =	ssyncadd.s32 $0xFFFFD780  }
0x72: {  	[tilespmem:s8], [sflag:$0x4] =	stream.indirect.gather [hbm4b:s5+s7], $0x80, s7, s7, $0xb8;
	[tilespmem:$0x1F300] =	vst v63  }
0x73: {  	s31 =	rddreg [dreg:$0x19]  }
0x74: {  	[tilespmem:s10], [sflag:$0x4] =	stream.linear.gather [hbm4b:s31+s29], $0x30, $0x38;
	[tilespmem:$0x1F300] =	vst v63  }
0x75: {  	s9 =	simm.s32 $0x60  }
0x76: {  	[tilespmem:s11], [sflag:$0x5] =	stream.indirect.gather [hbm4b:s5+s7], $0x80, s9, s7, $0xb8;
	[tilespmem:$0x1F300] =	vst v63  }
0x77: {  	s23 =	rddreg [dreg:$0x1a]  }
0x78: {  	[tilespmem:s12], [sflag:$0x5] =	stream.linear.gather [hbm4b:s23+s29], $0x30, $0x38;
	[tilespmem:$0x1F300] =	vst v63  }
0x79: {  	s26 =	simm.s32 $0x90  }
0x7a: {  	[tilespmem:s13], [sflag:$0x6] =	stream.indirect.gather [hbm4b:s5+s7], $0x80, s26, s7, $0xb8;
	[tilespmem:$0x1F300] =	vst v63  }
0x7b: {  	s28 =	rddreg [dreg:$0x1b]  }
0x7c: {  	[tilespmem:s14], [sflag:$0x6] =	stream.linear.gather [hbm4b:s28+s29], $0x30, $0x38;
	[tilespmem:$0x1F300] =	vst v63  }
0x7d: {  	_ =	swait.ge [sflag:s15], $0x1400  }
0x7e: {  	[sflag:s15] =	ssyncset.done $0x0  }
0x7f: {  	[sflag:s15] =	ssyncadd.s32 $0xFFFFEC00  }
0x80: {  	_ =	swait.ge [sflag:s15], $0x1400  }
0x81: {  	[sflag:s15] =	ssyncset.done $0x0  }
0x82: {  	[sflag:s15] =	ssyncadd.s32 $0xFFFFEC00  }
0x83: {  	_ =	swait.ge [sflag:s15], $0x1400  }
0x84: {  	[sflag:s15] =	ssyncset.done $0x0  }
0x85: {  	[sflag:s15] =	ssyncadd.s32 $0xFFFFEC00  }
0x86: {  	_ =	swait.ge [sflag:s15], $0x1400  }
0x87: {  	[sflag:s15] =	ssyncset.done $0x0  }
0x88: {  	[sflag:s15] =	ssyncadd.s32 $0xFFFFEC00  }
0x89: {  	_ =	swait.ge [sflag:s15], $0x1400  }
0x8a: {  	[sflag:s15] =	ssyncset.done $0x0  }
0x8b: {  	[sflag:s15] =	ssyncadd.s32 $0xFFFFEC00  }
0x8c: {  	_ =	swait.ge [sflag:s15], $0x1400  }
0x8d: {  	[sflag:s15] =	ssyncset.done $0x0  }
0x8e: {  	[sflag:s15] =	ssyncadd.s32 $0xFFFFEC00  }
0x8f: {  	_ =	swait.ge [sflag:s15], $0x1400  }
0x90: {  	[sflag:s15] =	ssyncset.done $0x0  }
0x91: {  	[sflag:s15] =	ssyncadd.s32 $0xFFFFEC00  }
0x92: {  	_ =	swait.ge [sflag:s15], $0x1400  }
0x93: {  	[sflag:s15] =	ssyncset.done $0x0  }
0x94: {  	[sflag:s15] =	ssyncadd.s32 $0xFFFFEC00  }
0x95: {  	_ =	swait.ge [sflag:s15], $0x1400  }
0x96: {  	[sflag:s15] =	ssyncset.done $0x0  }
0x97: {  	[sflag:s15] =	ssyncadd.s32 $0xFFFFEC00  }
0x98: {  	_ =	swait.ge [sflag:s15], $0x1400  }
0x99: {  	[sflag:s15] =	ssyncset.done $0x0  }
0x9a: {  	[sflag:s15] =	ssyncadd.s32 $0xFFFFEC00  }
0x9b: {  	_ =	swait.ge [sflag:s15], $0x1400  }
0x9c: {  	[sflag:s15] =	ssyncset.done $0x0  }
0x9d: {  	[sflag:s15] =	ssyncadd.s32 $0xFFFFEC00  }
0x9e: {  	_ =	swait.ge [sflag:s15], $0x1400  }
0x9f: {  	[sflag:s15] =	ssyncset.done $0x0  }
0xa0: {  	[sflag:s15] =	ssyncadd.s32 $0xFFFFEC00  }
0xa1: {  	_ =	swait.ge [sflag:s15], $0x1400  }
0xa2: {  	[sflag:s15] =	ssyncset.done $0x0  }
0xa3: {  	[sflag:s15] =	ssyncadd.s32 $0xFFFFEC00  }
0xa4: {  	_ =	swait.ge [sflag:s15], $0x1400  }
0xa5: {  	[sflag:s15] =	ssyncset.done $0x0  }
0xa6: {  	[sflag:s15] =	ssyncadd.s32 $0xFFFFEC00  }
0xa7: {  	_ =	swait.ge [sflag:s15], $0x1400  }
0xa8: {  	[sflag:s15] =	ssyncset.done $0x0  }
0xa9: {  	[sflag:s15] =	ssyncadd.s32 $0xFFFFEC00  }
0xaa: {  	_ =	swait.ge [sflag:s15], $0x1400  }
0xab: {  	[sflag:s15] =	ssyncset.done $0x0  }
0xac: {  	[sflag:s15] =	ssyncadd.s32 $0xFFFFEC00  }
0xad: {  	[tilespmem:s1], [sflag:$0x3] =	stream.indirect.gather [hbm4b:s5+s7], $0x80, s29, s7, $0xb8;
	[tilespmem:$0x1F300] =	vst v63  }
0xae: {  	s31 =	rddreg [dreg:$0x14]  }
0xaf: {  	[tilespmem:s16], [sflag:$0x3] =	stream.linear.gather [hbm4b:s31+s29], $0x30, $0x38;
	[tilespmem:$0x1F300] =	vst v63  }
0xb0: {  	s30 =	simm.s32 $0x0;
	[bflag:$0x0] =	sbarrier.arrive $0xFFFF  }
.LBB2_4:
0xb1: {  	_ =	swait.ge [sflag:s17], $0x1800  }
0xb2: {  	[sflag:s17] =	ssyncset.done $0x0  }
0xb3: {  	v1 =	vmov s29;
	s0 =	simm.s32 $0x2;
	[sflag:s17] =	ssyncadd.s32 $0xFFFFE800  }
0xb4: {  	v1 =	vand.u32 $0xFFFFFFFC, v1;
	v2 =	vmov s0;
	_ =	swait.ge [sflag:s17], $0x30  }
0xb5: {  	v1 =	vbroadcast v1, $0x0;
	v2 =	vand.u32 $0xFFFFFFFE, v2;
	[sflag:s17] =	ssyncset.done $0x0  }
0xb6: {  	s31 =	simm.s32 $0x5200;
	v2 =	vbroadcast v2, $0x0;
	[sflag:s17] =	ssyncadd.s32 $0xFFFFFFD0  }
0xb7: {  	v4 =	vld [tilespmem:s31+$0x70]  }
0xb8: {  	v5 =	vld [tilespmem:s31+$0xFFFFFF00]  }
0xb9: {  	s9 =	simm.s32 $0x1;
	v6 =	vld [tilespmem:s31+$0xFFFFFF10]  }
0xba: {  	v3 =	vmov s9;
	v7 =	vld [tilespmem:s31+$0xFFFFFF20]  }
0xbb: {  	v3 =	vand.u32 $0xFFFFFFFD, v3;
	v1 =	vld.idx.msk [tilespmem:v1+s16+$0x0], $0xffff  }
0xbc: {  	v3 =	vbroadcast v3, $0x0;
	v2 =	vld.idx.msk [tilespmem:v2+s16+$0x0], $0xffff  }
0xbd: {  	v8 =	vld [tilespmem:s31+$0xFFFFFF30]  }
0xbe: {  	v9 =	vld [tilespmem:s31+$0xFFFFFF40]  }
0xbf: {  	v10 =	vld [tilespmem:s31+$0xFFFFFF50]  }
0xc0: {  	v11 =	vld [tilespmem:s31+$0xFFFFFF60];
	v5 =	vmul.f32 v5, v1  }
0xc1: {  	v13 =	vld [tilespmem:s31+$0x40];
	v4 =	vmul.f32 v4, v2  }
0xc2: {  	v3 =	vld.idx.msk [tilespmem:v3+s16+$0x0], $0xffff;
	[tilespmem:s31+$0xFFFFFF00] =	vst v5;
	v5 =	vmul.f32 v6, v1  }
0xc3: {  	v6 =	vld [tilespmem:s31+$0xFFFFFF70];
	[tilespmem:s31+$0x70] =	vst v4;
	v4 =	vmul.f32 v7, v1  }
0xc4: {  	v7 =	vld [tilespmem:s31+$0xFFFFFF80];
	[tilespmem:s31+$0xFFFFFF10] =	vst v5;
	v5 =	vmul.f32 v8, v1  }
0xc5: {  	v8 =	vld [tilespmem:s31+$0xFFFFFF90];
	[tilespmem:s31+$0xFFFFFF20] =	vst v4;
	v4 =	vmul.f32 v9, v1  }
0xc6: {  	v9 =	vld [tilespmem:s31+$0xFFFFFFA0];
	[tilespmem:s31+$0xFFFFFF30] =	vst v5;
	v5 =	vmul.f32 v10, v1  }
0xc7: {  	v10 =	vld [tilespmem:s31+$0xFFFFFFB0];
	[tilespmem:s31+$0xFFFFFF40] =	vst v4;
	v4 =	vmul.f32 v11, v1  }
0xc8: {  	v11 =	vld [tilespmem:s31+$0xFFFFFFC0];
	v6 =	vmul.f32 v6, v1;
	[tilespmem:s31+$0xFFFFFF50] =	vst v5  }
0xc9: {  	v5 =	vmul.f32 v7, v3;
	v7 =	vld [tilespmem:s31+$0xFFFFFFD0];
	[tilespmem:s31+$0xFFFFFF60] =	vst v4  }
0xca: {  	s23 =	simm.s32 $0x3;
	v4 =	vld [tilespmem:s31+$0xFFFFFFE0];
	v8 =	vmul.f32 v8, v3;
	[tilespmem:s31+$0xFFFFFF70] =	vst v6  }
0xcb: {  	v12 =	vmov s23;
	v6 =	vld [tilespmem:s31+$0xFFFFFFF0];
	[tilespmem:s31+$0xFFFFFF80] =	vst v5;
	v5 =	vmul.f32 v9, v3  }
0xcc: {  	v9 =	vld [tilespmem:s31+$0x0];
	[tilespmem:s31+$0xFFFFFF90] =	vst v8;
	v8 =	vmul.f32 v10, v3  }
0xcd: {  	v10 =	vld [tilespmem:s31+$0x10];
	[tilespmem:s31+$0xFFFFFFA0] =	vst v5;
	v5 =	vmul.f32 v11, v3  }
0xce: {  	[tilespmem:s31+$0xFFFFFFB0] =	vst v8;
	v7 =	vmul.f32 v7, v3;
	v8 =	vld [tilespmem:s31+$0x20]  }
0xcf: {  	v11 =	vld [tilespmem:s31+$0x30];
	[tilespmem:s31+$0xFFFFFFC0] =	vst v5;
	v4 =	vmul.f32 v4, v3  }
0xd0: {  	v1 =	vld.idx.msk [tilespmem:v12+s16+$0x0], $0xffff;
	v3 =	vmul.f32 v6, v3;
	[tilespmem:s31+$0xFFFFFFD0] =	vst v7  }
0xd1: {  	v5 =	vmul.f32 v9, v2;
	[tilespmem:s31+$0xFFFFFFE0] =	vst v4;
	v4 =	vld [tilespmem:s31+$0x50]  }
0xd2: {  	s26 =	simm.s32 $0x4;
	[tilespmem:s31+$0xFFFFFFF0] =	vst v3;
	v6 =	vmul.f32 v10, v2;
	v3 =	vld [tilespmem:s31+$0x60]  }
0xd3: {  	s28 =	simm.s32 $0x7;
	v7 =	vmov s26;
	[tilespmem:s31+$0x0] =	vst v5;
	v9 =	vmul.f32 v8, v2;
	v8 =	vld [tilespmem:s31+$0x80]  }
0xd4: {  	s9 =	simm.s32 $0x5;
	v12 =	vand.u32 $0xFFFFFFFC, v7;
	v7 =	vld [tilespmem:s31+$0x90];
	v5 =	vmov s28;
	v10 =	vmul.f32 v11, v2;
	[tilespmem:s31+$0x10] =	vst v6  }
0xd5: {  	s23 =	simm.s32 $0x5200;
	s26 =	simm.s32 $0x8;
	v11 =	vmul.f32 v13, v2;
	v6 =	vbroadcast v12, $0x0;
	v12 =	vmov s9;
	s9 =	simm.s32 $0x6;
	[tilespmem:s31+$0x20] =	vst v9;
	v9 =	vld [tilespmem:s31+$0xA0]  }
.LBB2_5:
0xd6: {  	p0 =	slt.u32 s26, $0x2C;
	v12 =	vand.u32 $0xFFFFFFFD, v12;
	v13 =	vmov s9;
	[tilespmem:s31+$0x30] =	vst v10;
	v4 =	vmul.f32 v4, v2;
	v10 =	vld [tilespmem:s31+$0xB0]  }
0xd7: {  	v12 =	vbroadcast v12, $0x0;
	v13 =	vand.u32 $0xFFFFFFFE, v13;
	[tilespmem:s31+$0x40] =	vst v11;
	v2 =	vmul.f32 v3, v2;
	v3 =	vld [tilespmem:s31+$0xC0]  }
0xd8: {  	v11 =	vbroadcast v13, $0x0;
	[tilespmem:s31+$0x50] =	vst v4;
	v4 =	vmul.f32 v8, v1;
	v8 =	vld [tilespmem:s31+$0xD0]  }
0xd9: {  	[tilespmem:s31+$0x60] =	vst v2;
	v2 =	vmul.f32 v7, v1;
	v7 =	vld [tilespmem:s31+$0xE0]  }
0xda: {  	[tilespmem:s31+$0x80] =	vst v4;
	v4 =	vmul.f32 v9, v1;
	v9 =	vld [tilespmem:s31+$0xF0]  }
0xdb: {  	v5 =	vld.idx.msk [tilespmem:v5+s16+$0x0], $0xffff;
	[tilespmem:s31+$0x90] =	vst v2;
	v2 =	vmul.f32 v10, v1  }
0xdc: {  	v6 =	vld.idx.msk [tilespmem:v6+s16+$0x0], $0xffff;
	[tilespmem:s31+$0xA0] =	vst v4;
	v3 =	vmul.f32 v3, v1  }
0xdd: {  	v4 =	vld.idx.msk [tilespmem:v12+s16+$0x0], $0xffff;
	[tilespmem:s31+$0xB0] =	vst v2;
	v8 =	vmul.f32 v8, v1  }
0xde: {  	s31 =	sadd.s32 $0x200, s31;
	v2 =	vld.idx.msk [tilespmem:v11+s16+$0x0], $0xffff;
	[tilespmem:s23+$0xC0] =	vst v3;
	v3 =	vmul.f32 v7, v1  }
0xdf: {  	v7 =	vld [tilespmem:s31+$0x70];
	[tilespmem:s23+$0xD0] =	vst v8;
	v9 =	vmul.f32 v9, v1  }
0xe0: {  	v8 =	vld [tilespmem:s31+$0xFFFFFF00];
	[tilespmem:s23+$0xE0] =	vst v3  }
0xe1: {  	v1 =	vmov v5;
	v3 =	vld [tilespmem:s31+$0xFFFFFF10];
	[tilespmem:s23+$0xF0] =	vst v9;
	s23 =	smov.u32 s31  }
0xe2: {  	v5 =	vld [tilespmem:s31+$0xFFFFFF20]  }
0xe3: {  	v9 =	vld [tilespmem:s31+$0xFFFFFF30]  }
0xe4: {  	v10 =	vld [tilespmem:s31+$0xFFFFFF40];
	v7 =	vmul.f32 v7, v2  }
0xe5: {  	v8 =	vmul.f32 v8, v6;
	v11 =	vld [tilespmem:s31+$0xFFFFFF50]  }
0xe6: {  	v3 =	vmul.f32 v3, v6;
	v12 =	vld [tilespmem:s31+$0xFFFFFF60];
	[tilespmem:s31+$0x70] =	vst v7  }
0xe7: {  	[tilespmem:s31+$0xFFFFFF00] =	vst v8;
	v5 =	vmul.f32 v5, v6;
	v7 =	vld [tilespmem:s31+$0xFFFFFF70]  }
0xe8: {  	[tilespmem:s31+$0xFFFFFF10] =	vst v3;
	v3 =	vmul.f32 v9, v6;
	v8 =	vld [tilespmem:s31+$0xFFFFFF80]  }
0xe9: {  	[tilespmem:s31+$0xFFFFFF20] =	vst v5;
	v5 =	vmul.f32 v10, v6;
	v9 =	vld [tilespmem:s31+$0xFFFFFF90]  }
0xea: {  	[tilespmem:s31+$0xFFFFFF30] =	vst v3;
	v3 =	vmul.f32 v11, v6;
	v10 =	vld [tilespmem:s31+$0xFFFFFFA0]  }
0xeb: {  	[tilespmem:s31+$0xFFFFFF40] =	vst v5;
	v5 =	vmul.f32 v12, v6;
	v11 =	vld [tilespmem:s31+$0xFFFFFFB0]  }
0xec: {  	[tilespmem:s31+$0xFFFFFF50] =	vst v3;
	v3 =	vmul.f32 v7, v6;
	v6 =	vld [tilespmem:s31+$0xFFFFFFC0]  }
0xed: {  	[tilespmem:s31+$0xFFFFFF60] =	vst v5;
	v5 =	vmul.f32 v8, v4;
	v7 =	vld [tilespmem:s31+$0xFFFFFFD0]  }
0xee: {  	[tilespmem:s31+$0xFFFFFF70] =	vst v3;
	v3 =	vmul.f32 v9, v4;
	v8 =	vld [tilespmem:s31+$0xFFFFFFE0]  }
0xef: {  	[tilespmem:s31+$0xFFFFFF80] =	vst v5;
	v5 =	vmul.f32 v10, v4;
	v9 =	vld [tilespmem:s31+$0xFFFFFFF0]  }
0xf0: {  	[tilespmem:s31+$0xFFFFFF90] =	vst v3;
	v3 =	vmul.f32 v11, v4;
	v10 =	vld [tilespmem:s31+$0x0]  }
0xf1: {  	[tilespmem:s31+$0xFFFFFFA0] =	vst v5;
	v5 =	vmul.f32 v6, v4;
	v6 =	vld [tilespmem:s31+$0x10]  }
0xf2: {  	[tilespmem:s31+$0xFFFFFFB0] =	vst v3;
	v3 =	vmul.f32 v7, v4;
	v7 =	vld [tilespmem:s31+$0x20]  }
0xf3: {  	[tilespmem:s31+$0xFFFFFFC0] =	vst v5;
	v5 =	vmul.f32 v8, v4;
	v11 =	vld [tilespmem:s31+$0x30]  }
0xf4: {  	[tilespmem:s31+$0xFFFFFFD0] =	vst v3;
	v3 =	vmul.f32 v9, v4;
	v9 =	vld [tilespmem:s31+$0x40]  }
.Ltmp3:
0xf5: {  	[tilespmem:s31+$0xFFFFFFE0] =	vst v5;
	v5 =	vmul.f32 v10, v2;
	v4 =	vld [tilespmem:s31+$0x50];
	(pc) =	sbr.rel @p0 .LBB2_5-.Ltmp3, $4  }
0xf6: {  	[tilespmem:s31+$0xFFFFFFF0] =	vst v3;
	v6 =	vmul.f32 v6, v2;
	v3 =	vld [tilespmem:s31+$0x60]  }
0xf7: {  	s0 =	sadd.s32 $0x3, s26;
	v10 =	vmov s26;
	[tilespmem:s31+$0x0] =	vst v5;
	v13 =	vmul.f32 v7, v2;
	v8 =	vld [tilespmem:s31+$0x80]  }
0xf8: {  	s9 =	sadd.s32 $0x1, s26;
	v12 =	vand.u32 $0xFFFFFFFC, v10;
	v5 =	vmov s0;
	[tilespmem:s31+$0x10] =	vst v6;
	v10 =	vmul.f32 v11, v2;
	v7 =	vld [tilespmem:s31+$0x90]  }
0xf9: {  	v6 =	vbroadcast v12, $0x0;
	v12 =	vmov s9;
	s9 =	sadd.s32 $0x2, s26;
	s26 =	sadd.s32 $0x4, s26;
	[tilespmem:s31+$0x20] =	vst v13;
	v11 =	vmul.f32 v9, v2;
	v9 =	vld [tilespmem:s31+$0xA0]  }
0xfa: {  	v13 =	vld [tilespmem:s31+$0xB0]  }
0xfb: {  	v15 =	vld [tilespmem:s31+$0xC0]  }
0xfc: {  	v14 =	vmov s9;
	v16 =	vld [tilespmem:s31+$0xD0]  }
0xfd: {  	v17 =	vld [tilespmem:s31+$0xE0];
	[tilespmem:s31+$0x30] =	vst v10;
	v4 =	vmul.f32 v4, v2;
	v14 =	vand.u32 $0xFFFFFFFE, v14  }
0xfe: {  	v12 =	vand.u32 $0xFFFFFFFD, v12;
	v5 =	vld.idx.msk [tilespmem:v5+s16+$0x0], $0xffff;
	[tilespmem:s31+$0x40] =	vst v11;
	v2 =	vmul.f32 v3, v2;
	v14 =	vbroadcast v14, $0x0  }
0xff: {  	s28 =	sadd.s32 $0x200, s31;
	v12 =	vbroadcast v12, $0x0;
	v3 =	vld.idx.msk [tilespmem:v6+s16+$0x0], $0xffff;
	v8 =	vmul.f32 v8, v1;
	[tilespmem:s31+$0x50] =	vst v4  }
0x100: {  	v10 =	vld [tilespmem:s28+$0xFFFFFF00];
	v4 =	vmul.f32 v7, v1;
	[tilespmem:s31+$0x60] =	vst v2  }
0x101: {  	[tilespmem:s31+$0x80] =	vst v8;
	v8 =	vld [tilespmem:s31+$0xF0];
	v2 =	vmul.f32 v9, v1  }
0x102: {  	v11 =	vld [tilespmem:s28+$0xFFFFFF10];
	[tilespmem:s31+$0x90] =	vst v4;
	v4 =	vmul.f32 v13, v1  }
0x103: {  	v9 =	vld [tilespmem:s28+$0x70];
	[tilespmem:s31+$0xA0] =	vst v2;
	v2 =	vmul.f32 v15, v1  }
0x104: {  	[tilespmem:s31+$0xB0] =	vst v4;
	v4 =	vmul.f32 v16, v1;
	v7 =	vld.idx.msk [tilespmem:v14+s16+$0x0], $0xffff  }
0x105: {  	v6 =	vld.idx.msk [tilespmem:v12+s16+$0x0], $0xffff;
	[tilespmem:s23+$0xC0] =	vst v2;
	v2 =	vmul.f32 v17, v1  }
0x106: {  	v12 =	vld [tilespmem:s28+$0xFFFFFF20];
	[tilespmem:s23+$0xD0] =	vst v4;
	v1 =	vmul.f32 v8, v1  }
0x107: {  	v4 =	vld [tilespmem:s28+$0xFFFFFF30];
	[tilespmem:s23+$0xE0] =	vst v2  }
0x108: {  	v2 =	vld [tilespmem:s28+$0xFFFFFF40];
	[tilespmem:s23+$0xF0] =	vst v1;
	v1 =	vmul.f32 v10, v3  }
0x109: {  	v8 =	vmul.f32 v9, v7;
	v9 =	vld [tilespmem:s28+$0xFFFFFF50]  }
0x10a: {  	v10 =	vmul.f32 v11, v3;
	v11 =	vld [tilespmem:s28+$0xFFFFFF60];
	[tilespmem:s28+$0xFFFFFF00] =	vst v1  }
0x10b: {  	v1 =	vmul.f32 v12, v3;
	[tilespmem:s28+$0x70] =	vst v8;
	v8 =	vld [tilespmem:s28+$0xFFFFFF70]  }
0x10c: {  	[tilespmem:s28+$0xFFFFFF10] =	vst v10;
	v10 =	vld [tilespmem:s28+$0xFFFFFF80];
	v4 =	vmul.f32 v4, v3  }
0x10d: {  	[tilespmem:s28+$0xFFFFFF20] =	vst v1;
	v1 =	vmul.f32 v2, v3;
	v2 =	vld [tilespmem:s28+$0xFFFFFF90]  }
0x10e: {  	[tilespmem:s28+$0xFFFFFF30] =	vst v4;
	v4 =	vmul.f32 v9, v3;
	v9 =	vld [tilespmem:s28+$0xFFFFFFA0]  }
0x10f: {  	[tilespmem:s28+$0xFFFFFF40] =	vst v1;
	v1 =	vmul.f32 v11, v3;
	v11 =	vld [tilespmem:s28+$0xFFFFFFB0]  }
0x110: {  	[tilespmem:s28+$0xFFFFFF50] =	vst v4;
	v3 =	vmul.f32 v8, v3;
	v4 =	vld [tilespmem:s28+$0xFFFFFFC0]  }
0x111: {  	[tilespmem:s28+$0xFFFFFF60] =	vst v1;
	v1 =	vmul.f32 v10, v6;
	v8 =	vld [tilespmem:s28+$0xFFFFFFD0]  }
0x112: {  	v2 =	vmul.f32 v2, v6;
	[tilespmem:s28+$0xFFFFFF70] =	vst v3;
	v3 =	vld [tilespmem:s28+$0xFFFFFFE0]  }
0x113: {  	[tilespmem:s28+$0xFFFFFF80] =	vst v1;
	v1 =	vmul.f32 v9, v6;
	v9 =	vld [tilespmem:s28+$0xFFFFFFF0]  }
0x114: {  	v10 =	vld [tilespmem:s28+$0x0];
	[tilespmem:s28+$0xFFFFFF90] =	vst v2;
	v2 =	vmul.f32 v11, v6  }
0x115: {  	[tilespmem:s28+$0xFFFFFFA0] =	vst v1;
	v1 =	vmul.f32 v4, v6;
	v4 =	vld [tilespmem:s28+$0x10]  }
0x116: {  	[tilespmem:s28+$0xFFFFFFB0] =	vst v2;
	v2 =	vmul.f32 v8, v6;
	v8 =	vld [tilespmem:s28+$0x20]  }
0x117: {  	[tilespmem:s28+$0xFFFFFFC0] =	vst v1;
	v1 =	vmul.f32 v3, v6;
	v3 =	vld [tilespmem:s28+$0x30]  }
0x118: {  	[tilespmem:s28+$0xFFFFFFD0] =	vst v2;
	v2 =	vmul.f32 v9, v6;
	v6 =	vld [tilespmem:s28+$0x40]  }
0x119: {  	v9 =	vld [tilespmem:s28+$0x50];
	[tilespmem:s28+$0xFFFFFFE0] =	vst v1;
	v1 =	vmul.f32 v10, v7  }
0x11a: {  	[tilespmem:s28+$0xFFFFFFF0] =	vst v2;
	v2 =	vmul.f32 v4, v7;
	v4 =	vld [tilespmem:s28+$0x60]  }
0x11b: {  	[tilespmem:s28+$0x0] =	vst v1;
	v1 =	vmul.f32 v8, v7;
	v8 =	vld [tilespmem:s28+$0x80]  }
0x11c: {  	[tilespmem:s28+$0x10] =	vst v2;
	v2 =	vmul.f32 v3, v7;
	v3 =	vld [tilespmem:s28+$0x90]  }
0x11d: {  	[tilespmem:s28+$0x20] =	vst v1;
	v1 =	vmul.f32 v6, v7;
	v6 =	vld [tilespmem:s28+$0xA0]  }
0x11e: {  	[tilespmem:s28+$0x30] =	vst v2;
	v2 =	vmul.f32 v9, v7;
	v9 =	vld [tilespmem:s28+$0xB0]  }
0x11f: {  	[tilespmem:s28+$0x40] =	vst v1;
	v1 =	vmul.f32 v4, v7;
	v4 =	vld [tilespmem:s28+$0xC0]  }
0x120: {  	v7 =	vld [tilespmem:s28+$0xD0];
	[tilespmem:s28+$0x50] =	vst v2;
	v2 =	vmul.f32 v8, v5  }
0x121: {  	[tilespmem:s28+$0x60] =	vst v1;
	v1 =	vmul.f32 v3, v5;
	v3 =	vld [tilespmem:s28+$0xE0]  }
0x122: {  	[tilespmem:s28+$0x80] =	vst v2;
	v2 =	vmul.f32 v6, v5;
	v6 =	vld [tilespmem:s28+$0xF0]  }
0x123: {  	[tilespmem:s28+$0x90] =	vst v1;
	v1 =	vmul.f32 v9, v5  }
0x124: {  	[tilespmem:s28+$0xA0] =	vst v2;
	v2 =	vmul.f32 v4, v5  }
0x125: {  	[tilespmem:s28+$0xB0] =	vst v1;
	v1 =	vmul.f32 v7, v5  }
0x126: {  	s0 =	smul.u32 $0x300, s30;
	[tilespmem:s28+$0xC0] =	vst v2;
	v2 =	vmul.f32 v3, v5  }
0x127: {  	[tilespmem:s28+$0xD0] =	vst v1;
	v1 =	vmul.f32 v6, v5  }
0x128: {  	s26 =	simm.s32 $0x0;
	s31 =	sshra.s32 s0, $0x2;
	[tilespmem:s28+$0xE0] =	vst v2  }
0x129: {  	s23 =	simm.s32 $0x2;
	[tilespmem:s28+$0xF0] =	vst v1;
	s28 =	sadd.s32 $0x2880, s31;
	v1 =	vmov s26  }
0x12a: {  	v2 =	vmov s23;
	[spmem:s2] =	stream.indirect.scatter.add.f32 [tilespmem:s1], [sflag:$0x7], $0x80, s28, s7, $0xb8;
	v1 =	vand.u32 $0xFFFFFFFC, v1;
	[tilespmem:$0x1F300] =	vst v63  }
0x12b: {  	v2 =	vand.u32 $0xFFFFFFFE, v2;
	_ =	swait.ge [sflag:s18], $0x1800;
	v1 =	vbroadcast v1, $0x0  }
0x12c: {  	v2 =	vbroadcast v2, $0x0;
	[sflag:s18] =	ssyncset.done $0x0  }
0x12d: {  	[sflag:s18] =	ssyncadd.s32 $0xFFFFE800  }
0x12e: {  	_ =	swait.ge [sflag:s18], $0x30  }
0x12f: {  	[sflag:s18] =	ssyncset.done $0x0  }
0x130: {  	[sflag:s18] =	ssyncadd.s32 $0xFFFFFFD0  }
0x131: {  	v1 =	vld.idx.msk [tilespmem:v1+s10+$0x0], $0xffff  }
0x132: {  	s23 =	simm.s32 $0x6A00;
	v2 =	vld.idx.msk [tilespmem:v2+s10+$0x0], $0xffff  }
0x133: {  	s26 =	simm.s32 $0x1;
	v4 =	vld [tilespmem:s23+$0x70]  }
0x134: {  	v3 =	vmov s26;
	v5 =	vld [tilespmem:s23+$0xFFFFFF00]  }
0x135: {  	v3 =	vand.u32 $0xFFFFFFFD, v3;
	v6 =	vld [tilespmem:s23+$0xFFFFFF10]  }
0x136: {  	v3 =	vbroadcast v3, $0x0;
	v7 =	vld [tilespmem:s23+$0xFFFFFF20]  }
0x137: {  	v8 =	vld [tilespmem:s23+$0xFFFFFF30]  }
0x138: {  	v9 =	vld [tilespmem:s23+$0xFFFFFF40]  }
0x139: {  	v10 =	vld [tilespmem:s23+$0xFFFFFF50]  }
0x13a: {  	v11 =	vld [tilespmem:s23+$0xFFFFFF60];
	v5 =	vmul.f32 v5, v1  }
0x13b: {  	v13 =	vld [tilespmem:s23+$0x40];
	v4 =	vmul.f32 v4, v2  }
0x13c: {  	v3 =	vld.idx.msk [tilespmem:v3+s10+$0x0], $0xffff;
	[tilespmem:s23+$0xFFFFFF00] =	vst v5;
	v5 =	vmul.f32 v6, v1  }
0x13d: {  	v6 =	vld [tilespmem:s23+$0xFFFFFF70];
	[tilespmem:s23+$0x70] =	vst v4;
	v4 =	vmul.f32 v7, v1  }
0x13e: {  	v7 =	vld [tilespmem:s23+$0xFFFFFF80];
	[tilespmem:s23+$0xFFFFFF10] =	vst v5;
	v5 =	vmul.f32 v8, v1  }
0x13f: {  	v8 =	vld [tilespmem:s23+$0xFFFFFF90];
	[tilespmem:s23+$0xFFFFFF20] =	vst v4;
	v4 =	vmul.f32 v9, v1  }
0x140: {  	v9 =	vld [tilespmem:s23+$0xFFFFFFA0];
	[tilespmem:s23+$0xFFFFFF30] =	vst v5;
	v5 =	vmul.f32 v10, v1  }
0x141: {  	v10 =	vld [tilespmem:s23+$0xFFFFFFB0];
	[tilespmem:s23+$0xFFFFFF40] =	vst v4;
	v4 =	vmul.f32 v11, v1  }
0x142: {  	v11 =	vld [tilespmem:s23+$0xFFFFFFC0];
	v6 =	vmul.f32 v6, v1;
	[tilespmem:s23+$0xFFFFFF50] =	vst v5  }
0x143: {  	v5 =	vmul.f32 v7, v3;
	v7 =	vld [tilespmem:s23+$0xFFFFFFD0];
	[tilespmem:s23+$0xFFFFFF60] =	vst v4  }
0x144: {  	s28 =	simm.s32 $0x3;
	v4 =	vld [tilespmem:s23+$0xFFFFFFE0];
	v8 =	vmul.f32 v8, v3;
	[tilespmem:s23+$0xFFFFFF70] =	vst v6  }
0x145: {  	v12 =	vmov s28;
	v6 =	vld [tilespmem:s23+$0xFFFFFFF0];
	[tilespmem:s23+$0xFFFFFF80] =	vst v5;
	v5 =	vmul.f32 v9, v3  }
0x146: {  	v9 =	vld [tilespmem:s23+$0x0];
	[tilespmem:s23+$0xFFFFFF90] =	vst v8;
	v8 =	vmul.f32 v10, v3  }
0x147: {  	v10 =	vld [tilespmem:s23+$0x10];
	[tilespmem:s23+$0xFFFFFFA0] =	vst v5;
	v5 =	vmul.f32 v11, v3  }
0x148: {  	[tilespmem:s23+$0xFFFFFFB0] =	vst v8;
	v7 =	vmul.f32 v7, v3;
	v8 =	vld [tilespmem:s23+$0x20]  }
0x149: {  	v11 =	vld [tilespmem:s23+$0x30];
	v4 =	vmul.f32 v4, v3;
	[tilespmem:s23+$0xFFFFFFC0] =	vst v5  }
0x14a: {  	v1 =	vld.idx.msk [tilespmem:v12+s10+$0x0], $0xffff;
	v3 =	vmul.f32 v6, v3;
	[tilespmem:s23+$0xFFFFFFD0] =	vst v7  }
0x14b: {  	[tilespmem:s23+$0xFFFFFFE0] =	vst v4;
	v5 =	vmul.f32 v9, v2;
	v4 =	vld [tilespmem:s23+$0x50]  }
0x14c: {  	s9 =	simm.s32 $0x4;
	[tilespmem:s23+$0xFFFFFFF0] =	vst v3;
	v6 =	vmul.f32 v10, v2;
	v3 =	vld [tilespmem:s23+$0x60]  }
0x14d: {  	s26 =	simm.s32 $0x7;
	v7 =	vmov s9;
	[tilespmem:s23+$0x0] =	vst v5;
	v9 =	vmul.f32 v8, v2;
	v8 =	vld [tilespmem:s23+$0x80]  }
0x14e: {  	s28 =	simm.s32 $0x5;
	v12 =	vand.u32 $0xFFFFFFFC, v7;
	v7 =	vld [tilespmem:s23+$0x90];
	v5 =	vmov s26;
	v10 =	vmul.f32 v11, v2;
	[tilespmem:s23+$0x10] =	vst v6  }
0x14f: {  	s0 =	simm.s32 $0x6;
	s9 =	simm.s32 $0x8;
	v11 =	vmul.f32 v13, v2;
	s26 =	simm.s32 $0x6A00;
	v6 =	vbroadcast v12, $0x0;
	v12 =	vmov s28;
	[tilespmem:s23+$0x20] =	vst v9;
	v9 =	vld [tilespmem:s23+$0xA0]  }
.LBB2_7:
0x150: {  	p0 =	slt.u32 s9, $0x2C;
	v12 =	vand.u32 $0xFFFFFFFD, v12;
	v13 =	vmov s0;
	[tilespmem:s23+$0x30] =	vst v10;
	v4 =	vmul.f32 v4, v2;
	v10 =	vld [tilespmem:s23+$0xB0]  }
0x151: {  	v12 =	vbroadcast v12, $0x0;
	v13 =	vand.u32 $0xFFFFFFFE, v13;
	[tilespmem:s23+$0x40] =	vst v11;
	v2 =	vmul.f32 v3, v2;
	v3 =	vld [tilespmem:s23+$0xC0]  }
0x152: {  	v11 =	vbroadcast v13, $0x0;
	[tilespmem:s23+$0x50] =	vst v4;
	v4 =	vmul.f32 v8, v1;
	v8 =	vld [tilespmem:s23+$0xD0]  }
0x153: {  	[tilespmem:s23+$0x60] =	vst v2;
	v2 =	vmul.f32 v7, v1;
	v7 =	vld [tilespmem:s23+$0xE0]  }
0x154: {  	[tilespmem:s23+$0x80] =	vst v4;
	v4 =	vmul.f32 v9, v1;
	v9 =	vld [tilespmem:s23+$0xF0]  }
0x155: {  	v5 =	vld.idx.msk [tilespmem:v5+s10+$0x0], $0xffff;
	[tilespmem:s23+$0x90] =	vst v2;
	v2 =	vmul.f32 v10, v1  }
0x156: {  	v6 =	vld.idx.msk [tilespmem:v6+s10+$0x0], $0xffff;
	[tilespmem:s23+$0xA0] =	vst v4;
	v3 =	vmul.f32 v3, v1  }
0x157: {  	v4 =	vld.idx.msk [tilespmem:v12+s10+$0x0], $0xffff;
	[tilespmem:s23+$0xB0] =	vst v2;
	v8 =	vmul.f32 v8, v1  }
0x158: {  	s23 =	sadd.s32 $0x200, s23;
	v2 =	vld.idx.msk [tilespmem:v11+s10+$0x0], $0xffff;
	[tilespmem:s26+$0xC0] =	vst v3;
	v3 =	vmul.f32 v7, v1  }
0x159: {  	v7 =	vld [tilespmem:s23+$0x70];
	[tilespmem:s26+$0xD0] =	vst v8;
	v9 =	vmul.f32 v9, v1  }
0x15a: {  	v8 =	vld [tilespmem:s23+$0xFFFFFF00];
	[tilespmem:s26+$0xE0] =	vst v3  }
0x15b: {  	v1 =	vmov v5;
	v3 =	vld [tilespmem:s23+$0xFFFFFF10];
	[tilespmem:s26+$0xF0] =	vst v9;
	s26 =	smov.u32 s23  }
0x15c: {  	v5 =	vld [tilespmem:s23+$0xFFFFFF20]  }
0x15d: {  	v9 =	vld [tilespmem:s23+$0xFFFFFF30]  }
0x15e: {  	v10 =	vld [tilespmem:s23+$0xFFFFFF40];
	v7 =	vmul.f32 v7, v2  }
0x15f: {  	v8 =	vmul.f32 v8, v6;
	v11 =	vld [tilespmem:s23+$0xFFFFFF50]  }
0x160: {  	v3 =	vmul.f32 v3, v6;
	v12 =	vld [tilespmem:s23+$0xFFFFFF60];
	[tilespmem:s23+$0x70] =	vst v7  }
0x161: {  	[tilespmem:s23+$0xFFFFFF00] =	vst v8;
	v5 =	vmul.f32 v5, v6;
	v7 =	vld [tilespmem:s23+$0xFFFFFF70]  }
0x162: {  	[tilespmem:s23+$0xFFFFFF10] =	vst v3;
	v3 =	vmul.f32 v9, v6;
	v8 =	vld [tilespmem:s23+$0xFFFFFF80]  }
0x163: {  	[tilespmem:s23+$0xFFFFFF20] =	vst v5;
	v5 =	vmul.f32 v10, v6;
	v9 =	vld [tilespmem:s23+$0xFFFFFF90]  }
0x164: {  	[tilespmem:s23+$0xFFFFFF30] =	vst v3;
	v3 =	vmul.f32 v11, v6;
	v10 =	vld [tilespmem:s23+$0xFFFFFFA0]  }
0x165: {  	[tilespmem:s23+$0xFFFFFF40] =	vst v5;
	v5 =	vmul.f32 v12, v6;
	v11 =	vld [tilespmem:s23+$0xFFFFFFB0]  }
0x166: {  	[tilespmem:s23+$0xFFFFFF50] =	vst v3;
	v3 =	vmul.f32 v7, v6;
	v6 =	vld [tilespmem:s23+$0xFFFFFFC0]  }
0x167: {  	[tilespmem:s23+$0xFFFFFF60] =	vst v5;
	v5 =	vmul.f32 v8, v4;
	v7 =	vld [tilespmem:s23+$0xFFFFFFD0]  }
0x168: {  	[tilespmem:s23+$0xFFFFFF70] =	vst v3;
	v3 =	vmul.f32 v9, v4;
	v8 =	vld [tilespmem:s23+$0xFFFFFFE0]  }
0x169: {  	[tilespmem:s23+$0xFFFFFF80] =	vst v5;
	v5 =	vmul.f32 v10, v4;
	v9 =	vld [tilespmem:s23+$0xFFFFFFF0]  }
0x16a: {  	[tilespmem:s23+$0xFFFFFF90] =	vst v3;
	v3 =	vmul.f32 v11, v4;
	v10 =	vld [tilespmem:s23+$0x0]  }
0x16b: {  	[tilespmem:s23+$0xFFFFFFA0] =	vst v5;
	v5 =	vmul.f32 v6, v4;
	v6 =	vld [tilespmem:s23+$0x10]  }
0x16c: {  	[tilespmem:s23+$0xFFFFFFB0] =	vst v3;
	v3 =	vmul.f32 v7, v4;
	v7 =	vld [tilespmem:s23+$0x20]  }
0x16d: {  	[tilespmem:s23+$0xFFFFFFC0] =	vst v5;
	v5 =	vmul.f32 v8, v4;
	v11 =	vld [tilespmem:s23+$0x30]  }
0x16e: {  	[tilespmem:s23+$0xFFFFFFD0] =	vst v3;
	v3 =	vmul.f32 v9, v4;
	v9 =	vld [tilespmem:s23+$0x40]  }
.Ltmp4:
0x16f: {  	[tilespmem:s23+$0xFFFFFFE0] =	vst v5;
	v5 =	vmul.f32 v10, v2;
	v4 =	vld [tilespmem:s23+$0x50];
	(pc) =	sbr.rel @p0 .LBB2_7-.Ltmp4, $4  }
0x170: {  	[tilespmem:s23+$0xFFFFFFF0] =	vst v3;
	v6 =	vmul.f32 v6, v2;
	v3 =	vld [tilespmem:s23+$0x60]  }
0x171: {  	s0 =	sadd.s32 $0x3, s9;
	v10 =	vmov s9;
	[tilespmem:s23+$0x0] =	vst v5;
	v13 =	vmul.f32 v7, v2;
	v8 =	vld [tilespmem:s23+$0x80]  }
0x172: {  	s28 =	sadd.s32 $0x1, s9;
	v12 =	vand.u32 $0xFFFFFFFC, v10;
	v5 =	vmov s0;
	[tilespmem:s23+$0x10] =	vst v6;
	v10 =	vmul.f32 v11, v2;
	v7 =	vld [tilespmem:s23+$0x90]  }
0x173: {  	s0 =	sadd.s32 $0x2, s9;
	s9 =	sadd.s32 $0x4, s9;
	v6 =	vbroadcast v12, $0x0;
	v12 =	vmov s28;
	[tilespmem:s23+$0x20] =	vst v13;
	v11 =	vmul.f32 v9, v2;
	v9 =	vld [tilespmem:s23+$0xA0]  }
0x174: {  	v13 =	vld [tilespmem:s23+$0xB0]  }
0x175: {  	v15 =	vld [tilespmem:s23+$0xC0]  }
0x176: {  	v14 =	vmov s0;
	v16 =	vld [tilespmem:s23+$0xD0]  }
0x177: {  	v17 =	vld [tilespmem:s23+$0xE0];
	[tilespmem:s23+$0x30] =	vst v10;
	v4 =	vmul.f32 v4, v2;
	v14 =	vand.u32 $0xFFFFFFFE, v14  }
0x178: {  	v12 =	vand.u32 $0xFFFFFFFD, v12;
	v5 =	vld.idx.msk [tilespmem:v5+s10+$0x0], $0xffff;
	[tilespmem:s23+$0x40] =	vst v11;
	v2 =	vmul.f32 v3, v2;
	v14 =	vbroadcast v14, $0x0  }
0x179: {  	s9 =	sadd.s32 $0x200, s23;
	v12 =	vbroadcast v12, $0x0;
	v3 =	vld.idx.msk [tilespmem:v6+s10+$0x0], $0xffff;
	v8 =	vmul.f32 v8, v1;
	[tilespmem:s23+$0x50] =	vst v4  }
0x17a: {  	v10 =	vld [tilespmem:s9+$0xFFFFFF00];
	v4 =	vmul.f32 v7, v1;
	[tilespmem:s23+$0x60] =	vst v2  }
0x17b: {  	[tilespmem:s23+$0x80] =	vst v8;
	v8 =	vld [tilespmem:s23+$0xF0];
	v2 =	vmul.f32 v9, v1  }
0x17c: {  	v11 =	vld [tilespmem:s9+$0xFFFFFF10];
	[tilespmem:s23+$0x90] =	vst v4;
	v4 =	vmul.f32 v13, v1  }
0x17d: {  	v9 =	vld [tilespmem:s9+$0x70];
	[tilespmem:s23+$0xA0] =	vst v2;
	v2 =	vmul.f32 v15, v1  }
0x17e: {  	[tilespmem:s23+$0xB0] =	vst v4;
	v4 =	vmul.f32 v16, v1;
	v7 =	vld.idx.msk [tilespmem:v14+s10+$0x0], $0xffff  }
0x17f: {  	v6 =	vld.idx.msk [tilespmem:v12+s10+$0x0], $0xffff;
	[tilespmem:s26+$0xC0] =	vst v2;
	v2 =	vmul.f32 v17, v1  }
0x180: {  	v12 =	vld [tilespmem:s9+$0xFFFFFF20];
	[tilespmem:s26+$0xD0] =	vst v4;
	v1 =	vmul.f32 v8, v1  }
0x181: {  	v4 =	vld [tilespmem:s9+$0xFFFFFF30];
	[tilespmem:s26+$0xE0] =	vst v2  }
0x182: {  	v2 =	vld [tilespmem:s9+$0xFFFFFF40];
	[tilespmem:s26+$0xF0] =	vst v1;
	v1 =	vmul.f32 v10, v3  }
0x183: {  	v8 =	vmul.f32 v9, v7;
	v9 =	vld [tilespmem:s9+$0xFFFFFF50]  }
0x184: {  	v10 =	vmul.f32 v11, v3;
	v11 =	vld [tilespmem:s9+$0xFFFFFF60];
	[tilespmem:s9+$0xFFFFFF00] =	vst v1  }
0x185: {  	v1 =	vmul.f32 v12, v3;
	[tilespmem:s9+$0x70] =	vst v8;
	v8 =	vld [tilespmem:s9+$0xFFFFFF70]  }
0x186: {  	[tilespmem:s9+$0xFFFFFF10] =	vst v10;
	v10 =	vld [tilespmem:s9+$0xFFFFFF80];
	v4 =	vmul.f32 v4, v3  }
0x187: {  	[tilespmem:s9+$0xFFFFFF20] =	vst v1;
	v1 =	vmul.f32 v2, v3;
	v2 =	vld [tilespmem:s9+$0xFFFFFF90]  }
0x188: {  	[tilespmem:s9+$0xFFFFFF30] =	vst v4;
	v4 =	vmul.f32 v9, v3;
	v9 =	vld [tilespmem:s9+$0xFFFFFFA0]  }
0x189: {  	[tilespmem:s9+$0xFFFFFF40] =	vst v1;
	v1 =	vmul.f32 v11, v3;
	v11 =	vld [tilespmem:s9+$0xFFFFFFB0]  }
0x18a: {  	[tilespmem:s9+$0xFFFFFF50] =	vst v4;
	v3 =	vmul.f32 v8, v3;
	v4 =	vld [tilespmem:s9+$0xFFFFFFC0]  }
0x18b: {  	[tilespmem:s9+$0xFFFFFF60] =	vst v1;
	v1 =	vmul.f32 v10, v6;
	v8 =	vld [tilespmem:s9+$0xFFFFFFD0]  }
0x18c: {  	v2 =	vmul.f32 v2, v6;
	[tilespmem:s9+$0xFFFFFF70] =	vst v3;
	v3 =	vld [tilespmem:s9+$0xFFFFFFE0]  }
0x18d: {  	[tilespmem:s9+$0xFFFFFF80] =	vst v1;
	v1 =	vmul.f32 v9, v6;
	v9 =	vld [tilespmem:s9+$0xFFFFFFF0]  }
0x18e: {  	v10 =	vld [tilespmem:s9+$0x0];
	[tilespmem:s9+$0xFFFFFF90] =	vst v2;
	v2 =	vmul.f32 v11, v6  }
0x18f: {  	[tilespmem:s9+$0xFFFFFFA0] =	vst v1;
	v1 =	vmul.f32 v4, v6;
	v4 =	vld [tilespmem:s9+$0x10]  }
0x190: {  	[tilespmem:s9+$0xFFFFFFB0] =	vst v2;
	v2 =	vmul.f32 v8, v6;
	v8 =	vld [tilespmem:s9+$0x20]  }
0x191: {  	[tilespmem:s9+$0xFFFFFFC0] =	vst v1;
	v1 =	vmul.f32 v3, v6;
	v3 =	vld [tilespmem:s9+$0x30]  }
0x192: {  	[tilespmem:s9+$0xFFFFFFD0] =	vst v2;
	v2 =	vmul.f32 v9, v6;
	v6 =	vld [tilespmem:s9+$0x40]  }
0x193: {  	v9 =	vld [tilespmem:s9+$0x50];
	[tilespmem:s9+$0xFFFFFFE0] =	vst v1;
	v1 =	vmul.f32 v10, v7  }
0x194: {  	[tilespmem:s9+$0xFFFFFFF0] =	vst v2;
	v2 =	vmul.f32 v4, v7;
	v4 =	vld [tilespmem:s9+$0x60]  }
0x195: {  	[tilespmem:s9+$0x0] =	vst v1;
	v1 =	vmul.f32 v8, v7;
	v8 =	vld [tilespmem:s9+$0x80]  }
0x196: {  	[tilespmem:s9+$0x10] =	vst v2;
	v2 =	vmul.f32 v3, v7;
	v3 =	vld [tilespmem:s9+$0x90]  }
0x197: {  	[tilespmem:s9+$0x20] =	vst v1;
	v1 =	vmul.f32 v6, v7;
	v6 =	vld [tilespmem:s9+$0xA0]  }
0x198: {  	[tilespmem:s9+$0x30] =	vst v2;
	v2 =	vmul.f32 v9, v7;
	v9 =	vld [tilespmem:s9+$0xB0]  }
0x199: {  	[tilespmem:s9+$0x40] =	vst v1;
	v1 =	vmul.f32 v4, v7;
	v4 =	vld [tilespmem:s9+$0xC0]  }
0x19a: {  	v7 =	vld [tilespmem:s9+$0xD0];
	[tilespmem:s9+$0x50] =	vst v2;
	v2 =	vmul.f32 v8, v5  }
0x19b: {  	[tilespmem:s9+$0x60] =	vst v1;
	v1 =	vmul.f32 v3, v5;
	v3 =	vld [tilespmem:s9+$0xE0]  }
0x19c: {  	[tilespmem:s9+$0x80] =	vst v2;
	v2 =	vmul.f32 v6, v5;
	v6 =	vld [tilespmem:s9+$0xF0]  }
0x19d: {  	[tilespmem:s9+$0x90] =	vst v1;
	v1 =	vmul.f32 v9, v5  }
0x19e: {  	[tilespmem:s9+$0xA0] =	vst v2;
	v2 =	vmul.f32 v4, v5  }
0x19f: {  	[tilespmem:s9+$0xB0] =	vst v1;
	v1 =	vmul.f32 v7, v5  }
0x1a0: {  	[tilespmem:s9+$0xC0] =	vst v2;
	v2 =	vmul.f32 v3, v5  }
0x1a1: {  	[tilespmem:s9+$0xD0] =	vst v1;
	v1 =	vmul.f32 v6, v5  }
0x1a2: {  	s26 =	simm.s32 $0x0;
	[tilespmem:s9+$0xE0] =	vst v2  }
0x1a3: {  	s28 =	sadd.s32 $0x28B0, s31;
	s23 =	simm.s32 $0x2;
	[tilespmem:s9+$0xF0] =	vst v1;
	v1 =	vmov s26  }
0x1a4: {  	v2 =	vmov s23;
	[spmem:s2] =	stream.indirect.scatter.add.f32 [tilespmem:s8], [sflag:$0x8], $0x80, s28, s7, $0xb8;
	v1 =	vand.u32 $0xFFFFFFFC, v1;
	[tilespmem:$0x1F300] =	vst v63  }
0x1a5: {  	v2 =	vand.u32 $0xFFFFFFFE, v2;
	_ =	swait.ge [sflag:s19], $0x1800;
	v1 =	vbroadcast v1, $0x0  }
0x1a6: {  	v2 =	vbroadcast v2, $0x0;
	[sflag:s19] =	ssyncset.done $0x0  }
0x1a7: {  	[sflag:s19] =	ssyncadd.s32 $0xFFFFE800  }
0x1a8: {  	_ =	swait.ge [sflag:s19], $0x30  }
0x1a9: {  	[sflag:s19] =	ssyncset.done $0x0  }
0x1aa: {  	[sflag:s19] =	ssyncadd.s32 $0xFFFFFFD0  }
0x1ab: {  	v1 =	vld.idx.msk [tilespmem:v1+s12+$0x0], $0xffff  }
0x1ac: {  	s23 =	simm.s32 $0x8200;
	v2 =	vld.idx.msk [tilespmem:v2+s12+$0x0], $0xffff  }
0x1ad: {  	s26 =	simm.s32 $0x1;
	v4 =	vld [tilespmem:s23+$0x70]  }
0x1ae: {  	v3 =	vmov s26;
	v5 =	vld [tilespmem:s23+$0xFFFFFF00]  }
0x1af: {  	v3 =	vand.u32 $0xFFFFFFFD, v3;
	v6 =	vld [tilespmem:s23+$0xFFFFFF10]  }
0x1b0: {  	v3 =	vbroadcast v3, $0x0;
	v7 =	vld [tilespmem:s23+$0xFFFFFF20]  }
0x1b1: {  	v8 =	vld [tilespmem:s23+$0xFFFFFF30]  }
0x1b2: {  	v9 =	vld [tilespmem:s23+$0xFFFFFF40]  }
0x1b3: {  	v10 =	vld [tilespmem:s23+$0xFFFFFF50]  }
0x1b4: {  	v11 =	vld [tilespmem:s23+$0xFFFFFF60];
	v5 =	vmul.f32 v5, v1  }
0x1b5: {  	v13 =	vld [tilespmem:s23+$0x40];
	v4 =	vmul.f32 v4, v2  }
0x1b6: {  	v3 =	vld.idx.msk [tilespmem:v3+s12+$0x0], $0xffff;
	[tilespmem:s23+$0xFFFFFF00] =	vst v5;
	v5 =	vmul.f32 v6, v1  }
0x1b7: {  	v6 =	vld [tilespmem:s23+$0xFFFFFF70];
	[tilespmem:s23+$0x70] =	vst v4;
	v4 =	vmul.f32 v7, v1  }
0x1b8: {  	v7 =	vld [tilespmem:s23+$0xFFFFFF80];
	[tilespmem:s23+$0xFFFFFF10] =	vst v5;
	v5 =	vmul.f32 v8, v1  }
0x1b9: {  	v8 =	vld [tilespmem:s23+$0xFFFFFF90];
	[tilespmem:s23+$0xFFFFFF20] =	vst v4;
	v4 =	vmul.f32 v9, v1  }
0x1ba: {  	v9 =	vld [tilespmem:s23+$0xFFFFFFA0];
	[tilespmem:s23+$0xFFFFFF30] =	vst v5;
	v5 =	vmul.f32 v10, v1  }
0x1bb: {  	v10 =	vld [tilespmem:s23+$0xFFFFFFB0];
	[tilespmem:s23+$0xFFFFFF40] =	vst v4;
	v4 =	vmul.f32 v11, v1  }
0x1bc: {  	v11 =	vld [tilespmem:s23+$0xFFFFFFC0];
	v6 =	vmul.f32 v6, v1;
	[tilespmem:s23+$0xFFFFFF50] =	vst v5  }
0x1bd: {  	v5 =	vmul.f32 v7, v3;
	v7 =	vld [tilespmem:s23+$0xFFFFFFD0];
	[tilespmem:s23+$0xFFFFFF60] =	vst v4  }
0x1be: {  	s28 =	simm.s32 $0x3;
	v4 =	vld [tilespmem:s23+$0xFFFFFFE0];
	v8 =	vmul.f32 v8, v3;
	[tilespmem:s23+$0xFFFFFF70] =	vst v6  }
0x1bf: {  	v12 =	vmov s28;
	v6 =	vld [tilespmem:s23+$0xFFFFFFF0];
	[tilespmem:s23+$0xFFFFFF80] =	vst v5;
	v5 =	vmul.f32 v9, v3  }
0x1c0: {  	v9 =	vld [tilespmem:s23+$0x0];
	[tilespmem:s23+$0xFFFFFF90] =	vst v8;
	v8 =	vmul.f32 v10, v3  }
0x1c1: {  	v10 =	vld [tilespmem:s23+$0x10];
	[tilespmem:s23+$0xFFFFFFA0] =	vst v5;
	v5 =	vmul.f32 v11, v3  }
0x1c2: {  	[tilespmem:s23+$0xFFFFFFB0] =	vst v8;
	v7 =	vmul.f32 v7, v3;
	v8 =	vld [tilespmem:s23+$0x20]  }
0x1c3: {  	v11 =	vld [tilespmem:s23+$0x30];
	v4 =	vmul.f32 v4, v3;
	[tilespmem:s23+$0xFFFFFFC0] =	vst v5  }
0x1c4: {  	v1 =	vld.idx.msk [tilespmem:v12+s12+$0x0], $0xffff;
	v3 =	vmul.f32 v6, v3;
	[tilespmem:s23+$0xFFFFFFD0] =	vst v7  }
0x1c5: {  	[tilespmem:s23+$0xFFFFFFE0] =	vst v4;
	v5 =	vmul.f32 v9, v2;
	v4 =	vld [tilespmem:s23+$0x50]  }
0x1c6: {  	s9 =	simm.s32 $0x4;
	[tilespmem:s23+$0xFFFFFFF0] =	vst v3;
	v6 =	vmul.f32 v10, v2;
	v3 =	vld [tilespmem:s23+$0x60]  }
0x1c7: {  	s26 =	simm.s32 $0x7;
	v7 =	vmov s9;
	[tilespmem:s23+$0x0] =	vst v5;
	v9 =	vmul.f32 v8, v2;
	v8 =	vld [tilespmem:s23+$0x80]  }
0x1c8: {  	s28 =	simm.s32 $0x5;
	v12 =	vand.u32 $0xFFFFFFFC, v7;
	v7 =	vld [tilespmem:s23+$0x90];
	v5 =	vmov s26;
	v10 =	vmul.f32 v11, v2;
	[tilespmem:s23+$0x10] =	vst v6  }
0x1c9: {  	s0 =	simm.s32 $0x6;
	s9 =	simm.s32 $0x8;
	v11 =	vmul.f32 v13, v2;
	s26 =	simm.s32 $0x8200;
	v6 =	vbroadcast v12, $0x0;
	v12 =	vmov s28;
	[tilespmem:s23+$0x20] =	vst v9;
	v9 =	vld [tilespmem:s23+$0xA0]  }
.LBB2_9:
0x1ca: {  	p0 =	slt.u32 s9, $0x2C;
	v12 =	vand.u32 $0xFFFFFFFD, v12;
	v13 =	vmov s0;
	[tilespmem:s23+$0x30] =	vst v10;
	v4 =	vmul.f32 v4, v2;
	v10 =	vld [tilespmem:s23+$0xB0]  }
0x1cb: {  	v12 =	vbroadcast v12, $0x0;
	v13 =	vand.u32 $0xFFFFFFFE, v13;
	[tilespmem:s23+$0x40] =	vst v11;
	v2 =	vmul.f32 v3, v2;
	v3 =	vld [tilespmem:s23+$0xC0]  }
0x1cc: {  	v11 =	vbroadcast v13, $0x0;
	[tilespmem:s23+$0x50] =	vst v4;
	v4 =	vmul.f32 v8, v1;
	v8 =	vld [tilespmem:s23+$0xD0]  }
0x1cd: {  	[tilespmem:s23+$0x60] =	vst v2;
	v2 =	vmul.f32 v7, v1;
	v7 =	vld [tilespmem:s23+$0xE0]  }
0x1ce: {  	[tilespmem:s23+$0x80] =	vst v4;
	v4 =	vmul.f32 v9, v1;
	v9 =	vld [tilespmem:s23+$0xF0]  }
0x1cf: {  	v5 =	vld.idx.msk [tilespmem:v5+s12+$0x0], $0xffff;
	[tilespmem:s23+$0x90] =	vst v2;
	v2 =	vmul.f32 v10, v1  }
0x1d0: {  	v6 =	vld.idx.msk [tilespmem:v6+s12+$0x0], $0xffff;
	[tilespmem:s23+$0xA0] =	vst v4;
	v3 =	vmul.f32 v3, v1  }
0x1d1: {  	v4 =	vld.idx.msk [tilespmem:v12+s12+$0x0], $0xffff;
	[tilespmem:s23+$0xB0] =	vst v2;
	v8 =	vmul.f32 v8, v1  }
0x1d2: {  	s23 =	sadd.s32 $0x200, s23;
	v2 =	vld.idx.msk [tilespmem:v11+s12+$0x0], $0xffff;
	[tilespmem:s26+$0xC0] =	vst v3;
	v3 =	vmul.f32 v7, v1  }
0x1d3: {  	v7 =	vld [tilespmem:s23+$0x70];
	[tilespmem:s26+$0xD0] =	vst v8;
	v9 =	vmul.f32 v9, v1  }
0x1d4: {  	v8 =	vld [tilespmem:s23+$0xFFFFFF00];
	[tilespmem:s26+$0xE0] =	vst v3  }
0x1d5: {  	v1 =	vmov v5;
	v3 =	vld [tilespmem:s23+$0xFFFFFF10];
	[tilespmem:s26+$0xF0] =	vst v9;
	s26 =	smov.u32 s23  }
0x1d6: {  	v5 =	vld [tilespmem:s23+$0xFFFFFF20]  }
0x1d7: {  	v9 =	vld [tilespmem:s23+$0xFFFFFF30]  }
0x1d8: {  	v10 =	vld [tilespmem:s23+$0xFFFFFF40];
	v7 =	vmul.f32 v7, v2  }
0x1d9: {  	v8 =	vmul.f32 v8, v6;
	v11 =	vld [tilespmem:s23+$0xFFFFFF50]  }
0x1da: {  	v3 =	vmul.f32 v3, v6;
	v12 =	vld [tilespmem:s23+$0xFFFFFF60];
	[tilespmem:s23+$0x70] =	vst v7  }
0x1db: {  	[tilespmem:s23+$0xFFFFFF00] =	vst v8;
	v5 =	vmul.f32 v5, v6;
	v7 =	vld [tilespmem:s23+$0xFFFFFF70]  }
0x1dc: {  	[tilespmem:s23+$0xFFFFFF10] =	vst v3;
	v3 =	vmul.f32 v9, v6;
	v8 =	vld [tilespmem:s23+$0xFFFFFF80]  }
0x1dd: {  	[tilespmem:s23+$0xFFFFFF20] =	vst v5;
	v5 =	vmul.f32 v10, v6;
	v9 =	vld [tilespmem:s23+$0xFFFFFF90]  }
0x1de: {  	[tilespmem:s23+$0xFFFFFF30] =	vst v3;
	v3 =	vmul.f32 v11, v6;
	v10 =	vld [tilespmem:s23+$0xFFFFFFA0]  }
0x1df: {  	[tilespmem:s23+$0xFFFFFF40] =	vst v5;
	v5 =	vmul.f32 v12, v6;
	v11 =	vld [tilespmem:s23+$0xFFFFFFB0]  }
0x1e0: {  	[tilespmem:s23+$0xFFFFFF50] =	vst v3;
	v3 =	vmul.f32 v7, v6;
	v6 =	vld [tilespmem:s23+$0xFFFFFFC0]  }
0x1e1: {  	[tilespmem:s23+$0xFFFFFF60] =	vst v5;
	v5 =	vmul.f32 v8, v4;
	v7 =	vld [tilespmem:s23+$0xFFFFFFD0]  }
0x1e2: {  	[tilespmem:s23+$0xFFFFFF70] =	vst v3;
	v3 =	vmul.f32 v9, v4;
	v8 =	vld [tilespmem:s23+$0xFFFFFFE0]  }
0x1e3: {  	[tilespmem:s23+$0xFFFFFF80] =	vst v5;
	v5 =	vmul.f32 v10, v4;
	v9 =	vld [tilespmem:s23+$0xFFFFFFF0]  }
0x1e4: {  	[tilespmem:s23+$0xFFFFFF90] =	vst v3;
	v3 =	vmul.f32 v11, v4;
	v10 =	vld [tilespmem:s23+$0x0]  }
0x1e5: {  	[tilespmem:s23+$0xFFFFFFA0] =	vst v5;
	v5 =	vmul.f32 v6, v4;
	v6 =	vld [tilespmem:s23+$0x10]  }
0x1e6: {  	[tilespmem:s23+$0xFFFFFFB0] =	vst v3;
	v3 =	vmul.f32 v7, v4;
	v7 =	vld [tilespmem:s23+$0x20]  }
0x1e7: {  	[tilespmem:s23+$0xFFFFFFC0] =	vst v5;
	v5 =	vmul.f32 v8, v4;
	v11 =	vld [tilespmem:s23+$0x30]  }
0x1e8: {  	[tilespmem:s23+$0xFFFFFFD0] =	vst v3;
	v3 =	vmul.f32 v9, v4;
	v9 =	vld [tilespmem:s23+$0x40]  }
.Ltmp5:
0x1e9: {  	[tilespmem:s23+$0xFFFFFFE0] =	vst v5;
	v5 =	vmul.f32 v10, v2;
	v4 =	vld [tilespmem:s23+$0x50];
	(pc) =	sbr.rel @p0 .LBB2_9-.Ltmp5, $4  }
0x1ea: {  	[tilespmem:s23+$0xFFFFFFF0] =	vst v3;
	v6 =	vmul.f32 v6, v2;
	v3 =	vld [tilespmem:s23+$0x60]  }
0x1eb: {  	s0 =	sadd.s32 $0x3, s9;
	v10 =	vmov s9;
	[tilespmem:s23+$0x0] =	vst v5;
	v13 =	vmul.f32 v7, v2;
	v8 =	vld [tilespmem:s23+$0x80]  }
0x1ec: {  	s28 =	sadd.s32 $0x1, s9;
	v12 =	vand.u32 $0xFFFFFFFC, v10;
	v5 =	vmov s0;
	[tilespmem:s23+$0x10] =	vst v6;
	v10 =	vmul.f32 v11, v2;
	v7 =	vld [tilespmem:s23+$0x90]  }
0x1ed: {  	s0 =	sadd.s32 $0x2, s9;
	s9 =	sadd.s32 $0x4, s9;
	v6 =	vbroadcast v12, $0x0;
	v12 =	vmov s28;
	[tilespmem:s23+$0x20] =	vst v13;
	v11 =	vmul.f32 v9, v2;
	v9 =	vld [tilespmem:s23+$0xA0]  }
0x1ee: {  	v13 =	vld [tilespmem:s23+$0xB0]  }
0x1ef: {  	v15 =	vld [tilespmem:s23+$0xC0]  }
0x1f0: {  	v14 =	vmov s0;
	v16 =	vld [tilespmem:s23+$0xD0]  }
0x1f1: {  	v17 =	vld [tilespmem:s23+$0xE0];
	[tilespmem:s23+$0x30] =	vst v10;
	v4 =	vmul.f32 v4, v2;
	v14 =	vand.u32 $0xFFFFFFFE, v14  }
0x1f2: {  	v12 =	vand.u32 $0xFFFFFFFD, v12;
	v5 =	vld.idx.msk [tilespmem:v5+s12+$0x0], $0xffff;
	[tilespmem:s23+$0x40] =	vst v11;
	v2 =	vmul.f32 v3, v2;
	v14 =	vbroadcast v14, $0x0  }
0x1f3: {  	s9 =	sadd.s32 $0x200, s23;
	v12 =	vbroadcast v12, $0x0;
	v3 =	vld.idx.msk [tilespmem:v6+s12+$0x0], $0xffff;
	v8 =	vmul.f32 v8, v1;
	[tilespmem:s23+$0x50] =	vst v4  }
0x1f4: {  	v10 =	vld [tilespmem:s9+$0xFFFFFF00];
	v4 =	vmul.f32 v7, v1;
	[tilespmem:s23+$0x60] =	vst v2  }
0x1f5: {  	[tilespmem:s23+$0x80] =	vst v8;
	v8 =	vld [tilespmem:s23+$0xF0];
	v2 =	vmul.f32 v9, v1  }
0x1f6: {  	v11 =	vld [tilespmem:s9+$0xFFFFFF10];
	[tilespmem:s23+$0x90] =	vst v4;
	v4 =	vmul.f32 v13, v1  }
0x1f7: {  	v9 =	vld [tilespmem:s9+$0x70];
	[tilespmem:s23+$0xA0] =	vst v2;
	v2 =	vmul.f32 v15, v1  }
0x1f8: {  	[tilespmem:s23+$0xB0] =	vst v4;
	v4 =	vmul.f32 v16, v1;
	v7 =	vld.idx.msk [tilespmem:v14+s12+$0x0], $0xffff  }
0x1f9: {  	v6 =	vld.idx.msk [tilespmem:v12+s12+$0x0], $0xffff;
	[tilespmem:s26+$0xC0] =	vst v2;
	v2 =	vmul.f32 v17, v1  }
0x1fa: {  	v12 =	vld [tilespmem:s9+$0xFFFFFF20];
	[tilespmem:s26+$0xD0] =	vst v4;
	v1 =	vmul.f32 v8, v1  }
0x1fb: {  	v4 =	vld [tilespmem:s9+$0xFFFFFF30];
	[tilespmem:s26+$0xE0] =	vst v2  }
0x1fc: {  	v2 =	vld [tilespmem:s9+$0xFFFFFF40];
	[tilespmem:s26+$0xF0] =	vst v1;
	v1 =	vmul.f32 v10, v3  }
0x1fd: {  	v8 =	vmul.f32 v9, v7;
	v9 =	vld [tilespmem:s9+$0xFFFFFF50]  }
0x1fe: {  	v10 =	vmul.f32 v11, v3;
	v11 =	vld [tilespmem:s9+$0xFFFFFF60];
	[tilespmem:s9+$0xFFFFFF00] =	vst v1  }
0x1ff: {  	v1 =	vmul.f32 v12, v3;
	[tilespmem:s9+$0x70] =	vst v8;
	v8 =	vld [tilespmem:s9+$0xFFFFFF70]  }
0x200: {  	[tilespmem:s9+$0xFFFFFF10] =	vst v10;
	v10 =	vld [tilespmem:s9+$0xFFFFFF80];
	v4 =	vmul.f32 v4, v3  }
0x201: {  	[tilespmem:s9+$0xFFFFFF20] =	vst v1;
	v1 =	vmul.f32 v2, v3;
	v2 =	vld [tilespmem:s9+$0xFFFFFF90]  }
0x202: {  	[tilespmem:s9+$0xFFFFFF30] =	vst v4;
	v4 =	vmul.f32 v9, v3;
	v9 =	vld [tilespmem:s9+$0xFFFFFFA0]  }
0x203: {  	[tilespmem:s9+$0xFFFFFF40] =	vst v1;
	v1 =	vmul.f32 v11, v3;
	v11 =	vld [tilespmem:s9+$0xFFFFFFB0]  }
0x204: {  	[tilespmem:s9+$0xFFFFFF50] =	vst v4;
	v3 =	vmul.f32 v8, v3;
	v4 =	vld [tilespmem:s9+$0xFFFFFFC0]  }
0x205: {  	[tilespmem:s9+$0xFFFFFF60] =	vst v1;
	v1 =	vmul.f32 v10, v6;
	v8 =	vld [tilespmem:s9+$0xFFFFFFD0]  }
0x206: {  	v2 =	vmul.f32 v2, v6;
	[tilespmem:s9+$0xFFFFFF70] =	vst v3;
	v3 =	vld [tilespmem:s9+$0xFFFFFFE0]  }
0x207: {  	[tilespmem:s9+$0xFFFFFF80] =	vst v1;
	v1 =	vmul.f32 v9, v6;
	v9 =	vld [tilespmem:s9+$0xFFFFFFF0]  }
0x208: {  	v10 =	vld [tilespmem:s9+$0x0];
	[tilespmem:s9+$0xFFFFFF90] =	vst v2;
	v2 =	vmul.f32 v11, v6  }
0x209: {  	[tilespmem:s9+$0xFFFFFFA0] =	vst v1;
	v1 =	vmul.f32 v4, v6;
	v4 =	vld [tilespmem:s9+$0x10]  }
0x20a: {  	[tilespmem:s9+$0xFFFFFFB0] =	vst v2;
	v2 =	vmul.f32 v8, v6;
	v8 =	vld [tilespmem:s9+$0x20]  }
0x20b: {  	[tilespmem:s9+$0xFFFFFFC0] =	vst v1;
	v1 =	vmul.f32 v3, v6;
	v3 =	vld [tilespmem:s9+$0x30]  }
0x20c: {  	[tilespmem:s9+$0xFFFFFFD0] =	vst v2;
	v2 =	vmul.f32 v9, v6;
	v6 =	vld [tilespmem:s9+$0x40]  }
0x20d: {  	v9 =	vld [tilespmem:s9+$0x50];
	[tilespmem:s9+$0xFFFFFFE0] =	vst v1;
	v1 =	vmul.f32 v10, v7  }
0x20e: {  	[tilespmem:s9+$0xFFFFFFF0] =	vst v2;
	v2 =	vmul.f32 v4, v7;
	v4 =	vld [tilespmem:s9+$0x60]  }
0x20f: {  	[tilespmem:s9+$0x0] =	vst v1;
	v1 =	vmul.f32 v8, v7;
	v8 =	vld [tilespmem:s9+$0x80]  }
0x210: {  	[tilespmem:s9+$0x10] =	vst v2;
	v2 =	vmul.f32 v3, v7;
	v3 =	vld [tilespmem:s9+$0x90]  }
0x211: {  	[tilespmem:s9+$0x20] =	vst v1;
	v1 =	vmul.f32 v6, v7;
	v6 =	vld [tilespmem:s9+$0xA0]  }
0x212: {  	[tilespmem:s9+$0x30] =	vst v2;
	v2 =	vmul.f32 v9, v7;
	v9 =	vld [tilespmem:s9+$0xB0]  }
0x213: {  	[tilespmem:s9+$0x40] =	vst v1;
	v1 =	vmul.f32 v4, v7;
	v4 =	vld [tilespmem:s9+$0xC0]  }
0x214: {  	v7 =	vld [tilespmem:s9+$0xD0];
	[tilespmem:s9+$0x50] =	vst v2;
	v2 =	vmul.f32 v8, v5  }
0x215: {  	[tilespmem:s9+$0x60] =	vst v1;
	v1 =	vmul.f32 v3, v5;
	v3 =	vld [tilespmem:s9+$0xE0]  }
0x216: {  	[tilespmem:s9+$0x80] =	vst v2;
	v2 =	vmul.f32 v6, v5;
	v6 =	vld [tilespmem:s9+$0xF0]  }
0x217: {  	[tilespmem:s9+$0x90] =	vst v1;
	v1 =	vmul.f32 v9, v5  }
0x218: {  	[tilespmem:s9+$0xA0] =	vst v2;
	v2 =	vmul.f32 v4, v5  }
0x219: {  	[tilespmem:s9+$0xB0] =	vst v1;
	v1 =	vmul.f32 v7, v5  }
0x21a: {  	[tilespmem:s9+$0xC0] =	vst v2;
	v2 =	vmul.f32 v3, v5  }
0x21b: {  	[tilespmem:s9+$0xD0] =	vst v1;
	v1 =	vmul.f32 v6, v5  }
0x21c: {  	s26 =	simm.s32 $0x0;
	[tilespmem:s9+$0xE0] =	vst v2  }
0x21d: {  	s28 =	sadd.s32 $0x28E0, s31;
	s23 =	simm.s32 $0x2;
	[tilespmem:s9+$0xF0] =	vst v1;
	v1 =	vmov s26  }
0x21e: {  	v2 =	vmov s23;
	[spmem:s2] =	stream.indirect.scatter.add.f32 [tilespmem:s11], [sflag:$0x9], $0x80, s28, s7, $0xb8;
	v1 =	vand.u32 $0xFFFFFFFC, v1;
	[tilespmem:$0x1F300] =	vst v63  }
0x21f: {  	v2 =	vand.u32 $0xFFFFFFFE, v2;
	_ =	swait.ge [sflag:s20], $0x1800;
	v1 =	vbroadcast v1, $0x0  }
0x220: {  	v2 =	vbroadcast v2, $0x0;
	[sflag:s20] =	ssyncset.done $0x0  }
0x221: {  	[sflag:s20] =	ssyncadd.s32 $0xFFFFE800  }
0x222: {  	_ =	swait.ge [sflag:s20], $0x30  }
0x223: {  	[sflag:s20] =	ssyncset.done $0x0  }
0x224: {  	[sflag:s20] =	ssyncadd.s32 $0xFFFFFFD0  }
0x225: {  	v1 =	vld.idx.msk [tilespmem:v1+s14+$0x0], $0xffff  }
0x226: {  	s23 =	simm.s32 $0x9A00;
	v2 =	vld.idx.msk [tilespmem:v2+s14+$0x0], $0xffff  }
0x227: {  	s26 =	simm.s32 $0x1;
	v4 =	vld [tilespmem:s23+$0x70]  }
0x228: {  	v3 =	vmov s26;
	v5 =	vld [tilespmem:s23+$0xFFFFFF00]  }
0x229: {  	v3 =	vand.u32 $0xFFFFFFFD, v3;
	v6 =	vld [tilespmem:s23+$0xFFFFFF10]  }
0x22a: {  	v3 =	vbroadcast v3, $0x0;
	v7 =	vld [tilespmem:s23+$0xFFFFFF20]  }
0x22b: {  	v8 =	vld [tilespmem:s23+$0xFFFFFF30]  }
0x22c: {  	v9 =	vld [tilespmem:s23+$0xFFFFFF40]  }
0x22d: {  	v10 =	vld [tilespmem:s23+$0xFFFFFF50]  }
0x22e: {  	v11 =	vld [tilespmem:s23+$0xFFFFFF60];
	v5 =	vmul.f32 v5, v1  }
0x22f: {  	v13 =	vld [tilespmem:s23+$0x40];
	v4 =	vmul.f32 v4, v2  }
0x230: {  	v3 =	vld.idx.msk [tilespmem:v3+s14+$0x0], $0xffff;
	[tilespmem:s23+$0xFFFFFF00] =	vst v5;
	v5 =	vmul.f32 v6, v1  }
0x231: {  	v6 =	vld [tilespmem:s23+$0xFFFFFF70];
	[tilespmem:s23+$0x70] =	vst v4;
	v4 =	vmul.f32 v7, v1  }
0x232: {  	v7 =	vld [tilespmem:s23+$0xFFFFFF80];
	[tilespmem:s23+$0xFFFFFF10] =	vst v5;
	v5 =	vmul.f32 v8, v1  }
0x233: {  	v8 =	vld [tilespmem:s23+$0xFFFFFF90];
	[tilespmem:s23+$0xFFFFFF20] =	vst v4;
	v4 =	vmul.f32 v9, v1  }
0x234: {  	v9 =	vld [tilespmem:s23+$0xFFFFFFA0];
	[tilespmem:s23+$0xFFFFFF30] =	vst v5;
	v5 =	vmul.f32 v10, v1  }
0x235: {  	v10 =	vld [tilespmem:s23+$0xFFFFFFB0];
	[tilespmem:s23+$0xFFFFFF40] =	vst v4;
	v4 =	vmul.f32 v11, v1  }
0x236: {  	v11 =	vld [tilespmem:s23+$0xFFFFFFC0];
	v6 =	vmul.f32 v6, v1;
	[tilespmem:s23+$0xFFFFFF50] =	vst v5  }
0x237: {  	v5 =	vmul.f32 v7, v3;
	v7 =	vld [tilespmem:s23+$0xFFFFFFD0];
	[tilespmem:s23+$0xFFFFFF60] =	vst v4  }
0x238: {  	s28 =	simm.s32 $0x3;
	v4 =	vld [tilespmem:s23+$0xFFFFFFE0];
	v8 =	vmul.f32 v8, v3;
	[tilespmem:s23+$0xFFFFFF70] =	vst v6  }
0x239: {  	v12 =	vmov s28;
	v6 =	vld [tilespmem:s23+$0xFFFFFFF0];
	[tilespmem:s23+$0xFFFFFF80] =	vst v5;
	v5 =	vmul.f32 v9, v3  }
0x23a: {  	v9 =	vld [tilespmem:s23+$0x0];
	[tilespmem:s23+$0xFFFFFF90] =	vst v8;
	v8 =	vmul.f32 v10, v3  }
0x23b: {  	v10 =	vld [tilespmem:s23+$0x10];
	[tilespmem:s23+$0xFFFFFFA0] =	vst v5;
	v5 =	vmul.f32 v11, v3  }
0x23c: {  	[tilespmem:s23+$0xFFFFFFB0] =	vst v8;
	v7 =	vmul.f32 v7, v3;
	v8 =	vld [tilespmem:s23+$0x20]  }
0x23d: {  	v11 =	vld [tilespmem:s23+$0x30];
	v4 =	vmul.f32 v4, v3;
	[tilespmem:s23+$0xFFFFFFC0] =	vst v5  }
0x23e: {  	v1 =	vld.idx.msk [tilespmem:v12+s14+$0x0], $0xffff;
	v3 =	vmul.f32 v6, v3;
	[tilespmem:s23+$0xFFFFFFD0] =	vst v7  }
0x23f: {  	[tilespmem:s23+$0xFFFFFFE0] =	vst v4;
	v5 =	vmul.f32 v9, v2;
	v4 =	vld [tilespmem:s23+$0x50]  }
0x240: {  	s9 =	simm.s32 $0x4;
	[tilespmem:s23+$0xFFFFFFF0] =	vst v3;
	v6 =	vmul.f32 v10, v2;
	v3 =	vld [tilespmem:s23+$0x60]  }
0x241: {  	s26 =	simm.s32 $0x7;
	v7 =	vmov s9;
	[tilespmem:s23+$0x0] =	vst v5;
	v9 =	vmul.f32 v8, v2;
	v8 =	vld [tilespmem:s23+$0x80]  }
0x242: {  	s28 =	simm.s32 $0x5;
	v12 =	vand.u32 $0xFFFFFFFC, v7;
	v7 =	vld [tilespmem:s23+$0x90];
	v5 =	vmov s26;
	v10 =	vmul.f32 v11, v2;
	[tilespmem:s23+$0x10] =	vst v6  }
0x243: {  	s0 =	simm.s32 $0x6;
	s9 =	simm.s32 $0x8;
	v11 =	vmul.f32 v13, v2;
	s26 =	simm.s32 $0x9A00;
	v6 =	vbroadcast v12, $0x0;
	v12 =	vmov s28;
	[tilespmem:s23+$0x20] =	vst v9;
	v9 =	vld [tilespmem:s23+$0xA0]  }
.LBB2_11:
0x244: {  	p0 =	slt.u32 s9, $0x2C;
	v12 =	vand.u32 $0xFFFFFFFD, v12;
	v13 =	vmov s0;
	[tilespmem:s23+$0x30] =	vst v10;
	v4 =	vmul.f32 v4, v2;
	v10 =	vld [tilespmem:s23+$0xB0]  }
0x245: {  	v12 =	vbroadcast v12, $0x0;
	v13 =	vand.u32 $0xFFFFFFFE, v13;
	[tilespmem:s23+$0x40] =	vst v11;
	v2 =	vmul.f32 v3, v2;
	v3 =	vld [tilespmem:s23+$0xC0]  }
0x246: {  	v11 =	vbroadcast v13, $0x0;
	[tilespmem:s23+$0x50] =	vst v4;
	v4 =	vmul.f32 v8, v1;
	v8 =	vld [tilespmem:s23+$0xD0]  }
0x247: {  	[tilespmem:s23+$0x60] =	vst v2;
	v2 =	vmul.f32 v7, v1;
	v7 =	vld [tilespmem:s23+$0xE0]  }
0x248: {  	[tilespmem:s23+$0x80] =	vst v4;
	v4 =	vmul.f32 v9, v1;
	v9 =	vld [tilespmem:s23+$0xF0]  }
0x249: {  	v5 =	vld.idx.msk [tilespmem:v5+s14+$0x0], $0xffff;
	[tilespmem:s23+$0x90] =	vst v2;
	v2 =	vmul.f32 v10, v1  }
0x24a: {  	v6 =	vld.idx.msk [tilespmem:v6+s14+$0x0], $0xffff;
	[tilespmem:s23+$0xA0] =	vst v4;
	v3 =	vmul.f32 v3, v1  }
0x24b: {  	v4 =	vld.idx.msk [tilespmem:v12+s14+$0x0], $0xffff;
	[tilespmem:s23+$0xB0] =	vst v2;
	v8 =	vmul.f32 v8, v1  }
0x24c: {  	s23 =	sadd.s32 $0x200, s23;
	v2 =	vld.idx.msk [tilespmem:v11+s14+$0x0], $0xffff;
	[tilespmem:s26+$0xC0] =	vst v3;
	v3 =	vmul.f32 v7, v1  }
0x24d: {  	v7 =	vld [tilespmem:s23+$0x70];
	[tilespmem:s26+$0xD0] =	vst v8;
	v9 =	vmul.f32 v9, v1  }
0x24e: {  	v8 =	vld [tilespmem:s23+$0xFFFFFF00];
	[tilespmem:s26+$0xE0] =	vst v3  }
0x24f: {  	v1 =	vmov v5;
	v3 =	vld [tilespmem:s23+$0xFFFFFF10];
	[tilespmem:s26+$0xF0] =	vst v9;
	s26 =	smov.u32 s23  }
0x250: {  	v5 =	vld [tilespmem:s23+$0xFFFFFF20]  }
0x251: {  	v9 =	vld [tilespmem:s23+$0xFFFFFF30]  }
0x252: {  	v10 =	vld [tilespmem:s23+$0xFFFFFF40];
	v7 =	vmul.f32 v7, v2  }
0x253: {  	v8 =	vmul.f32 v8, v6;
	v11 =	vld [tilespmem:s23+$0xFFFFFF50]  }
0x254: {  	v3 =	vmul.f32 v3, v6;
	v12 =	vld [tilespmem:s23+$0xFFFFFF60];
	[tilespmem:s23+$0x70] =	vst v7  }
0x255: {  	[tilespmem:s23+$0xFFFFFF00] =	vst v8;
	v5 =	vmul.f32 v5, v6;
	v7 =	vld [tilespmem:s23+$0xFFFFFF70]  }
0x256: {  	[tilespmem:s23+$0xFFFFFF10] =	vst v3;
	v3 =	vmul.f32 v9, v6;
	v8 =	vld [tilespmem:s23+$0xFFFFFF80]  }
0x257: {  	[tilespmem:s23+$0xFFFFFF20] =	vst v5;
	v5 =	vmul.f32 v10, v6;
	v9 =	vld [tilespmem:s23+$0xFFFFFF90]  }
0x258: {  	[tilespmem:s23+$0xFFFFFF30] =	vst v3;
	v3 =	vmul.f32 v11, v6;
	v10 =	vld [tilespmem:s23+$0xFFFFFFA0]  }
0x259: {  	[tilespmem:s23+$0xFFFFFF40] =	vst v5;
	v5 =	vmul.f32 v12, v6;
	v11 =	vld [tilespmem:s23+$0xFFFFFFB0]  }
0x25a: {  	[tilespmem:s23+$0xFFFFFF50] =	vst v3;
	v3 =	vmul.f32 v7, v6;
	v6 =	vld [tilespmem:s23+$0xFFFFFFC0]  }
0x25b: {  	[tilespmem:s23+$0xFFFFFF60] =	vst v5;
	v5 =	vmul.f32 v8, v4;
	v7 =	vld [tilespmem:s23+$0xFFFFFFD0]  }
0x25c: {  	[tilespmem:s23+$0xFFFFFF70] =	vst v3;
	v3 =	vmul.f32 v9, v4;
	v8 =	vld [tilespmem:s23+$0xFFFFFFE0]  }
0x25d: {  	[tilespmem:s23+$0xFFFFFF80] =	vst v5;
	v5 =	vmul.f32 v10, v4;
	v9 =	vld [tilespmem:s23+$0xFFFFFFF0]  }
0x25e: {  	[tilespmem:s23+$0xFFFFFF90] =	vst v3;
	v3 =	vmul.f32 v11, v4;
	v10 =	vld [tilespmem:s23+$0x0]  }
0x25f: {  	[tilespmem:s23+$0xFFFFFFA0] =	vst v5;
	v5 =	vmul.f32 v6, v4;
	v6 =	vld [tilespmem:s23+$0x10]  }
0x260: {  	[tilespmem:s23+$0xFFFFFFB0] =	vst v3;
	v3 =	vmul.f32 v7, v4;
	v7 =	vld [tilespmem:s23+$0x20]  }
0x261: {  	[tilespmem:s23+$0xFFFFFFC0] =	vst v5;
	v5 =	vmul.f32 v8, v4;
	v11 =	vld [tilespmem:s23+$0x30]  }
0x262: {  	[tilespmem:s23+$0xFFFFFFD0] =	vst v3;
	v3 =	vmul.f32 v9, v4;
	v9 =	vld [tilespmem:s23+$0x40]  }
.Ltmp6:
0x263: {  	[tilespmem:s23+$0xFFFFFFE0] =	vst v5;
	v5 =	vmul.f32 v10, v2;
	v4 =	vld [tilespmem:s23+$0x50];
	(pc) =	sbr.rel @p0 .LBB2_11-.Ltmp6, $4  }
0x264: {  	[tilespmem:s23+$0xFFFFFFF0] =	vst v3;
	v6 =	vmul.f32 v6, v2;
	v3 =	vld [tilespmem:s23+$0x60]  }
0x265: {  	s0 =	sadd.s32 $0x3, s9;
	v10 =	vmov s9;
	[tilespmem:s23+$0x0] =	vst v5;
	v13 =	vmul.f32 v7, v2;
	v8 =	vld [tilespmem:s23+$0x80]  }
0x266: {  	s28 =	sadd.s32 $0x1, s9;
	v12 =	vand.u32 $0xFFFFFFFC, v10;
	v5 =	vmov s0;
	[tilespmem:s23+$0x10] =	vst v6;
	v10 =	vmul.f32 v11, v2;
	v7 =	vld [tilespmem:s23+$0x90]  }
0x267: {  	s0 =	sadd.s32 $0x2, s9;
	s9 =	sadd.s32 $0x4, s9;
	v6 =	vbroadcast v12, $0x0;
	v12 =	vmov s28;
	[tilespmem:s23+$0x20] =	vst v13;
	v11 =	vmul.f32 v9, v2;
	v9 =	vld [tilespmem:s23+$0xA0]  }
0x268: {  	v13 =	vld [tilespmem:s23+$0xB0]  }
0x269: {  	v15 =	vld [tilespmem:s23+$0xC0]  }
0x26a: {  	v16 =	vld [tilespmem:s23+$0xD0]  }
0x26b: {  	v17 =	vld [tilespmem:s23+$0xE0]  }
0x26c: {  	v29 =	vld [tilespmem:s23+$0xF0];
	[tilespmem:s23+$0x30] =	vst v10;
	v4 =	vmul.f32 v4, v2  }
0x26d: {  	v5 =	vld.idx.msk [tilespmem:v5+s14+$0x0], $0xffff;
	[tilespmem:s23+$0x40] =	vst v11;
	v2 =	vmul.f32 v3, v2  }
0x26e: {  	s9 =	sadd.s32 $0x200, s23;
	v3 =	vld.idx.msk [tilespmem:v6+s14+$0x0], $0xffff;
	v8 =	vmul.f32 v8, v1;
	[tilespmem:s23+$0x50] =	vst v4  }
0x26f: {  	v14 =	vmov s0;
	v34 =	vld [tilespmem:s9+$0x70];
	v30 =	vmul.f32 v7, v1;
	[tilespmem:s23+$0x60] =	vst v2  }
0x270: {  	v14 =	vand.u32 $0xFFFFFFFE, v14;
	v35 =	vld [tilespmem:s9+$0xFFFFFF00];
	[tilespmem:s23+$0x80] =	vst v8;
	v2 =	vmul.f32 v9, v1  }
0x271: {  	v37 =	vld [tilespmem:s9+$0xFFFFFF10];
	v14 =	vbroadcast v14, $0x0;
	[tilespmem:s23+$0x90] =	vst v30;
	v33 =	vmul.f32 v13, v1  }
0x272: {  	v38 =	vld [tilespmem:s9+$0xFFFFFF20];
	[tilespmem:s23+$0xA0] =	vst v2;
	v2 =	vmul.f32 v15, v1  }
0x273: {  	v12 =	vand.u32 $0xFFFFFFFD, v12;
	v39 =	vld [tilespmem:s9+$0xFFFFFF30];
	v36 =	vmul.f32 v16, v1;
	[tilespmem:s23+$0xB0] =	vst v33  }
0x274: {  	v12 =	vbroadcast v12, $0x0;
	v41 =	vld [tilespmem:s9+$0xFFFFFF50];
	[tilespmem:s26+$0xC0] =	vst v2;
	v2 =	vmul.f32 v17, v1  }
0x275: {  	v43 =	vld [tilespmem:s9+$0xFFFFFF60];
	[tilespmem:s26+$0xD0] =	vst v36;
	v1 =	vmul.f32 v29, v1  }
0x276: {  	v42 =	vmul.f32 v37, v3;
	[tilespmem:s26+$0xE0] =	vst v2;
	v2 =	vld [tilespmem:s9+$0xFFFFFF40]  }
0x277: {  	v32 =	vld.idx.msk [tilespmem:v14+s14+$0x0], $0xffff;
	[tilespmem:s26+$0xF0] =	vst v1;
	v1 =	vmul.f32 v35, v3  }
0x278: {  	v44 =	vld [tilespmem:s9+$0xFFFFFF70];
	v4 =	vmul.f32 v39, v3;
	[tilespmem:s9+$0xFFFFFF10] =	vst v42  }
0x279: {  	v45 =	vld [tilespmem:s9+$0xFFFFFF80];
	[tilespmem:s9+$0xFFFFFF00] =	vst v1;
	v1 =	vmul.f32 v38, v3  }
0x27a: {  	v46 =	vmul.f32 v41, v3;
	v31 =	vld.idx.msk [tilespmem:v12+s14+$0x0], $0xffff;
	[tilespmem:s9+$0xFFFFFF30] =	vst v4  }
0x27b: {  	[tilespmem:s9+$0xFFFFFF20] =	vst v1;
	v1 =	vmul.f32 v2, v3;
	v2 =	vld [tilespmem:s9+$0xFFFFFF90]  }
0x27c: {  	v47 =	vld [tilespmem:s9+$0xFFFFFFA0];
	[tilespmem:s9+$0xFFFFFF50] =	vst v46;
	v40 =	vmul.f32 v34, v32  }
0x27d: {  	v48 =	vld [tilespmem:s9+$0xFFFFFFB0];
	[tilespmem:s9+$0xFFFFFF40] =	vst v1;
	v1 =	vmul.f32 v43, v3  }
0x27e: {  	v49 =	vld [tilespmem:s9+$0xFFFFFFC0];
	[tilespmem:s9+$0x70] =	vst v40;
	v3 =	vmul.f32 v44, v3  }
0x27f: {  	v50 =	vld [tilespmem:s9+$0xFFFFFFD0];
	[tilespmem:s9+$0xFFFFFF60] =	vst v1;
	v1 =	vmul.f32 v45, v31  }
0x280: {  	[tilespmem:s9+$0xFFFFFF70] =	vst v3;
	v3 =	vld [tilespmem:s9+$0xFFFFFFE0];
	v2 =	vmul.f32 v2, v31  }
0x281: {  	v51 =	vld [tilespmem:s9+$0xFFFFFFF0];
	[tilespmem:s9+$0xFFFFFF80] =	vst v1;
	v1 =	vmul.f32 v47, v31  }
0x282: {  	v52 =	vld [tilespmem:s9+$0x0];
	[tilespmem:s9+$0xFFFFFF90] =	vst v2;
	v2 =	vmul.f32 v48, v31  }
0x283: {  	v53 =	vld [tilespmem:s9+$0x10];
	[tilespmem:s9+$0xFFFFFFA0] =	vst v1;
	v1 =	vmul.f32 v49, v31  }
0x284: {  	v54 =	vld [tilespmem:s9+$0x20];
	[tilespmem:s9+$0xFFFFFFB0] =	vst v2;
	v2 =	vmul.f32 v50, v31  }
0x285: {  	[tilespmem:s9+$0xFFFFFFC0] =	vst v1;
	v1 =	vmul.f32 v3, v31;
	v3 =	vld [tilespmem:s9+$0x30]  }
0x286: {  	v55 =	vld [tilespmem:s9+$0x40];
	[tilespmem:s9+$0xFFFFFFD0] =	vst v2;
	v2 =	vmul.f32 v51, v31  }
0x287: {  	v56 =	vld [tilespmem:s9+$0x50];
	[tilespmem:s9+$0xFFFFFFE0] =	vst v1;
	v1 =	vmul.f32 v52, v32  }
0x288: {  	v57 =	vld [tilespmem:s9+$0x60];
	[tilespmem:s9+$0xFFFFFFF0] =	vst v2;
	v2 =	vmul.f32 v53, v32  }
0x289: {  	v58 =	vld [tilespmem:s9+$0x80];
	[tilespmem:s9+$0x0] =	vst v1;
	v1 =	vmul.f32 v54, v32  }
0x28a: {  	[tilespmem:s9+$0x10] =	vst v2;
	v2 =	vmul.f32 v3, v32;
	v3 =	vld [tilespmem:s9+$0x90]  }
0x28b: {  	v59 =	vld [tilespmem:s9+$0xA0];
	[tilespmem:s9+$0x20] =	vst v1;
	v1 =	vmul.f32 v55, v32  }
0x28c: {  	v60 =	vld [tilespmem:s9+$0xB0];
	[tilespmem:s9+$0x30] =	vst v2;
	v2 =	vmul.f32 v56, v32  }
0x28d: {  	v61 =	vld [tilespmem:s9+$0xC0];
	[tilespmem:s9+$0x40] =	vst v1;
	v1 =	vmul.f32 v57, v32  }
0x28e: {  	v62 =	vld [tilespmem:s9+$0xD0];
	[tilespmem:s9+$0x50] =	vst v2;
	v2 =	vmul.f32 v58, v5  }
0x28f: {  	[tilespmem:s9+$0x60] =	vst v1;
	v1 =	vmul.f32 v3, v5;
	v3 =	vld [tilespmem:s9+$0xE0]  }
0x290: {  	v63 =	vld [tilespmem:s9+$0xF0];
	[tilespmem:s9+$0x80] =	vst v2;
	v2 =	vmul.f32 v59, v5  }
0x291: {  	[tilespmem:s9+$0x90] =	vst v1;
	v1 =	vmul.f32 v60, v5  }
0x292: {  	[tilespmem:s9+$0xA0] =	vst v2;
	v2 =	vmul.f32 v61, v5  }
0x293: {  	[tilespmem:s9+$0xB0] =	vst v1;
	v1 =	vmul.f32 v62, v5  }
0x294: {  	[tilespmem:s9+$0xC0] =	vst v2;
	v2 =	vmul.f32 v3, v5  }
0x295: {  	[tilespmem:s9+$0xD0] =	vst v1;
	v1 =	vmul.f32 v63, v5  }
0x296: {  	p0 =	seq.s32 s30, $0x35;
	[tilespmem:s9+$0xE0] =	vst v2  }
.Ltmp7:
0x297: {  	s31 =	sadd.s32 $0x2910, s31;
	[tilespmem:s9+$0xF0] =	vst v1;
	(pc) =	sbr.rel @p0 .LBB2_14-.Ltmp7, $4  }
0x298: {  	[spmem:s2] =	stream.indirect.scatter.add.f32 [tilespmem:s13], [sflag:$0xA], $0x80, s31, s7, $0xb8;
	[tilespmem:$0x1F300] =	vst v63  }
0x299: {  	_ =	swait.ge [sflag:s21], $0x1800  }
0x29a: {  	[sflag:s21] =	ssyncset.done $0x0  }
0x29b: {  	[sflag:s21] =	ssyncadd.s32 $0xFFFFE800  }
0x29c: {  	s0 =	smul.u32 $0xC0, s30;
	_ =	sdelay $0x1  }
0x29d: {  	s9 =	sadd.s32 $0xC0, s0  }
0x29e: {  	[tilespmem:s1], [sflag:$0x3] =	stream.indirect.gather [hbm4b:s5+s7], $0x80, s9, s7, $0xb8;
	[tilespmem:$0x1F300] =	vst v63  }
0x29f: {  	s9 =	sadd.s32 s3, s9  }
0x2a0: {  	s9 =	sshrl.u32 s9, $0x3  }
0x2a1: {  	s9 =	sadd.s32 s6, s9  }
0x2a2: {  	[tilespmem:s16], [sflag:$0x3] =	stream.linear.gather [hbm4b:s9+s4], $0x30, $0x38;
	[tilespmem:$0x1F300] =	vst v63  }
0x2a3: {  	s28 =	sadd.s32 $0xF0, s0;
	_ =	swait.ge [sflag:s22], $0x1800  }
0x2a4: {  	s9 =	sadd.s32 s3, s28;
	[sflag:s22] =	ssyncset.done $0x0  }
0x2a5: {  	s9 =	sshrl.u32 s9, $0x3;
	[sflag:s22] =	ssyncadd.s32 $0xFFFFE800  }
0x2a6: {  	[tilespmem:s8], [sflag:$0x4] =	stream.indirect.gather [hbm4b:s5+s7], $0x80, s28, s7, $0xb8;
	[tilespmem:$0x1F300] =	vst v63  }
0x2a7: {  	s9 =	sadd.s32 s6, s9  }
0x2a8: {  	[tilespmem:s10], [sflag:$0x4] =	stream.linear.gather [hbm4b:s9+s4], $0x30, $0x38;
	[tilespmem:$0x1F300] =	vst v63  }
0x2a9: {  	s31 =	sadd.s32 $0x120, s0;
	_ =	swait.ge [sflag:s24], $0x1800  }
0x2aa: {  	s9 =	sadd.s32 s3, s31;
	[sflag:s24] =	ssyncset.done $0x0  }
0x2ab: {  	s9 =	sshrl.u32 s9, $0x3;
	[sflag:s24] =	ssyncadd.s32 $0xFFFFE800  }
0x2ac: {  	[tilespmem:s11], [sflag:$0x5] =	stream.indirect.gather [hbm4b:s5+s7], $0x80, s31, s7, $0xb8;
	[tilespmem:$0x1F300] =	vst v63  }
0x2ad: {  	s9 =	sadd.s32 s6, s9  }
0x2ae: {  	[tilespmem:s12], [sflag:$0x5] =	stream.linear.gather [hbm4b:s9+s4], $0x30, $0x38;
	[tilespmem:$0x1F300] =	vst v63  }
0x2af: {  	_ =	swait.ge [sflag:s25], $0x1800  }
0x2b0: {  	[sflag:s25] =	ssyncset.done $0x0  }
0x2b1: {  	s0 =	sadd.s32 $0x150, s0;
	[sflag:s25] =	ssyncadd.s32 $0xFFFFE800  }
0x2b2: {  	[tilespmem:s13], [sflag:$0x6] =	stream.indirect.gather [hbm4b:s5+s7], $0x80, s0, s7, $0xb8;
	[tilespmem:$0x1F300] =	vst v63  }
.Ltmp8:
0x2b3: {  	_ = 	snop;
	(pc) =	sbr.rel .LBB2_4-.Ltmp8, $4  }
0x2b4: {  	s0 =	sadd.s32 s3, s0  }
0x2b5: {  	s0 =	sshrl.u32 s0, $0x3  }
0x2b6: {  	s30 =	sadd.s32 $0x1, s30;
	s0 =	sadd.s32 s6, s0  }
0x2b7: {  	[tilespmem:s14], [sflag:$0x6] =	stream.linear.gather [hbm4b:s0+s4], $0x30, $0x38;
	[tilespmem:$0x1F300] =	vst v63  }
.LBB2_15:
0x2b8: {  	_ =	sfence.sel $0x180000  }
0x2b9: {  	[bflag:$0x0] =	sbarrier.arrive $0xFFFF  }
0x2ba: {  	_ =	strace $0x9000004A  }
0x2bb: {  	s0 =	stileid.u32;
	[bflag:$0x2] =	sbarrier.arrive $0xFFFF  }
0x2bc: {  	p0 =	sne.s32 s0, $0x0;
	s0 =	rddreg [dreg:$0x3]  }
0x2bd: {  	s0 =	sadd.s32 @!p0 $0x100000, s0  }
0x2be: {  	[sflag:s0] =	ssyncadd.tile.s32 @!p0 $0x1;
	_ =	shalt  }
.Lfunc_end2:
_tile_overlayer_lowered:
.L_overlay_start_2:
0x2bf: {  	(tag) =	ssettag $0x2  }
0x2c0: {  	s0 =	rddreg [dreg:$0x0];
	s2 =	stileid.u32  }
0x2c1: {  	s1 =	rddreg [dreg:$0x1];
	p0 =	sne.s32 s2, $0x0  }
0x2c2: {  	s3 =	rddreg [dreg:$0x2];
	[bflag:$0x3] =	sbarrier.arrive $0xFFFF;
	s2 =	simm.s32 @!p0 $0x1C0B  }
0x2c3: {  	[timem:s3], [sflag:s2] =	dma.local @!p0 [hbm:s0], s1  }
0x2c4: {  	s0 =	simm.s32 @!p0 $0xB  }
0x2c5: {  	_ =	swait.ge @!p0 [sflag:s0], s1  }
0x2c6: {  	s1 =	ssub.s32 @!p0 $0x0, s1;
	[sflag:s0] =	ssyncset.done @!p0 $0x0  }
0x2c7: {  	[sflag:s0] =	ssyncadd.s32 @!p0 s1  }
0x2c8: {  	[bflag:$0x3] =	sbarrier.arrive $0xFFFF  }
0x2c9: {  	_ =	shalt  }

// kernel: kernel.7.cloned.1.call-start
scs
__scs_entry_jumppad:
0x0: {  	(pc) =	sbr.rel $0x88, $3  }
0x1: {  	(tag) =	ssettag $0x0;
	lr =	simm.s32 $0x1  }
0x2: {  	[smem:$0x3F9A] =	sst lr;
	_ =	strace $0xD0000000  }
0x3: {  	_ = 	snop  }
0x4: {  	_ = 	snop  }
0x5: {  	_ = 	snop  }
0x6: {  	_ = 	snop  }
0x7: {  	_ = 	snop  }
__scs_overlays_trampoline_lowered:
0x8: {  	[smem:$0x3FA9] =	sst s0  }
0x9: {  	[smem:$0x3FAA] =	sst s1  }
0xa: {  	[smem:$0x3FAB] =	sst s2  }
0xb: {  	[smem:$0x3FAC] =	sst s3  }
0xc: {  	[smem:$0x3FAD] =	sst s4  }
0xd: {  	[smem:$0x3FAE] =	sst s5  }
0xe: {  	[smem:$0x3FAF] =	sst s6  }
0xf: {  	[smem:$0x3FB0] =	sst s7  }
0x10: {  	[smem:$0x3FB1] =	sst s8  }
0x11: {  	[smem:$0x3FB2] =	sst s9;
	s0 =	simm.s32 @!p0 $0x0  }
0x12: {  	s1 =	sld [smem:$0x3F98];
	s0 =	simm.s32 @p0 $0x1  }
0x13: {  	[smem:$0x3FB3] =	sst s0;
	s0 =	simm.s32 @!p1 $0x0  }
0x14: {  	s2 =	sld [smem:$0x3F97];
	s0 =	simm.s32 @p1 $0x1  }
0x15: {  	[smem:$0x3FB4] =	sst s0;
	s0 =	simm.s32 @!p2 $0x0  }
0x16: {  	s3 =	sld [smem:$0x3FDB];
	s0 =	simm.s32 @p2 $0x1  }
0x17: {  	s4 =	simm.s32 $0x1BF5;
	[smem:$0x3FB6] =	sst s0  }
0x18: {  	s0 =	sld [smem:$0x3F99];
	_ =	swait.ge [sflag:s4], $0x0  }
0x19: {  	s7 =	sld [smem:$0x3F9A]  }
0x1a: {  	s8 =	sadd.s32 $0xFFFFE003, lr  }
0x1b: {  	s9 =	sadd.s32 $0xFFFFFEF7, lr;
	s5 =	simm.s32 $0xFFFFFFFF;
	p2 =	slt.u32 s8, $0xFFFFF086  }
0x1c: {  	p1 =	slt.u32 s9, $0xF7A;
	s5 =	simm.s32 @!p2 $0x0  }
0x1d: {  	s5 =	simm.s32 @p1 $0x1;
	p0 =	seq.s32 s7, s2  }
0x1e: {  	s7 =	smul.u32 @!p0 $0xF7A, s2;
	p2 =	seq.s32 @!p0 s5, $0x0  }
0x1f: {  	s9 =	smul.u32 $0xF7A, s1;
	s8 =	simm.s32 @!p0 $0x1BF5;
	p2 =	por !p2, p0  }
0x20: {  	[sflag:s8] =	ssyncset.s32 @!p0 $0xFFFFF086;
	s6 =	sadd.s32 @!p0 s3, s7;
	s7 =	simm.s32 @!p0 $0x108  }
0x21: {  	s3 =	sadd.s32 s3, s9;
	s6 =	sadd.s32 @!p0 $0x88, s6;
	s7 =	simm.s32 @p2 $0x1082  }
0x22: {  	[simem:s7], [sflag:s8] =	dma.local @!p0 [hbm:s6], $0xF7A  }
0x23: {  	s9 =	sor.u32 $0xD0000000, s2;
	s6 =	simm.s32 $0x108;
	_ =	swait.ge @!p0 [sflag:s8], $0x0  }
0x24: {  	s3 =	sadd.s32 $0x88, s3;
	s6 =	simm.s32 @!p1 $0x1082;
	[sflag:s4] =	ssyncset.s32 $0xFFFFF086  }
0x25: {  	[simem:s6], [sflag:s4] =	dma.local [hbm:s3], $0xF7A  }
0x26: {  	[smem:$0x3F9A] =	sst s1;
	(tag) =	ssettag s2;
	_ =	strace s9  }
0x27: {  	s1 =	sld [smem:$0x3FAA]  }
0x28: {  	s2 =	sld [smem:$0x3FAB]  }
0x29: {  	s4 =	sld [smem:$0x3FAD]  }
0x2a: {  	p0 =	seq.s32 s5, $0x0;
	s5 =	sld [smem:$0x3FAE]  }
0x2b: {  	s6 =	sld [smem:$0x3FAF]  }
0x2c: {  	s7 =	sld [smem:$0x3FB0]  }
0x2d: {  	s3 =	simm.s32 $0x108;
	s8 =	sld [smem:$0x3FB1]  }
0x2e: {  	s3 =	simm.s32 @!p0 $0x1082;
	s9 =	sld [smem:$0x3FB2]  }
0x2f: {  	lr =	sadd.s32 s0, s3;
	s0 =	sld [smem:$0x3FA9]  }
0x30: {  	s3 =	sld [smem:$0x3FAC]  }
0x31: {  	[smem:$0x3FB5] =	sst s10  }
0x32: {  	s10 =	sld [smem:$0x3FB3];
	_ =	sdelay $0x3  }
0x33: {  	p0 =	seq.s32 s10, $0x1;
	s10 =	sld [smem:$0x3FB5];
	_ =	sdelay $0x3  }
0x34: {  	[smem:$0x3FB5] =	sst s10  }
0x35: {  	s10 =	sld [smem:$0x3FB4];
	_ =	sdelay $0x3  }
0x36: {  	p1 =	seq.s32 s10, $0x1;
	s10 =	sld [smem:$0x3FB5];
	_ =	sdelay $0x3  }
0x37: {  	[smem:$0x3FB5] =	sst s10  }
0x38: {  	s10 =	sld [smem:$0x3FB6]  }
0x39: {  	_ = 	snop;
	(pc) =	sbr.ind lr, $3  }
0x3a: {  	_ = 	snop  }
0x3b: {  	_ = 	snop  }
0x3c: {  	p2 =	seq.s32 s10, $0x1;
	s10 =	sld [smem:$0x3FB5]  }
0x3d: {  	_ =	shalt  }
0x3e: {  	_ =	shalt  }
0x3f: {  	_ =	shalt  }
0x40: {  	_ =	shalt  }
0x41: {  	_ =	shalt  }
0x42: {  	_ =	shalt  }
0x43: {  	_ =	shalt  }
0x44: {  	_ =	shalt  }
0x45: {  	_ =	shalt  }
0x46: {  	_ =	shalt  }
0x47: {  	_ =	shalt  }
0x48: {  	_ =	shalt  }
0x49: {  	_ =	shalt  }
0x4a: {  	_ =	shalt  }
0x4b: {  	_ =	shalt  }
0x4c: {  	_ =	shalt  }
0x4d: {  	_ =	shalt  }
0x4e: {  	_ =	shalt  }
0x4f: {  	_ =	shalt  }
0x50: {  	_ =	shalt  }
0x51: {  	_ =	shalt  }
0x52: {  	_ =	shalt  }
0x53: {  	_ =	shalt  }
0x54: {  	_ =	shalt  }
0x55: {  	_ =	shalt  }
0x56: {  	_ =	shalt  }
0x57: {  	_ =	shalt  }
0x58: {  	_ =	shalt  }
0x59: {  	_ =	shalt  }
0x5a: {  	_ =	shalt  }
0x5b: {  	_ =	shalt  }
0x5c: {  	_ =	shalt  }
0x5d: {  	_ =	shalt  }
0x5e: {  	_ =	shalt  }
0x5f: {  	_ =	shalt  }
0x60: {  	_ =	shalt  }
0x61: {  	_ =	shalt  }
0x62: {  	_ =	shalt  }
0x63: {  	_ =	shalt  }
0x64: {  	_ =	shalt  }
0x65: {  	_ =	shalt  }
0x66: {  	_ =	shalt  }
0x67: {  	_ =	shalt  }
0x68: {  	_ =	shalt  }
0x69: {  	_ =	shalt  }
0x6a: {  	_ =	shalt  }
0x6b: {  	_ =	shalt  }
0x6c: {  	_ =	shalt  }
0x6d: {  	_ =	shalt  }
0x6e: {  	_ =	shalt  }
0x6f: {  	_ =	shalt  }
0x70: {  	_ =	shalt  }
0x71: {  	_ =	shalt  }
0x72: {  	_ =	shalt  }
0x73: {  	_ =	shalt  }
0x74: {  	_ =	shalt  }
0x75: {  	_ =	shalt  }
0x76: {  	_ =	shalt  }
0x77: {  	_ =	shalt  }
0x78: {  	_ =	shalt  }
0x79: {  	_ =	shalt  }
0x7a: {  	_ =	shalt  }
0x7b: {  	_ =	shalt  }
0x7c: {  	_ =	shalt  }
0x7d: {  	_ =	shalt  }
0x7e: {  	_ =	shalt  }
0x7f: {  	_ =	shalt  }
0x80: {  	_ =	shalt  }
0x81: {  	_ =	shalt  }
0x82: {  	_ =	shalt  }
0x83: {  	_ =	shalt  }
0x84: {  	_ =	shalt  }
0x85: {  	_ =	shalt  }
0x86: {  	_ =	shalt  }
0x87: {  	_ =	shalt  }
.Lfunc_end0:
.L_simem_size_0:
called_computation_lowered:
.L_overlay_start_0:
0x88: {  	s2 =	sld [smem:$0x3FD9]  }
0x89: {  	s3 =	sld [smem:$0x3FFE];
	_ =	sdelay $0x1  }
0x8a: {  	s1 =	srdreg.scid  }
0x8b: {  	s0 =	sand.u32 $0x1, s1  }
0x8c: {  	s17 =	sshll.u32 s0, $0xA;
	s2 =	sadd.s32 s3, s2  }
0x8d: {  	s2 =	sadd.s32 s2, s17  }
0x8e: {  	[smem:$0x3FC1] =	sst s2  }
0x8f: {  	_ = 	snop  }
0x90: {  	s2 =	sld [smem:$0x3FD0];
	(tm) =	ssettm $0x1  }
0x91: {  	s18 =	sld [smem:$0x3FFB];
	_ =	sdelay $0x3  }
0x92: {  	_ =	strace s18  }
0x93: {  	s3 =	sld [smem:$0x3FFC];
	_ =	sdelay $0x3  }
0x94: {  	_ =	strace s3  }
0x95: {  	s3 =	sld [smem:$0x3FFD];
	_ =	sdelay $0x3  }
0x96: {  	_ =	strace s3  }
0x97: {  	_ =	strace $0x8FFFFFFF  }
0x98: {  	s19 =	sld [smem:$0x3FDB];
	_ =	sdelay $0x1  }
0x99: {  	s4 =	simm.s32 $_scs_section_size  }
0x9a: {  	s5 =	simm.s32 $_size__tile_overlayer_lowered;
	s6 =	simm.s32 $_tile_overlayer_lowered  }
0x9b: {  	s22 =	simm.s32 $0x1BFF;
	s21 =	sshll.u32 s6, $0x1;
	s3 =	sadd.s32 s4, s19  }
0x9c: {  	s7 =	simm.s32 $0x0;
	s20 =	sshll.u32 s5, $0x1;
	s5 =	sadd.s32 s21, s3  }
0x9d: {  	[timem:s7], [sflag:s22] =	dma.local [hbm:s5], s20  }
0x9e: {  	_ =	swait.ge [sflag:s22], s20  }
0x9f: {  	s4 =	ssub.s32 $0x0, s20;
	[sflag:s22] =	ssyncset.done $0x0  }
0xa0: {  	[sflag:s22] =	ssyncadd.s32 s4;
	_ =	sdelay $0x1  }
0xa1: {  	s23 =	simm.s32 $0x1B8B  }
0xa2: {  	_ =	swait.ge [sflag:s23], $0x1  }
0xa3: {  	[sflag:s23] =	ssyncset.done $0x0  }
0xa4: {  	s25 =	simm.s32 $0x1B8E;
	s24 =	sld [smem:$0x3FFE];
	[sflag:s23] =	ssyncadd.s32 $0xFFFFFFFF  }
0xa5: {  	s26 =	simm.s32 $execute0_lowered;
	[smem:$0x3FD2] =	sst s25  }
0xa6: {  	s5 =	sshll.u32 s26, $0x1;
	_ =	strace $0x80000046;
	[dreg:$0x1] =	wrdreg $0xFFFFFFFF  }
0xa7: {  	s28 =	simm.s32 $_size_execute0_lowered;
	s3 =	sadd.s32 s3, s5;
	[dreg:$0x0] =	wrdreg $0x0  }
0xa8: {  	s5 =	sshll.u32 s28, $0x1;
	[dreg:$0x2] =	wrdreg s3  }
0xa9: {  	[dreg:$0x3] =	wrdreg s5  }
0xaa: {  	[dreg:$0x4] =	wrdreg $0xC0  }
0xab: {  	_ =	task [dreg:s7], $0x5FFFF  }
0xac: {  	[dreg:$0x1] =	wrdreg $0xFFFFFFFF  }
0xad: {  	[dreg:$0x0] =	wrdreg $0x60  }
0xae: {  	[dreg:$0x2] =	wrdreg s24  }
0xaf: {  	[dreg:$0x3] =	wrdreg s2  }
0xb0: {  	[dreg:$0x4] =	wrdreg $0xB3000  }
0xb1: {  	[dreg:$0x5] =	wrdreg $0x9  }
0xb2: {  	_ =	task.clear_ibuf [dreg:s7], $0x6FFFF;
	_ =	strace $0x90000046  }
0xb3: {  	s29 =	simm.s32 $0x9;
	_ =	strace $0x80000048  }
0xb4: {  	_ =	swait.ge [sflag:s29], $0x1  }
0xb5: {  	[sflag:s29] =	ssyncadd.s32 $0xFFFFFFFF  }
0xb6: {  	_ =	strace $0x90000048  }
0xb7: {  	_ =	sfence  }
0xb8: {  	s30 =	sld [smem:$0x0];
	_ =	sdelay $0x2  }
0xb9: {  	s31 =	sshll.u32 s1, $0xD;
	s1 =	sshrl.u32 s1, $0x2  }
0xba: {  	s3 =	sand.u32 $0x4000, s31;
	s1 =	sadd.s32 s1, s30  }
0xbb: {  	s0 =	sor.u32 s3, s0;
	s1 =	sshll.u32 s1, $0x11  }
0xbc: {  	s0 =	sor.u32 s1, s0  }
0xbd: {  	s0 =	sadd.s32 $0x8F2B, s0  }
0xbe: {  	[sflag:s0] =	ssyncadd.remote.s32 $0x1  }
0xbf: {  	_ =	sfence.sel $0xFFFF  }
0xc0: {  	[dreg:$0x0] =	wrdreg $0xFFFFFFFF;
	(pc) =	sbr.abs _section_cstart, $3  }
0xc1: {  	[dreg:$0x1] =	wrdreg $0xFFFFFFFF  }
0xc2: {  	_ =	task.clear_ibuf [dreg:s7], $0x2FFFF;
	_ =	strace $0x9FFFFFFF  }
0xc3: {  	(tm) =	ssettm $0x7FFFFFFF  }
tec
execute0_lowered:
.L_overlay_start_1:
0x0: {  	(tag) =	ssettag $0x1  }
0x1: {  	s0 =	srdreg.scid  }
0x2: {  	s11 =	stileid.u32;
	s1 =	rddreg [dreg:$0x0]  }
0x3: {  	s7 =	rddreg [dreg:$0x1];
	s4 =	simm.s32 $0x0;
	s9 =	smul.u32 $0x14000, s11  }
0x4: {  	s0 =	sand.u32 $0x1, s0;
	s2 =	sshll.u32 s11, $0x1;
	s11 =	smul.u32 $0x50000, s11  }
0x5: {  	[smem:$0x7FF] =	sst s4;
	s3 =	sor.u32 s0, s2  }
0x6: {  	s2 =	rddreg [dreg:$0x2];
	s6 =	smul.u32 $0x140000, s0;
	s31 =	sshrl.u32 s11, $0x2  }
0x7: {  	_ =	strace $0x80000047;
	s0 =	ssub.s32 $0x2, s0;
	s26 =	sadd.s32 s31, s2  }
0x8: {  	s12 =	sshrl.u32 s0, $0x1;
	s11 =	sadd.s32 $0x2800, s26;
	[dreg:$0x6] =	wrdreg s26  }
0x9: {  	s0 =	ssub.s32 s0, s12;
	s12 =	sadd.s32 $0x3C00, s26;
	[dreg:$0x8] =	wrdreg s11  }
0xa: {  	s13 =	sadd.s32 $0x5000, s26;
	[dreg:$0x9] =	wrdreg s12  }
0xb: {  	s14 =	sadd.s32 $0x6400, s26;
	[dreg:$0xa] =	wrdreg s13  }
0xc: {  	s15 =	sadd.s32 $0x7800, s26;
	[dreg:$0xb] =	wrdreg s14  }
0xd: {  	s29 =	simm.s32 $0x0;
	s16 =	sadd.s32 $0x8C00, s26;
	[dreg:$0xc] =	wrdreg s15  }
0xe: {  	s5 =	sadd.s32 $0xB600, s1;
	s17 =	sadd.s32 $0xA000, s26;
	[dreg:$0xd] =	wrdreg s16  }
0xf: {  	s3 =	smul.u32 $0x2880, s3;
	s18 =	sadd.s32 $0xB400, s26;
	[dreg:$0xe] =	wrdreg s17  }
0x10: {  	s9 =	sadd.s32 s9, s6;
	s19 =	sadd.s32 $0xC800, s26;
	[dreg:$0xf] =	wrdreg s18  }
0x11: {  	s6 =	sadd.s32 $0x1400, s1;
	s20 =	sadd.s32 $0xDC00, s26;
	[dreg:$0x10] =	wrdreg s19  }
0x12: {  	s8 =	sshrl.u32 s3, $0x3;
	s21 =	sadd.s32 $0xF000, s26;
	[dreg:$0x11] =	wrdreg s20  }
0x13: {  	s9 =	sshrl.u32 s9, $0x3;
	s22 =	sadd.s32 $0x10400, s26;
	[dreg:$0x12] =	wrdreg s21  }
0x14: {  	s0 =	smax.u32 s0, $0x1;
	s24 =	sadd.s32 $0x11800, s26;
	[dreg:$0x13] =	wrdreg s22  }
0x15: {  	s25 =	sadd.s32 $0x12C00, s26;
	s10 =	sadd.s32 s8, s1;
	[dreg:$0x16] =	wrdreg s0  }
0x16: {  	s1 =	sadd.s32 s9, s1;
	s7 =	sadd.s32 s7, s8;
	[dreg:$0x17] =	wrdreg s24  }
0x17: {  	s23 =	sadd.s32 s6, s8;
	[dreg:$0x18] =	wrdreg s25;
	s8 =	simm.s32 $0x6900  }
0x18: {  	s11 =	simm.s32 $0x8100;
	s12 =	simm.s32 $0xB200;
	s13 =	simm.s32 $0x9900  }
0x19: {  	s14 =	simm.s32 $0xB280;
	s15 =	simm.s32 $0x2;
	s16 =	simm.s32 $0xB100  }
0x1a: {  	s17 =	simm.s32 $0x3;
	s18 =	simm.s32 $0x4;
	s19 =	simm.s32 $0x5  }
0x1b: {  	s20 =	simm.s32 $0x6;
	s21 =	simm.s32 $0x7;
	[dreg:$0x5] =	wrdreg s7  }
0x1c: {  	s22 =	simm.s32 $0x8;
	s10 =	sadd.s32 $0x33600, s10;
	[dreg:$0x14] =	wrdreg s23  }
0x1d: {  	s24 =	simm.s32 $0x9;
	s1 =	sadd.s32 $0x3D800, s1;
	[dreg:$0x4] =	wrdreg s10  }
.Ltmp0:
0x1e: {  	s28 =	sadd.s32 $0x6, s23;
	[dreg:$0x15] =	wrdreg s1;
	(pc) =	sbr.rel .LBB2_1-.Ltmp0, $4  }
0x1f: {  	s25 =	simm.s32 $0xA;
	s30 =	sadd.s32 $0xC, s23;
	[dreg:$0x19] =	wrdreg s28  }
0x20: {  	s31 =	sadd.s32 $0x12, s23;
	s7 =	simm.s32 $0x30;
	[dreg:$0x1a] =	wrdreg s30  }
0x21: {  	s23 =	simm.s32 $0x0;
	s10 =	sadd.s32 $0x1400, s26;
	[dreg:$0x1b] =	wrdreg s31  }
0x22: {  	v0 =	vimm.f32 $0.0e+00;
	s1 =	simm.s32 $0x5100;
	[dreg:$0x7] =	wrdreg s10;
	s10 =	simm.s32 $0xB180  }
.LBB2_14:
0x23: {  	_ =	swait.ge [sflag:s22], $0x1800  }
0x24: {  	[sflag:s22] =	ssyncset.done $0x0  }
0x25: {  	[sflag:s22] =	ssyncadd.s32 $0xFFFFE800  }
0x26: {  	_ =	swait.ge [sflag:s24], $0x1800  }
0x27: {  	[sflag:s24] =	ssyncset.done $0x0  }
0x28: {  	[sflag:s24] =	ssyncadd.s32 $0xFFFFE800  }
0x29: {  	_ =	swait.ge [sflag:s25], $0x1800  }
0x2a: {  	[sflag:s25] =	ssyncset.done $0x0  }
0x2b: {  	[sflag:s25] =	ssyncadd.s32 $0xFFFFE800  }
0x2c: {  	s0 =	stileid.u32;
	[bflag:$0x0] =	sbarrier.arrive $0xFFFF  }
0x2d: {  	s28 =	simm.s32 $0xB;
	s0 =	sshll.u32 s0, $0x6;
	s26 =	rddreg [dreg:$0x6]  }
0x2e: {  	s0 =	sor.u32 $0x1C0B, s0;
	s23 =	rddreg [dreg:$0x15];
	s9 =	sshrl.u32 s26, $0x3  }
0x2f: {  	[hbm:s23], [sflag:s0] =	dma.local [spmem:s9], $0x2800  }
0x30: {  	_ =	swait.ge [sflag:s28], $0x2800  }
0x31: {  	s30 =	rddreg [dreg:$0x1c]  }
0x32: {  	s31 =	rddreg [dreg:$0x16];
	s23 =	sadd.s32 $0x1, s30  }
0x33: {  	p0 =	sne.s32 s23, s31  }
.Ltmp1:
0x34: {  	_ = 	snop;
	(pc) =	sbr.rel @!p0 .LBB2_15-.Ltmp1, $3  }
0x35: {  	_ =	sdelay $0x1  }
0x36: {  	[sflag:s28] =	ssyncset.done $0x0  }
0x37: {  	[sflag:s28] =	ssyncadd.s32 $0xFFFFD800  }
.LBB2_1:
0x38: {  	s0 =	rddreg [dreg:$0x4]  }
0x39: {  	[tilespmem:s4], [sflag:$0x1] =	stream.linear.gather [hbm4b:s0+s4], $0x2880, $0x38;
	[tilespmem:$0x1F300] =	vst v63  }
0x3a: {  	s31 =	rddreg [dreg:$0x5];
	s9 =	simm.s32 $0x2880  }
0x3b: {  	[tilespmem:s9], [sflag:$0x1] =	stream.linear.gather [hbm4b:s31+s4], $0x2880, $0x38;
	[tilespmem:$0x1F300] =	vst v63  }
0x3c: {  	[dreg:$0x1c] =	wrdreg s23;
	s23 =	simm.s32 $0x200;
	s9 =	simm.s32 $0x0  }
.LBB2_2:
0x3d: {  	p0 =	sne.s32 s23, $0x4E00;
	[tilespmem:s9+$0x5170] =	vst v0  }
0x3e: {  	[tilespmem:s9+$0x5100] =	vst v0  }
0x3f: {  	[tilespmem:s9+$0x5110] =	vst v0  }
.Ltmp2:
0x40: {  	[tilespmem:s9+$0x5120] =	vst v0;
	(pc) =	sbr.rel @p0 .LBB2_2-.Ltmp2, $4  }
0x41: {  	[tilespmem:s9+$0x5130] =	vst v0  }
0x42: {  	[tilespmem:s9+$0x5140] =	vst v0  }
0x43: {  	[tilespmem:s9+$0x5150] =	vst v0  }
0x44: {  	[tilespmem:s9+$0x5160] =	vst v0;
	s9 =	sshra.s32 s23, $0x2;
	s23 =	sadd.s32 $0x200, s23  }
0x45: {  	[tilespmem:s9+$0x5170] =	vst v0  }
0x46: {  	[tilespmem:s9+$0x5100] =	vst v0  }
0x47: {  	[tilespmem:s9+$0x5110] =	vst v0  }
0x48: {  	[tilespmem:s9+$0x5120] =	vst v0  }
0x49: {  	[tilespmem:s9+$0x5130] =	vst v0  }
0x4a: {  	[tilespmem:s9+$0x5140] =	vst v0  }
0x4b: {  	[tilespmem:s9+$0x5150] =	vst v0  }
0x4c: {  	[tilespmem:s9+$0x5160] =	vst v0  }
0x4d: {  	[spmem:s26] =	stream.linear.scatter [tilespmem:s1], [sflag:$0x2], $0x1400, $0x38;
	[tilespmem:$0x1F300] =	vst v63  }
0x4e: {  	s0 =	rddreg [dreg:$0x7]  }
0x4f: {  	[spmem:s0] =	stream.linear.scatter [tilespmem:s1], [sflag:$0x2], $0x1400, $0x38;
	[tilespmem:$0x1F300] =	vst v63  }
0x50: {  	s31 =	rddreg [dreg:$0x8]  }
0x51: {  	[spmem:s31] =	stream.linear.scatter [tilespmem:s1], [sflag:$0x2], $0x1400, $0x38;
	[tilespmem:$0x1F300] =	vst v63  }
0x52: {  	s9 =	rddreg [dreg:$0x9]  }
0x53: {  	[spmem:s9] =	stream.linear.scatter [tilespmem:s1], [sflag:$0x2], $0x1400, $0x38;
	[tilespmem:$0x1F300] =	vst v63  }
0x54: {  	s23 =	rddreg [dreg:$0xa]  }
0x55: {  	[spmem:s23] =	stream.linear.scatter [tilespmem:s1], [sflag:$0x2], $0x1400, $0x38;
	[tilespmem:$0x1F300] =	vst v63  }
0x56: {  	s26 =	rddreg [dreg:$0xb]  }
0x57: {  	[spmem:s26] =	stream.linear.scatter [tilespmem:s1], [sflag:$0x2], $0x1400, $0x38;
	[tilespmem:$0x1F300] =	vst v63  }
0x58: {  	s28 =	rddreg [dreg:$0xc]  }
0x59: {  	[spmem:s28] =	stream.linear.scatter [tilespmem:s1], [sflag:$0x2], $0x1400, $0x38;
	[tilespmem:$0x1F300] =	vst v63  }
0x5a: {  	s31 =	rddreg [dreg:$0xd]  }
0x5b: {  	[spmem:s31] =	stream.linear.scatter [tilespmem:s1], [sflag:$0x2], $0x1400, $0x38;
	[tilespmem:$0x1F300] =	vst v63  }
0x5c: {  	s9 =	rddreg [dreg:$0xe]  }
0x5d: {  	[spmem:s9] =	stream.linear.scatter [tilespmem:s1], [sflag:$0x2], $0x1400, $0x38;
	[tilespmem:$0x1F300] =	vst v63  }
0x5e: {  	s23 =	rddreg [dreg:$0xf]  }
0x5f: {  	[spmem:s23] =	stream.linear.scatter [tilespmem:s1], [sflag:$0x2], $0x1400, $0x38;
	[tilespmem:$0x1F300] =	vst v63  }
0x60: {  	s26 =	rddreg [dreg:$0x10]  }
0x61: {  	[spmem:s26] =	stream.linear.scatter [tilespmem:s1], [sflag:$0x2], $0x1400, $0x38;
	[tilespmem:$0x1F300] =	vst v63  }
0x62: {  	s28 =	rddreg [dreg:$0x11]  }
0x63: {  	[spmem:s28] =	stream.linear.scatter [tilespmem:s1], [sflag:$0x2], $0x1400, $0x38;
	[tilespmem:$0x1F300] =	vst v63  }
0x64: {  	s31 =	rddreg [dreg:$0x12]  }
0x65: {  	[spmem:s31] =	stream.linear.scatter [tilespmem:s1], [sflag:$0x2], $0x1400, $0x38;
	[tilespmem:$0x1F300] =	vst v63  }
0x66: {  	s9 =	rddreg [dreg:$0x13]  }
0x67: {  	[spmem:s9] =	stream.linear.scatter [tilespmem:s1], [sflag:$0x2], $0x1400, $0x38;
	[tilespmem:$0x1F300] =	vst v63  }
0x68: {  	s23 =	rddreg [dreg:$0x17]  }
0x69: {  	[spmem:s23] =	stream.linear.scatter [tilespmem:s1], [sflag:$0x2], $0x1400, $0x38;
	[tilespmem:$0x1F300] =	vst v63  }
0x6a: {  	s26 =	rddreg [dreg:$0x18];
	s28 =	simm.s32 $0x1  }
0x6b: {  	[spmem:s26] =	stream.linear.scatter [tilespmem:s1], [sflag:$0x2], $0x1400, $0x38;
	[tilespmem:$0x1F300] =	vst v63  }
0x6c: {  	_ =	swait.ge [sflag:s28], $0x2880  }
0x6d: {  	[sflag:s28] =	ssyncset.done $0x0  }
0x6e: {  	[sflag:s28] =	ssyncadd.s32 $0xFFFFD780  }
0x6f: {  	_ =	swait.ge [sflag:s28], $0x2880  }
0x70: {  	[sflag:s28] =	ssyncset.done $0x0  }
0x71: {  	[sflag:s28] =	ssyncadd.s32 $0xFFFFD780  }
0x72: {  	[tilespmem:s8], [sflag:$0x4] =	stream.indirect.gather [hbm4b:s5+s7], $0x80, s7, s7, $0xb8;
	[tilespmem:$0x1F300] =	vst v63  }
0x73: {  	s31 =	rddreg [dreg:$0x19]  }
0x74: {  	[tilespmem:s10], [sflag:$0x4] =	stream.linear.gather [hbm4b:s31+s29], $0x30, $0x38;
	[tilespmem:$0x1F300] =	vst v63  }
0x75: {  	s9 =	simm.s32 $0x60  }
0x76: {  	[tilespmem:s11], [sflag:$0x5] =	stream.indirect.gather [hbm4b:s5+s7], $0x80, s9, s7, $0xb8;
	[tilespmem:$0x1F300] =	vst v63  }
0x77: {  	s23 =	rddreg [dreg:$0x1a]  }
0x78: {  	[tilespmem:s12], [sflag:$0x5] =	stream.linear.gather [hbm4b:s23+s29], $0x30, $0x38;
	[tilespmem:$0x1F300] =	vst v63  }
0x79: {  	s26 =	simm.s32 $0x90  }
0x7a: {  	[tilespmem:s13], [sflag:$0x6] =	stream.indirect.gather [hbm4b:s5+s7], $0x80, s26, s7, $0xb8;
	[tilespmem:$0x1F300] =	vst v63  }
0x7b: {  	s28 =	rddreg [dreg:$0x1b]  }
0x7c: {  	[tilespmem:s14], [sflag:$0x6] =	stream.linear.gather [hbm4b:s28+s29], $0x30, $0x38;
	[tilespmem:$0x1F300] =	vst v63  }
0x7d: {  	_ =	swait.ge [sflag:s15], $0x1400  }
0x7e: {  	[sflag:s15] =	ssyncset.done $0x0  }
0x7f: {  	[sflag:s15] =	ssyncadd.s32 $0xFFFFEC00  }
0x80: {  	_ =	swait.ge [sflag:s15], $0x1400  }
0x81: {  	[sflag:s15] =	ssyncset.done $0x0  }
0x82: {  	[sflag:s15] =	ssyncadd.s32 $0xFFFFEC00  }
0x83: {  	_ =	swait.ge [sflag:s15], $0x1400  }
0x84: {  	[sflag:s15] =	ssyncset.done $0x0  }
0x85: {  	[sflag:s15] =	ssyncadd.s32 $0xFFFFEC00  }
0x86: {  	_ =	swait.ge [sflag:s15], $0x1400  }
0x87: {  	[sflag:s15] =	ssyncset.done $0x0  }
0x88: {  	[sflag:s15] =	ssyncadd.s32 $0xFFFFEC00  }
0x89: {  	_ =	swait.ge [sflag:s15], $0x1400  }
0x8a: {  	[sflag:s15] =	ssyncset.done $0x0  }
0x8b: {  	[sflag:s15] =	ssyncadd.s32 $0xFFFFEC00  }
0x8c: {  	_ =	swait.ge [sflag:s15], $0x1400  }
0x8d: {  	[sflag:s15] =	ssyncset.done $0x0  }
0x8e: {  	[sflag:s15] =	ssyncadd.s32 $0xFFFFEC00  }
0x8f: {  	_ =	swait.ge [sflag:s15], $0x1400  }
0x90: {  	[sflag:s15] =	ssyncset.done $0x0  }
0x91: {  	[sflag:s15] =	ssyncadd.s32 $0xFFFFEC00  }
0x92: {  	_ =	swait.ge [sflag:s15], $0x1400  }
0x93: {  	[sflag:s15] =	ssyncset.done $0x0  }
0x94: {  	[sflag:s15] =	ssyncadd.s32 $0xFFFFEC00  }
0x95: {  	_ =	swait.ge [sflag:s15], $0x1400  }
0x96: {  	[sflag:s15] =	ssyncset.done $0x0  }
0x97: {  	[sflag:s15] =	ssyncadd.s32 $0xFFFFEC00  }
0x98: {  	_ =	swait.ge [sflag:s15], $0x1400  }
0x99: {  	[sflag:s15] =	ssyncset.done $0x0  }
0x9a: {  	[sflag:s15] =	ssyncadd.s32 $0xFFFFEC00  }
0x9b: {  	_ =	swait.ge [sflag:s15], $0x1400  }
0x9c: {  	[sflag:s15] =	ssyncset.done $0x0  }
0x9d: {  	[sflag:s15] =	ssyncadd.s32 $0xFFFFEC00  }
0x9e: {  	_ =	swait.ge [sflag:s15], $0x1400  }
0x9f: {  	[sflag:s15] =	ssyncset.done $0x0  }
0xa0: {  	[sflag:s15] =	ssyncadd.s32 $0xFFFFEC00  }
0xa1: {  	_ =	swait.ge [sflag:s15], $0x1400  }
0xa2: {  	[sflag:s15] =	ssyncset.done $0x0  }
0xa3: {  	[sflag:s15] =	ssyncadd.s32 $0xFFFFEC00  }
0xa4: {  	_ =	swait.ge [sflag:s15], $0x1400  }
0xa5: {  	[sflag:s15] =	ssyncset.done $0x0  }
0xa6: {  	[sflag:s15] =	ssyncadd.s32 $0xFFFFEC00  }
0xa7: {  	_ =	swait.ge [sflag:s15], $0x1400  }
0xa8: {  	[sflag:s15] =	ssyncset.done $0x0  }
0xa9: {  	[sflag:s15] =	ssyncadd.s32 $0xFFFFEC00  }
0xaa: {  	_ =	swait.ge [sflag:s15], $0x1400  }
0xab: {  	[sflag:s15] =	ssyncset.done $0x0  }
0xac: {  	[sflag:s15] =	ssyncadd.s32 $0xFFFFEC00  }
0xad: {  	[tilespmem:s1], [sflag:$0x3] =	stream.indirect.gather [hbm4b:s5+s7], $0x80, s29, s7, $0xb8;
	[tilespmem:$0x1F300] =	vst v63  }
0xae: {  	s31 =	rddreg [dreg:$0x14]  }
0xaf: {  	[tilespmem:s16], [sflag:$0x3] =	stream.linear.gather [hbm4b:s31+s29], $0x30, $0x38;
	[tilespmem:$0x1F300] =	vst v63  }
0xb0: {  	s30 =	simm.s32 $0x0;
	[bflag:$0x0] =	sbarrier.arrive $0xFFFF  }
.LBB2_4:
0xb1: {  	_ =	swait.ge [sflag:s17], $0x1800  }
0xb2: {  	[sflag:s17] =	ssyncset.done $0x0  }
0xb3: {  	v1 =	vmov s29;
	s0 =	simm.s32 $0x2;
	[sflag:s17] =	ssyncadd.s32 $0xFFFFE800  }
0xb4: {  	v1 =	vand.u32 $0xFFFFFFFC, v1;
	v2 =	vmov s0;
	_ =	swait.ge [sflag:s17], $0x30  }
0xb5: {  	v1 =	vbroadcast v1, $0x0;
	v2 =	vand.u32 $0xFFFFFFFE, v2;
	[sflag:s17] =	ssyncset.done $0x0  }
0xb6: {  	s31 =	simm.s32 $0x5200;
	v2 =	vbroadcast v2, $0x0;
	[sflag:s17] =	ssyncadd.s32 $0xFFFFFFD0  }
0xb7: {  	v4 =	vld [tilespmem:s31+$0x70]  }
0xb8: {  	v5 =	vld [tilespmem:s31+$0xFFFFFF00]  }
0xb9: {  	s9 =	simm.s32 $0x1;
	v6 =	vld [tilespmem:s31+$0xFFFFFF10]  }
0xba: {  	v3 =	vmov s9;
	v7 =	vld [tilespmem:s31+$0xFFFFFF20]  }
0xbb: {  	v3 =	vand.u32 $0xFFFFFFFD, v3;
	v1 =	vld.idx.msk [tilespmem:v1+s16+$0x0], $0xffff  }
0xbc: {  	v3 =	vbroadcast v3, $0x0;
	v2 =	vld.idx.msk [tilespmem:v2+s16+$0x0], $0xffff  }
0xbd: {  	v8 =	vld [tilespmem:s31+$0xFFFFFF30]  }
0xbe: {  	v9 =	vld [tilespmem:s31+$0xFFFFFF40]  }
0xbf: {  	v10 =	vld [tilespmem:s31+$0xFFFFFF50]  }
0xc0: {  	v11 =	vld [tilespmem:s31+$0xFFFFFF60];
	v5 =	vmul.f32 v5, v1  }
0xc1: {  	v13 =	vld [tilespmem:s31+$0x40];
	v4 =	vmul.f32 v4, v2  }
0xc2: {  	v3 =	vld.idx.msk [tilespmem:v3+s16+$0x0], $0xffff;
	[tilespmem:s31+$0xFFFFFF00] =	vst v5;
	v5 =	vmul.f32 v6, v1  }
0xc3: {  	v6 =	vld [tilespmem:s31+$0xFFFFFF70];
	[tilespmem:s31+$0x70] =	vst v4;
	v4 =	vmul.f32 v7, v1  }
0xc4: {  	v7 =	vld [tilespmem:s31+$0xFFFFFF80];
	[tilespmem:s31+$0xFFFFFF10] =	vst v5;
	v5 =	vmul.f32 v8, v1  }
0xc5: {  	v8 =	vld [tilespmem:s31+$0xFFFFFF90];
	[tilespmem:s31+$0xFFFFFF20] =	vst v4;
	v4 =	vmul.f32 v9, v1  }
0xc6: {  	v9 =	vld [tilespmem:s31+$0xFFFFFFA0];
	[tilespmem:s31+$0xFFFFFF30] =	vst v5;
	v5 =	vmul.f32 v10, v1  }
0xc7: {  	v10 =	vld [tilespmem:s31+$0xFFFFFFB0];
	[tilespmem:s31+$0xFFFFFF40] =	vst v4;
	v4 =	vmul.f32 v11, v1  }
0xc8: {  	v11 =	vld [tilespmem:s31+$0xFFFFFFC0];
	v6 =	vmul.f32 v6, v1;
	[tilespmem:s31+$0xFFFFFF50] =	vst v5  }
0xc9: {  	v5 =	vmul.f32 v7, v3;
	v7 =	vld [tilespmem:s31+$0xFFFFFFD0];
	[tilespmem:s31+$0xFFFFFF60] =	vst v4  }
0xca: {  	s23 =	simm.s32 $0x3;
	v4 =	vld [tilespmem:s31+$0xFFFFFFE0];
	v8 =	vmul.f32 v8, v3;
	[tilespmem:s31+$0xFFFFFF70] =	vst v6  }
0xcb: {  	v12 =	vmov s23;
	v6 =	vld [tilespmem:s31+$0xFFFFFFF0];
	[tilespmem:s31+$0xFFFFFF80] =	vst v5;
	v5 =	vmul.f32 v9, v3  }
0xcc: {  	v9 =	vld [tilespmem:s31+$0x0];
	[tilespmem:s31+$0xFFFFFF90] =	vst v8;
	v8 =	vmul.f32 v10, v3  }
0xcd: {  	v10 =	vld [tilespmem:s31+$0x10];
	[tilespmem:s31+$0xFFFFFFA0] =	vst v5;
	v5 =	vmul.f32 v11, v3  }
0xce: {  	[tilespmem:s31+$0xFFFFFFB0] =	vst v8;
	v7 =	vmul.f32 v7, v3;
	v8 =	vld [tilespmem:s31+$0x20]  }
0xcf: {  	v11 =	vld [tilespmem:s31+$0x30];
	[tilespmem:s31+$0xFFFFFFC0] =	vst v5;
	v4 =	vmul.f32 v4, v3  }
0xd0: {  	v1 =	vld.idx.msk [tilespmem:v12+s16+$0x0], $0xffff;
	v3 =	vmul.f32 v6, v3;
	[tilespmem:s31+$0xFFFFFFD0] =	vst v7  }
0xd1: {  	v5 =	vmul.f32 v9, v2;
	[tilespmem:s31+$0xFFFFFFE0] =	vst v4;
	v4 =	vld [tilespmem:s31+$0x50]  }
0xd2: {  	s26 =	simm.s32 $0x4;
	[tilespmem:s31+$0xFFFFFFF0] =	vst v3;
	v6 =	vmul.f32 v10, v2;
	v3 =	vld [tilespmem:s31+$0x60]  }
0xd3: {  	s28 =	simm.s32 $0x7;
	v7 =	vmov s26;
	[tilespmem:s31+$0x0] =	vst v5;
	v9 =	vmul.f32 v8, v2;
	v8 =	vld [tilespmem:s31+$0x80]  }
0xd4: {  	s9 =	simm.s32 $0x5;
	v12 =	vand.u32 $0xFFFFFFFC, v7;
	v7 =	vld [tilespmem:s31+$0x90];
	v5 =	vmov s28;
	v10 =	vmul.f32 v11, v2;
	[tilespmem:s31+$0x10] =	vst v6  }
0xd5: {  	s23 =	simm.s32 $0x5200;
	s26 =	simm.s32 $0x8;
	v11 =	vmul.f32 v13, v2;
	v6 =	vbroadcast v12, $0x0;
	v12 =	vmov s9;
	s9 =	simm.s32 $0x6;
	[tilespmem:s31+$0x20] =	vst v9;
	v9 =	vld [tilespmem:s31+$0xA0]  }
.LBB2_5:
0xd6: {  	p0 =	slt.u32 s26, $0x2C;
	v12 =	vand.u32 $0xFFFFFFFD, v12;
	v13 =	vmov s9;
	[tilespmem:s31+$0x30] =	vst v10;
	v4 =	vmul.f32 v4, v2;
	v10 =	vld [tilespmem:s31+$0xB0]  }
0xd7: {  	v12 =	vbroadcast v12, $0x0;
	v13 =	vand.u32 $0xFFFFFFFE, v13;
	[tilespmem:s31+$0x40] =	vst v11;
	v2 =	vmul.f32 v3, v2;
	v3 =	vld [tilespmem:s31+$0xC0]  }
0xd8: {  	v11 =	vbroadcast v13, $0x0;
	[tilespmem:s31+$0x50] =	vst v4;
	v4 =	vmul.f32 v8, v1;
	v8 =	vld [tilespmem:s31+$0xD0]  }
0xd9: {  	[tilespmem:s31+$0x60] =	vst v2;
	v2 =	vmul.f32 v7, v1;
	v7 =	vld [tilespmem:s31+$0xE0]  }
0xda: {  	[tilespmem:s31+$0x80] =	vst v4;
	v4 =	vmul.f32 v9, v1;
	v9 =	vld [tilespmem:s31+$0xF0]  }
0xdb: {  	v5 =	vld.idx.msk [tilespmem:v5+s16+$0x0], $0xffff;
	[tilespmem:s31+$0x90] =	vst v2;
	v2 =	vmul.f32 v10, v1  }
0xdc: {  	v6 =	vld.idx.msk [tilespmem:v6+s16+$0x0], $0xffff;
	[tilespmem:s31+$0xA0] =	vst v4;
	v3 =	vmul.f32 v3, v1  }
0xdd: {  	v4 =	vld.idx.msk [tilespmem:v12+s16+$0x0], $0xffff;
	[tilespmem:s31+$0xB0] =	vst v2;
	v8 =	vmul.f32 v8, v1  }
0xde: {  	s31 =	sadd.s32 $0x200, s31;
	v2 =	vld.idx.msk [tilespmem:v11+s16+$0x0], $0xffff;
	[tilespmem:s23+$0xC0] =	vst v3;
	v3 =	vmul.f32 v7, v1  }
0xdf: {  	v7 =	vld [tilespmem:s31+$0x70];
	[tilespmem:s23+$0xD0] =	vst v8;
	v9 =	vmul.f32 v9, v1  }
0xe0: {  	v8 =	vld [tilespmem:s31+$0xFFFFFF00];
	[tilespmem:s23+$0xE0] =	vst v3  }
0xe1: {  	v1 =	vmov v5;
	v3 =	vld [tilespmem:s31+$0xFFFFFF10];
	[tilespmem:s23+$0xF0] =	vst v9;
	s23 =	smov.u32 s31  }
0xe2: {  	v5 =	vld [tilespmem:s31+$0xFFFFFF20]  }
0xe3: {  	v9 =	vld [tilespmem:s31+$0xFFFFFF30]  }
0xe4: {  	v10 =	vld [tilespmem:s31+$0xFFFFFF40];
	v7 =	vmul.f32 v7, v2  }
0xe5: {  	v8 =	vmul.f32 v8, v6;
	v11 =	vld [tilespmem:s31+$0xFFFFFF50]  }
0xe6: {  	v3 =	vmul.f32 v3, v6;
	v12 =	vld [tilespmem:s31+$0xFFFFFF60];
	[tilespmem:s31+$0x70] =	vst v7  }
0xe7: {  	[tilespmem:s31+$0xFFFFFF00] =	vst v8;
	v5 =	vmul.f32 v5, v6;
	v7 =	vld [tilespmem:s31+$0xFFFFFF70]  }
0xe8: {  	[tilespmem:s31+$0xFFFFFF10] =	vst v3;
	v3 =	vmul.f32 v9, v6;
	v8 =	vld [tilespmem:s31+$0xFFFFFF80]  }
0xe9: {  	[tilespmem:s31+$0xFFFFFF20] =	vst v5;
	v5 =	vmul.f32 v10, v6;
	v9 =	vld [tilespmem:s31+$0xFFFFFF90]  }
0xea: {  	[tilespmem:s31+$0xFFFFFF30] =	vst v3;
	v3 =	vmul.f32 v11, v6;
	v10 =	vld [tilespmem:s31+$0xFFFFFFA0]  }
0xeb: {  	[tilespmem:s31+$0xFFFFFF40] =	vst v5;
	v5 =	vmul.f32 v12, v6;
	v11 =	vld [tilespmem:s31+$0xFFFFFFB0]  }
0xec: {  	[tilespmem:s31+$0xFFFFFF50] =	vst v3;
	v3 =	vmul.f32 v7, v6;
	v6 =	vld [tilespmem:s31+$0xFFFFFFC0]  }
0xed: {  	[tilespmem:s31+$0xFFFFFF60] =	vst v5;
	v5 =	vmul.f32 v8, v4;
	v7 =	vld [tilespmem:s31+$0xFFFFFFD0]  }
0xee: {  	[tilespmem:s31+$0xFFFFFF70] =	vst v3;
	v3 =	vmul.f32 v9, v4;
	v8 =	vld [tilespmem:s31+$0xFFFFFFE0]  }
0xef: {  	[tilespmem:s31+$0xFFFFFF80] =	vst v5;
	v5 =	vmul.f32 v10, v4;
	v9 =	vld [tilespmem:s31+$0xFFFFFFF0]  }
0xf0: {  	[tilespmem:s31+$0xFFFFFF90] =	vst v3;
	v3 =	vmul.f32 v11, v4;
	v10 =	vld [tilespmem:s31+$0x0]  }
0xf1: {  	[tilespmem:s31+$0xFFFFFFA0] =	vst v5;
	v5 =	vmul.f32 v6, v4;
	v6 =	vld [tilespmem:s31+$0x10]  }
0xf2: {  	[tilespmem:s31+$0xFFFFFFB0] =	vst v3;
	v3 =	vmul.f32 v7, v4;
	v7 =	vld [tilespmem:s31+$0x20]  }
0xf3: {  	[tilespmem:s31+$0xFFFFFFC0] =	vst v5;
	v5 =	vmul.f32 v8, v4;
	v11 =	vld [tilespmem:s31+$0x30]  }
0xf4: {  	[tilespmem:s31+$0xFFFFFFD0] =	vst v3;
	v3 =	vmul.f32 v9, v4;
	v9 =	vld [tilespmem:s31+$0x40]  }
.Ltmp3:
0xf5: {  	[tilespmem:s31+$0xFFFFFFE0] =	vst v5;
	v5 =	vmul.f32 v10, v2;
	v4 =	vld [tilespmem:s31+$0x50];
	(pc) =	sbr.rel @p0 .LBB2_5-.Ltmp3, $4  }
0xf6: {  	[tilespmem:s31+$0xFFFFFFF0] =	vst v3;
	v6 =	vmul.f32 v6, v2;
	v3 =	vld [tilespmem:s31+$0x60]  }
0xf7: {  	s0 =	sadd.s32 $0x3, s26;
	v10 =	vmov s26;
	[tilespmem:s31+$0x0] =	vst v5;
	v13 =	vmul.f32 v7, v2;
	v8 =	vld [tilespmem:s31+$0x80]  }
0xf8: {  	s9 =	sadd.s32 $0x1, s26;
	v12 =	vand.u32 $0xFFFFFFFC, v10;
	v5 =	vmov s0;
	[tilespmem:s31+$0x10] =	vst v6;
	v10 =	vmul.f32 v11, v2;
	v7 =	vld [tilespmem:s31+$0x90]  }
0xf9: {  	v6 =	vbroadcast v12, $0x0;
	v12 =	vmov s9;
	s9 =	sadd.s32 $0x2, s26;
	s26 =	sadd.s32 $0x4, s26;
	[tilespmem:s31+$0x20] =	vst v13;
	v11 =	vmul.f32 v9, v2;
	v9 =	vld [tilespmem:s31+$0xA0]  }
0xfa: {  	v13 =	vld [tilespmem:s31+$0xB0]  }
0xfb: {  	v15 =	vld [tilespmem:s31+$0xC0]  }
0xfc: {  	v14 =	vmov s9;
	v16 =	vld [tilespmem:s31+$0xD0]  }
0xfd: {  	v17 =	vld [tilespmem:s31+$0xE0];
	[tilespmem:s31+$0x30] =	vst v10;
	v4 =	vmul.f32 v4, v2;
	v14 =	vand.u32 $0xFFFFFFFE, v14  }
0xfe: {  	v12 =	vand.u32 $0xFFFFFFFD, v12;
	v5 =	vld.idx.msk [tilespmem:v5+s16+$0x0], $0xffff;
	[tilespmem:s31+$0x40] =	vst v11;
	v2 =	vmul.f32 v3, v2;
	v14 =	vbroadcast v14, $0x0  }
0xff: {  	s28 =	sadd.s32 $0x200, s31;
	v12 =	vbroadcast v12, $0x0;
	v3 =	vld.idx.msk [tilespmem:v6+s16+$0x0], $0xffff;
	v8 =	vmul.f32 v8, v1;
	[tilespmem:s31+$0x50] =	vst v4  }
0x100: {  	v10 =	vld [tilespmem:s28+$0xFFFFFF00];
	v4 =	vmul.f32 v7, v1;
	[tilespmem:s31+$0x60] =	vst v2  }
0x101: {  	[tilespmem:s31+$0x80] =	vst v8;
	v8 =	vld [tilespmem:s31+$0xF0];
	v2 =	vmul.f32 v9, v1  }
0x102: {  	v11 =	vld [tilespmem:s28+$0xFFFFFF10];
	[tilespmem:s31+$0x90] =	vst v4;
	v4 =	vmul.f32 v13, v1  }
0x103: {  	v9 =	vld [tilespmem:s28+$0x70];
	[tilespmem:s31+$0xA0] =	vst v2;
	v2 =	vmul.f32 v15, v1  }
0x104: {  	[tilespmem:s31+$0xB0] =	vst v4;
	v4 =	vmul.f32 v16, v1;
	v7 =	vld.idx.msk [tilespmem:v14+s16+$0x0], $0xffff  }
0x105: {  	v6 =	vld.idx.msk [tilespmem:v12+s16+$0x0], $0xffff;
	[tilespmem:s23+$0xC0] =	vst v2;
	v2 =	vmul.f32 v17, v1  }
0x106: {  	v12 =	vld [tilespmem:s28+$0xFFFFFF20];
	[tilespmem:s23+$0xD0] =	vst v4;
	v1 =	vmul.f32 v8, v1  }
0x107: {  	v4 =	vld [tilespmem:s28+$0xFFFFFF30];
	[tilespmem:s23+$0xE0] =	vst v2  }
0x108: {  	v2 =	vld [tilespmem:s28+$0xFFFFFF40];
	[tilespmem:s23+$0xF0] =	vst v1;
	v1 =	vmul.f32 v10, v3  }
0x109: {  	v8 =	vmul.f32 v9, v7;
	v9 =	vld [tilespmem:s28+$0xFFFFFF50]  }
0x10a: {  	v10 =	vmul.f32 v11, v3;
	v11 =	vld [tilespmem:s28+$0xFFFFFF60];
	[tilespmem:s28+$0xFFFFFF00] =	vst v1  }
0x10b: {  	v1 =	vmul.f32 v12, v3;
	[tilespmem:s28+$0x70] =	vst v8;
	v8 =	vld [tilespmem:s28+$0xFFFFFF70]  }
0x10c: {  	[tilespmem:s28+$0xFFFFFF10] =	vst v10;
	v10 =	vld [tilespmem:s28+$0xFFFFFF80];
	v4 =	vmul.f32 v4, v3  }
0x10d: {  	[tilespmem:s28+$0xFFFFFF20] =	vst v1;
	v1 =	vmul.f32 v2, v3;
	v2 =	vld [tilespmem:s28+$0xFFFFFF90]  }
0x10e: {  	[tilespmem:s28+$0xFFFFFF30] =	vst v4;
	v4 =	vmul.f32 v9, v3;
	v9 =	vld [tilespmem:s28+$0xFFFFFFA0]  }
0x10f: {  	[tilespmem:s28+$0xFFFFFF40] =	vst v1;
	v1 =	vmul.f32 v11, v3;
	v11 =	vld [tilespmem:s28+$0xFFFFFFB0]  }
0x110: {  	[tilespmem:s28+$0xFFFFFF50] =	vst v4;
	v3 =	vmul.f32 v8, v3;
	v4 =	vld [tilespmem:s28+$0xFFFFFFC0]  }
0x111: {  	[tilespmem:s28+$0xFFFFFF60] =	vst v1;
	v1 =	vmul.f32 v10, v6;
	v8 =	vld [tilespmem:s28+$0xFFFFFFD0]  }
0x112: {  	v2 =	vmul.f32 v2, v6;
	[tilespmem:s28+$0xFFFFFF70] =	vst v3;
	v3 =	vld [tilespmem:s28+$0xFFFFFFE0]  }
0x113: {  	[tilespmem:s28+$0xFFFFFF80] =	vst v1;
	v1 =	vmul.f32 v9, v6;
	v9 =	vld [tilespmem:s28+$0xFFFFFFF0]  }
0x114: {  	v10 =	vld [tilespmem:s28+$0x0];
	[tilespmem:s28+$0xFFFFFF90] =	vst v2;
	v2 =	vmul.f32 v11, v6  }
0x115: {  	[tilespmem:s28+$0xFFFFFFA0] =	vst v1;
	v1 =	vmul.f32 v4, v6;
	v4 =	vld [tilespmem:s28+$0x10]  }
0x116: {  	[tilespmem:s28+$0xFFFFFFB0] =	vst v2;
	v2 =	vmul.f32 v8, v6;
	v8 =	vld [tilespmem:s28+$0x20]  }
0x117: {  	[tilespmem:s28+$0xFFFFFFC0] =	vst v1;
	v1 =	vmul.f32 v3, v6;
	v3 =	vld [tilespmem:s28+$0x30]  }
0x118: {  	[tilespmem:s28+$0xFFFFFFD0] =	vst v2;
	v2 =	vmul.f32 v9, v6;
	v6 =	vld [tilespmem:s28+$0x40]  }
0x119: {  	v9 =	vld [tilespmem:s28+$0x50];
	[tilespmem:s28+$0xFFFFFFE0] =	vst v1;
	v1 =	vmul.f32 v10, v7  }
0x11a: {  	[tilespmem:s28+$0xFFFFFFF0] =	vst v2;
	v2 =	vmul.f32 v4, v7;
	v4 =	vld [tilespmem:s28+$0x60]  }
0x11b: {  	[tilespmem:s28+$0x0] =	vst v1;
	v1 =	vmul.f32 v8, v7;
	v8 =	vld [tilespmem:s28+$0x80]  }
0x11c: {  	[tilespmem:s28+$0x10] =	vst v2;
	v2 =	vmul.f32 v3, v7;
	v3 =	vld [tilespmem:s28+$0x90]  }
0x11d: {  	[tilespmem:s28+$0x20] =	vst v1;
	v1 =	vmul.f32 v6, v7;
	v6 =	vld [tilespmem:s28+$0xA0]  }
0x11e: {  	[tilespmem:s28+$0x30] =	vst v2;
	v2 =	vmul.f32 v9, v7;
	v9 =	vld [tilespmem:s28+$0xB0]  }
0x11f: {  	[tilespmem:s28+$0x40] =	vst v1;
	v1 =	vmul.f32 v4, v7;
	v4 =	vld [tilespmem:s28+$0xC0]  }
0x120: {  	v7 =	vld [tilespmem:s28+$0xD0];
	[tilespmem:s28+$0x50] =	vst v2;
	v2 =	vmul.f32 v8, v5  }
0x121: {  	[tilespmem:s28+$0x60] =	vst v1;
	v1 =	vmul.f32 v3, v5;
	v3 =	vld [tilespmem:s28+$0xE0]  }
0x122: {  	[tilespmem:s28+$0x80] =	vst v2;
	v2 =	vmul.f32 v6, v5;
	v6 =	vld [tilespmem:s28+$0xF0]  }
0x123: {  	[tilespmem:s28+$0x90] =	vst v1;
	v1 =	vmul.f32 v9, v5  }
0x124: {  	[tilespmem:s28+$0xA0] =	vst v2;
	v2 =	vmul.f32 v4, v5  }
0x125: {  	[tilespmem:s28+$0xB0] =	vst v1;
	v1 =	vmul.f32 v7, v5  }
0x126: {  	s0 =	smul.u32 $0x300, s30;
	[tilespmem:s28+$0xC0] =	vst v2;
	v2 =	vmul.f32 v3, v5  }
0x127: {  	[tilespmem:s28+$0xD0] =	vst v1;
	v1 =	vmul.f32 v6, v5  }
0x128: {  	s26 =	simm.s32 $0x0;
	s31 =	sshra.s32 s0, $0x2;
	[tilespmem:s28+$0xE0] =	vst v2  }
0x129: {  	s23 =	simm.s32 $0x2;
	[tilespmem:s28+$0xF0] =	vst v1;
	s28 =	sadd.s32 $0x2880, s31;
	v1 =	vmov s26  }
0x12a: {  	v2 =	vmov s23;
	[spmem:s2] =	stream.indirect.scatter.add.f32 [tilespmem:s1], [sflag:$0x7], $0x80, s28, s7, $0xb8;
	v1 =	vand.u32 $0xFFFFFFFC, v1;
	[tilespmem:$0x1F300] =	vst v63  }
0x12b: {  	v2 =	vand.u32 $0xFFFFFFFE, v2;
	_ =	swait.ge [sflag:s18], $0x1800;
	v1 =	vbroadcast v1, $0x0  }
0x12c: {  	v2 =	vbroadcast v2, $0x0;
	[sflag:s18] =	ssyncset.done $0x0  }
0x12d: {  	[sflag:s18] =	ssyncadd.s32 $0xFFFFE800  }
0x12e: {  	_ =	swait.ge [sflag:s18], $0x30  }
0x12f: {  	[sflag:s18] =	ssyncset.done $0x0  }
0x130: {  	[sflag:s18] =	ssyncadd.s32 $0xFFFFFFD0  }
0x131: {  	v1 =	vld.idx.msk [tilespmem:v1+s10+$0x0], $0xffff  }
0x132: {  	s23 =	simm.s32 $0x6A00;
	v2 =	vld.idx.msk [tilespmem:v2+s10+$0x0], $0xffff  }
0x133: {  	s26 =	simm.s32 $0x1;
	v4 =	vld [tilespmem:s23+$0x70]  }
0x134: {  	v3 =	vmov s26;
	v5 =	vld [tilespmem:s23+$0xFFFFFF00]  }
0x135: {  	v3 =	vand.u32 $0xFFFFFFFD, v3;
	v6 =	vld [tilespmem:s23+$0xFFFFFF10]  }
0x136: {  	v3 =	vbroadcast v3, $0x0;
	v7 =	vld [tilespmem:s23+$0xFFFFFF20]  }
0x137: {  	v8 =	vld [tilespmem:s23+$0xFFFFFF30]  }
0x138: {  	v9 =	vld [tilespmem:s23+$0xFFFFFF40]  }
0x139: {  	v10 =	vld [tilespmem:s23+$0xFFFFFF50]  }
0x13a: {  	v11 =	vld [tilespmem:s23+$0xFFFFFF60];
	v5 =	vmul.f32 v5, v1  }
0x13b: {  	v13 =	vld [tilespmem:s23+$0x40];
	v4 =	vmul.f32 v4, v2  }
0x13c: {  	v3 =	vld.idx.msk [tilespmem:v3+s10+$0x0], $0xffff;
	[tilespmem:s23+$0xFFFFFF00] =	vst v5;
	v5 =	vmul.f32 v6, v1  }
0x13d: {  	v6 =	vld [tilespmem:s23+$0xFFFFFF70];
	[tilespmem:s23+$0x70] =	vst v4;
	v4 =	vmul.f32 v7, v1  }
0x13e: {  	v7 =	vld [tilespmem:s23+$0xFFFFFF80];
	[tilespmem:s23+$0xFFFFFF10] =	vst v5;
	v5 =	vmul.f32 v8, v1  }
0x13f: {  	v8 =	vld [tilespmem:s23+$0xFFFFFF90];
	[tilespmem:s23+$0xFFFFFF20] =	vst v4;
	v4 =	vmul.f32 v9, v1  }
0x140: {  	v9 =	vld [tilespmem:s23+$0xFFFFFFA0];
	[tilespmem:s23+$0xFFFFFF30] =	vst v5;
	v5 =	vmul.f32 v10, v1  }
0x141: {  	v10 =	vld [tilespmem:s23+$0xFFFFFFB0];
	[tilespmem:s23+$0xFFFFFF40] =	vst v4;
	v4 =	vmul.f32 v11, v1  }
0x142: {  	v11 =	vld [tilespmem:s23+$0xFFFFFFC0];
	v6 =	vmul.f32 v6, v1;
	[tilespmem:s23+$0xFFFFFF50] =	vst v5  }
0x143: {  	v5 =	vmul.f32 v7, v3;
	v7 =	vld [tilespmem:s23+$0xFFFFFFD0];
	[tilespmem:s23+$0xFFFFFF60] =	vst v4  }
0x144: {  	s28 =	simm.s32 $0x3;
	v4 =	vld [tilespmem:s23+$0xFFFFFFE0];
	v8 =	vmul.f32 v8, v3;
	[tilespmem:s23+$0xFFFFFF70] =	vst v6  }
0x145: {  	v12 =	vmov s28;
	v6 =	vld [tilespmem:s23+$0xFFFFFFF0];
	[tilespmem:s23+$0xFFFFFF80] =	vst v5;
	v5 =	vmul.f32 v9, v3  }
0x146: {  	v9 =	vld [tilespmem:s23+$0x0];
	[tilespmem:s23+$0xFFFFFF90] =	vst v8;
	v8 =	vmul.f32 v10, v3  }
0x147: {  	v10 =	vld [tilespmem:s23+$0x10];
	[tilespmem:s23+$0xFFFFFFA0] =	vst v5;
	v5 =	vmul.f32 v11, v3  }
0x148: {  	[tilespmem:s23+$0xFFFFFFB0] =	vst v8;
	v7 =	vmul.f32 v7, v3;
	v8 =	vld [tilespmem:s23+$0x20]  }
0x149: {  	v11 =	vld [tilespmem:s23+$0x30];
	v4 =	vmul.f32 v4, v3;
	[tilespmem:s23+$0xFFFFFFC0] =	vst v5  }
0x14a: {  	v1 =	vld.idx.msk [tilespmem:v12+s10+$0x0], $0xffff;
	v3 =	vmul.f32 v6, v3;
	[tilespmem:s23+$0xFFFFFFD0] =	vst v7  }
0x14b: {  	[tilespmem:s23+$0xFFFFFFE0] =	vst v4;
	v5 =	vmul.f32 v9, v2;
	v4 =	vld [tilespmem:s23+$0x50]  }
0x14c: {  	s9 =	simm.s32 $0x4;
	[tilespmem:s23+$0xFFFFFFF0] =	vst v3;
	v6 =	vmul.f32 v10, v2;
	v3 =	vld [tilespmem:s23+$0x60]  }
0x14d: {  	s26 =	simm.s32 $0x7;
	v7 =	vmov s9;
	[tilespmem:s23+$0x0] =	vst v5;
	v9 =	vmul.f32 v8, v2;
	v8 =	vld [tilespmem:s23+$0x80]  }
0x14e: {  	s28 =	simm.s32 $0x5;
	v12 =	vand.u32 $0xFFFFFFFC, v7;
	v7 =	vld [tilespmem:s23+$0x90];
	v5 =	vmov s26;
	v10 =	vmul.f32 v11, v2;
	[tilespmem:s23+$0x10] =	vst v6  }
0x14f: {  	s0 =	simm.s32 $0x6;
	s9 =	simm.s32 $0x8;
	v11 =	vmul.f32 v13, v2;
	s26 =	simm.s32 $0x6A00;
	v6 =	vbroadcast v12, $0x0;
	v12 =	vmov s28;
	[tilespmem:s23+$0x20] =	vst v9;
	v9 =	vld [tilespmem:s23+$0xA0]  }
.LBB2_7:
0x150: {  	p0 =	slt.u32 s9, $0x2C;
	v12 =	vand.u32 $0xFFFFFFFD, v12;
	v13 =	vmov s0;
	[tilespmem:s23+$0x30] =	vst v10;
	v4 =	vmul.f32 v4, v2;
	v10 =	vld [tilespmem:s23+$0xB0]  }
0x151: {  	v12 =	vbroadcast v12, $0x0;
	v13 =	vand.u32 $0xFFFFFFFE, v13;
	[tilespmem:s23+$0x40] =	vst v11;
	v2 =	vmul.f32 v3, v2;
	v3 =	vld [tilespmem:s23+$0xC0]  }
0x152: {  	v11 =	vbroadcast v13, $0x0;
	[tilespmem:s23+$0x50] =	vst v4;
	v4 =	vmul.f32 v8, v1;
	v8 =	vld [tilespmem:s23+$0xD0]  }
0x153: {  	[tilespmem:s23+$0x60] =	vst v2;
	v2 =	vmul.f32 v7, v1;
	v7 =	vld [tilespmem:s23+$0xE0]  }
0x154: {  	[tilespmem:s23+$0x80] =	vst v4;
	v4 =	vmul.f32 v9, v1;
	v9 =	vld [tilespmem:s23+$0xF0]  }
0x155: {  	v5 =	vld.idx.msk [tilespmem:v5+s10+$0x0], $0xffff;
	[tilespmem:s23+$0x90] =	vst v2;
	v2 =	vmul.f32 v10, v1  }
0x156: {  	v6 =	vld.idx.msk [tilespmem:v6+s10+$0x0], $0xffff;
	[tilespmem:s23+$0xA0] =	vst v4;
	v3 =	vmul.f32 v3, v1  }
0x157: {  	v4 =	vld.idx.msk [tilespmem:v12+s10+$0x0], $0xffff;
	[tilespmem:s23+$0xB0] =	vst v2;
	v8 =	vmul.f32 v8, v1  }
0x158: {  	s23 =	sadd.s32 $0x200, s23;
	v2 =	vld.idx.msk [tilespmem:v11+s10+$0x0], $0xffff;
	[tilespmem:s26+$0xC0] =	vst v3;
	v3 =	vmul.f32 v7, v1  }
0x159: {  	v7 =	vld [tilespmem:s23+$0x70];
	[tilespmem:s26+$0xD0] =	vst v8;
	v9 =	vmul.f32 v9, v1  }
0x15a: {  	v8 =	vld [tilespmem:s23+$0xFFFFFF00];
	[tilespmem:s26+$0xE0] =	vst v3  }
0x15b: {  	v1 =	vmov v5;
	v3 =	vld [tilespmem:s23+$0xFFFFFF10];
	[tilespmem:s26+$0xF0] =	vst v9;
	s26 =	smov.u32 s23  }
0x15c: {  	v5 =	vld [tilespmem:s23+$0xFFFFFF20]  }
0x15d: {  	v9 =	vld [tilespmem:s23+$0xFFFFFF30]  }
0x15e: {  	v10 =	vld [tilespmem:s23+$0xFFFFFF40];
	v7 =	vmul.f32 v7, v2  }
0x15f: {  	v8 =	vmul.f32 v8, v6;
	v11 =	vld [tilespmem:s23+$0xFFFFFF50]  }
0x160: {  	v3 =	vmul.f32 v3, v6;
	v12 =	vld [tilespmem:s23+$0xFFFFFF60];
	[tilespmem:s23+$0x70] =	vst v7  }
0x161: {  	[tilespmem:s23+$0xFFFFFF00] =	vst v8;
	v5 =	vmul.f32 v5, v6;
	v7 =	vld [tilespmem:s23+$0xFFFFFF70]  }
0x162: {  	[tilespmem:s23+$0xFFFFFF10] =	vst v3;
	v3 =	vmul.f32 v9, v6;
	v8 =	vld [tilespmem:s23+$0xFFFFFF80]  }
0x163: {  	[tilespmem:s23+$0xFFFFFF20] =	vst v5;
	v5 =	vmul.f32 v10, v6;
	v9 =	vld [tilespmem:s23+$0xFFFFFF90]  }
0x164: {  	[tilespmem:s23+$0xFFFFFF30] =	vst v3;
	v3 =	vmul.f32 v11, v6;
	v10 =	vld [tilespmem:s23+$0xFFFFFFA0]  }
0x165: {  	[tilespmem:s23+$0xFFFFFF40] =	vst v5;
	v5 =	vmul.f32 v12, v6;
	v11 =	vld [tilespmem:s23+$0xFFFFFFB0]  }
0x166: {  	[tilespmem:s23+$0xFFFFFF50] =	vst v3;
	v3 =	vmul.f32 v7, v6;
	v6 =	vld [tilespmem:s23+$0xFFFFFFC0]  }
0x167: {  	[tilespmem:s23+$0xFFFFFF60] =	vst v5;
	v5 =	vmul.f32 v8, v4;
	v7 =	vld [tilespmem:s23+$0xFFFFFFD0]  }
0x168: {  	[tilespmem:s23+$0xFFFFFF70] =	vst v3;
	v3 =	vmul.f32 v9, v4;
	v8 =	vld [tilespmem:s23+$0xFFFFFFE0]  }
0x169: {  	[tilespmem:s23+$0xFFFFFF80] =	vst v5;
	v5 =	vmul.f32 v10, v4;
	v9 =	vld [tilespmem:s23+$0xFFFFFFF0]  }
0x16a: {  	[tilespmem:s23+$0xFFFFFF90] =	vst v3;
	v3 =	vmul.f32 v11, v4;
	v10 =	vld [tilespmem:s23+$0x0]  }
0x16b: {  	[tilespmem:s23+$0xFFFFFFA0] =	vst v5;
	v5 =	vmul.f32 v6, v4;
	v6 =	vld [tilespmem:s23+$0x10]  }
0x16c: {  	[tilespmem:s23+$0xFFFFFFB0] =	vst v3;
	v3 =	vmul.f32 v7, v4;
	v7 =	vld [tilespmem:s23+$0x20]  }
0x16d: {  	[tilespmem:s23+$0xFFFFFFC0] =	vst v5;
	v5 =	vmul.f32 v8, v4;
	v11 =	vld [tilespmem:s23+$0x30]  }
0x16e: {  	[tilespmem:s23+$0xFFFFFFD0] =	vst v3;
	v3 =	vmul.f32 v9, v4;
	v9 =	vld [tilespmem:s23+$0x40]  }
.Ltmp4:
0x16f: {  	[tilespmem:s23+$0xFFFFFFE0] =	vst v5;
	v5 =	vmul.f32 v10, v2;
	v4 =	vld [tilespmem:s23+$0x50];
	(pc) =	sbr.rel @p0 .LBB2_7-.Ltmp4, $4  }
0x170: {  	[tilespmem:s23+$0xFFFFFFF0] =	vst v3;
	v6 =	vmul.f32 v6, v2;
	v3 =	vld [tilespmem:s23+$0x60]  }
0x171: {  	s0 =	sadd.s32 $0x3, s9;
	v10 =	vmov s9;
	[tilespmem:s23+$0x0] =	vst v5;
	v13 =	vmul.f32 v7, v2;
	v8 =	vld [tilespmem:s23+$0x80]  }
0x172: {  	s28 =	sadd.s32 $0x1, s9;
	v12 =	vand.u32 $0xFFFFFFFC, v10;
	v5 =	vmov s0;
	[tilespmem:s23+$0x10] =	vst v6;
	v10 =	vmul.f32 v11, v2;
	v7 =	vld [tilespmem:s23+$0x90]  }
0x173: {  	s0 =	sadd.s32 $0x2, s9;
	s9 =	sadd.s32 $0x4, s9;
	v6 =	vbroadcast v12, $0x0;
	v12 =	vmov s28;
	[tilespmem:s23+$0x20] =	vst v13;
	v11 =	vmul.f32 v9, v2;
	v9 =	vld [tilespmem:s23+$0xA0]  }
0x174: {  	v13 =	vld [tilespmem:s23+$0xB0]  }
0x175: {  	v15 =	vld [tilespmem:s23+$0xC0]  }
0x176: {  	v14 =	vmov s0;
	v16 =	vld [tilespmem:s23+$0xD0]  }
0x177: {  	v17 =	vld [tilespmem:s23+$0xE0];
	[tilespmem:s23+$0x30] =	vst v10;
	v4 =	vmul.f32 v4, v2;
	v14 =	vand.u32 $0xFFFFFFFE, v14  }
0x178: {  	v12 =	vand.u32 $0xFFFFFFFD, v12;
	v5 =	vld.idx.msk [tilespmem:v5+s10+$0x0], $0xffff;
	[tilespmem:s23+$0x40] =	vst v11;
	v2 =	vmul.f32 v3, v2;
	v14 =	vbroadcast v14, $0x0  }
0x179: {  	s9 =	sadd.s32 $0x200, s23;
	v12 =	vbroadcast v12, $0x0;
	v3 =	vld.idx.msk [tilespmem:v6+s10+$0x0], $0xffff;
	v8 =	vmul.f32 v8, v1;
	[tilespmem:s23+$0x50] =	vst v4  }
0x17a: {  	v10 =	vld [tilespmem:s9+$0xFFFFFF00];
	v4 =	vmul.f32 v7, v1;
	[tilespmem:s23+$0x60] =	vst v2  }
0x17b: {  	[tilespmem:s23+$0x80] =	vst v8;
	v8 =	vld [tilespmem:s23+$0xF0];
	v2 =	vmul.f32 v9, v1  }
0x17c: {  	v11 =	vld [tilespmem:s9+$0xFFFFFF10];
	[tilespmem:s23+$0x90] =	vst v4;
	v4 =	vmul.f32 v13, v1  }
0x17d: {  	v9 =	vld [tilespmem:s9+$0x70];
	[tilespmem:s23+$0xA0] =	vst v2;
	v2 =	vmul.f32 v15, v1  }
0x17e: {  	[tilespmem:s23+$0xB0] =	vst v4;
	v4 =	vmul.f32 v16, v1;
	v7 =	vld.idx.msk [tilespmem:v14+s10+$0x0], $0xffff  }
0x17f: {  	v6 =	vld.idx.msk [tilespmem:v12+s10+$0x0], $0xffff;
	[tilespmem:s26+$0xC0] =	vst v2;
	v2 =	vmul.f32 v17, v1  }
0x180: {  	v12 =	vld [tilespmem:s9+$0xFFFFFF20];
	[tilespmem:s26+$0xD0] =	vst v4;
	v1 =	vmul.f32 v8, v1  }
0x181: {  	v4 =	vld [tilespmem:s9+$0xFFFFFF30];
	[tilespmem:s26+$0xE0] =	vst v2  }
0x182: {  	v2 =	vld [tilespmem:s9+$0xFFFFFF40];
	[tilespmem:s26+$0xF0] =	vst v1;
	v1 =	vmul.f32 v10, v3  }
0x183: {  	v8 =	vmul.f32 v9, v7;
	v9 =	vld [tilespmem:s9+$0xFFFFFF50]  }
0x184: {  	v10 =	vmul.f32 v11, v3;
	v11 =	vld [tilespmem:s9+$0xFFFFFF60];
	[tilespmem:s9+$0xFFFFFF00] =	vst v1  }
0x185: {  	v1 =	vmul.f32 v12, v3;
	[tilespmem:s9+$0x70] =	vst v8;
	v8 =	vld [tilespmem:s9+$0xFFFFFF70]  }
0x186: {  	[tilespmem:s9+$0xFFFFFF10] =	vst v10;
	v10 =	vld [tilespmem:s9+$0xFFFFFF80];
	v4 =	vmul.f32 v4, v3  }
0x187: {  	[tilespmem:s9+$0xFFFFFF20] =	vst v1;
	v1 =	vmul.f32 v2, v3;
	v2 =	vld [tilespmem:s9+$0xFFFFFF90]  }
0x188: {  	[tilespmem:s9+$0xFFFFFF30] =	vst v4;
	v4 =	vmul.f32 v9, v3;
	v9 =	vld [tilespmem:s9+$0xFFFFFFA0]  }
0x189: {  	[tilespmem:s9+$0xFFFFFF40] =	vst v1;
	v1 =	vmul.f32 v11, v3;
	v11 =	vld [tilespmem:s9+$0xFFFFFFB0]  }
0x18a: {  	[tilespmem:s9+$0xFFFFFF50] =	vst v4;
	v3 =	vmul.f32 v8, v3;
	v4 =	vld [tilespmem:s9+$0xFFFFFFC0]  }
0x18b: {  	[tilespmem:s9+$0xFFFFFF60] =	vst v1;
	v1 =	vmul.f32 v10, v6;
	v8 =	vld [tilespmem:s9+$0xFFFFFFD0]  }
0x18c: {  	v2 =	vmul.f32 v2, v6;
	[tilespmem:s9+$0xFFFFFF70] =	vst v3;
	v3 =	vld [tilespmem:s9+$0xFFFFFFE0]  }
0x18d: {  	[tilespmem:s9+$0xFFFFFF80] =	vst v1;
	v1 =	vmul.f32 v9, v6;
	v9 =	vld [tilespmem:s9+$0xFFFFFFF0]  }
0x18e: {  	v10 =	vld [tilespmem:s9+$0x0];
	[tilespmem:s9+$0xFFFFFF90] =	vst v2;
	v2 =	vmul.f32 v11, v6  }
0x18f: {  	[tilespmem:s9+$0xFFFFFFA0] =	vst v1;
	v1 =	vmul.f32 v4, v6;
	v4 =	vld [tilespmem:s9+$0x10]  }
0x190: {  	[tilespmem:s9+$0xFFFFFFB0] =	vst v2;
	v2 =	vmul.f32 v8, v6;
	v8 =	vld [tilespmem:s9+$0x20]  }
0x191: {  	[tilespmem:s9+$0xFFFFFFC0] =	vst v1;
	v1 =	vmul.f32 v3, v6;
	v3 =	vld [tilespmem:s9+$0x30]  }
0x192: {  	[tilespmem:s9+$0xFFFFFFD0] =	vst v2;
	v2 =	vmul.f32 v9, v6;
	v6 =	vld [tilespmem:s9+$0x40]  }
0x193: {  	v9 =	vld [tilespmem:s9+$0x50];
	[tilespmem:s9+$0xFFFFFFE0] =	vst v1;
	v1 =	vmul.f32 v10, v7  }
0x194: {  	[tilespmem:s9+$0xFFFFFFF0] =	vst v2;
	v2 =	vmul.f32 v4, v7;
	v4 =	vld [tilespmem:s9+$0x60]  }
0x195: {  	[tilespmem:s9+$0x0] =	vst v1;
	v1 =	vmul.f32 v8, v7;
	v8 =	vld [tilespmem:s9+$0x80]  }
0x196: {  	[tilespmem:s9+$0x10] =	vst v2;
	v2 =	vmul.f32 v3, v7;
	v3 =	vld [tilespmem:s9+$0x90]  }
0x197: {  	[tilespmem:s9+$0x20] =	vst v1;
	v1 =	vmul.f32 v6, v7;
	v6 =	vld [tilespmem:s9+$0xA0]  }
0x198: {  	[tilespmem:s9+$0x30] =	vst v2;
	v2 =	vmul.f32 v9, v7;
	v9 =	vld [tilespmem:s9+$0xB0]  }
0x199: {  	[tilespmem:s9+$0x40] =	vst v1;
	v1 =	vmul.f32 v4, v7;
	v4 =	vld [tilespmem:s9+$0xC0]  }
0x19a: {  	v7 =	vld [tilespmem:s9+$0xD0];
	[tilespmem:s9+$0x50] =	vst v2;
	v2 =	vmul.f32 v8, v5  }
0x19b: {  	[tilespmem:s9+$0x60] =	vst v1;
	v1 =	vmul.f32 v3, v5;
	v3 =	vld [tilespmem:s9+$0xE0]  }
0x19c: {  	[tilespmem:s9+$0x80] =	vst v2;
	v2 =	vmul.f32 v6, v5;
	v6 =	vld [tilespmem:s9+$0xF0]  }
0x19d: {  	[tilespmem:s9+$0x90] =	vst v1;
	v1 =	vmul.f32 v9, v5  }
0x19e: {  	[tilespmem:s9+$0xA0] =	vst v2;
	v2 =	vmul.f32 v4, v5  }
0x19f: {  	[tilespmem:s9+$0xB0] =	vst v1;
	v1 =	vmul.f32 v7, v5  }
0x1a0: {  	[tilespmem:s9+$0xC0] =	vst v2;
	v2 =	vmul.f32 v3, v5  }
0x1a1: {  	[tilespmem:s9+$0xD0] =	vst v1;
	v1 =	vmul.f32 v6, v5  }
0x1a2: {  	s26 =	simm.s32 $0x0;
	[tilespmem:s9+$0xE0] =	vst v2  }
0x1a3: {  	s28 =	sadd.s32 $0x28B0, s31;
	s23 =	simm.s32 $0x2;
	[tilespmem:s9+$0xF0] =	vst v1;
	v1 =	vmov s26  }
0x1a4: {  	v2 =	vmov s23;
	[spmem:s2] =	stream.indirect.scatter.add.f32 [tilespmem:s8], [sflag:$0x8], $0x80, s28, s7, $0xb8;
	v1 =	vand.u32 $0xFFFFFFFC, v1;
	[tilespmem:$0x1F300] =	vst v63  }
0x1a5: {  	v2 =	vand.u32 $0xFFFFFFFE, v2;
	_ =	swait.ge [sflag:s19], $0x1800;
	v1 =	vbroadcast v1, $0x0  }
0x1a6: {  	v2 =	vbroadcast v2, $0x0;
	[sflag:s19] =	ssyncset.done $0x0  }
0x1a7: {  	[sflag:s19] =	ssyncadd.s32 $0xFFFFE800  }
0x1a8: {  	_ =	swait.ge [sflag:s19], $0x30  }
0x1a9: {  	[sflag:s19] =	ssyncset.done $0x0  }
0x1aa: {  	[sflag:s19] =	ssyncadd.s32 $0xFFFFFFD0  }
0x1ab: {  	v1 =	vld.idx.msk [tilespmem:v1+s12+$0x0], $0xffff  }
0x1ac: {  	s23 =	simm.s32 $0x8200;
	v2 =	vld.idx.msk [tilespmem:v2+s12+$0x0], $0xffff  }
0x1ad: {  	s26 =	simm.s32 $0x1;
	v4 =	vld [tilespmem:s23+$0x70]  }
0x1ae: {  	v3 =	vmov s26;
	v5 =	vld [tilespmem:s23+$0xFFFFFF00]  }
0x1af: {  	v3 =	vand.u32 $0xFFFFFFFD, v3;
	v6 =	vld [tilespmem:s23+$0xFFFFFF10]  }
0x1b0: {  	v3 =	vbroadcast v3, $0x0;
	v7 =	vld [tilespmem:s23+$0xFFFFFF20]  }
0x1b1: {  	v8 =	vld [tilespmem:s23+$0xFFFFFF30]  }
0x1b2: {  	v9 =	vld [tilespmem:s23+$0xFFFFFF40]  }
0x1b3: {  	v10 =	vld [tilespmem:s23+$0xFFFFFF50]  }
0x1b4: {  	v11 =	vld [tilespmem:s23+$0xFFFFFF60];
	v5 =	vmul.f32 v5, v1  }
0x1b5: {  	v13 =	vld [tilespmem:s23+$0x40];
	v4 =	vmul.f32 v4, v2  }
0x1b6: {  	v3 =	vld.idx.msk [tilespmem:v3+s12+$0x0], $0xffff;
	[tilespmem:s23+$0xFFFFFF00] =	vst v5;
	v5 =	vmul.f32 v6, v1  }
0x1b7: {  	v6 =	vld [tilespmem:s23+$0xFFFFFF70];
	[tilespmem:s23+$0x70] =	vst v4;
	v4 =	vmul.f32 v7, v1  }
0x1b8: {  	v7 =	vld [tilespmem:s23+$0xFFFFFF80];
	[tilespmem:s23+$0xFFFFFF10] =	vst v5;
	v5 =	vmul.f32 v8, v1  }
0x1b9: {  	v8 =	vld [tilespmem:s23+$0xFFFFFF90];
	[tilespmem:s23+$0xFFFFFF20] =	vst v4;
	v4 =	vmul.f32 v9, v1  }
0x1ba: {  	v9 =	vld [tilespmem:s23+$0xFFFFFFA0];
	[tilespmem:s23+$0xFFFFFF30] =	vst v5;
	v5 =	vmul.f32 v10, v1  }
0x1bb: {  	v10 =	vld [tilespmem:s23+$0xFFFFFFB0];
	[tilespmem:s23+$0xFFFFFF40] =	vst v4;
	v4 =	vmul.f32 v11, v1  }
0x1bc: {  	v11 =	vld [tilespmem:s23+$0xFFFFFFC0];
	v6 =	vmul.f32 v6, v1;
	[tilespmem:s23+$0xFFFFFF50] =	vst v5  }
0x1bd: {  	v5 =	vmul.f32 v7, v3;
	v7 =	vld [tilespmem:s23+$0xFFFFFFD0];
	[tilespmem:s23+$0xFFFFFF60] =	vst v4  }
0x1be: {  	s28 =	simm.s32 $0x3;
	v4 =	vld [tilespmem:s23+$0xFFFFFFE0];
	v8 =	vmul.f32 v8, v3;
	[tilespmem:s23+$0xFFFFFF70] =	vst v6  }
0x1bf: {  	v12 =	vmov s28;
	v6 =	vld [tilespmem:s23+$0xFFFFFFF0];
	[tilespmem:s23+$0xFFFFFF80] =	vst v5;
	v5 =	vmul.f32 v9, v3  }
0x1c0: {  	v9 =	vld [tilespmem:s23+$0x0];
	[tilespmem:s23+$0xFFFFFF90] =	vst v8;
	v8 =	vmul.f32 v10, v3  }
0x1c1: {  	v10 =	vld [tilespmem:s23+$0x10];
	[tilespmem:s23+$0xFFFFFFA0] =	vst v5;
	v5 =	vmul.f32 v11, v3  }
0x1c2: {  	[tilespmem:s23+$0xFFFFFFB0] =	vst v8;
	v7 =	vmul.f32 v7, v3;
	v8 =	vld [tilespmem:s23+$0x20]  }
0x1c3: {  	v11 =	vld [tilespmem:s23+$0x30];
	v4 =	vmul.f32 v4, v3;
	[tilespmem:s23+$0xFFFFFFC0] =	vst v5  }
0x1c4: {  	v1 =	vld.idx.msk [tilespmem:v12+s12+$0x0], $0xffff;
	v3 =	vmul.f32 v6, v3;
	[tilespmem:s23+$0xFFFFFFD0] =	vst v7  }
0x1c5: {  	[tilespmem:s23+$0xFFFFFFE0] =	vst v4;
	v5 =	vmul.f32 v9, v2;
	v4 =	vld [tilespmem:s23+$0x50]  }
0x1c6: {  	s9 =	simm.s32 $0x4;
	[tilespmem:s23+$0xFFFFFFF0] =	vst v3;
	v6 =	vmul.f32 v10, v2;
	v3 =	vld [tilespmem:s23+$0x60]  }
0x1c7: {  	s26 =	simm.s32 $0x7;
	v7 =	vmov s9;
	[tilespmem:s23+$0x0] =	vst v5;
	v9 =	vmul.f32 v8, v2;
	v8 =	vld [tilespmem:s23+$0x80]  }
0x1c8: {  	s28 =	simm.s32 $0x5;
	v12 =	vand.u32 $0xFFFFFFFC, v7;
	v7 =	vld [tilespmem:s23+$0x90];
	v5 =	vmov s26;
	v10 =	vmul.f32 v11, v2;
	[tilespmem:s23+$0x10] =	vst v6  }
0x1c9: {  	s0 =	simm.s32 $0x6;
	s9 =	simm.s32 $0x8;
	v11 =	vmul.f32 v13, v2;
	s26 =	simm.s32 $0x8200;
	v6 =	vbroadcast v12, $0x0;
	v12 =	vmov s28;
	[tilespmem:s23+$0x20] =	vst v9;
	v9 =	vld [tilespmem:s23+$0xA0]  }
.LBB2_9:
0x1ca: {  	p0 =	slt.u32 s9, $0x2C;
	v12 =	vand.u32 $0xFFFFFFFD, v12;
	v13 =	vmov s0;
	[tilespmem:s23+$0x30] =	vst v10;
	v4 =	vmul.f32 v4, v2;
	v10 =	vld [tilespmem:s23+$0xB0]  }
0x1cb: {  	v12 =	vbroadcast v12, $0x0;
	v13 =	vand.u32 $0xFFFFFFFE, v13;
	[tilespmem:s23+$0x40] =	vst v11;
	v2 =	vmul.f32 v3, v2;
	v3 =	vld [tilespmem:s23+$0xC0]  }
0x1cc: {  	v11 =	vbroadcast v13, $0x0;
	[tilespmem:s23+$0x50] =	vst v4;
	v4 =	vmul.f32 v8, v1;
	v8 =	vld [tilespmem:s23+$0xD0]  }
0x1cd: {  	[tilespmem:s23+$0x60] =	vst v2;
	v2 =	vmul.f32 v7, v1;
	v7 =	vld [tilespmem:s23+$0xE0]  }
0x1ce: {  	[tilespmem:s23+$0x80] =	vst v4;
	v4 =	vmul.f32 v9, v1;
	v9 =	vld [tilespmem:s23+$0xF0]  }
0x1cf: {  	v5 =	vld.idx.msk [tilespmem:v5+s12+$0x0], $0xffff;
	[tilespmem:s23+$0x90] =	vst v2;
	v2 =	vmul.f32 v10, v1  }
0x1d0: {  	v6 =	vld.idx.msk [tilespmem:v6+s12+$0x0], $0xffff;
	[tilespmem:s23+$0xA0] =	vst v4;
	v3 =	vmul.f32 v3, v1  }
0x1d1: {  	v4 =	vld.idx.msk [tilespmem:v12+s12+$0x0], $0xffff;
	[tilespmem:s23+$0xB0] =	vst v2;
	v8 =	vmul.f32 v8, v1  }
0x1d2: {  	s23 =	sadd.s32 $0x200, s23;
	v2 =	vld.idx.msk [tilespmem:v11+s12+$0x0], $0xffff;
	[tilespmem:s26+$0xC0] =	vst v3;
	v3 =	vmul.f32 v7, v1  }
0x1d3: {  	v7 =	vld [tilespmem:s23+$0x70];
	[tilespmem:s26+$0xD0] =	vst v8;
	v9 =	vmul.f32 v9, v1  }
0x1d4: {  	v8 =	vld [tilespmem:s23+$0xFFFFFF00];
	[tilespmem:s26+$0xE0] =	vst v3  }
0x1d5: {  	v1 =	vmov v5;
	v3 =	vld [tilespmem:s23+$0xFFFFFF10];
	[tilespmem:s26+$0xF0] =	vst v9;
	s26 =	smov.u32 s23  }
0x1d6: {  	v5 =	vld [tilespmem:s23+$0xFFFFFF20]  }
0x1d7: {  	v9 =	vld [tilespmem:s23+$0xFFFFFF30]  }
0x1d8: {  	v10 =	vld [tilespmem:s23+$0xFFFFFF40];
	v7 =	vmul.f32 v7, v2  }
0x1d9: {  	v8 =	vmul.f32 v8, v6;
	v11 =	vld [tilespmem:s23+$0xFFFFFF50]  }
0x1da: {  	v3 =	vmul.f32 v3, v6;
	v12 =	vld [tilespmem:s23+$0xFFFFFF60];
	[tilespmem:s23+$0x70] =	vst v7  }
0x1db: {  	[tilespmem:s23+$0xFFFFFF00] =	vst v8;
	v5 =	vmul.f32 v5, v6;
	v7 =	vld [tilespmem:s23+$0xFFFFFF70]  }
0x1dc: {  	[tilespmem:s23+$0xFFFFFF10] =	vst v3;
	v3 =	vmul.f32 v9, v6;
	v8 =	vld [tilespmem:s23+$0xFFFFFF80]  }
0x1dd: {  	[tilespmem:s23+$0xFFFFFF20] =	vst v5;
	v5 =	vmul.f32 v10, v6;
	v9 =	vld [tilespmem:s23+$0xFFFFFF90]  }
0x1de: {  	[tilespmem:s23+$0xFFFFFF30] =	vst v3;
	v3 =	vmul.f32 v11, v6;
	v10 =	vld [tilespmem:s23+$0xFFFFFFA0]  }
0x1df: {  	[tilespmem:s23+$0xFFFFFF40] =	vst v5;
	v5 =	vmul.f32 v12, v6;
	v11 =	vld [tilespmem:s23+$0xFFFFFFB0]  }
0x1e0: {  	[tilespmem:s23+$0xFFFFFF50] =	vst v3;
	v3 =	vmul.f32 v7, v6;
	v6 =	vld [tilespmem:s23+$0xFFFFFFC0]  }
0x1e1: {  	[tilespmem:s23+$0xFFFFFF60] =	vst v5;
	v5 =	vmul.f32 v8, v4;
	v7 =	vld [tilespmem:s23+$0xFFFFFFD0]  }
0x1e2: {  	[tilespmem:s23+$0xFFFFFF70] =	vst v3;
	v3 =	vmul.f32 v9, v4;
	v8 =	vld [tilespmem:s23+$0xFFFFFFE0]  }
0x1e3: {  	[tilespmem:s23+$0xFFFFFF80] =	vst v5;
	v5 =	vmul.f32 v10, v4;
	v9 =	vld [tilespmem:s23+$0xFFFFFFF0]  }
0x1e4: {  	[tilespmem:s23+$0xFFFFFF90] =	vst v3;
	v3 =	vmul.f32 v11, v4;
	v10 =	vld [tilespmem:s23+$0x0]  }
0x1e5: {  	[tilespmem:s23+$0xFFFFFFA0] =	vst v5;
	v5 =	vmul.f32 v6, v4;
	v6 =	vld [tilespmem:s23+$0x10]  }
0x1e6: {  	[tilespmem:s23+$0xFFFFFFB0] =	vst v3;
	v3 =	vmul.f32 v7, v4;
	v7 =	vld [tilespmem:s23+$0x20]  }
0x1e7: {  	[tilespmem:s23+$0xFFFFFFC0] =	vst v5;
	v5 =	vmul.f32 v8, v4;
	v11 =	vld [tilespmem:s23+$0x30]  }
0x1e8: {  	[tilespmem:s23+$0xFFFFFFD0] =	vst v3;
	v3 =	vmul.f32 v9, v4;
	v9 =	vld [tilespmem:s23+$0x40]  }
.Ltmp5:
0x1e9: {  	[tilespmem:s23+$0xFFFFFFE0] =	vst v5;
	v5 =	vmul.f32 v10, v2;
	v4 =	vld [tilespmem:s23+$0x50];
	(pc) =	sbr.rel @p0 .LBB2_9-.Ltmp5, $4  }
0x1ea: {  	[tilespmem:s23+$0xFFFFFFF0] =	vst v3;
	v6 =	vmul.f32 v6, v2;
	v3 =	vld [tilespmem:s23+$0x60]  }
0x1eb: {  	s0 =	sadd.s32 $0x3, s9;
	v10 =	vmov s9;
	[tilespmem:s23+$0x0] =	vst v5;
	v13 =	vmul.f32 v7, v2;
	v8 =	vld [tilespmem:s23+$0x80]  }
0x1ec: {  	s28 =	sadd.s32 $0x1, s9;
	v12 =	vand.u32 $0xFFFFFFFC, v10;
	v5 =	vmov s0;
	[tilespmem:s23+$0x10] =	vst v6;
	v10 =	vmul.f32 v11, v2;
	v7 =	vld [tilespmem:s23+$0x90]  }
0x1ed: {  	s0 =	sadd.s32 $0x2, s9;
	s9 =	sadd.s32 $0x4, s9;
	v6 =	vbroadcast v12, $0x0;
	v12 =	vmov s28;
	[tilespmem:s23+$0x20] =	vst v13;
	v11 =	vmul.f32 v9, v2;
	v9 =	vld [tilespmem:s23+$0xA0]  }
0x1ee: {  	v13 =	vld [tilespmem:s23+$0xB0]  }
0x1ef: {  	v15 =	vld [tilespmem:s23+$0xC0]  }
0x1f0: {  	v14 =	vmov s0;
	v16 =	vld [tilespmem:s23+$0xD0]  }
0x1f1: {  	v17 =	vld [tilespmem:s23+$0xE0];
	[tilespmem:s23+$0x30] =	vst v10;
	v4 =	vmul.f32 v4, v2;
	v14 =	vand.u32 $0xFFFFFFFE, v14  }
0x1f2: {  	v12 =	vand.u32 $0xFFFFFFFD, v12;
	v5 =	vld.idx.msk [tilespmem:v5+s12+$0x0], $0xffff;
	[tilespmem:s23+$0x40] =	vst v11;
	v2 =	vmul.f32 v3, v2;
	v14 =	vbroadcast v14, $0x0  }
0x1f3: {  	s9 =	sadd.s32 $0x200, s23;
	v12 =	vbroadcast v12, $0x0;
	v3 =	vld.idx.msk [tilespmem:v6+s12+$0x0], $0xffff;
	v8 =	vmul.f32 v8, v1;
	[tilespmem:s23+$0x50] =	vst v4  }
0x1f4: {  	v10 =	vld [tilespmem:s9+$0xFFFFFF00];
	v4 =	vmul.f32 v7, v1;
	[tilespmem:s23+$0x60] =	vst v2  }
0x1f5: {  	[tilespmem:s23+$0x80] =	vst v8;
	v8 =	vld [tilespmem:s23+$0xF0];
	v2 =	vmul.f32 v9, v1  }
0x1f6: {  	v11 =	vld [tilespmem:s9+$0xFFFFFF10];
	[tilespmem:s23+$0x90] =	vst v4;
	v4 =	vmul.f32 v13, v1  }
0x1f7: {  	v9 =	vld [tilespmem:s9+$0x70];
	[tilespmem:s23+$0xA0] =	vst v2;
	v2 =	vmul.f32 v15, v1  }
0x1f8: {  	[tilespmem:s23+$0xB0] =	vst v4;
	v4 =	vmul.f32 v16, v1;
	v7 =	vld.idx.msk [tilespmem:v14+s12+$0x0], $0xffff  }
0x1f9: {  	v6 =	vld.idx.msk [tilespmem:v12+s12+$0x0], $0xffff;
	[tilespmem:s26+$0xC0] =	vst v2;
	v2 =	vmul.f32 v17, v1  }
0x1fa: {  	v12 =	vld [tilespmem:s9+$0xFFFFFF20];
	[tilespmem:s26+$0xD0] =	vst v4;
	v1 =	vmul.f32 v8, v1  }
0x1fb: {  	v4 =	vld [tilespmem:s9+$0xFFFFFF30];
	[tilespmem:s26+$0xE0] =	vst v2  }
0x1fc: {  	v2 =	vld [tilespmem:s9+$0xFFFFFF40];
	[tilespmem:s26+$0xF0] =	vst v1;
	v1 =	vmul.f32 v10, v3  }
0x1fd: {  	v8 =	vmul.f32 v9, v7;
	v9 =	vld [tilespmem:s9+$0xFFFFFF50]  }
0x1fe: {  	v10 =	vmul.f32 v11, v3;
	v11 =	vld [tilespmem:s9+$0xFFFFFF60];
	[tilespmem:s9+$0xFFFFFF00] =	vst v1  }
0x1ff: {  	v1 =	vmul.f32 v12, v3;
	[tilespmem:s9+$0x70] =	vst v8;
	v8 =	vld [tilespmem:s9+$0xFFFFFF70]  }
0x200: {  	[tilespmem:s9+$0xFFFFFF10] =	vst v10;
	v10 =	vld [tilespmem:s9+$0xFFFFFF80];
	v4 =	vmul.f32 v4, v3  }
0x201: {  	[tilespmem:s9+$0xFFFFFF20] =	vst v1;
	v1 =	vmul.f32 v2, v3;
	v2 =	vld [tilespmem:s9+$0xFFFFFF90]  }
0x202: {  	[tilespmem:s9+$0xFFFFFF30] =	vst v4;
	v4 =	vmul.f32 v9, v3;
	v9 =	vld [tilespmem:s9+$0xFFFFFFA0]  }
0x203: {  	[tilespmem:s9+$0xFFFFFF40] =	vst v1;
	v1 =	vmul.f32 v11, v3;
	v11 =	vld [tilespmem:s9+$0xFFFFFFB0]  }
0x204: {  	[tilespmem:s9+$0xFFFFFF50] =	vst v4;
	v3 =	vmul.f32 v8, v3;
	v4 =	vld [tilespmem:s9+$0xFFFFFFC0]  }
0x205: {  	[tilespmem:s9+$0xFFFFFF60] =	vst v1;
	v1 =	vmul.f32 v10, v6;
	v8 =	vld [tilespmem:s9+$0xFFFFFFD0]  }
0x206: {  	v2 =	vmul.f32 v2, v6;
	[tilespmem:s9+$0xFFFFFF70] =	vst v3;
	v3 =	vld [tilespmem:s9+$0xFFFFFFE0]  }
0x207: {  	[tilespmem:s9+$0xFFFFFF80] =	vst v1;
	v1 =	vmul.f32 v9, v6;
	v9 =	vld [tilespmem:s9+$0xFFFFFFF0]  }
0x208: {  	v10 =	vld [tilespmem:s9+$0x0];
	[tilespmem:s9+$0xFFFFFF90] =	vst v2;
	v2 =	vmul.f32 v11, v6  }
0x209: {  	[tilespmem:s9+$0xFFFFFFA0] =	vst v1;
	v1 =	vmul.f32 v4, v6;
	v4 =	vld [tilespmem:s9+$0x10]  }
0x20a: {  	[tilespmem:s9+$0xFFFFFFB0] =	vst v2;
	v2 =	vmul.f32 v8, v6;
	v8 =	vld [tilespmem:s9+$0x20]  }
0x20b: {  	[tilespmem:s9+$0xFFFFFFC0] =	vst v1;
	v1 =	vmul.f32 v3, v6;
	v3 =	vld [tilespmem:s9+$0x30]  }
0x20c: {  	[tilespmem:s9+$0xFFFFFFD0] =	vst v2;
	v2 =	vmul.f32 v9, v6;
	v6 =	vld [tilespmem:s9+$0x40]  }
0x20d: {  	v9 =	vld [tilespmem:s9+$0x50];
	[tilespmem:s9+$0xFFFFFFE0] =	vst v1;
	v1 =	vmul.f32 v10, v7  }
0x20e: {  	[tilespmem:s9+$0xFFFFFFF0] =	vst v2;
	v2 =	vmul.f32 v4, v7;
	v4 =	vld [tilespmem:s9+$0x60]  }
0x20f: {  	[tilespmem:s9+$0x0] =	vst v1;
	v1 =	vmul.f32 v8, v7;
	v8 =	vld [tilespmem:s9+$0x80]  }
0x210: {  	[tilespmem:s9+$0x10] =	vst v2;
	v2 =	vmul.f32 v3, v7;
	v3 =	vld [tilespmem:s9+$0x90]  }
0x211: {  	[tilespmem:s9+$0x20] =	vst v1;
	v1 =	vmul.f32 v6, v7;
	v6 =	vld [tilespmem:s9+$0xA0]  }
0x212: {  	[tilespmem:s9+$0x30] =	vst v2;
	v2 =	vmul.f32 v9, v7;
	v9 =	vld [tilespmem:s9+$0xB0]  }
0x213: {  	[tilespmem:s9+$0x40] =	vst v1;
	v1 =	vmul.f32 v4, v7;
	v4 =	vld [tilespmem:s9+$0xC0]  }
0x214: {  	v7 =	vld [tilespmem:s9+$0xD0];
	[tilespmem:s9+$0x50] =	vst v2;
	v2 =	vmul.f32 v8, v5  }
0x215: {  	[tilespmem:s9+$0x60] =	vst v1;
	v1 =	vmul.f32 v3, v5;
	v3 =	vld [tilespmem:s9+$0xE0]  }
0x216: {  	[tilespmem:s9+$0x80] =	vst v2;
	v2 =	vmul.f32 v6, v5;
	v6 =	vld [tilespmem:s9+$0xF0]  }
0x217: {  	[tilespmem:s9+$0x90] =	vst v1;
	v1 =	vmul.f32 v9, v5  }
0x218: {  	[tilespmem:s9+$0xA0] =	vst v2;
	v2 =	vmul.f32 v4, v5  }
0x219: {  	[tilespmem:s9+$0xB0] =	vst v1;
	v1 =	vmul.f32 v7, v5  }
0x21a: {  	[tilespmem:s9+$0xC0] =	vst v2;
	v2 =	vmul.f32 v3, v5  }
0x21b: {  	[tilespmem:s9+$0xD0] =	vst v1;
	v1 =	vmul.f32 v6, v5  }
0x21c: {  	s26 =	simm.s32 $0x0;
	[tilespmem:s9+$0xE0] =	vst v2  }
0x21d: {  	s28 =	sadd.s32 $0x28E0, s31;
	s23 =	simm.s32 $0x2;
	[tilespmem:s9+$0xF0] =	vst v1;
	v1 =	vmov s26  }
0x21e: {  	v2 =	vmov s23;
	[spmem:s2] =	stream.indirect.scatter.add.f32 [tilespmem:s11], [sflag:$0x9], $0x80, s28, s7, $0xb8;
	v1 =	vand.u32 $0xFFFFFFFC, v1;
	[tilespmem:$0x1F300] =	vst v63  }
0x21f: {  	v2 =	vand.u32 $0xFFFFFFFE, v2;
	_ =	swait.ge [sflag:s20], $0x1800;
	v1 =	vbroadcast v1, $0x0  }
0x220: {  	v2 =	vbroadcast v2, $0x0;
	[sflag:s20] =	ssyncset.done $0x0  }
0x221: {  	[sflag:s20] =	ssyncadd.s32 $0xFFFFE800  }
0x222: {  	_ =	swait.ge [sflag:s20], $0x30  }
0x223: {  	[sflag:s20] =	ssyncset.done $0x0  }
0x224: {  	[sflag:s20] =	ssyncadd.s32 $0xFFFFFFD0  }
0x225: {  	v1 =	vld.idx.msk [tilespmem:v1+s14+$0x0], $0xffff  }
0x226: {  	s23 =	simm.s32 $0x9A00;
	v2 =	vld.idx.msk [tilespmem:v2+s14+$0x0], $0xffff  }
0x227: {  	s26 =	simm.s32 $0x1;
	v4 =	vld [tilespmem:s23+$0x70]  }
0x228: {  	v3 =	vmov s26;
	v5 =	vld [tilespmem:s23+$0xFFFFFF00]  }
0x229: {  	v3 =	vand.u32 $0xFFFFFFFD, v3;
	v6 =	vld [tilespmem:s23+$0xFFFFFF10]  }
0x22a: {  	v3 =	vbroadcast v3, $0x0;
	v7 =	vld [tilespmem:s23+$0xFFFFFF20]  }
0x22b: {  	v8 =	vld [tilespmem:s23+$0xFFFFFF30]  }
0x22c: {  	v9 =	vld [tilespmem:s23+$0xFFFFFF40]  }
0x22d: {  	v10 =	vld [tilespmem:s23+$0xFFFFFF50]  }
0x22e: {  	v11 =	vld [tilespmem:s23+$0xFFFFFF60];
	v5 =	vmul.f32 v5, v1  }
0x22f: {  	v13 =	vld [tilespmem:s23+$0x40];
	v4 =	vmul.f32 v4, v2  }
0x230: {  	v3 =	vld.idx.msk [tilespmem:v3+s14+$0x0], $0xffff;
	[tilespmem:s23+$0xFFFFFF00] =	vst v5;
	v5 =	vmul.f32 v6, v1  }
0x231: {  	v6 =	vld [tilespmem:s23+$0xFFFFFF70];
	[tilespmem:s23+$0x70] =	vst v4;
	v4 =	vmul.f32 v7, v1  }
0x232: {  	v7 =	vld [tilespmem:s23+$0xFFFFFF80];
	[tilespmem:s23+$0xFFFFFF10] =	vst v5;
	v5 =	vmul.f32 v8, v1  }
0x233: {  	v8 =	vld [tilespmem:s23+$0xFFFFFF90];
	[tilespmem:s23+$0xFFFFFF20] =	vst v4;
	v4 =	vmul.f32 v9, v1  }
0x234: {  	v9 =	vld [tilespmem:s23+$0xFFFFFFA0];
	[tilespmem:s23+$0xFFFFFF30] =	vst v5;
	v5 =	vmul.f32 v10, v1  }
0x235: {  	v10 =	vld [tilespmem:s23+$0xFFFFFFB0];
	[tilespmem:s23+$0xFFFFFF40] =	vst v4;
	v4 =	vmul.f32 v11, v1  }
0x236: {  	v11 =	vld [tilespmem:s23+$0xFFFFFFC0];
	v6 =	vmul.f32 v6, v1;
	[tilespmem:s23+$0xFFFFFF50] =	vst v5  }
0x237: {  	v5 =	vmul.f32 v7, v3;
	v7 =	vld [tilespmem:s23+$0xFFFFFFD0];
	[tilespmem:s23+$0xFFFFFF60] =	vst v4  }
0x238: {  	s28 =	simm.s32 $0x3;
	v4 =	vld [tilespmem:s23+$0xFFFFFFE0];
	v8 =	vmul.f32 v8, v3;
	[tilespmem:s23+$0xFFFFFF70] =	vst v6  }
0x239: {  	v12 =	vmov s28;
	v6 =	vld [tilespmem:s23+$0xFFFFFFF0];
	[tilespmem:s23+$0xFFFFFF80] =	vst v5;
	v5 =	vmul.f32 v9, v3  }
0x23a: {  	v9 =	vld [tilespmem:s23+$0x0];
	[tilespmem:s23+$0xFFFFFF90] =	vst v8;
	v8 =	vmul.f32 v10, v3  }
0x23b: {  	v10 =	vld [tilespmem:s23+$0x10];
	[tilespmem:s23+$0xFFFFFFA0] =	vst v5;
	v5 =	vmul.f32 v11, v3  }
0x23c: {  	[tilespmem:s23+$0xFFFFFFB0] =	vst v8;
	v7 =	vmul.f32 v7, v3;
	v8 =	vld [tilespmem:s23+$0x20]  }
0x23d: {  	v11 =	vld [tilespmem:s23+$0x30];
	v4 =	vmul.f32 v4, v3;
	[tilespmem:s23+$0xFFFFFFC0] =	vst v5  }
0x23e: {  	v1 =	vld.idx.msk [tilespmem:v12+s14+$0x0], $0xffff;
	v3 =	vmul.f32 v6, v3;
	[tilespmem:s23+$0xFFFFFFD0] =	vst v7  }
0x23f: {  	[tilespmem:s23+$0xFFFFFFE0] =	vst v4;
	v5 =	vmul.f32 v9, v2;
	v4 =	vld [tilespmem:s23+$0x50]  }
0x240: {  	s9 =	simm.s32 $0x4;
	[tilespmem:s23+$0xFFFFFFF0] =	vst v3;
	v6 =	vmul.f32 v10, v2;
	v3 =	vld [tilespmem:s23+$0x60]  }
0x241: {  	s26 =	simm.s32 $0x7;
	v7 =	vmov s9;
	[tilespmem:s23+$0x0] =	vst v5;
	v9 =	vmul.f32 v8, v2;
	v8 =	vld [tilespmem:s23+$0x80]  }
0x242: {  	s28 =	simm.s32 $0x5;
	v12 =	vand.u32 $0xFFFFFFFC, v7;
	v7 =	vld [tilespmem:s23+$0x90];
	v5 =	vmov s26;
	v10 =	vmul.f32 v11, v2;
	[tilespmem:s23+$0x10] =	vst v6  }
0x243: {  	s0 =	simm.s32 $0x6;
	s9 =	simm.s32 $0x8;
	v11 =	vmul.f32 v13, v2;
	s26 =	simm.s32 $0x9A00;
	v6 =	vbroadcast v12, $0x0;
	v12 =	vmov s28;
	[tilespmem:s23+$0x20] =	vst v9;
	v9 =	vld [tilespmem:s23+$0xA0]  }
.LBB2_11:
0x244: {  	p0 =	slt.u32 s9, $0x2C;
	v12 =	vand.u32 $0xFFFFFFFD, v12;
	v13 =	vmov s0;
	[tilespmem:s23+$0x30] =	vst v10;
	v4 =	vmul.f32 v4, v2;
	v10 =	vld [tilespmem:s23+$0xB0]  }
0x245: {  	v12 =	vbroadcast v12, $0x0;
	v13 =	vand.u32 $0xFFFFFFFE, v13;
	[tilespmem:s23+$0x40] =	vst v11;
	v2 =	vmul.f32 v3, v2;
	v3 =	vld [tilespmem:s23+$0xC0]  }
0x246: {  	v11 =	vbroadcast v13, $0x0;
	[tilespmem:s23+$0x50] =	vst v4;
	v4 =	vmul.f32 v8, v1;
	v8 =	vld [tilespmem:s23+$0xD0]  }
0x247: {  	[tilespmem:s23+$0x60] =	vst v2;
	v2 =	vmul.f32 v7, v1;
	v7 =	vld [tilespmem:s23+$0xE0]  }
0x248: {  	[tilespmem:s23+$0x80] =	vst v4;
	v4 =	vmul.f32 v9, v1;
	v9 =	vld [tilespmem:s23+$0xF0]  }
0x249: {  	v5 =	vld.idx.msk [tilespmem:v5+s14+$0x0], $0xffff;
	[tilespmem:s23+$0x90] =	vst v2;
	v2 =	vmul.f32 v10, v1  }
0x24a: {  	v6 =	vld.idx.msk [tilespmem:v6+s14+$0x0], $0xffff;
	[tilespmem:s23+$0xA0] =	vst v4;
	v3 =	vmul.f32 v3, v1  }
0x24b: {  	v4 =	vld.idx.msk [tilespmem:v12+s14+$0x0], $0xffff;
	[tilespmem:s23+$0xB0] =	vst v2;
	v8 =	vmul.f32 v8, v1  }
0x24c: {  	s23 =	sadd.s32 $0x200, s23;
	v2 =	vld.idx.msk [tilespmem:v11+s14+$0x0], $0xffff;
	[tilespmem:s26+$0xC0] =	vst v3;
	v3 =	vmul.f32 v7, v1  }
0x24d: {  	v7 =	vld [tilespmem:s23+$0x70];
	[tilespmem:s26+$0xD0] =	vst v8;
	v9 =	vmul.f32 v9, v1  }
0x24e: {  	v8 =	vld [tilespmem:s23+$0xFFFFFF00];
	[tilespmem:s26+$0xE0] =	vst v3  }
0x24f: {  	v1 =	vmov v5;
	v3 =	vld [tilespmem:s23+$0xFFFFFF10];
	[tilespmem:s26+$0xF0] =	vst v9;
	s26 =	smov.u32 s23  }
0x250: {  	v5 =	vld [tilespmem:s23+$0xFFFFFF20]  }
0x251: {  	v9 =	vld [tilespmem:s23+$0xFFFFFF30]  }
0x252: {  	v10 =	vld [tilespmem:s23+$0xFFFFFF40];
	v7 =	vmul.f32 v7, v2  }
0x253: {  	v8 =	vmul.f32 v8, v6;
	v11 =	vld [tilespmem:s23+$0xFFFFFF50]  }
0x254: {  	v3 =	vmul.f32 v3, v6;
	v12 =	vld [tilespmem:s23+$0xFFFFFF60];
	[tilespmem:s23+$0x70] =	vst v7  }
0x255: {  	[tilespmem:s23+$0xFFFFFF00] =	vst v8;
	v5 =	vmul.f32 v5, v6;
	v7 =	vld [tilespmem:s23+$0xFFFFFF70]  }
0x256: {  	[tilespmem:s23+$0xFFFFFF10] =	vst v3;
	v3 =	vmul.f32 v9, v6;
	v8 =	vld [tilespmem:s23+$0xFFFFFF80]  }
0x257: {  	[tilespmem:s23+$0xFFFFFF20] =	vst v5;
	v5 =	vmul.f32 v10, v6;
	v9 =	vld [tilespmem:s23+$0xFFFFFF90]  }
0x258: {  	[tilespmem:s23+$0xFFFFFF30] =	vst v3;
	v3 =	vmul.f32 v11, v6;
	v10 =	vld [tilespmem:s23+$0xFFFFFFA0]  }
0x259: {  	[tilespmem:s23+$0xFFFFFF40] =	vst v5;
	v5 =	vmul.f32 v12, v6;
	v11 =	vld [tilespmem:s23+$0xFFFFFFB0]  }
0x25a: {  	[tilespmem:s23+$0xFFFFFF50] =	vst v3;
	v3 =	vmul.f32 v7, v6;
	v6 =	vld [tilespmem:s23+$0xFFFFFFC0]  }
0x25b: {  	[tilespmem:s23+$0xFFFFFF60] =	vst v5;
	v5 =	vmul.f32 v8, v4;
	v7 =	vld [tilespmem:s23+$0xFFFFFFD0]  }
0x25c: {  	[tilespmem:s23+$0xFFFFFF70] =	vst v3;
	v3 =	vmul.f32 v9, v4;
	v8 =	vld [tilespmem:s23+$0xFFFFFFE0]  }
0x25d: {  	[tilespmem:s23+$0xFFFFFF80] =	vst v5;
	v5 =	vmul.f32 v10, v4;
	v9 =	vld [tilespmem:s23+$0xFFFFFFF0]  }
0x25e: {  	[tilespmem:s23+$0xFFFFFF90] =	vst v3;
	v3 =	vmul.f32 v11, v4;
	v10 =	vld [tilespmem:s23+$0x0]  }
0x25f: {  	[tilespmem:s23+$0xFFFFFFA0] =	vst v5;
	v5 =	vmul.f32 v6, v4;
	v6 =	vld [tilespmem:s23+$0x10]  }
0x260: {  	[tilespmem:s23+$0xFFFFFFB0] =	vst v3;
	v3 =	vmul.f32 v7, v4;
	v7 =	vld [tilespmem:s23+$0x20]  }
0x261: {  	[tilespmem:s23+$0xFFFFFFC0] =	vst v5;
	v5 =	vmul.f32 v8, v4;
	v11 =	vld [tilespmem:s23+$0x30]  }
0x262: {  	[tilespmem:s23+$0xFFFFFFD0] =	vst v3;
	v3 =	vmul.f32 v9, v4;
	v9 =	vld [tilespmem:s23+$0x40]  }
.Ltmp6:
0x263: {  	[tilespmem:s23+$0xFFFFFFE0] =	vst v5;
	v5 =	vmul.f32 v10, v2;
	v4 =	vld [tilespmem:s23+$0x50];
	(pc) =	sbr.rel @p0 .LBB2_11-.Ltmp6, $4  }
0x264: {  	[tilespmem:s23+$0xFFFFFFF0] =	vst v3;
	v6 =	vmul.f32 v6, v2;
	v3 =	vld [tilespmem:s23+$0x60]  }
0x265: {  	s0 =	sadd.s32 $0x3, s9;
	v10 =	vmov s9;
	[tilespmem:s23+$0x0] =	vst v5;
	v13 =	vmul.f32 v7, v2;
	v8 =	vld [tilespmem:s23+$0x80]  }
0x266: {  	s28 =	sadd.s32 $0x1, s9;
	v12 =	vand.u32 $0xFFFFFFFC, v10;
	v5 =	vmov s0;
	[tilespmem:s23+$0x10] =	vst v6;
	v10 =	vmul.f32 v11, v2;
	v7 =	vld [tilespmem:s23+$0x90]  }
0x267: {  	s0 =	sadd.s32 $0x2, s9;
	s9 =	sadd.s32 $0x4, s9;
	v6 =	vbroadcast v12, $0x0;
	v12 =	vmov s28;
	[tilespmem:s23+$0x20] =	vst v13;
	v11 =	vmul.f32 v9, v2;
	v9 =	vld [tilespmem:s23+$0xA0]  }
0x268: {  	v13 =	vld [tilespmem:s23+$0xB0]  }
0x269: {  	v15 =	vld [tilespmem:s23+$0xC0]  }
0x26a: {  	v16 =	vld [tilespmem:s23+$0xD0]  }
0x26b: {  	v17 =	vld [tilespmem:s23+$0xE0]  }
0x26c: {  	v29 =	vld [tilespmem:s23+$0xF0];
	[tilespmem:s23+$0x30] =	vst v10;
	v4 =	vmul.f32 v4, v2  }
0x26d: {  	v5 =	vld.idx.msk [tilespmem:v5+s14+$0x0], $0xffff;
	[tilespmem:s23+$0x40] =	vst v11;
	v2 =	vmul.f32 v3, v2  }
0x26e: {  	s9 =	sadd.s32 $0x200, s23;
	v3 =	vld.idx.msk [tilespmem:v6+s14+$0x0], $0xffff;
	v8 =	vmul.f32 v8, v1;
	[tilespmem:s23+$0x50] =	vst v4  }
0x26f: {  	v14 =	vmov s0;
	v34 =	vld [tilespmem:s9+$0x70];
	v30 =	vmul.f32 v7, v1;
	[tilespmem:s23+$0x60] =	vst v2  }
0x270: {  	v14 =	vand.u32 $0xFFFFFFFE, v14;
	v35 =	vld [tilespmem:s9+$0xFFFFFF00];
	[tilespmem:s23+$0x80] =	vst v8;
	v2 =	vmul.f32 v9, v1  }
0x271: {  	v37 =	vld [tilespmem:s9+$0xFFFFFF10];
	v14 =	vbroadcast v14, $0x0;
	[tilespmem:s23+$0x90] =	vst v30;
	v33 =	vmul.f32 v13, v1  }
0x272: {  	v38 =	vld [tilespmem:s9+$0xFFFFFF20];
	[tilespmem:s23+$0xA0] =	vst v2;
	v2 =	vmul.f32 v15, v1  }
0x273: {  	v12 =	vand.u32 $0xFFFFFFFD, v12;
	v39 =	vld [tilespmem:s9+$0xFFFFFF30];
	v36 =	vmul.f32 v16, v1;
	[tilespmem:s23+$0xB0] =	vst v33  }
0x274: {  	v12 =	vbroadcast v12, $0x0;
	v41 =	vld [tilespmem:s9+$0xFFFFFF50];
	[tilespmem:s26+$0xC0] =	vst v2;
	v2 =	vmul.f32 v17, v1  }
0x275: {  	v43 =	vld [tilespmem:s9+$0xFFFFFF60];
	[tilespmem:s26+$0xD0] =	vst v36;
	v1 =	vmul.f32 v29, v1  }
0x276: {  	v42 =	vmul.f32 v37, v3;
	[tilespmem:s26+$0xE0] =	vst v2;
	v2 =	vld [tilespmem:s9+$0xFFFFFF40]  }
0x277: {  	v32 =	vld.idx.msk [tilespmem:v14+s14+$0x0], $0xffff;
	[tilespmem:s26+$0xF0] =	vst v1;
	v1 =	vmul.f32 v35, v3  }
0x278: {  	v44 =	vld [tilespmem:s9+$0xFFFFFF70];
	v4 =	vmul.f32 v39, v3;
	[tilespmem:s9+$0xFFFFFF10] =	vst v42  }
0x279: {  	v45 =	vld [tilespmem:s9+$0xFFFFFF80];
	[tilespmem:s9+$0xFFFFFF00] =	vst v1;
	v1 =	vmul.f32 v38, v3  }
0x27a: {  	v46 =	vmul.f32 v41, v3;
	v31 =	vld.idx.msk [tilespmem:v12+s14+$0x0], $0xffff;
	[tilespmem:s9+$0xFFFFFF30] =	vst v4  }
0x27b: {  	[tilespmem:s9+$0xFFFFFF20] =	vst v1;
	v1 =	vmul.f32 v2, v3;
	v2 =	vld [tilespmem:s9+$0xFFFFFF90]  }
0x27c: {  	v47 =	vld [tilespmem:s9+$0xFFFFFFA0];
	[tilespmem:s9+$0xFFFFFF50] =	vst v46;
	v40 =	vmul.f32 v34, v32  }
0x27d: {  	v48 =	vld [tilespmem:s9+$0xFFFFFFB0];
	[tilespmem:s9+$0xFFFFFF40] =	vst v1;
	v1 =	vmul.f32 v43, v3  }
0x27e: {  	v49 =	vld [tilespmem:s9+$0xFFFFFFC0];
	[tilespmem:s9+$0x70] =	vst v40;
	v3 =	vmul.f32 v44, v3  }
0x27f: {  	v50 =	vld [tilespmem:s9+$0xFFFFFFD0];
	[tilespmem:s9+$0xFFFFFF60] =	vst v1;
	v1 =	vmul.f32 v45, v31  }
0x280: {  	[tilespmem:s9+$0xFFFFFF70] =	vst v3;
	v3 =	vld [tilespmem:s9+$0xFFFFFFE0];
	v2 =	vmul.f32 v2, v31  }
0x281: {  	v51 =	vld [tilespmem:s9+$0xFFFFFFF0];
	[tilespmem:s9+$0xFFFFFF80] =	vst v1;
	v1 =	vmul.f32 v47, v31  }
0x282: {  	v52 =	vld [tilespmem:s9+$0x0];
	[tilespmem:s9+$0xFFFFFF90] =	vst v2;
	v2 =	vmul.f32 v48, v31  }
0x283: {  	v53 =	vld [tilespmem:s9+$0x10];
	[tilespmem:s9+$0xFFFFFFA0] =	vst v1;
	v1 =	vmul.f32 v49, v31  }
0x284: {  	v54 =	vld [tilespmem:s9+$0x20];
	[tilespmem:s9+$0xFFFFFFB0] =	vst v2;
	v2 =	vmul.f32 v50, v31  }
0x285: {  	[tilespmem:s9+$0xFFFFFFC0] =	vst v1;
	v1 =	vmul.f32 v3, v31;
	v3 =	vld [tilespmem:s9+$0x30]  }
0x286: {  	v55 =	vld [tilespmem:s9+$0x40];
	[tilespmem:s9+$0xFFFFFFD0] =	vst v2;
	v2 =	vmul.f32 v51, v31  }
0x287: {  	v56 =	vld [tilespmem:s9+$0x50];
	[tilespmem:s9+$0xFFFFFFE0] =	vst v1;
	v1 =	vmul.f32 v52, v32  }
0x288: {  	v57 =	vld [tilespmem:s9+$0x60];
	[tilespmem:s9+$0xFFFFFFF0] =	vst v2;
	v2 =	vmul.f32 v53, v32  }
0x289: {  	v58 =	vld [tilespmem:s9+$0x80];
	[tilespmem:s9+$0x0] =	vst v1;
	v1 =	vmul.f32 v54, v32  }
0x28a: {  	[tilespmem:s9+$0x10] =	vst v2;
	v2 =	vmul.f32 v3, v32;
	v3 =	vld [tilespmem:s9+$0x90]  }
0x28b: {  	v59 =	vld [tilespmem:s9+$0xA0];
	[tilespmem:s9+$0x20] =	vst v1;
	v1 =	vmul.f32 v55, v32  }
0x28c: {  	v60 =	vld [tilespmem:s9+$0xB0];
	[tilespmem:s9+$0x30] =	vst v2;
	v2 =	vmul.f32 v56, v32  }
0x28d: {  	v61 =	vld [tilespmem:s9+$0xC0];
	[tilespmem:s9+$0x40] =	vst v1;
	v1 =	vmul.f32 v57, v32  }
0x28e: {  	v62 =	vld [tilespmem:s9+$0xD0];
	[tilespmem:s9+$0x50] =	vst v2;
	v2 =	vmul.f32 v58, v5  }
0x28f: {  	[tilespmem:s9+$0x60] =	vst v1;
	v1 =	vmul.f32 v3, v5;
	v3 =	vld [tilespmem:s9+$0xE0]  }
0x290: {  	v63 =	vld [tilespmem:s9+$0xF0];
	[tilespmem:s9+$0x80] =	vst v2;
	v2 =	vmul.f32 v59, v5  }
0x291: {  	[tilespmem:s9+$0x90] =	vst v1;
	v1 =	vmul.f32 v60, v5  }
0x292: {  	[tilespmem:s9+$0xA0] =	vst v2;
	v2 =	vmul.f32 v61, v5  }
0x293: {  	[tilespmem:s9+$0xB0] =	vst v1;
	v1 =	vmul.f32 v62, v5  }
0x294: {  	[tilespmem:s9+$0xC0] =	vst v2;
	v2 =	vmul.f32 v3, v5  }
0x295: {  	[tilespmem:s9+$0xD0] =	vst v1;
	v1 =	vmul.f32 v63, v5  }
0x296: {  	p0 =	seq.s32 s30, $0x35;
	[tilespmem:s9+$0xE0] =	vst v2  }
.Ltmp7:
0x297: {  	s31 =	sadd.s32 $0x2910, s31;
	[tilespmem:s9+$0xF0] =	vst v1;
	(pc) =	sbr.rel @p0 .LBB2_14-.Ltmp7, $4  }
0x298: {  	[spmem:s2] =	stream.indirect.scatter.add.f32 [tilespmem:s13], [sflag:$0xA], $0x80, s31, s7, $0xb8;
	[tilespmem:$0x1F300] =	vst v63  }
0x299: {  	_ =	swait.ge [sflag:s21], $0x1800  }
0x29a: {  	[sflag:s21] =	ssyncset.done $0x0  }
0x29b: {  	[sflag:s21] =	ssyncadd.s32 $0xFFFFE800  }
0x29c: {  	s0 =	smul.u32 $0xC0, s30;
	_ =	sdelay $0x1  }
0x29d: {  	s9 =	sadd.s32 $0xC0, s0  }
0x29e: {  	[tilespmem:s1], [sflag:$0x3] =	stream.indirect.gather [hbm4b:s5+s7], $0x80, s9, s7, $0xb8;
	[tilespmem:$0x1F300] =	vst v63  }
0x29f: {  	s9 =	sadd.s32 s3, s9  }
0x2a0: {  	s9 =	sshrl.u32 s9, $0x3  }
0x2a1: {  	s9 =	sadd.s32 s6, s9  }
0x2a2: {  	[tilespmem:s16], [sflag:$0x3] =	stream.linear.gather [hbm4b:s9+s4], $0x30, $0x38;
	[tilespmem:$0x1F300] =	vst v63  }
0x2a3: {  	s28 =	sadd.s32 $0xF0, s0;
	_ =	swait.ge [sflag:s22], $0x1800  }
0x2a4: {  	s9 =	sadd.s32 s3, s28;
	[sflag:s22] =	ssyncset.done $0x0  }
0x2a5: {  	s9 =	sshrl.u32 s9, $0x3;
	[sflag:s22] =	ssyncadd.s32 $0xFFFFE800  }
0x2a6: {  	[tilespmem:s8], [sflag:$0x4] =	stream.indirect.gather [hbm4b:s5+s7], $0x80, s28, s7, $0xb8;
	[tilespmem:$0x1F300] =	vst v63  }
0x2a7: {  	s9 =	sadd.s32 s6, s9  }
0x2a8: {  	[tilespmem:s10], [sflag:$0x4] =	stream.linear.gather [hbm4b:s9+s4], $0x30, $0x38;
	[tilespmem:$0x1F300] =	vst v63  }
0x2a9: {  	s31 =	sadd.s32 $0x120, s0;
	_ =	swait.ge [sflag:s24], $0x1800  }
0x2aa: {  	s9 =	sadd.s32 s3, s31;
	[sflag:s24] =	ssyncset.done $0x0  }
0x2ab: {  	s9 =	sshrl.u32 s9, $0x3;
	[sflag:s24] =	ssyncadd.s32 $0xFFFFE800  }
0x2ac: {  	[tilespmem:s11], [sflag:$0x5] =	stream.indirect.gather [hbm4b:s5+s7], $0x80, s31, s7, $0xb8;
	[tilespmem:$0x1F300] =	vst v63  }
0x2ad: {  	s9 =	sadd.s32 s6, s9  }
0x2ae: {  	[tilespmem:s12], [sflag:$0x5] =	stream.linear.gather [hbm4b:s9+s4], $0x30, $0x38;
	[tilespmem:$0x1F300] =	vst v63  }
0x2af: {  	_ =	swait.ge [sflag:s25], $0x1800  }
0x2b0: {  	[sflag:s25] =	ssyncset.done $0x0  }
0x2b1: {  	s0 =	sadd.s32 $0x150, s0;
	[sflag:s25] =	ssyncadd.s32 $0xFFFFE800  }
0x2b2: {  	[tilespmem:s13], [sflag:$0x6] =	stream.indirect.gather [hbm4b:s5+s7], $0x80, s0, s7, $0xb8;
	[tilespmem:$0x1F300] =	vst v63  }
.Ltmp8:
0x2b3: {  	_ = 	snop;
	(pc) =	sbr.rel .LBB2_4-.Ltmp8, $4  }
0x2b4: {  	s0 =	sadd.s32 s3, s0  }
0x2b5: {  	s0 =	sshrl.u32 s0, $0x3  }
0x2b6: {  	s30 =	sadd.s32 $0x1, s30;
	s0 =	sadd.s32 s6, s0  }
0x2b7: {  	[tilespmem:s14], [sflag:$0x6] =	stream.linear.gather [hbm4b:s0+s4], $0x30, $0x38;
	[tilespmem:$0x1F300] =	vst v63  }
.LBB2_15:
0x2b8: {  	_ =	sfence.sel $0x180000  }
0x2b9: {  	[bflag:$0x0] =	sbarrier.arrive $0xFFFF  }
0x2ba: {  	_ =	strace $0x90000047  }
0x2bb: {  	s0 =	stileid.u32;
	[bflag:$0x2] =	sbarrier.arrive $0xFFFF  }
0x2bc: {  	p0 =	sne.s32 s0, $0x0;
	s0 =	rddreg [dreg:$0x3]  }
0x2bd: {  	s0 =	sadd.s32 @!p0 $0x100000, s0  }
0x2be: {  	[sflag:s0] =	ssyncadd.tile.s32 @!p0 $0x1;
	_ =	shalt  }
.Lfunc_end2:
_tile_overlayer_lowered:
.L_overlay_start_2:
0x2bf: {  	(tag) =	ssettag $0x2  }
0x2c0: {  	s0 =	rddreg [dreg:$0x0];
	s2 =	stileid.u32  }
0x2c1: {  	s1 =	rddreg [dreg:$0x1];
	p0 =	sne.s32 s2, $0x0  }
0x2c2: {  	s3 =	rddreg [dreg:$0x2];
	[bflag:$0x3] =	sbarrier.arrive $0xFFFF;
	s2 =	simm.s32 @!p0 $0x1C0B  }
0x2c3: {  	[timem:s3], [sflag:s2] =	dma.local @!p0 [hbm:s0], s1  }
0x2c4: {  	s0 =	simm.s32 @!p0 $0xB  }
0x2c5: {  	_ =	swait.ge @!p0 [sflag:s0], s1  }
0x2c6: {  	s1 =	ssub.s32 @!p0 $0x0, s1;
	[sflag:s0] =	ssyncset.done @!p0 $0x0  }
0x2c7: {  	[sflag:s0] =	ssyncadd.s32 @!p0 s1  }
0x2c8: {  	[bflag:$0x3] =	sbarrier.arrive $0xFFFF  }
0x2c9: {  	_ =	shalt  }

</sc_bundles>
